<compile_context>
chip_gen: v7x
topology: tpu7x:2x2x1
jax: 0.10.2.dev20260603
libtpu: 0.0.44.dev20260713+nightly
codegen_flags: <defaults>
</compile_context>

<pallas_src>
import jax
import jax.numpy as jnp
from jax import lax
from jax.experimental import pallas as pl
from jax.experimental.pallas import tpu as pltpu
from jax.experimental.pallas import tpu_sc as plsc

N = 100000
NNZ = 3200000
L = 5
THRESHOLD = 0.01
SLOPE = 5.0

NC, NS = 2, 16
NW = NC * NS
LANES = 16

NP = 100352
NBLK = 50
BLK = 2048
EPW = NBLK * BLK
NNZ_P = NW * EPW
SUB = NP // NS


def _spmv_body(x_hbm, cols_hbm, rows_hbm, vals_hbm, yp_hbm,
               x_sh, y_sh,
               cols_v0, cols_v1, rows_v0, rows_v1, vals_v0, vals_v1,
               xg_v0, xg_v1, w_v, zb_v, sem_in0, sem_in1, sem_g):
    cid = lax.axis_index("c")
    sid = lax.axis_index("s")
    wid = cid * NS + sid

    cols_v = (cols_v0, cols_v1)
    rows_v = (rows_v0, rows_v1)
    vals_v = (vals_v0, vals_v1)
    sem_in = (sem_in0, sem_in1)

    pltpu.sync_copy(x_hbm.at[pl.ds(sid * SUB, SUB)],
                    x_sh.at[pl.ds(sid * SUB, SUB)])

    @pl.loop(0, SUB, step=LANES)
    def _(i):
        zb_v[pl.ds(i, LANES)] = jnp.zeros((LANES,), jnp.float32)

    pltpu.sync_copy(zb_v, y_sh.at[pl.ds(sid * SUB, SUB)])
    plsc.subcore_barrier()

    e_base = wid * EPW

    def stage(slot, bb):
        e0 = e_base + bb * BLK
        pltpu.async_copy(cols_hbm.at[pl.ds(e0, BLK)], cols_v[slot], sem_in[slot])
        pltpu.async_copy(rows_hbm.at[pl.ds(e0, BLK)], rows_v[slot], sem_in[slot])
        pltpu.async_copy(vals_hbm.at[pl.ds(e0, BLK)], vals_v[slot], sem_in[slot])

    def drain_stage(slot, bb):
        e0 = e_base + bb * BLK
        pltpu.make_async_copy(cols_hbm.at[pl.ds(e0, BLK)], cols_v[slot], sem_in[slot]).wait()
        pltpu.make_async_copy(rows_hbm.at[pl.ds(e0, BLK)], rows_v[slot], sem_in[slot]).wait()
        pltpu.make_async_copy(vals_hbm.at[pl.ds(e0, BLK)], vals_v[slot], sem_in[slot]).wait()

    xg_v = (xg_v0, xg_v1)

    def wait_gather(slot):
        pltpu.make_async_copy(x_sh.at[cols_v[slot]], xg_v[slot], sem_g).wait()

    def fire_gather(slot):
        pltpu.make_async_copy(x_sh.at[cols_v[slot]], xg_v[slot], sem_g).start()

    def phase(cur, bb, do_next, do_stage2):
        nxt = 1 - cur
        wait_gather(cur)
        if do_next:
            drain_stage(nxt, bb + 1)
            fire_gather(nxt)

        @pl.loop(0, BLK, step=4 * LANES)
        def _(i):
            for u in range(4):
                o = u * LANES
                w_v[pl.ds(i + o, LANES)] = (
                    vals_v[cur][pl.ds(i + o, LANES)] * xg_v[cur][pl.ds(i + o, LANES)])

        pltpu.sync_copy(w_v, y_sh.at[rows_v[cur]], add=True)
        if do_stage2:
            stage(cur, bb + 2)

    stage(0, 0)
    stage(1, 1)
    drain_stage(0, 0)
    fire_gather(0)
    phase(0, 0, do_next=True, do_stage2=True)

    @pl.loop(1, NBLK - 3, step=2)
    def _(bb):
        phase(1, bb, do_next=True, do_stage2=True)
        phase(0, bb + 1, do_next=True, do_stage2=True)

    phase(1, NBLK - 3, do_next=True, do_stage2=True)
    phase(0, NBLK - 2, do_next=True, do_stage2=False)
    phase(1, NBLK - 1, do_next=False, do_stage2=False)

    plsc.subcore_barrier()
    pltpu.sync_copy(y_sh.at[pl.ds(sid * SUB, SUB)],
                    yp_hbm.at[cid, pl.ds(sid * SUB, SUB)])


_spmv = pl.kernel(
    _spmv_body,
    out_type=jax.ShapeDtypeStruct((NC, NP), jnp.float32),
    mesh=plsc.VectorSubcoreMesh(core_axis_name="c", subcore_axis_name="s"),
    scratch_types=[
        pltpu.VMEM_SHARED((NP,), jnp.float32),
        pltpu.VMEM_SHARED((NP,), jnp.float32),
        pltpu.VMEM((BLK,), jnp.int32),
        pltpu.VMEM((BLK,), jnp.int32),
        pltpu.VMEM((BLK,), jnp.int32),
        pltpu.VMEM((BLK,), jnp.int32),
        pltpu.VMEM((BLK,), jnp.float32),
        pltpu.VMEM((BLK,), jnp.float32),
        pltpu.VMEM((BLK,), jnp.float32),
        pltpu.VMEM((BLK,), jnp.float32),
        pltpu.VMEM((BLK,), jnp.float32),
        pltpu.VMEM((SUB,), jnp.float32),
        pltpu.SemaphoreType.DMA,
        pltpu.SemaphoreType.DMA,
        pltpu.SemaphoreType.DMA,
    ],
)


def _act_body(yp_ref, m_ref, d_ref, o_ref):
    y = yp_ref[0] + yp_ref[1]
    y = jnp.where(y >= THRESHOLD, y, 0.0)
    a = jnp.tanh(jnp.maximum(SLOPE * y, 0.0))
    o_ref[...] = jnp.where(m_ref[...] > 0.0, d_ref[...], a)


_act = pl.pallas_call(
    _act_body,
    out_shape=jax.ShapeDtypeStruct((NP // 128, 128), jnp.float32),
)


def kernel(inputs, values, rows, cols, sensory_idx):
    zeros = jnp.zeros((NP,), jnp.float32)
    mask = zeros.at[sensory_idx].set(1.0)
    drives = [zeros.at[sensory_idx].set(inputs[:, t]) for t in range(L)]

    pad_e = NNZ_P - NNZ
    cols_p = jnp.pad(cols, (0, pad_e))
    rows_p = jnp.pad(rows, (0, pad_e))
    vals_p = jnp.pad(values, (0, pad_e))
    m2 = mask.reshape(NP // 128, 128)

    x = drives[0]
    acts = [x]
    for t in range(1, L):
        yp = _spmv(x, cols_p, rows_p, vals_p)
        xn = _act(yp.reshape(NC, NP // 128, 128), m2,
                  drives[t].reshape(NP // 128, 128))
        x = xn.reshape(NP)
        acts.append(x)
    return jnp.stack([a[:N] for a in acts], axis=1)

# --- scband reference (transcript-rebuilt; emitter-appended) ---
"""Pipeline reference for scband-multilayered-network-82068235092241 (READ-ONLY COPY).

The authoritative reference and input builder live on the scoring server;
editing this copy changes nothing except your own understanding.
"""

import jax, jax.numpy as jnp
import numpy as np

N = 100000          # number of neurons (connectome size)
NNZ = 3200000       # nonzeros in sparse connectome (avg_degree=32)
NUM_SENSORY = 2000  # number of sensory neurons
NUM_LAYERS = 5      # temporal unroll depth
THRESHOLD = 0.01
SLOPE = 5.0         # tanh_steepness (no idx_to_group -> scalar slope)
BIAS = 0.0          # default_bias (no idx_to_group -> scalar bias)


def setup_inputs(seed: int = 0) -> dict:
    key = jax.random.key(seed)
    k1, k2, k3, k4, k5 = jax.random.split(key, 5)
    # time-specific sensory drive: (num_sensory, num_layers)
    inputs = jax.random.uniform(k1, (NUM_SENSORY, NUM_LAYERS), dtype=jnp.float32)
    # sparse connectome in COO format (learned/fixed weights of the module)
    rows = jnp.sort(jax.random.randint(k2, (NNZ,), 0, N).astype(jnp.int32))
    cols = jax.random.randint(k3, (NNZ,), 0, N).astype(jnp.int32)
    values = jax.random.normal(k4, (NNZ,), dtype=jnp.float32) * 0.01
    sensory_idx = jnp.sort(jax.random.randint(k5, (NUM_SENSORY,), 0, N).astype(jnp.int32))
    return {"inputs": inputs, "values": values, "rows": rows, "cols": cols,
            "sensory_idx": sensory_idx}


def _activation(x):
    # threshold gating, then tanh(relu(slope * x + bias)) per docstring
    x = jnp.where(x >= THRESHOLD, x, 0.0)
    return jnp.tanh(jax.nn.relu(SLOPE * x + BIAS))


def reference(inputs, values, rows, cols, sensory_idx):
    # layer 0: only external (sensory) input, rest of network silent
    x = jnp.zeros((N,), dtype=jnp.float32).at[sensory_idx].set(inputs[:, 0])
    acts = [x]
    for t in range(1, NUM_LAYERS):
        # sparse matvec: y = W @ x  (gather x at presynaptic cols, scatter-add to rows)
        y = jax.ops.segment_sum(values * jnp.take(x, cols), rows,
                                num_segments=N, indices_are_sorted=True)
        y = _activation(y)
        # sensory neurons are driven by time-specific external input
        y = y.at[sensory_idx].set(inputs[:, t])
        acts.append(y)
        x = y
    # activations of all neurons (rows) across time steps (columns)
    return jnp.stack(acts, axis=1)

if __name__ == "__main__":
    import jax
    _d = setup_inputs()
    print(jax.jit(kernel)(*tuple(_d.values())))

</pallas_src>

<mosaic_0001>
#map = affine_map<(d0, d1) -> (0)>
#map1 = affine_map<(d0, d1) -> (0, 0)>
module attributes {stable_mosaic.version = 14 : i64} {
  func.func @_spmv_body(%arg0: i32, %arg1: i32, %arg2: memref<100352xf32, #tpu.memory_space<hbm>>, %arg3: memref<3276800xi32, #tpu.memory_space<hbm>>, %arg4: memref<3276800xi32, #tpu.memory_space<hbm>>, %arg5: memref<3276800xf32, #tpu.memory_space<hbm>>, %arg6: memref<2x100352xf32, #tpu.memory_space<hbm>>, %arg7: memref<100352xf32, #tpu.memory_space<vmem_shared>>, %arg8: memref<100352xf32, #tpu.memory_space<vmem_shared>>, %arg9: memref<2048xi32, #tpu.memory_space<vmem>>, %arg10: memref<2048xi32, #tpu.memory_space<vmem>>, %arg11: memref<2048xi32, #tpu.memory_space<vmem>>, %arg12: memref<2048xi32, #tpu.memory_space<vmem>>, %arg13: memref<2048xf32, #tpu.memory_space<vmem>>, %arg14: memref<2048xf32, #tpu.memory_space<vmem>>, %arg15: memref<2048xf32, #tpu.memory_space<vmem>>, %arg16: memref<2048xf32, #tpu.memory_space<vmem>>, %arg17: memref<2048xf32, #tpu.memory_space<vmem>>, %arg18: memref<6272xf32, #tpu.memory_space<vmem>>, %arg19: memref<!tpu.dma_semaphore, #tpu.memory_space<semaphore_mem>>, %arg20: memref<!tpu.dma_semaphore, #tpu.memory_space<semaphore_mem>>, %arg21: memref<!tpu.dma_semaphore, #tpu.memory_space<semaphore_mem>>) attributes {dimension_semantics = [#tpu.dimension_semantics<core_parallel>, #tpu.dimension_semantics<subcore_parallel>], iteration_bounds = array<i64: 2, 16>, scalar_prefetch = 0 : i64, scratch_operands = 15 : i64, tpu.core_type = #tpu.core_type<sc_vector_subcore>, window_params = [{transform_indices = #map}, {transform_indices = #map}, {transform_indices = #map}, {transform_indices = #map}, {transform_indices = #map1}]} {
    %mul3A = arith.constant 16 : i32
    %mul3A_0 = arith.muli %arg0, %mul3A : i32
    %add3A = arith.addi %mul3A_0, %arg1 : i32
    %mul3A_1 = arith.constant 6272 : i32
    %mul3A_2 = arith.muli %arg1, %mul3A_1 : i32
    %mul3A_3 = arith.constant 6272 : i32
    %mul3A_4 = arith.muli %arg1, %mul3A_3 : i32
    "tpu.region"() ({
      %run_scoped3A = tpu.sem_alloc : memref<!tpu.dma_semaphore, #tpu.memory_space<semaphore_mem>>
      %dma_start3A_121 = tpu.memref_slice %arg7[%mul3A_4] : memref<100352xf32, #tpu.memory_space<vmem_shared>> -> memref<6272xf32, #tpu.memory_space<vmem_shared>>
      %dma_start3A_122 = tpu.memref_slice %arg2[%mul3A_2] : memref<100352xf32, #tpu.memory_space<hbm>> -> memref<6272xf32, #tpu.memory_space<hbm>>
      tpu.enqueue_dma source(%dma_start3A_122 : memref<6272xf32, #tpu.memory_space<hbm>>) target(%dma_start3A_121 : memref<6272xf32, #tpu.memory_space<vmem_shared>>) target_semaphore(%run_scoped3A : memref<!tpu.dma_semaphore, #tpu.memory_space<semaphore_mem>>)
      %dma_wait3A_123 = tpu.memref_slice %arg7[%mul3A_4] : memref<100352xf32, #tpu.memory_space<vmem_shared>> -> memref<6272xf32, #tpu.memory_space<vmem_shared>>
      %dma_wait3A_124 = tpu.memref_slice %arg2[%mul3A_2] : memref<100352xf32, #tpu.memory_space<hbm>> -> memref<6272xf32, #tpu.memory_space<hbm>>
      tpu.wait_dma2 semaphore(%run_scoped3A : memref<!tpu.dma_semaphore, #tpu.memory_space<semaphore_mem>>) src(%dma_wait3A_124 : memref<6272xf32, #tpu.memory_space<hbm>>) dst(%dma_wait3A_123 : memref<6272xf32, #tpu.memory_space<vmem_shared>>)
      tpu.yield
    }) : () -> ()
    %scan3A = arith.constant 0 : i32
    %scan3A_5 = arith.constant 392 : i32
    %scan3A_6 = arith.addi %scan3A, %scan3A_5 : i32
    %scan3A_7 = arith.constant 1 : i32
    scf.for %scan3A_121 = %scan3A to %scan3A_6 step %scan3A_7  : i32 {
      %mul3A_122 = arith.constant 16 : i32
      %mul3A_123 = arith.muli %scan3A_121, %mul3A_122 : i32
      %add3A_124 = arith.constant 0 : i32
      %add3A_125 = arith.addi %add3A_124, %mul3A_123 : i32
      %broadcast_in_dim3A = arith.constant 0.000000e+00 : f32
      %broadcast_in_dim3A_126 = vector.broadcast %broadcast_in_dim3A : f32 to vector<16xf32>
      %swap3A = arith.index_cast %add3A_125 : i32 to index
      %swap3A_127 = tpu.vector_load %arg18[%swap3A] {strides = array<i32>} : memref<6272xf32, #tpu.memory_space<vmem>>, vector<16xf32>,
      %swap3A_128 = vector.shape_cast %swap3A_127 : vector<16xf32> to vector<16xf32>
      %swap3A_129 = vector.shape_cast %broadcast_in_dim3A_126 : vector<16xf32> to vector<16xf32>
      tpu.vector_store %arg18[%swap3A], %swap3A_129 {strides = array<i32>} : memref<6272xf32, #tpu.memory_space<vmem>>, vector<16xf32>,
    }
    %scan3A_8 = arith.constant 392 : i32
    %mul3A_9 = arith.constant 6272 : i32
    %mul3A_10 = arith.muli %arg1, %mul3A_9 : i32
    "tpu.region"() ({
      %run_scoped3A = tpu.sem_alloc : memref<!tpu.dma_semaphore, #tpu.memory_space<semaphore_mem>>
      %dma_start3A_121 = tpu.memref_slice %arg8[%mul3A_10] : memref<100352xf32, #tpu.memory_space<vmem_shared>> -> memref<6272xf32, #tpu.memory_space<vmem_shared>>
      %dma_start3A_122 = tpu.memref_slice %arg8[%mul3A_10] : memref<100352xf32, #tpu.memory_space<vmem_shared>> -> memref<6272xf32, #tpu.memory_space<vmem_shared>>
      tpu.enqueue_dma source(%arg18 : memref<6272xf32, #tpu.memory_space<vmem>>) target(%dma_start3A_122 : memref<6272xf32, #tpu.memory_space<vmem_shared>>) target_semaphore(%run_scoped3A : memref<!tpu.dma_semaphore, #tpu.memory_space<semaphore_mem>>)
      %dma_wait3A_123 = tpu.memref_slice %arg8[%mul3A_10] : memref<100352xf32, #tpu.memory_space<vmem_shared>> -> memref<6272xf32, #tpu.memory_space<vmem_shared>>
      %dma_wait3A_124 = tpu.memref_slice %arg8[%mul3A_10] : memref<100352xf32, #tpu.memory_space<vmem_shared>> -> memref<6272xf32, #tpu.memory_space<vmem_shared>>
      tpu.wait_dma2 semaphore(%run_scoped3A : memref<!tpu.dma_semaphore, #tpu.memory_space<semaphore_mem>>) src(%arg18 : memref<6272xf32, #tpu.memory_space<vmem>>) dst(%dma_wait3A_124 : memref<6272xf32, #tpu.memory_space<vmem_shared>>)
      tpu.yield
    }) : () -> ()
    %barrier3A = arith.constant 0 : index
    tpu.barrier barrier_id(%barrier3A)
    %mul3A_11 = arith.constant 102400 : i32
    %mul3A_12 = arith.muli %add3A, %mul3A_11 : i32
    %add3A_13 = arith.constant 0 : i32
    %add3A_14 = arith.addi %mul3A_12, %add3A_13 : i32
    %dma_start3A = tpu.memref_slice %arg3[%add3A_14] : memref<3276800xi32, #tpu.memory_space<hbm>> -> memref<2048xi32, #tpu.memory_space<hbm>>
    %dma_start3A_15 = tpu.memref_slice %arg3[%add3A_14] : memref<3276800xi32, #tpu.memory_space<hbm>> -> memref<2048xi32, #tpu.memory_space<hbm>>
    tpu.enqueue_dma source(%dma_start3A_15 : memref<2048xi32, #tpu.memory_space<hbm>>) target(%arg9 : memref<2048xi32, #tpu.memory_space<vmem>>) target_semaphore(%arg19 : memref<!tpu.dma_semaphore, #tpu.memory_space<semaphore_mem>>)
    %dma_start3A_16 = tpu.memref_slice %arg4[%add3A_14] : memref<3276800xi32, #tpu.memory_space<hbm>> -> memref<2048xi32, #tpu.memory_space<hbm>>
    %dma_start3A_17 = tpu.memref_slice %arg4[%add3A_14] : memref<3276800xi32, #tpu.memory_space<hbm>> -> memref<2048xi32, #tpu.memory_space<hbm>>
    tpu.enqueue_dma source(%dma_start3A_17 : memref<2048xi32, #tpu.memory_space<hbm>>) target(%arg11 : memref<2048xi32, #tpu.memory_space<vmem>>) target_semaphore(%arg19 : memref<!tpu.dma_semaphore, #tpu.memory_space<semaphore_mem>>)
    %dma_start3A_18 = tpu.memref_slice %arg5[%add3A_14] : memref<3276800xf32, #tpu.memory_space<hbm>> -> memref<2048xf32, #tpu.memory_space<hbm>>
    %dma_start3A_19 = tpu.memref_slice %arg5[%add3A_14] : memref<3276800xf32, #tpu.memory_space<hbm>> -> memref<2048xf32, #tpu.memory_space<hbm>>
    tpu.enqueue_dma source(%dma_start3A_19 : memref<2048xf32, #tpu.memory_space<hbm>>) target(%arg13 : memref<2048xf32, #tpu.memory_space<vmem>>) target_semaphore(%arg19 : memref<!tpu.dma_semaphore, #tpu.memory_space<semaphore_mem>>)
    %add3A_20 = arith.constant 2048 : i32
    %add3A_21 = arith.addi %mul3A_12, %add3A_20 : i32
    %dma_start3A_22 = tpu.memref_slice %arg3[%add3A_21] : memref<3276800xi32, #tpu.memory_space<hbm>> -> memref<2048xi32, #tpu.memory_space<hbm>>
    %dma_start3A_23 = tpu.memref_slice %arg3[%add3A_21] : memref<3276800xi32, #tpu.memory_space<hbm>> -> memref<2048xi32, #tpu.memory_space<hbm>>
    tpu.enqueue_dma source(%dma_start3A_23 : memref<2048xi32, #tpu.memory_space<hbm>>) target(%arg10 : memref<2048xi32, #tpu.memory_space<vmem>>) target_semaphore(%arg20 : memref<!tpu.dma_semaphore, #tpu.memory_space<semaphore_mem>>)
    %dma_start3A_24 = tpu.memref_slice %arg4[%add3A_21] : memref<3276800xi32, #tpu.memory_space<hbm>> -> memref<2048xi32, #tpu.memory_space<hbm>>
    %dma_start3A_25 = tpu.memref_slice %arg4[%add3A_21] : memref<3276800xi32, #tpu.memory_space<hbm>> -> memref<2048xi32, #tpu.memory_space<hbm>>
    tpu.enqueue_dma source(%dma_start3A_25 : memref<2048xi32, #tpu.memory_space<hbm>>) target(%arg12 : memref<2048xi32, #tpu.memory_space<vmem>>) target_semaphore(%arg20 : memref<!tpu.dma_semaphore, #tpu.memory_space<semaphore_mem>>)
    %dma_start3A_26 = tpu.memref_slice %arg5[%add3A_21] : memref<3276800xf32, #tpu.memory_space<hbm>> -> memref<2048xf32, #tpu.memory_space<hbm>>
    %dma_start3A_27 = tpu.memref_slice %arg5[%add3A_21] : memref<3276800xf32, #tpu.memory_space<hbm>> -> memref<2048xf32, #tpu.memory_space<hbm>>
    tpu.enqueue_dma source(%dma_start3A_27 : memref<2048xf32, #tpu.memory_space<hbm>>) target(%arg14 : memref<2048xf32, #tpu.memory_space<vmem>>) target_semaphore(%arg20 : memref<!tpu.dma_semaphore, #tpu.memory_space<semaphore_mem>>)
    %add3A_28 = arith.constant 0 : i32
    %add3A_29 = arith.addi %mul3A_12, %add3A_28 : i32
    %dma_wait3A = tpu.memref_slice %arg3[%add3A_29] : memref<3276800xi32, #tpu.memory_space<hbm>> -> memref<2048xi32, #tpu.memory_space<hbm>>
    %dma_wait3A_30 = tpu.memref_slice %arg3[%add3A_29] : memref<3276800xi32, #tpu.memory_space<hbm>> -> memref<2048xi32, #tpu.memory_space<hbm>>
    tpu.wait_dma2 semaphore(%arg19 : memref<!tpu.dma_semaphore, #tpu.memory_space<semaphore_mem>>) src(%dma_wait3A_30 : memref<2048xi32, #tpu.memory_space<hbm>>) dst(%arg9 : memref<2048xi32, #tpu.memory_space<vmem>>)
    %dma_wait3A_31 = tpu.memref_slice %arg4[%add3A_29] : memref<3276800xi32, #tpu.memory_space<hbm>> -> memref<2048xi32, #tpu.memory_space<hbm>>
    %dma_wait3A_32 = tpu.memref_slice %arg4[%add3A_29] : memref<3276800xi32, #tpu.memory_space<hbm>> -> memref<2048xi32, #tpu.memory_space<hbm>>
    tpu.wait_dma2 semaphore(%arg19 : memref<!tpu.dma_semaphore, #tpu.memory_space<semaphore_mem>>) src(%dma_wait3A_32 : memref<2048xi32, #tpu.memory_space<hbm>>) dst(%arg11 : memref<2048xi32, #tpu.memory_space<vmem>>)
    %dma_wait3A_33 = tpu.memref_slice %arg5[%add3A_29] : memref<3276800xf32, #tpu.memory_space<hbm>> -> memref<2048xf32, #tpu.memory_space<hbm>>
    %dma_wait3A_34 = tpu.memref_slice %arg5[%add3A_29] : memref<3276800xf32, #tpu.memory_space<hbm>> -> memref<2048xf32, #tpu.memory_space<hbm>>
    tpu.wait_dma2 semaphore(%arg19 : memref<!tpu.dma_semaphore, #tpu.memory_space<semaphore_mem>>) src(%dma_wait3A_34 : memref<2048xf32, #tpu.memory_space<hbm>>) dst(%arg13 : memref<2048xf32, #tpu.memory_space<vmem>>)
    %dma_start3A_35 = arith.constant 0 : i32
    %dma_start3A_36 = tpu.memref_slice %arg7[%dma_start3A_35] : memref<100352xf32, #tpu.memory_space<vmem_shared>> -> memref<100352xf32, #tpu.memory_space<vmem_shared>>
    tpu.enqueue_indirect_dma source(%dma_start3A_36 : memref<100352xf32, #tpu.memory_space<vmem_shared>>) target(%arg15 : memref<2048xf32, #tpu.memory_space<vmem>>) offsets(%arg9 : memref<2048xi32, #tpu.memory_space<vmem>>) semaphore(%arg21 : memref<!tpu.dma_semaphore, #tpu.memory_space<semaphore_mem>>)
    %dma_wait3A_37 = arith.constant 0 : i32
    %dma_wait3A_38 = tpu.memref_slice %arg7[%dma_wait3A_37] : memref<100352xf32, #tpu.memory_space<vmem_shared>> -> memref<100352xf32, #tpu.memory_space<vmem_shared>>
    tpu.wait_indirect_dma semaphore(%arg21 : memref<!tpu.dma_semaphore, #tpu.memory_space<semaphore_mem>>) src(%dma_wait3A_38 : memref<100352xf32, #tpu.memory_space<vmem_shared>>) dst(%arg15 : memref<2048xf32, #tpu.memory_space<vmem>>)
    %add3A_39 = arith.constant 2048 : i32
    %add3A_40 = arith.addi %mul3A_12, %add3A_39 : i32
    %dma_wait3A_41 = tpu.memref_slice %arg3[%add3A_40] : memref<3276800xi32, #tpu.memory_space<hbm>> -> memref<2048xi32, #tpu.memory_space<hbm>>
    %dma_wait3A_42 = tpu.memref_slice %arg3[%add3A_40] : memref<3276800xi32, #tpu.memory_space<hbm>> -> memref<2048xi32, #tpu.memory_space<hbm>>
    tpu.wait_dma2 semaphore(%arg20 : memref<!tpu.dma_semaphore, #tpu.memory_space<semaphore_mem>>) src(%dma_wait3A_42 : memref<2048xi32, #tpu.memory_space<hbm>>) dst(%arg10 : memref<2048xi32, #tpu.memory_space<vmem>>)
    %dma_wait3A_43 = tpu.memref_slice %arg4[%add3A_40] : memref<3276800xi32, #tpu.memory_space<hbm>> -> memref<2048xi32, #tpu.memory_space<hbm>>
    %dma_wait3A_44 = tpu.memref_slice %arg4[%add3A_40] : memref<3276800xi32, #tpu.memory_space<hbm>> -> memref<2048xi32, #tpu.memory_space<hbm>>
    tpu.wait_dma2 semaphore(%arg20 : memref<!tpu.dma_semaphore, #tpu.memory_space<semaphore_mem>>) src(%dma_wait3A_44 : memref<2048xi32, #tpu.memory_space<hbm>>) dst(%arg12 : memref<2048xi32, #tpu.memory_space<vmem>>)
    %dma_wait3A_45 = tpu.memref_slice %arg5[%add3A_40] : memref<3276800xf32, #tpu.memory_space<hbm>> -> memref<2048xf32, #tpu.memory_space<hbm>>
    %dma_wait3A_46 = tpu.memref_slice %arg5[%add3A_40] : memref<3276800xf32, #tpu.memory_space<hbm>> -> memref<2048xf32, #tpu.memory_space<hbm>>
    tpu.wait_dma2 semaphore(%arg20 : memref<!tpu.dma_semaphore, #tpu.memory_space<semaphore_mem>>) src(%dma_wait3A_46 : memref<2048xf32, #tpu.memory_space<hbm>>) dst(%arg14 : memref<2048xf32, #tpu.memory_space<vmem>>)
    %dma_start3A_47 = arith.constant 0 : i32
    %dma_start3A_48 = tpu.memref_slice %arg7[%dma_start3A_47] : memref<100352xf32, #tpu.memory_space<vmem_shared>> -> memref<100352xf32, #tpu.memory_space<vmem_shared>>
    tpu.enqueue_indirect_dma source(%dma_start3A_48 : memref<100352xf32, #tpu.memory_space<vmem_shared>>) target(%arg16 : memref<2048xf32, #tpu.memory_space<vmem>>) offsets(%arg10 : memref<2048xi32, #tpu.memory_space<vmem>>) semaphore(%arg21 : memref<!tpu.dma_semaphore, #tpu.memory_space<semaphore_mem>>)
    %scan3A_49 = arith.constant 0 : i32
    %scan3A_50 = arith.constant 32 : i32
    %scan3A_51 = arith.addi %scan3A_49, %scan3A_50 : i32
    %scan3A_52 = arith.constant 1 : i32
    scf.for %scan3A_121 = %scan3A_49 to %scan3A_51 step %scan3A_52  : i32 {
      %mul3A_122 = arith.constant 64 : i32
      %mul3A_123 = arith.muli %scan3A_121, %mul3A_122 : i32
      %add3A_124 = arith.constant 0 : i32
      %add3A_125 = arith.addi %add3A_124, %mul3A_123 : i32
      %add3A_126 = arith.constant 0 : i32
      %add3A_127 = arith.addi %add3A_125, %add3A_126 : i32
      %get3A = arith.index_cast %add3A_127 : i32 to index
      %get3A_128 = tpu.vector_load %arg13[%get3A] {strides = array<i32>} : memref<2048xf32, #tpu.memory_space<vmem>>, vector<16xf32>,
      %get3A_129 = vector.shape_cast %get3A_128 : vector<16xf32> to vector<16xf32>
      %add3A_130 = arith.constant 0 : i32
      %add3A_131 = arith.addi %add3A_125, %add3A_130 : i32
      %get3A_132 = arith.index_cast %add3A_131 : i32 to index
      %get3A_133 = tpu.vector_load %arg15[%get3A_132] {strides = array<i32>} : memref<2048xf32, #tpu.memory_space<vmem>>, vector<16xf32>,
      %get3A_134 = vector.shape_cast %get3A_133 : vector<16xf32> to vector<16xf32>
      %mul3A_135 = arith.mulf %get3A_129, %get3A_134 : vector<16xf32>
      %add3A_136 = arith.constant 0 : i32
      %add3A_137 = arith.addi %add3A_125, %add3A_136 : i32
      %swap3A = arith.index_cast %add3A_137 : i32 to index
      %swap3A_138 = tpu.vector_load %arg17[%swap3A] {strides = array<i32>} : memref<2048xf32, #tpu.memory_space<vmem>>, vector<16xf32>,
      %swap3A_139 = vector.shape_cast %swap3A_138 : vector<16xf32> to vector<16xf32>
      %swap3A_140 = vector.shape_cast %mul3A_135 : vector<16xf32> to vector<16xf32>
      tpu.vector_store %arg17[%swap3A], %swap3A_140 {strides = array<i32>} : memref<2048xf32, #tpu.memory_space<vmem>>, vector<16xf32>,
      %add3A_141 = arith.constant 16 : i32
      %add3A_142 = arith.addi %add3A_125, %add3A_141 : i32
      %get3A_143 = arith.index_cast %add3A_142 : i32 to index
      %get3A_144 = tpu.vector_load %arg13[%get3A_143] {strides = array<i32>} : memref<2048xf32, #tpu.memory_space<vmem>>, vector<16xf32>,
      %get3A_145 = vector.shape_cast %get3A_144 : vector<16xf32> to vector<16xf32>
      %add3A_146 = arith.constant 16 : i32
      %add3A_147 = arith.addi %add3A_125, %add3A_146 : i32
      %get3A_148 = arith.index_cast %add3A_147 : i32 to index
      %get3A_149 = tpu.vector_load %arg15[%get3A_148] {strides = array<i32>} : memref<2048xf32, #tpu.memory_space<vmem>>, vector<16xf32>,
      %get3A_150 = vector.shape_cast %get3A_149 : vector<16xf32> to vector<16xf32>
      %mul3A_151 = arith.mulf %get3A_145, %get3A_150 : vector<16xf32>
      %add3A_152 = arith.constant 16 : i32
      %add3A_153 = arith.addi %add3A_125, %add3A_152 : i32
      %swap3A_154 = arith.index_cast %add3A_153 : i32 to index
      %swap3A_155 = tpu.vector_load %arg17[%swap3A_154] {strides = array<i32>} : memref<2048xf32, #tpu.memory_space<vmem>>, vector<16xf32>,
      %swap3A_156 = vector.shape_cast %swap3A_155 : vector<16xf32> to vector<16xf32>
      %swap3A_157 = vector.shape_cast %mul3A_151 : vector<16xf32> to vector<16xf32>
      tpu.vector_store %arg17[%swap3A_154], %swap3A_157 {strides = array<i32>} : memref<2048xf32, #tpu.memory_space<vmem>>, vector<16xf32>,
      %add3A_158 = arith.constant 32 : i32
      %add3A_159 = arith.addi %add3A_125, %add3A_158 : i32
      %get3A_160 = arith.index_cast %add3A_159 : i32 to index
      %get3A_161 = tpu.vector_load %arg13[%get3A_160] {strides = array<i32>} : memref<2048xf32, #tpu.memory_space<vmem>>, vector<16xf32>,
      %get3A_162 = vector.shape_cast %get3A_161 : vector<16xf32> to vector<16xf32>
      %add3A_163 = arith.constant 32 : i32
      %add3A_164 = arith.addi %add3A_125, %add3A_163 : i32
      %get3A_165 = arith.index_cast %add3A_164 : i32 to index
      %get3A_166 = tpu.vector_load %arg15[%get3A_165] {strides = array<i32>} : memref<2048xf32, #tpu.memory_space<vmem>>, vector<16xf32>,
      %get3A_167 = vector.shape_cast %get3A_166 : vector<16xf32> to vector<16xf32>
      %mul3A_168 = arith.mulf %get3A_162, %get3A_167 : vector<16xf32>
      %add3A_169 = arith.constant 32 : i32
      %add3A_170 = arith.addi %add3A_125, %add3A_169 : i32
      %swap3A_171 = arith.index_cast %add3A_170 : i32 to index
      %swap3A_172 = tpu.vector_load %arg17[%swap3A_171] {strides = array<i32>} : memref<2048xf32, #tpu.memory_space<vmem>>, vector<16xf32>,
      %swap3A_173 = vector.shape_cast %swap3A_172 : vector<16xf32> to vector<16xf32>
      %swap3A_174 = vector.shape_cast %mul3A_168 : vector<16xf32> to vector<16xf32>
      tpu.vector_store %arg17[%swap3A_171], %swap3A_174 {strides = array<i32>} : memref<2048xf32, #tpu.memory_space<vmem>>, vector<16xf32>,
      %add3A_175 = arith.constant 48 : i32
      %add3A_176 = arith.addi %add3A_125, %add3A_175 : i32
      %get3A_177 = arith.index_cast %add3A_176 : i32 to index
      %get3A_178 = tpu.vector_load %arg13[%get3A_177] {strides = array<i32>} : memref<2048xf32, #tpu.memory_space<vmem>>, vector<16xf32>,
      %get3A_179 = vector.shape_cast %get3A_178 : vector<16xf32> to vector<16xf32>
      %add3A_180 = arith.constant 48 : i32
      %add3A_181 = arith.addi %add3A_125, %add3A_180 : i32
      %get3A_182 = arith.index_cast %add3A_181 : i32 to index
      %get3A_183 = tpu.vector_load %arg15[%get3A_182] {strides = array<i32>} : memref<2048xf32, #tpu.memory_space<vmem>>, vector<16xf32>,
      %get3A_184 = vector.shape_cast %get3A_183 : vector<16xf32> to vector<16xf32>
      %mul3A_185 = arith.mulf %get3A_179, %get3A_184 : vector<16xf32>
      %add3A_186 = arith.constant 48 : i32
      %add3A_187 = arith.addi %add3A_125, %add3A_186 : i32
      %swap3A_188 = arith.index_cast %add3A_187 : i32 to index
      %swap3A_189 = tpu.vector_load %arg17[%swap3A_188] {strides = array<i32>} : memref<2048xf32, #tpu.memory_space<vmem>>, vector<16xf32>,
      %swap3A_190 = vector.shape_cast %swap3A_189 : vector<16xf32> to vector<16xf32>
      %swap3A_191 = vector.shape_cast %mul3A_185 : vector<16xf32> to vector<16xf32>
      tpu.vector_store %arg17[%swap3A_188], %swap3A_191 {strides = array<i32>} : memref<2048xf32, #tpu.memory_space<vmem>>, vector<16xf32>,
    }
    %scan3A_53 = arith.constant 32 : i32
    "tpu.region"() ({
      %run_scoped3A = tpu.sem_alloc : memref<!tpu.dma_semaphore, #tpu.memory_space<semaphore_mem>>
      %dma_start3A_121 = arith.constant 0 : i32
      %dma_start3A_122 = tpu.memref_slice %arg8[%dma_start3A_121] : memref<100352xf32, #tpu.memory_space<vmem_shared>> -> memref<100352xf32, #tpu.memory_space<vmem_shared>>
      tpu.enqueue_indirect_dma source(%arg17 : memref<2048xf32, #tpu.memory_space<vmem>>) target(%dma_start3A_122 : memref<100352xf32, #tpu.memory_space<vmem_shared>>) offsets(%arg11 : memref<2048xi32, #tpu.memory_space<vmem>>) semaphore(%run_scoped3A : memref<!tpu.dma_semaphore, #tpu.memory_space<semaphore_mem>>) {add = true}
      %dma_wait3A_123 = arith.constant 0 : i32
      %dma_wait3A_124 = tpu.memref_slice %arg8[%dma_wait3A_123] : memref<100352xf32, #tpu.memory_space<vmem_shared>> -> memref<100352xf32, #tpu.memory_space<vmem_shared>>
      tpu.wait_indirect_dma semaphore(%run_scoped3A : memref<!tpu.dma_semaphore, #tpu.memory_space<semaphore_mem>>) src(%arg17 : memref<2048xf32, #tpu.memory_space<vmem>>) dst(%dma_wait3A_124 : memref<100352xf32, #tpu.memory_space<vmem_shared>>)
      tpu.yield
    }) : () -> ()
    %add3A_54 = arith.constant 4096 : i32
    %add3A_55 = arith.addi %mul3A_12, %add3A_54 : i32
    %dma_start3A_56 = tpu.memref_slice %arg3[%add3A_55] : memref<3276800xi32, #tpu.memory_space<hbm>> -> memref<2048xi32, #tpu.memory_space<hbm>>
    %dma_start3A_57 = tpu.memref_slice %arg3[%add3A_55] : memref<3276800xi32, #tpu.memory_space<hbm>> -> memref<2048xi32, #tpu.memory_space<hbm>>
    tpu.enqueue_dma source(%dma_start3A_57 : memref<2048xi32, #tpu.memory_space<hbm>>) target(%arg9 : memref<2048xi32, #tpu.memory_space<vmem>>) target_semaphore(%arg19 : memref<!tpu.dma_semaphore, #tpu.memory_space<semaphore_mem>>)
    %dma_start3A_58 = tpu.memref_slice %arg4[%add3A_55] : memref<3276800xi32, #tpu.memory_space<hbm>> -> memref<2048xi32, #tpu.memory_space<hbm>>
    %dma_start3A_59 = tpu.memref_slice %arg4[%add3A_55] : memref<3276800xi32, #tpu.memory_space<hbm>> -> memref<2048xi32, #tpu.memory_space<hbm>>
    tpu.enqueue_dma source(%dma_start3A_59 : memref<2048xi32, #tpu.memory_space<hbm>>) target(%arg11 : memref<2048xi32, #tpu.memory_space<vmem>>) target_semaphore(%arg19 : memref<!tpu.dma_semaphore, #tpu.memory_space<semaphore_mem>>)
    %dma_start3A_60 = tpu.memref_slice %arg5[%add3A_55] : memref<3276800xf32, #tpu.memory_space<hbm>> -> memref<2048xf32, #tpu.memory_space<hbm>>
    %dma_start3A_61 = tpu.memref_slice %arg5[%add3A_55] : memref<3276800xf32, #tpu.memory_space<hbm>> -> memref<2048xf32, #tpu.memory_space<hbm>>
    tpu.enqueue_dma source(%dma_start3A_61 : memref<2048xf32, #tpu.memory_space<hbm>>) target(%arg13 : memref<2048xf32, #tpu.memory_space<vmem>>) target_semaphore(%arg19 : memref<!tpu.dma_semaphore, #tpu.memory_space<semaphore_mem>>)
    %scan3A_62 = arith.constant 0 : i32
    %scan3A_63 = arith.constant 23 : i32
    %scan3A_64 = arith.addi %scan3A_62, %scan3A_63 : i32
    %scan3A_65 = arith.constant 1 : i32
    scf.for %scan3A_121 = %scan3A_62 to %scan3A_64 step %scan3A_65  : i32 {
      %mul3A_122 = arith.constant 2 : i32
      %mul3A_123 = arith.muli %scan3A_121, %mul3A_122 : i32
      %add3A_124 = arith.constant 1 : i32
      %add3A_125 = arith.addi %add3A_124, %mul3A_123 : i32
      %dma_wait3A_126 = arith.constant 0 : i32
      %dma_wait3A_127 = tpu.memref_slice %arg7[%dma_wait3A_126] : memref<100352xf32, #tpu.memory_space<vmem_shared>> -> memref<100352xf32, #tpu.memory_space<vmem_shared>>
      tpu.wait_indirect_dma semaphore(%arg21 : memref<!tpu.dma_semaphore, #tpu.memory_space<semaphore_mem>>) src(%dma_wait3A_127 : memref<100352xf32, #tpu.memory_space<vmem_shared>>) dst(%arg16 : memref<2048xf32, #tpu.memory_space<vmem>>)
      %add3A_128 = arith.constant 1 : i32
      %add3A_129 = arith.addi %add3A_125, %add3A_128 : i32
      %mul3A_130 = arith.constant 2048 : i32
      %mul3A_131 = arith.muli %add3A_129, %mul3A_130 : i32
      %add3A_132 = arith.addi %mul3A_12, %mul3A_131 : i32
      %dma_wait3A_133 = tpu.memref_slice %arg3[%add3A_132] : memref<3276800xi32, #tpu.memory_space<hbm>> -> memref<2048xi32, #tpu.memory_space<hbm>>
      %dma_wait3A_134 = tpu.memref_slice %arg3[%add3A_132] : memref<3276800xi32, #tpu.memory_space<hbm>> -> memref<2048xi32, #tpu.memory_space<hbm>>
      tpu.wait_dma2 semaphore(%arg19 : memref<!tpu.dma_semaphore, #tpu.memory_space<semaphore_mem>>) src(%dma_wait3A_134 : memref<2048xi32, #tpu.memory_space<hbm>>) dst(%arg9 : memref<2048xi32, #tpu.memory_space<vmem>>)
      %dma_wait3A_135 = tpu.memref_slice %arg4[%add3A_132] : memref<3276800xi32, #tpu.memory_space<hbm>> -> memref<2048xi32, #tpu.memory_space<hbm>>
      %dma_wait3A_136 = tpu.memref_slice %arg4[%add3A_132] : memref<3276800xi32, #tpu.memory_space<hbm>> -> memref<2048xi32, #tpu.memory_space<hbm>>
      tpu.wait_dma2 semaphore(%arg19 : memref<!tpu.dma_semaphore, #tpu.memory_space<semaphore_mem>>) src(%dma_wait3A_136 : memref<2048xi32, #tpu.memory_space<hbm>>) dst(%arg11 : memref<2048xi32, #tpu.memory_space<vmem>>)
      %dma_wait3A_137 = tpu.memref_slice %arg5[%add3A_132] : memref<3276800xf32, #tpu.memory_space<hbm>> -> memref<2048xf32, #tpu.memory_space<hbm>>
      %dma_wait3A_138 = tpu.memref_slice %arg5[%add3A_132] : memref<3276800xf32, #tpu.memory_space<hbm>> -> memref<2048xf32, #tpu.memory_space<hbm>>
      tpu.wait_dma2 semaphore(%arg19 : memref<!tpu.dma_semaphore, #tpu.memory_space<semaphore_mem>>) src(%dma_wait3A_138 : memref<2048xf32, #tpu.memory_space<hbm>>) dst(%arg13 : memref<2048xf32, #tpu.memory_space<vmem>>)
      %dma_start3A_139 = arith.constant 0 : i32
      %dma_start3A_140 = tpu.memref_slice %arg7[%dma_start3A_139] : memref<100352xf32, #tpu.memory_space<vmem_shared>> -> memref<100352xf32, #tpu.memory_space<vmem_shared>>
      tpu.enqueue_indirect_dma source(%dma_start3A_140 : memref<100352xf32, #tpu.memory_space<vmem_shared>>) target(%arg15 : memref<2048xf32, #tpu.memory_space<vmem>>) offsets(%arg9 : memref<2048xi32, #tpu.memory_space<vmem>>) semaphore(%arg21 : memref<!tpu.dma_semaphore, #tpu.memory_space<semaphore_mem>>)
      %scan3A_141 = arith.constant 0 : i32
      %scan3A_142 = arith.constant 32 : i32
      %scan3A_143 = arith.addi %scan3A_141, %scan3A_142 : i32
      %scan3A_144 = arith.constant 1 : i32
      scf.for %scan3A_190 = %scan3A_141 to %scan3A_143 step %scan3A_144  : i32 {
        %mul3A_191 = arith.constant 64 : i32
        %mul3A_192 = arith.muli %scan3A_190, %mul3A_191 : i32
        %add3A_193 = arith.constant 0 : i32
        %add3A_194 = arith.addi %add3A_193, %mul3A_192 : i32
        %add3A_195 = arith.constant 0 : i32
        %add3A_196 = arith.addi %add3A_194, %add3A_195 : i32
        %get3A = arith.index_cast %add3A_196 : i32 to index
        %get3A_197 = tpu.vector_load %arg14[%get3A] {strides = array<i32>} : memref<2048xf32, #tpu.memory_space<vmem>>, vector<16xf32>,
        %get3A_198 = vector.shape_cast %get3A_197 : vector<16xf32> to vector<16xf32>
        %add3A_199 = arith.constant 0 : i32
        %add3A_200 = arith.addi %add3A_194, %add3A_199 : i32
        %get3A_201 = arith.index_cast %add3A_200 : i32 to index
        %get3A_202 = tpu.vector_load %arg16[%get3A_201] {strides = array<i32>} : memref<2048xf32, #tpu.memory_space<vmem>>, vector<16xf32>,
        %get3A_203 = vector.shape_cast %get3A_202 : vector<16xf32> to vector<16xf32>
        %mul3A_204 = arith.mulf %get3A_198, %get3A_203 : vector<16xf32>
        %add3A_205 = arith.constant 0 : i32
        %add3A_206 = arith.addi %add3A_194, %add3A_205 : i32
        %swap3A = arith.index_cast %add3A_206 : i32 to index
        %swap3A_207 = tpu.vector_load %arg17[%swap3A] {strides = array<i32>} : memref<2048xf32, #tpu.memory_space<vmem>>, vector<16xf32>,
        %swap3A_208 = vector.shape_cast %swap3A_207 : vector<16xf32> to vector<16xf32>
        %swap3A_209 = vector.shape_cast %mul3A_204 : vector<16xf32> to vector<16xf32>
        tpu.vector_store %arg17[%swap3A], %swap3A_209 {strides = array<i32>} : memref<2048xf32, #tpu.memory_space<vmem>>, vector<16xf32>,
        %add3A_210 = arith.constant 16 : i32
        %add3A_211 = arith.addi %add3A_194, %add3A_210 : i32
        %get3A_212 = arith.index_cast %add3A_211 : i32 to index
        %get3A_213 = tpu.vector_load %arg14[%get3A_212] {strides = array<i32>} : memref<2048xf32, #tpu.memory_space<vmem>>, vector<16xf32>,
        %get3A_214 = vector.shape_cast %get3A_213 : vector<16xf32> to vector<16xf32>
        %add3A_215 = arith.constant 16 : i32
        %add3A_216 = arith.addi %add3A_194, %add3A_215 : i32
        %get3A_217 = arith.index_cast %add3A_216 : i32 to index
        %get3A_218 = tpu.vector_load %arg16[%get3A_217] {strides = array<i32>} : memref<2048xf32, #tpu.memory_space<vmem>>, vector<16xf32>,
        %get3A_219 = vector.shape_cast %get3A_218 : vector<16xf32> to vector<16xf32>
        %mul3A_220 = arith.mulf %get3A_214, %get3A_219 : vector<16xf32>
        %add3A_221 = arith.constant 16 : i32
        %add3A_222 = arith.addi %add3A_194, %add3A_221 : i32
        %swap3A_223 = arith.index_cast %add3A_222 : i32 to index
        %swap3A_224 = tpu.vector_load %arg17[%swap3A_223] {strides = array<i32>} : memref<2048xf32, #tpu.memory_space<vmem>>, vector<16xf32>,
        %swap3A_225 = vector.shape_cast %swap3A_224 : vector<16xf32> to vector<16xf32>
        %swap3A_226 = vector.shape_cast %mul3A_220 : vector<16xf32> to vector<16xf32>
        tpu.vector_store %arg17[%swap3A_223], %swap3A_226 {strides = array<i32>} : memref<2048xf32, #tpu.memory_space<vmem>>, vector<16xf32>,
        %add3A_227 = arith.constant 32 : i32
        %add3A_228 = arith.addi %add3A_194, %add3A_227 : i32
        %get3A_229 = arith.index_cast %add3A_228 : i32 to index
        %get3A_230 = tpu.vector_load %arg14[%get3A_229] {strides = array<i32>} : memref<2048xf32, #tpu.memory_space<vmem>>, vector<16xf32>,
        %get3A_231 = vector.shape_cast %get3A_230 : vector<16xf32> to vector<16xf32>
        %add3A_232 = arith.constant 32 : i32
        %add3A_233 = arith.addi %add3A_194, %add3A_232 : i32
        %get3A_234 = arith.index_cast %add3A_233 : i32 to index
        %get3A_235 = tpu.vector_load %arg16[%get3A_234] {strides = array<i32>} : memref<2048xf32, #tpu.memory_space<vmem>>, vector<16xf32>,
        %get3A_236 = vector.shape_cast %get3A_235 : vector<16xf32> to vector<16xf32>
        %mul3A_237 = arith.mulf %get3A_231, %get3A_236 : vector<16xf32>
        %add3A_238 = arith.constant 32 : i32
        %add3A_239 = arith.addi %add3A_194, %add3A_238 : i32
        %swap3A_240 = arith.index_cast %add3A_239 : i32 to index
        %swap3A_241 = tpu.vector_load %arg17[%swap3A_240] {strides = array<i32>} : memref<2048xf32, #tpu.memory_space<vmem>>, vector<16xf32>,
        %swap3A_242 = vector.shape_cast %swap3A_241 : vector<16xf32> to vector<16xf32>
        %swap3A_243 = vector.shape_cast %mul3A_237 : vector<16xf32> to vector<16xf32>
        tpu.vector_store %arg17[%swap3A_240], %swap3A_243 {strides = array<i32>} : memref<2048xf32, #tpu.memory_space<vmem>>, vector<16xf32>,
        %add3A_244 = arith.constant 48 : i32
        %add3A_245 = arith.addi %add3A_194, %add3A_244 : i32
        %get3A_246 = arith.index_cast %add3A_245 : i32 to index
        %get3A_247 = tpu.vector_load %arg14[%get3A_246] {strides = array<i32>} : memref<2048xf32, #tpu.memory_space<vmem>>, vector<16xf32>,
        %get3A_248 = vector.shape_cast %get3A_247 : vector<16xf32> to vector<16xf32>
        %add3A_249 = arith.constant 48 : i32
        %add3A_250 = arith.addi %add3A_194, %add3A_249 : i32
        %get3A_251 = arith.index_cast %add3A_250 : i32 to index
        %get3A_252 = tpu.vector_load %arg16[%get3A_251] {strides = array<i32>} : memref<2048xf32, #tpu.memory_space<vmem>>, vector<16xf32>,
        %get3A_253 = vector.shape_cast %get3A_252 : vector<16xf32> to vector<16xf32>
        %mul3A_254 = arith.mulf %get3A_248, %get3A_253 : vector<16xf32>
        %add3A_255 = arith.constant 48 : i32
        %add3A_256 = arith.addi %add3A_194, %add3A_255 : i32
        %swap3A_257 = arith.index_cast %add3A_256 : i32 to index
        %swap3A_258 = tpu.vector_load %arg17[%swap3A_257] {strides = array<i32>} : memref<2048xf32, #tpu.memory_space<vmem>>, vector<16xf32>,
        %swap3A_259 = vector.shape_cast %swap3A_258 : vector<16xf32> to vector<16xf32>
        %swap3A_260 = vector.shape_cast %mul3A_254 : vector<16xf32> to vector<16xf32>
        tpu.vector_store %arg17[%swap3A_257], %swap3A_260 {strides = array<i32>} : memref<2048xf32, #tpu.memory_space<vmem>>, vector<16xf32>,
      }
      %scan3A_145 = arith.constant 32 : i32
      "tpu.region"() ({
        %run_scoped3A = tpu.sem_alloc : memref<!tpu.dma_semaphore, #tpu.memory_space<semaphore_mem>>
        %dma_start3A_190 = arith.constant 0 : i32
        %dma_start3A_191 = tpu.memref_slice %arg8[%dma_start3A_190] : memref<100352xf32, #tpu.memory_space<vmem_shared>> -> memref<100352xf32, #tpu.memory_space<vmem_shared>>
        tpu.enqueue_indirect_dma source(%arg17 : memref<2048xf32, #tpu.memory_space<vmem>>) target(%dma_start3A_191 : memref<100352xf32, #tpu.memory_space<vmem_shared>>) offsets(%arg12 : memref<2048xi32, #tpu.memory_space<vmem>>) semaphore(%run_scoped3A : memref<!tpu.dma_semaphore, #tpu.memory_space<semaphore_mem>>) {add = true}
        %dma_wait3A_192 = arith.constant 0 : i32
        %dma_wait3A_193 = tpu.memref_slice %arg8[%dma_wait3A_192] : memref<100352xf32, #tpu.memory_space<vmem_shared>> -> memref<100352xf32, #tpu.memory_space<vmem_shared>>
        tpu.wait_indirect_dma semaphore(%run_scoped3A : memref<!tpu.dma_semaphore, #tpu.memory_space<semaphore_mem>>) src(%arg17 : memref<2048xf32, #tpu.memory_space<vmem>>) dst(%dma_wait3A_193 : memref<100352xf32, #tpu.memory_space<vmem_shared>>)
        tpu.yield
      }) : () -> ()
      %add3A_146 = arith.constant 2 : i32
      %add3A_147 = arith.addi %add3A_125, %add3A_146 : i32
      %mul3A_148 = arith.constant 2048 : i32
      %mul3A_149 = arith.muli %add3A_147, %mul3A_148 : i32
      %add3A_150 = arith.addi %mul3A_12, %mul3A_149 : i32
      %dma_start3A_151 = tpu.memref_slice %arg3[%add3A_150] : memref<3276800xi32, #tpu.memory_space<hbm>> -> memref<2048xi32, #tpu.memory_space<hbm>>
      %dma_start3A_152 = tpu.memref_slice %arg3[%add3A_150] : memref<3276800xi32, #tpu.memory_space<hbm>> -> memref<2048xi32, #tpu.memory_space<hbm>>
      tpu.enqueue_dma source(%dma_start3A_152 : memref<2048xi32, #tpu.memory_space<hbm>>) target(%arg10 : memref<2048xi32, #tpu.memory_space<vmem>>) target_semaphore(%arg20 : memref<!tpu.dma_semaphore, #tpu.memory_space<semaphore_mem>>)
      %dma_start3A_153 = tpu.memref_slice %arg4[%add3A_150] : memref<3276800xi32, #tpu.memory_space<hbm>> -> memref<2048xi32, #tpu.memory_space<hbm>>
      %dma_start3A_154 = tpu.memref_slice %arg4[%add3A_150] : memref<3276800xi32, #tpu.memory_space<hbm>> -> memref<2048xi32, #tpu.memory_space<hbm>>
      tpu.enqueue_dma source(%dma_start3A_154 : memref<2048xi32, #tpu.memory_space<hbm>>) target(%arg12 : memref<2048xi32, #tpu.memory_space<vmem>>) target_semaphore(%arg20 : memref<!tpu.dma_semaphore, #tpu.memory_space<semaphore_mem>>)
      %dma_start3A_155 = tpu.memref_slice %arg5[%add3A_150] : memref<3276800xf32, #tpu.memory_space<hbm>> -> memref<2048xf32, #tpu.memory_space<hbm>>
      %dma_start3A_156 = tpu.memref_slice %arg5[%add3A_150] : memref<3276800xf32, #tpu.memory_space<hbm>> -> memref<2048xf32, #tpu.memory_space<hbm>>
      tpu.enqueue_dma source(%dma_start3A_156 : memref<2048xf32, #tpu.memory_space<hbm>>) target(%arg14 : memref<2048xf32, #tpu.memory_space<vmem>>) target_semaphore(%arg20 : memref<!tpu.dma_semaphore, #tpu.memory_space<semaphore_mem>>)
      %add3A_157 = arith.constant 1 : i32
      %add3A_158 = arith.addi %add3A_125, %add3A_157 : i32
      %dma_wait3A_159 = arith.constant 0 : i32
      %dma_wait3A_160 = tpu.memref_slice %arg7[%dma_wait3A_159] : memref<100352xf32, #tpu.memory_space<vmem_shared>> -> memref<100352xf32, #tpu.memory_space<vmem_shared>>
      tpu.wait_indirect_dma semaphore(%arg21 : memref<!tpu.dma_semaphore, #tpu.memory_space<semaphore_mem>>) src(%dma_wait3A_160 : memref<100352xf32, #tpu.memory_space<vmem_shared>>) dst(%arg15 : memref<2048xf32, #tpu.memory_space<vmem>>)
      %add3A_161 = arith.constant 1 : i32
      %add3A_162 = arith.addi %add3A_158, %add3A_161 : i32
      %mul3A_163 = arith.constant 2048 : i32
      %mul3A_164 = arith.muli %add3A_162, %mul3A_163 : i32
      %add3A_165 = arith.addi %mul3A_12, %mul3A_164 : i32
      %dma_wait3A_166 = tpu.memref_slice %arg3[%add3A_165] : memref<3276800xi32, #tpu.memory_space<hbm>> -> memref<2048xi32, #tpu.memory_space<hbm>>
      %dma_wait3A_167 = tpu.memref_slice %arg3[%add3A_165] : memref<3276800xi32, #tpu.memory_space<hbm>> -> memref<2048xi32, #tpu.memory_space<hbm>>
      tpu.wait_dma2 semaphore(%arg20 : memref<!tpu.dma_semaphore, #tpu.memory_space<semaphore_mem>>) src(%dma_wait3A_167 : memref<2048xi32, #tpu.memory_space<hbm>>) dst(%arg10 : memref<2048xi32, #tpu.memory_space<vmem>>)
      %dma_wait3A_168 = tpu.memref_slice %arg4[%add3A_165] : memref<3276800xi32, #tpu.memory_space<hbm>> -> memref<2048xi32, #tpu.memory_space<hbm>>
      %dma_wait3A_169 = tpu.memref_slice %arg4[%add3A_165] : memref<3276800xi32, #tpu.memory_space<hbm>> -> memref<2048xi32, #tpu.memory_space<hbm>>
      tpu.wait_dma2 semaphore(%arg20 : memref<!tpu.dma_semaphore, #tpu.memory_space<semaphore_mem>>) src(%dma_wait3A_169 : memref<2048xi32, #tpu.memory_space<hbm>>) dst(%arg12 : memref<2048xi32, #tpu.memory_space<vmem>>)
      %dma_wait3A_170 = tpu.memref_slice %arg5[%add3A_165] : memref<3276800xf32, #tpu.memory_space<hbm>> -> memref<2048xf32, #tpu.memory_space<hbm>>
      %dma_wait3A_171 = tpu.memref_slice %arg5[%add3A_165] : memref<3276800xf32, #tpu.memory_space<hbm>> -> memref<2048xf32, #tpu.memory_space<hbm>>
      tpu.wait_dma2 semaphore(%arg20 : memref<!tpu.dma_semaphore, #tpu.memory_space<semaphore_mem>>) src(%dma_wait3A_171 : memref<2048xf32, #tpu.memory_space<hbm>>) dst(%arg14 : memref<2048xf32, #tpu.memory_space<vmem>>)
      %dma_start3A_172 = arith.constant 0 : i32
      %dma_start3A_173 = tpu.memref_slice %arg7[%dma_start3A_172] : memref<100352xf32, #tpu.memory_space<vmem_shared>> -> memref<100352xf32, #tpu.memory_space<vmem_shared>>
      tpu.enqueue_indirect_dma source(%dma_start3A_173 : memref<100352xf32, #tpu.memory_space<vmem_shared>>) target(%arg16 : memref<2048xf32, #tpu.memory_space<vmem>>) offsets(%arg10 : memref<2048xi32, #tpu.memory_space<vmem>>) semaphore(%arg21 : memref<!tpu.dma_semaphore, #tpu.memory_space<semaphore_mem>>)
      %scan3A_174 = arith.constant 0 : i32
      %scan3A_175 = arith.constant 32 : i32
      %scan3A_176 = arith.addi %scan3A_174, %scan3A_175 : i32
      %scan3A_177 = arith.constant 1 : i32
      scf.for %scan3A_190 = %scan3A_174 to %scan3A_176 step %scan3A_177  : i32 {
        %mul3A_191 = arith.constant 64 : i32
        %mul3A_192 = arith.muli %scan3A_190, %mul3A_191 : i32
        %add3A_193 = arith.constant 0 : i32
        %add3A_194 = arith.addi %add3A_193, %mul3A_192 : i32
        %add3A_195 = arith.constant 0 : i32
        %add3A_196 = arith.addi %add3A_194, %add3A_195 : i32
        %get3A = arith.index_cast %add3A_196 : i32 to index
        %get3A_197 = tpu.vector_load %arg13[%get3A] {strides = array<i32>} : memref<2048xf32, #tpu.memory_space<vmem>>, vector<16xf32>,
        %get3A_198 = vector.shape_cast %get3A_197 : vector<16xf32> to vector<16xf32>
        %add3A_199 = arith.constant 0 : i32
        %add3A_200 = arith.addi %add3A_194, %add3A_199 : i32
        %get3A_201 = arith.index_cast %add3A_200 : i32 to index
        %get3A_202 = tpu.vector_load %arg15[%get3A_201] {strides = array<i32>} : memref<2048xf32, #tpu.memory_space<vmem>>, vector<16xf32>,
        %get3A_203 = vector.shape_cast %get3A_202 : vector<16xf32> to vector<16xf32>
        %mul3A_204 = arith.mulf %get3A_198, %get3A_203 : vector<16xf32>
        %add3A_205 = arith.constant 0 : i32
        %add3A_206 = arith.addi %add3A_194, %add3A_205 : i32
        %swap3A = arith.index_cast %add3A_206 : i32 to index
        %swap3A_207 = tpu.vector_load %arg17[%swap3A] {strides = array<i32>} : memref<2048xf32, #tpu.memory_space<vmem>>, vector<16xf32>,
        %swap3A_208 = vector.shape_cast %swap3A_207 : vector<16xf32> to vector<16xf32>
        %swap3A_209 = vector.shape_cast %mul3A_204 : vector<16xf32> to vector<16xf32>
        tpu.vector_store %arg17[%swap3A], %swap3A_209 {strides = array<i32>} : memref<2048xf32, #tpu.memory_space<vmem>>, vector<16xf32>,
        %add3A_210 = arith.constant 16 : i32
        %add3A_211 = arith.addi %add3A_194, %add3A_210 : i32
        %get3A_212 = arith.index_cast %add3A_211 : i32 to index
        %get3A_213 = tpu.vector_load %arg13[%get3A_212] {strides = array<i32>} : memref<2048xf32, #tpu.memory_space<vmem>>, vector<16xf32>,
        %get3A_214 = vector.shape_cast %get3A_213 : vector<16xf32> to vector<16xf32>
        %add3A_215 = arith.constant 16 : i32
        %add3A_216 = arith.addi %add3A_194, %add3A_215 : i32
        %get3A_217 = arith.index_cast %add3A_216 : i32 to index
        %get3A_218 = tpu.vector_load %arg15[%get3A_217] {strides = array<i32>} : memref<2048xf32, #tpu.memory_space<vmem>>, vector<16xf32>,
        %get3A_219 = vector.shape_cast %get3A_218 : vector<16xf32> to vector<16xf32>
        %mul3A_220 = arith.mulf %get3A_214, %get3A_219 : vector<16xf32>
        %add3A_221 = arith.constant 16 : i32
        %add3A_222 = arith.addi %add3A_194, %add3A_221 : i32
        %swap3A_223 = arith.index_cast %add3A_222 : i32 to index
        %swap3A_224 = tpu.vector_load %arg17[%swap3A_223] {strides = array<i32>} : memref<2048xf32, #tpu.memory_space<vmem>>, vector<16xf32>,
        %swap3A_225 = vector.shape_cast %swap3A_224 : vector<16xf32> to vector<16xf32>
        %swap3A_226 = vector.shape_cast %mul3A_220 : vector<16xf32> to vector<16xf32>
        tpu.vector_store %arg17[%swap3A_223], %swap3A_226 {strides = array<i32>} : memref<2048xf32, #tpu.memory_space<vmem>>, vector<16xf32>,
        %add3A_227 = arith.constant 32 : i32
        %add3A_228 = arith.addi %add3A_194, %add3A_227 : i32
        %get3A_229 = arith.index_cast %add3A_228 : i32 to index
        %get3A_230 = tpu.vector_load %arg13[%get3A_229] {strides = array<i32>} : memref<2048xf32, #tpu.memory_space<vmem>>, vector<16xf32>,
        %get3A_231 = vector.shape_cast %get3A_230 : vector<16xf32> to vector<16xf32>
        %add3A_232 = arith.constant 32 : i32
        %add3A_233 = arith.addi %add3A_194, %add3A_232 : i32
        %get3A_234 = arith.index_cast %add3A_233 : i32 to index
        %get3A_235 = tpu.vector_load %arg15[%get3A_234] {strides = array<i32>} : memref<2048xf32, #tpu.memory_space<vmem>>, vector<16xf32>,
        %get3A_236 = vector.shape_cast %get3A_235 : vector<16xf32> to vector<16xf32>
        %mul3A_237 = arith.mulf %get3A_231, %get3A_236 : vector<16xf32>
        %add3A_238 = arith.constant 32 : i32
        %add3A_239 = arith.addi %add3A_194, %add3A_238 : i32
        %swap3A_240 = arith.index_cast %add3A_239 : i32 to index
        %swap3A_241 = tpu.vector_load %arg17[%swap3A_240] {strides = array<i32>} : memref<2048xf32, #tpu.memory_space<vmem>>, vector<16xf32>,
        %swap3A_242 = vector.shape_cast %swap3A_241 : vector<16xf32> to vector<16xf32>
        %swap3A_243 = vector.shape_cast %mul3A_237 : vector<16xf32> to vector<16xf32>
        tpu.vector_store %arg17[%swap3A_240], %swap3A_243 {strides = array<i32>} : memref<2048xf32, #tpu.memory_space<vmem>>, vector<16xf32>,
        %add3A_244 = arith.constant 48 : i32
        %add3A_245 = arith.addi %add3A_194, %add3A_244 : i32
        %get3A_246 = arith.index_cast %add3A_245 : i32 to index
        %get3A_247 = tpu.vector_load %arg13[%get3A_246] {strides = array<i32>} : memref<2048xf32, #tpu.memory_space<vmem>>, vector<16xf32>,
        %get3A_248 = vector.shape_cast %get3A_247 : vector<16xf32> to vector<16xf32>
        %add3A_249 = arith.constant 48 : i32
        %add3A_250 = arith.addi %add3A_194, %add3A_249 : i32
        %get3A_251 = arith.index_cast %add3A_250 : i32 to index
        %get3A_252 = tpu.vector_load %arg15[%get3A_251] {strides = array<i32>} : memref<2048xf32, #tpu.memory_space<vmem>>, vector<16xf32>,
        %get3A_253 = vector.shape_cast %get3A_252 : vector<16xf32> to vector<16xf32>
        %mul3A_254 = arith.mulf %get3A_248, %get3A_253 : vector<16xf32>
        %add3A_255 = arith.constant 48 : i32
        %add3A_256 = arith.addi %add3A_194, %add3A_255 : i32
        %swap3A_257 = arith.index_cast %add3A_256 : i32 to index
        %swap3A_258 = tpu.vector_load %arg17[%swap3A_257] {strides = array<i32>} : memref<2048xf32, #tpu.memory_space<vmem>>, vector<16xf32>,
        %swap3A_259 = vector.shape_cast %swap3A_258 : vector<16xf32> to vector<16xf32>
        %swap3A_260 = vector.shape_cast %mul3A_254 : vector<16xf32> to vector<16xf32>
        tpu.vector_store %arg17[%swap3A_257], %swap3A_260 {strides = array<i32>} : memref<2048xf32, #tpu.memory_space<vmem>>, vector<16xf32>,
      }
      %scan3A_178 = arith.constant 32 : i32
      "tpu.region"() ({
        %run_scoped3A = tpu.sem_alloc : memref<!tpu.dma_semaphore, #tpu.memory_space<semaphore_mem>>
        %dma_start3A_190 = arith.constant 0 : i32
        %dma_start3A_191 = tpu.memref_slice %arg8[%dma_start3A_190] : memref<100352xf32, #tpu.memory_space<vmem_shared>> -> memref<100352xf32, #tpu.memory_space<vmem_shared>>
        tpu.enqueue_indirect_dma source(%arg17 : memref<2048xf32, #tpu.memory_space<vmem>>) target(%dma_start3A_191 : memref<100352xf32, #tpu.memory_space<vmem_shared>>) offsets(%arg11 : memref<2048xi32, #tpu.memory_space<vmem>>) semaphore(%run_scoped3A : memref<!tpu.dma_semaphore, #tpu.memory_space<semaphore_mem>>) {add = true}
        %dma_wait3A_192 = arith.constant 0 : i32
        %dma_wait3A_193 = tpu.memref_slice %arg8[%dma_wait3A_192] : memref<100352xf32, #tpu.memory_space<vmem_shared>> -> memref<100352xf32, #tpu.memory_space<vmem_shared>>
        tpu.wait_indirect_dma semaphore(%run_scoped3A : memref<!tpu.dma_semaphore, #tpu.memory_space<semaphore_mem>>) src(%arg17 : memref<2048xf32, #tpu.memory_space<vmem>>) dst(%dma_wait3A_193 : memref<100352xf32, #tpu.memory_space<vmem_shared>>)
        tpu.yield
      }) : () -> ()
      %add3A_179 = arith.constant 2 : i32
      %add3A_180 = arith.addi %add3A_158, %add3A_179 : i32
      %mul3A_181 = arith.constant 2048 : i32
      %mul3A_182 = arith.muli %add3A_180, %mul3A_181 : i32
      %add3A_183 = arith.addi %mul3A_12, %mul3A_182 : i32
      %dma_start3A_184 = tpu.memref_slice %arg3[%add3A_183] : memref<3276800xi32, #tpu.memory_space<hbm>> -> memref<2048xi32, #tpu.memory_space<hbm>>
      %dma_start3A_185 = tpu.memref_slice %arg3[%add3A_183] : memref<3276800xi32, #tpu.memory_space<hbm>> -> memref<2048xi32, #tpu.memory_space<hbm>>
      tpu.enqueue_dma source(%dma_start3A_185 : memref<2048xi32, #tpu.memory_space<hbm>>) target(%arg9 : memref<2048xi32, #tpu.memory_space<vmem>>) target_semaphore(%arg19 : memref<!tpu.dma_semaphore, #tpu.memory_space<semaphore_mem>>)
      %dma_start3A_186 = tpu.memref_slice %arg4[%add3A_183] : memref<3276800xi32, #tpu.memory_space<hbm>> -> memref<2048xi32, #tpu.memory_space<hbm>>
      %dma_start3A_187 = tpu.memref_slice %arg4[%add3A_183] : memref<3276800xi32, #tpu.memory_space<hbm>> -> memref<2048xi32, #tpu.memory_space<hbm>>
      tpu.enqueue_dma source(%dma_start3A_187 : memref<2048xi32, #tpu.memory_space<hbm>>) target(%arg11 : memref<2048xi32, #tpu.memory_space<vmem>>) target_semaphore(%arg19 : memref<!tpu.dma_semaphore, #tpu.memory_space<semaphore_mem>>)
      %dma_start3A_188 = tpu.memref_slice %arg5[%add3A_183] : memref<3276800xf32, #tpu.memory_space<hbm>> -> memref<2048xf32, #tpu.memory_space<hbm>>
      %dma_start3A_189 = tpu.memref_slice %arg5[%add3A_183] : memref<3276800xf32, #tpu.memory_space<hbm>> -> memref<2048xf32, #tpu.memory_space<hbm>>
      tpu.enqueue_dma source(%dma_start3A_189 : memref<2048xf32, #tpu.memory_space<hbm>>) target(%arg13 : memref<2048xf32, #tpu.memory_space<vmem>>) target_semaphore(%arg19 : memref<!tpu.dma_semaphore, #tpu.memory_space<semaphore_mem>>)
    }
    %scan3A_66 = arith.constant 23 : i32
    %dma_wait3A_67 = arith.constant 0 : i32
    %dma_wait3A_68 = tpu.memref_slice %arg7[%dma_wait3A_67] : memref<100352xf32, #tpu.memory_space<vmem_shared>> -> memref<100352xf32, #tpu.memory_space<vmem_shared>>
    tpu.wait_indirect_dma semaphore(%arg21 : memref<!tpu.dma_semaphore, #tpu.memory_space<semaphore_mem>>) src(%dma_wait3A_68 : memref<100352xf32, #tpu.memory_space<vmem_shared>>) dst(%arg16 : memref<2048xf32, #tpu.memory_space<vmem>>)
    %add3A_69 = arith.constant 98304 : i32
    %add3A_70 = arith.addi %mul3A_12, %add3A_69 : i32
    %dma_wait3A_71 = tpu.memref_slice %arg3[%add3A_70] : memref<3276800xi32, #tpu.memory_space<hbm>> -> memref<2048xi32, #tpu.memory_space<hbm>>
    %dma_wait3A_72 = tpu.memref_slice %arg3[%add3A_70] : memref<3276800xi32, #tpu.memory_space<hbm>> -> memref<2048xi32, #tpu.memory_space<hbm>>
    tpu.wait_dma2 semaphore(%arg19 : memref<!tpu.dma_semaphore, #tpu.memory_space<semaphore_mem>>) src(%dma_wait3A_72 : memref<2048xi32, #tpu.memory_space<hbm>>) dst(%arg9 : memref<2048xi32, #tpu.memory_space<vmem>>)
    %dma_wait3A_73 = tpu.memref_slice %arg4[%add3A_70] : memref<3276800xi32, #tpu.memory_space<hbm>> -> memref<2048xi32, #tpu.memory_space<hbm>>
    %dma_wait3A_74 = tpu.memref_slice %arg4[%add3A_70] : memref<3276800xi32, #tpu.memory_space<hbm>> -> memref<2048xi32, #tpu.memory_space<hbm>>
    tpu.wait_dma2 semaphore(%arg19 : memref<!tpu.dma_semaphore, #tpu.memory_space<semaphore_mem>>) src(%dma_wait3A_74 : memref<2048xi32, #tpu.memory_space<hbm>>) dst(%arg11 : memref<2048xi32, #tpu.memory_space<vmem>>)
    %dma_wait3A_75 = tpu.memref_slice %arg5[%add3A_70] : memref<3276800xf32, #tpu.memory_space<hbm>> -> memref<2048xf32, #tpu.memory_space<hbm>>
    %dma_wait3A_76 = tpu.memref_slice %arg5[%add3A_70] : memref<3276800xf32, #tpu.memory_space<hbm>> -> memref<2048xf32, #tpu.memory_space<hbm>>
    tpu.wait_dma2 semaphore(%arg19 : memref<!tpu.dma_semaphore, #tpu.memory_space<semaphore_mem>>) src(%dma_wait3A_76 : memref<2048xf32, #tpu.memory_space<hbm>>) dst(%arg13 : memref<2048xf32, #tpu.memory_space<vmem>>)
    %dma_start3A_77 = arith.constant 0 : i32
    %dma_start3A_78 = tpu.memref_slice %arg7[%dma_start3A_77] : memref<100352xf32, #tpu.memory_space<vmem_shared>> -> memref<100352xf32, #tpu.memory_space<vmem_shared>>
    tpu.enqueue_indirect_dma source(%dma_start3A_78 : memref<100352xf32, #tpu.memory_space<vmem_shared>>) target(%arg15 : memref<2048xf32, #tpu.memory_space<vmem>>) offsets(%arg9 : memref<2048xi32, #tpu.memory_space<vmem>>) semaphore(%arg21 : memref<!tpu.dma_semaphore, #tpu.memory_space<semaphore_mem>>)
    %scan3A_79 = arith.constant 0 : i32
    %scan3A_80 = arith.constant 32 : i32
    %scan3A_81 = arith.addi %scan3A_79, %scan3A_80 : i32
    %scan3A_82 = arith.constant 1 : i32
    scf.for %scan3A_121 = %scan3A_79 to %scan3A_81 step %scan3A_82  : i32 {
      %mul3A_122 = arith.constant 64 : i32
      %mul3A_123 = arith.muli %scan3A_121, %mul3A_122 : i32
      %add3A_124 = arith.constant 0 : i32
      %add3A_125 = arith.addi %add3A_124, %mul3A_123 : i32
      %add3A_126 = arith.constant 0 : i32
      %add3A_127 = arith.addi %add3A_125, %add3A_126 : i32
      %get3A = arith.index_cast %add3A_127 : i32 to index
      %get3A_128 = tpu.vector_load %arg14[%get3A] {strides = array<i32>} : memref<2048xf32, #tpu.memory_space<vmem>>, vector<16xf32>,
      %get3A_129 = vector.shape_cast %get3A_128 : vector<16xf32> to vector<16xf32>
      %add3A_130 = arith.constant 0 : i32
      %add3A_131 = arith.addi %add3A_125, %add3A_130 : i32
      %get3A_132 = arith.index_cast %add3A_131 : i32 to index
      %get3A_133 = tpu.vector_load %arg16[%get3A_132] {strides = array<i32>} : memref<2048xf32, #tpu.memory_space<vmem>>, vector<16xf32>,
      %get3A_134 = vector.shape_cast %get3A_133 : vector<16xf32> to vector<16xf32>
      %mul3A_135 = arith.mulf %get3A_129, %get3A_134 : vector<16xf32>
      %add3A_136 = arith.constant 0 : i32
      %add3A_137 = arith.addi %add3A_125, %add3A_136 : i32
      %swap3A = arith.index_cast %add3A_137 : i32 to index
      %swap3A_138 = tpu.vector_load %arg17[%swap3A] {strides = array<i32>} : memref<2048xf32, #tpu.memory_space<vmem>>, vector<16xf32>,
      %swap3A_139 = vector.shape_cast %swap3A_138 : vector<16xf32> to vector<16xf32>
      %swap3A_140 = vector.shape_cast %mul3A_135 : vector<16xf32> to vector<16xf32>
      tpu.vector_store %arg17[%swap3A], %swap3A_140 {strides = array<i32>} : memref<2048xf32, #tpu.memory_space<vmem>>, vector<16xf32>,
      %add3A_141 = arith.constant 16 : i32
      %add3A_142 = arith.addi %add3A_125, %add3A_141 : i32
      %get3A_143 = arith.index_cast %add3A_142 : i32 to index
      %get3A_144 = tpu.vector_load %arg14[%get3A_143] {strides = array<i32>} : memref<2048xf32, #tpu.memory_space<vmem>>, vector<16xf32>,
      %get3A_145 = vector.shape_cast %get3A_144 : vector<16xf32> to vector<16xf32>
      %add3A_146 = arith.constant 16 : i32
      %add3A_147 = arith.addi %add3A_125, %add3A_146 : i32
      %get3A_148 = arith.index_cast %add3A_147 : i32 to index
      %get3A_149 = tpu.vector_load %arg16[%get3A_148] {strides = array<i32>} : memref<2048xf32, #tpu.memory_space<vmem>>, vector<16xf32>,
      %get3A_150 = vector.shape_cast %get3A_149 : vector<16xf32> to vector<16xf32>
      %mul3A_151 = arith.mulf %get3A_145, %get3A_150 : vector<16xf32>
      %add3A_152 = arith.constant 16 : i32
      %add3A_153 = arith.addi %add3A_125, %add3A_152 : i32
      %swap3A_154 = arith.index_cast %add3A_153 : i32 to index
      %swap3A_155 = tpu.vector_load %arg17[%swap3A_154] {strides = array<i32>} : memref<2048xf32, #tpu.memory_space<vmem>>, vector<16xf32>,
      %swap3A_156 = vector.shape_cast %swap3A_155 : vector<16xf32> to vector<16xf32>
      %swap3A_157 = vector.shape_cast %mul3A_151 : vector<16xf32> to vector<16xf32>
      tpu.vector_store %arg17[%swap3A_154], %swap3A_157 {strides = array<i32>} : memref<2048xf32, #tpu.memory_space<vmem>>, vector<16xf32>,
      %add3A_158 = arith.constant 32 : i32
      %add3A_159 = arith.addi %add3A_125, %add3A_158 : i32
      %get3A_160 = arith.index_cast %add3A_159 : i32 to index
      %get3A_161 = tpu.vector_load %arg14[%get3A_160] {strides = array<i32>} : memref<2048xf32, #tpu.memory_space<vmem>>, vector<16xf32>,
      %get3A_162 = vector.shape_cast %get3A_161 : vector<16xf32> to vector<16xf32>
      %add3A_163 = arith.constant 32 : i32
      %add3A_164 = arith.addi %add3A_125, %add3A_163 : i32
      %get3A_165 = arith.index_cast %add3A_164 : i32 to index
      %get3A_166 = tpu.vector_load %arg16[%get3A_165] {strides = array<i32>} : memref<2048xf32, #tpu.memory_space<vmem>>, vector<16xf32>,
      %get3A_167 = vector.shape_cast %get3A_166 : vector<16xf32> to vector<16xf32>
      %mul3A_168 = arith.mulf %get3A_162, %get3A_167 : vector<16xf32>
      %add3A_169 = arith.constant 32 : i32
      %add3A_170 = arith.addi %add3A_125, %add3A_169 : i32
      %swap3A_171 = arith.index_cast %add3A_170 : i32 to index
      %swap3A_172 = tpu.vector_load %arg17[%swap3A_171] {strides = array<i32>} : memref<2048xf32, #tpu.memory_space<vmem>>, vector<16xf32>,
      %swap3A_173 = vector.shape_cast %swap3A_172 : vector<16xf32> to vector<16xf32>
      %swap3A_174 = vector.shape_cast %mul3A_168 : vector<16xf32> to vector<16xf32>
      tpu.vector_store %arg17[%swap3A_171], %swap3A_174 {strides = array<i32>} : memref<2048xf32, #tpu.memory_space<vmem>>, vector<16xf32>,
      %add3A_175 = arith.constant 48 : i32
      %add3A_176 = arith.addi %add3A_125, %add3A_175 : i32
      %get3A_177 = arith.index_cast %add3A_176 : i32 to index
      %get3A_178 = tpu.vector_load %arg14[%get3A_177] {strides = array<i32>} : memref<2048xf32, #tpu.memory_space<vmem>>, vector<16xf32>,
      %get3A_179 = vector.shape_cast %get3A_178 : vector<16xf32> to vector<16xf32>
      %add3A_180 = arith.constant 48 : i32
      %add3A_181 = arith.addi %add3A_125, %add3A_180 : i32
      %get3A_182 = arith.index_cast %add3A_181 : i32 to index
      %get3A_183 = tpu.vector_load %arg16[%get3A_182] {strides = array<i32>} : memref<2048xf32, #tpu.memory_space<vmem>>, vector<16xf32>,
      %get3A_184 = vector.shape_cast %get3A_183 : vector<16xf32> to vector<16xf32>
      %mul3A_185 = arith.mulf %get3A_179, %get3A_184 : vector<16xf32>
      %add3A_186 = arith.constant 48 : i32
      %add3A_187 = arith.addi %add3A_125, %add3A_186 : i32
      %swap3A_188 = arith.index_cast %add3A_187 : i32 to index
      %swap3A_189 = tpu.vector_load %arg17[%swap3A_188] {strides = array<i32>} : memref<2048xf32, #tpu.memory_space<vmem>>, vector<16xf32>,
      %swap3A_190 = vector.shape_cast %swap3A_189 : vector<16xf32> to vector<16xf32>
      %swap3A_191 = vector.shape_cast %mul3A_185 : vector<16xf32> to vector<16xf32>
      tpu.vector_store %arg17[%swap3A_188], %swap3A_191 {strides = array<i32>} : memref<2048xf32, #tpu.memory_space<vmem>>, vector<16xf32>,
    }
    %scan3A_83 = arith.constant 32 : i32
    "tpu.region"() ({
      %run_scoped3A = tpu.sem_alloc : memref<!tpu.dma_semaphore, #tpu.memory_space<semaphore_mem>>
      %dma_start3A_121 = arith.constant 0 : i32
      %dma_start3A_122 = tpu.memref_slice %arg8[%dma_start3A_121] : memref<100352xf32, #tpu.memory_space<vmem_shared>> -> memref<100352xf32, #tpu.memory_space<vmem_shared>>
      tpu.enqueue_indirect_dma source(%arg17 : memref<2048xf32, #tpu.memory_space<vmem>>) target(%dma_start3A_122 : memref<100352xf32, #tpu.memory_space<vmem_shared>>) offsets(%arg12 : memref<2048xi32, #tpu.memory_space<vmem>>) semaphore(%run_scoped3A : memref<!tpu.dma_semaphore, #tpu.memory_space<semaphore_mem>>) {add = true}
      %dma_wait3A_123 = arith.constant 0 : i32
      %dma_wait3A_124 = tpu.memref_slice %arg8[%dma_wait3A_123] : memref<100352xf32, #tpu.memory_space<vmem_shared>> -> memref<100352xf32, #tpu.memory_space<vmem_shared>>
      tpu.wait_indirect_dma semaphore(%run_scoped3A : memref<!tpu.dma_semaphore, #tpu.memory_space<semaphore_mem>>) src(%arg17 : memref<2048xf32, #tpu.memory_space<vmem>>) dst(%dma_wait3A_124 : memref<100352xf32, #tpu.memory_space<vmem_shared>>)
      tpu.yield
    }) : () -> ()
    %add3A_84 = arith.constant 100352 : i32
    %add3A_85 = arith.addi %mul3A_12, %add3A_84 : i32
    %dma_start3A_86 = tpu.memref_slice %arg3[%add3A_85] : memref<3276800xi32, #tpu.memory_space<hbm>> -> memref<2048xi32, #tpu.memory_space<hbm>>
    %dma_start3A_87 = tpu.memref_slice %arg3[%add3A_85] : memref<3276800xi32, #tpu.memory_space<hbm>> -> memref<2048xi32, #tpu.memory_space<hbm>>
    tpu.enqueue_dma source(%dma_start3A_87 : memref<2048xi32, #tpu.memory_space<hbm>>) target(%arg10 : memref<2048xi32, #tpu.memory_space<vmem>>) target_semaphore(%arg20 : memref<!tpu.dma_semaphore, #tpu.memory_space<semaphore_mem>>)
    %dma_start3A_88 = tpu.memref_slice %arg4[%add3A_85] : memref<3276800xi32, #tpu.memory_space<hbm>> -> memref<2048xi32, #tpu.memory_space<hbm>>
    %dma_start3A_89 = tpu.memref_slice %arg4[%add3A_85] : memref<3276800xi32, #tpu.memory_space<hbm>> -> memref<2048xi32, #tpu.memory_space<hbm>>
    tpu.enqueue_dma source(%dma_start3A_89 : memref<2048xi32, #tpu.memory_space<hbm>>) target(%arg12 : memref<2048xi32, #tpu.memory_space<vmem>>) target_semaphore(%arg20 : memref<!tpu.dma_semaphore, #tpu.memory_space<semaphore_mem>>)
    %dma_start3A_90 = tpu.memref_slice %arg5[%add3A_85] : memref<3276800xf32, #tpu.memory_space<hbm>> -> memref<2048xf32, #tpu.memory_space<hbm>>
    %dma_start3A_91 = tpu.memref_slice %arg5[%add3A_85] : memref<3276800xf32, #tpu.memory_space<hbm>> -> memref<2048xf32, #tpu.memory_space<hbm>>
    tpu.enqueue_dma source(%dma_start3A_91 : memref<2048xf32, #tpu.memory_space<hbm>>) target(%arg14 : memref<2048xf32, #tpu.memory_space<vmem>>) target_semaphore(%arg20 : memref<!tpu.dma_semaphore, #tpu.memory_space<semaphore_mem>>)
    %dma_wait3A_92 = arith.constant 0 : i32
    %dma_wait3A_93 = tpu.memref_slice %arg7[%dma_wait3A_92] : memref<100352xf32, #tpu.memory_space<vmem_shared>> -> memref<100352xf32, #tpu.memory_space<vmem_shared>>
    tpu.wait_indirect_dma semaphore(%arg21 : memref<!tpu.dma_semaphore, #tpu.memory_space<semaphore_mem>>) src(%dma_wait3A_93 : memref<100352xf32, #tpu.memory_space<vmem_shared>>) dst(%arg15 : memref<2048xf32, #tpu.memory_space<vmem>>)
    %add3A_94 = arith.constant 100352 : i32
    %add3A_95 = arith.addi %mul3A_12, %add3A_94 : i32
    %dma_wait3A_96 = tpu.memref_slice %arg3[%add3A_95] : memref<3276800xi32, #tpu.memory_space<hbm>> -> memref<2048xi32, #tpu.memory_space<hbm>>
    %dma_wait3A_97 = tpu.memref_slice %arg3[%add3A_95] : memref<3276800xi32, #tpu.memory_space<hbm>> -> memref<2048xi32, #tpu.memory_space<hbm>>
    tpu.wait_dma2 semaphore(%arg20 : memref<!tpu.dma_semaphore, #tpu.memory_space<semaphore_mem>>) src(%dma_wait3A_97 : memref<2048xi32, #tpu.memory_space<hbm>>) dst(%arg10 : memref<2048xi32, #tpu.memory_space<vmem>>)
    %dma_wait3A_98 = tpu.memref_slice %arg4[%add3A_95] : memref<3276800xi32, #tpu.memory_space<hbm>> -> memref<2048xi32, #tpu.memory_space<hbm>>
    %dma_wait3A_99 = tpu.memref_slice %arg4[%add3A_95] : memref<3276800xi32, #tpu.memory_space<hbm>> -> memref<2048xi32, #tpu.memory_space<hbm>>
    tpu.wait_dma2 semaphore(%arg20 : memref<!tpu.dma_semaphore, #tpu.memory_space<semaphore_mem>>) src(%dma_wait3A_99 : memref<2048xi32, #tpu.memory_space<hbm>>) dst(%arg12 : memref<2048xi32, #tpu.memory_space<vmem>>)
    %dma_wait3A_100 = tpu.memref_slice %arg5[%add3A_95] : memref<3276800xf32, #tpu.memory_space<hbm>> -> memref<2048xf32, #tpu.memory_space<hbm>>
    %dma_wait3A_101 = tpu.memref_slice %arg5[%add3A_95] : memref<3276800xf32, #tpu.memory_space<hbm>> -> memref<2048xf32, #tpu.memory_space<hbm>>
    tpu.wait_dma2 semaphore(%arg20 : memref<!tpu.dma_semaphore, #tpu.memory_space<semaphore_mem>>) src(%dma_wait3A_101 : memref<2048xf32, #tpu.memory_space<hbm>>) dst(%arg14 : memref<2048xf32, #tpu.memory_space<vmem>>)
    %dma_start3A_102 = arith.constant 0 : i32
    %dma_start3A_103 = tpu.memref_slice %arg7[%dma_start3A_102] : memref<100352xf32, #tpu.memory_space<vmem_shared>> -> memref<100352xf32, #tpu.memory_space<vmem_shared>>
    tpu.enqueue_indirect_dma source(%dma_start3A_103 : memref<100352xf32, #tpu.memory_space<vmem_shared>>) target(%arg16 : memref<2048xf32, #tpu.memory_space<vmem>>) offsets(%arg10 : memref<2048xi32, #tpu.memory_space<vmem>>) semaphore(%arg21 : memref<!tpu.dma_semaphore, #tpu.memory_space<semaphore_mem>>)
    %scan3A_104 = arith.constant 0 : i32
    %scan3A_105 = arith.constant 32 : i32
    %scan3A_106 = arith.addi %scan3A_104, %scan3A_105 : i32
    %scan3A_107 = arith.constant 1 : i32
    scf.for %scan3A_121 = %scan3A_104 to %scan3A_106 step %scan3A_107  : i32 {
      %mul3A_122 = arith.constant 64 : i32
      %mul3A_123 = arith.muli %scan3A_121, %mul3A_122 : i32
      %add3A_124 = arith.constant 0 : i32
      %add3A_125 = arith.addi %add3A_124, %mul3A_123 : i32
      %add3A_126 = arith.constant 0 : i32
      %add3A_127 = arith.addi %add3A_125, %add3A_126 : i32
      %get3A = arith.index_cast %add3A_127 : i32 to index
      %get3A_128 = tpu.vector_load %arg13[%get3A] {strides = array<i32>} : memref<2048xf32, #tpu.memory_space<vmem>>, vector<16xf32>,
      %get3A_129 = vector.shape_cast %get3A_128 : vector<16xf32> to vector<16xf32>
      %add3A_130 = arith.constant 0 : i32
      %add3A_131 = arith.addi %add3A_125, %add3A_130 : i32
      %get3A_132 = arith.index_cast %add3A_131 : i32 to index
      %get3A_133 = tpu.vector_load %arg15[%get3A_132] {strides = array<i32>} : memref<2048xf32, #tpu.memory_space<vmem>>, vector<16xf32>,
      %get3A_134 = vector.shape_cast %get3A_133 : vector<16xf32> to vector<16xf32>
      %mul3A_135 = arith.mulf %get3A_129, %get3A_134 : vector<16xf32>
      %add3A_136 = arith.constant 0 : i32
      %add3A_137 = arith.addi %add3A_125, %add3A_136 : i32
      %swap3A = arith.index_cast %add3A_137 : i32 to index
      %swap3A_138 = tpu.vector_load %arg17[%swap3A] {strides = array<i32>} : memref<2048xf32, #tpu.memory_space<vmem>>, vector<16xf32>,
      %swap3A_139 = vector.shape_cast %swap3A_138 : vector<16xf32> to vector<16xf32>
      %swap3A_140 = vector.shape_cast %mul3A_135 : vector<16xf32> to vector<16xf32>
      tpu.vector_store %arg17[%swap3A], %swap3A_140 {strides = array<i32>} : memref<2048xf32, #tpu.memory_space<vmem>>, vector<16xf32>,
      %add3A_141 = arith.constant 16 : i32
      %add3A_142 = arith.addi %add3A_125, %add3A_141 : i32
      %get3A_143 = arith.index_cast %add3A_142 : i32 to index
      %get3A_144 = tpu.vector_load %arg13[%get3A_143] {strides = array<i32>} : memref<2048xf32, #tpu.memory_space<vmem>>, vector<16xf32>,
      %get3A_145 = vector.shape_cast %get3A_144 : vector<16xf32> to vector<16xf32>
      %add3A_146 = arith.constant 16 : i32
      %add3A_147 = arith.addi %add3A_125, %add3A_146 : i32
      %get3A_148 = arith.index_cast %add3A_147 : i32 to index
      %get3A_149 = tpu.vector_load %arg15[%get3A_148] {strides = array<i32>} : memref<2048xf32, #tpu.memory_space<vmem>>, vector<16xf32>,
      %get3A_150 = vector.shape_cast %get3A_149 : vector<16xf32> to vector<16xf32>
      %mul3A_151 = arith.mulf %get3A_145, %get3A_150 : vector<16xf32>
      %add3A_152 = arith.constant 16 : i32
      %add3A_153 = arith.addi %add3A_125, %add3A_152 : i32
      %swap3A_154 = arith.index_cast %add3A_153 : i32 to index
      %swap3A_155 = tpu.vector_load %arg17[%swap3A_154] {strides = array<i32>} : memref<2048xf32, #tpu.memory_space<vmem>>, vector<16xf32>,
      %swap3A_156 = vector.shape_cast %swap3A_155 : vector<16xf32> to vector<16xf32>
      %swap3A_157 = vector.shape_cast %mul3A_151 : vector<16xf32> to vector<16xf32>
      tpu.vector_store %arg17[%swap3A_154], %swap3A_157 {strides = array<i32>} : memref<2048xf32, #tpu.memory_space<vmem>>, vector<16xf32>,
      %add3A_158 = arith.constant 32 : i32
      %add3A_159 = arith.addi %add3A_125, %add3A_158 : i32
      %get3A_160 = arith.index_cast %add3A_159 : i32 to index
      %get3A_161 = tpu.vector_load %arg13[%get3A_160] {strides = array<i32>} : memref<2048xf32, #tpu.memory_space<vmem>>, vector<16xf32>,
      %get3A_162 = vector.shape_cast %get3A_161 : vector<16xf32> to vector<16xf32>
      %add3A_163 = arith.constant 32 : i32
      %add3A_164 = arith.addi %add3A_125, %add3A_163 : i32
      %get3A_165 = arith.index_cast %add3A_164 : i32 to index
      %get3A_166 = tpu.vector_load %arg15[%get3A_165] {strides = array<i32>} : memref<2048xf32, #tpu.memory_space<vmem>>, vector<16xf32>,
      %get3A_167 = vector.shape_cast %get3A_166 : vector<16xf32> to vector<16xf32>
      %mul3A_168 = arith.mulf %get3A_162, %get3A_167 : vector<16xf32>
      %add3A_169 = arith.constant 32 : i32
      %add3A_170 = arith.addi %add3A_125, %add3A_169 : i32
      %swap3A_171 = arith.index_cast %add3A_170 : i32 to index
      %swap3A_172 = tpu.vector_load %arg17[%swap3A_171] {strides = array<i32>} : memref<2048xf32, #tpu.memory_space<vmem>>, vector<16xf32>,
      %swap3A_173 = vector.shape_cast %swap3A_172 : vector<16xf32> to vector<16xf32>
      %swap3A_174 = vector.shape_cast %mul3A_168 : vector<16xf32> to vector<16xf32>
      tpu.vector_store %arg17[%swap3A_171], %swap3A_174 {strides = array<i32>} : memref<2048xf32, #tpu.memory_space<vmem>>, vector<16xf32>,
      %add3A_175 = arith.constant 48 : i32
      %add3A_176 = arith.addi %add3A_125, %add3A_175 : i32
      %get3A_177 = arith.index_cast %add3A_176 : i32 to index
      %get3A_178 = tpu.vector_load %arg13[%get3A_177] {strides = array<i32>} : memref<2048xf32, #tpu.memory_space<vmem>>, vector<16xf32>,
      %get3A_179 = vector.shape_cast %get3A_178 : vector<16xf32> to vector<16xf32>
      %add3A_180 = arith.constant 48 : i32
      %add3A_181 = arith.addi %add3A_125, %add3A_180 : i32
      %get3A_182 = arith.index_cast %add3A_181 : i32 to index
      %get3A_183 = tpu.vector_load %arg15[%get3A_182] {strides = array<i32>} : memref<2048xf32, #tpu.memory_space<vmem>>, vector<16xf32>,
      %get3A_184 = vector.shape_cast %get3A_183 : vector<16xf32> to vector<16xf32>
      %mul3A_185 = arith.mulf %get3A_179, %get3A_184 : vector<16xf32>
      %add3A_186 = arith.constant 48 : i32
      %add3A_187 = arith.addi %add3A_125, %add3A_186 : i32
      %swap3A_188 = arith.index_cast %add3A_187 : i32 to index
      %swap3A_189 = tpu.vector_load %arg17[%swap3A_188] {strides = array<i32>} : memref<2048xf32, #tpu.memory_space<vmem>>, vector<16xf32>,
      %swap3A_190 = vector.shape_cast %swap3A_189 : vector<16xf32> to vector<16xf32>
      %swap3A_191 = vector.shape_cast %mul3A_185 : vector<16xf32> to vector<16xf32>
      tpu.vector_store %arg17[%swap3A_188], %swap3A_191 {strides = array<i32>} : memref<2048xf32, #tpu.memory_space<vmem>>, vector<16xf32>,
    }
    %scan3A_108 = arith.constant 32 : i32
    "tpu.region"() ({
      %run_scoped3A = tpu.sem_alloc : memref<!tpu.dma_semaphore, #tpu.memory_space<semaphore_mem>>
      %dma_start3A_121 = arith.constant 0 : i32
      %dma_start3A_122 = tpu.memref_slice %arg8[%dma_start3A_121] : memref<100352xf32, #tpu.memory_space<vmem_shared>> -> memref<100352xf32, #tpu.memory_space<vmem_shared>>
      tpu.enqueue_indirect_dma source(%arg17 : memref<2048xf32, #tpu.memory_space<vmem>>) target(%dma_start3A_122 : memref<100352xf32, #tpu.memory_space<vmem_shared>>) offsets(%arg11 : memref<2048xi32, #tpu.memory_space<vmem>>) semaphore(%run_scoped3A : memref<!tpu.dma_semaphore, #tpu.memory_space<semaphore_mem>>) {add = true}
      %dma_wait3A_123 = arith.constant 0 : i32
      %dma_wait3A_124 = tpu.memref_slice %arg8[%dma_wait3A_123] : memref<100352xf32, #tpu.memory_space<vmem_shared>> -> memref<100352xf32, #tpu.memory_space<vmem_shared>>
      tpu.wait_indirect_dma semaphore(%run_scoped3A : memref<!tpu.dma_semaphore, #tpu.memory_space<semaphore_mem>>) src(%arg17 : memref<2048xf32, #tpu.memory_space<vmem>>) dst(%dma_wait3A_124 : memref<100352xf32, #tpu.memory_space<vmem_shared>>)
      tpu.yield
    }) : () -> ()
    %dma_wait3A_109 = arith.constant 0 : i32
    %dma_wait3A_110 = tpu.memref_slice %arg7[%dma_wait3A_109] : memref<100352xf32, #tpu.memory_space<vmem_shared>> -> memref<100352xf32, #tpu.memory_space<vmem_shared>>
    tpu.wait_indirect_dma semaphore(%arg21 : memref<!tpu.dma_semaphore, #tpu.memory_space<semaphore_mem>>) src(%dma_wait3A_110 : memref<100352xf32, #tpu.memory_space<vmem_shared>>) dst(%arg16 : memref<2048xf32, #tpu.memory_space<vmem>>)
    %scan3A_111 = arith.constant 0 : i32
    %scan3A_112 = arith.constant 32 : i32
    %scan3A_113 = arith.addi %scan3A_111, %scan3A_112 : i32
    %scan3A_114 = arith.constant 1 : i32
    scf.for %scan3A_121 = %scan3A_111 to %scan3A_113 step %scan3A_114  : i32 {
      %mul3A_122 = arith.constant 64 : i32
      %mul3A_123 = arith.muli %scan3A_121, %mul3A_122 : i32
      %add3A_124 = arith.constant 0 : i32
      %add3A_125 = arith.addi %add3A_124, %mul3A_123 : i32
      %add3A_126 = arith.constant 0 : i32
      %add3A_127 = arith.addi %add3A_125, %add3A_126 : i32
      %get3A = arith.index_cast %add3A_127 : i32 to index
      %get3A_128 = tpu.vector_load %arg14[%get3A] {strides = array<i32>} : memref<2048xf32, #tpu.memory_space<vmem>>, vector<16xf32>,
      %get3A_129 = vector.shape_cast %get3A_128 : vector<16xf32> to vector<16xf32>
      %add3A_130 = arith.constant 0 : i32
      %add3A_131 = arith.addi %add3A_125, %add3A_130 : i32
      %get3A_132 = arith.index_cast %add3A_131 : i32 to index
      %get3A_133 = tpu.vector_load %arg16[%get3A_132] {strides = array<i32>} : memref<2048xf32, #tpu.memory_space<vmem>>, vector<16xf32>,
      %get3A_134 = vector.shape_cast %get3A_133 : vector<16xf32> to vector<16xf32>
      %mul3A_135 = arith.mulf %get3A_129, %get3A_134 : vector<16xf32>
      %add3A_136 = arith.constant 0 : i32
      %add3A_137 = arith.addi %add3A_125, %add3A_136 : i32
      %swap3A = arith.index_cast %add3A_137 : i32 to index
      %swap3A_138 = tpu.vector_load %arg17[%swap3A] {strides = array<i32>} : memref<2048xf32, #tpu.memory_space<vmem>>, vector<16xf32>,
      %swap3A_139 = vector.shape_cast %swap3A_138 : vector<16xf32> to vector<16xf32>
      %swap3A_140 = vector.shape_cast %mul3A_135 : vector<16xf32> to vector<16xf32>
      tpu.vector_store %arg17[%swap3A], %swap3A_140 {strides = array<i32>} : memref<2048xf32, #tpu.memory_space<vmem>>, vector<16xf32>,
      %add3A_141 = arith.constant 16 : i32
      %add3A_142 = arith.addi %add3A_125, %add3A_141 : i32
      %get3A_143 = arith.index_cast %add3A_142 : i32 to index
      %get3A_144 = tpu.vector_load %arg14[%get3A_143] {strides = array<i32>} : memref<2048xf32, #tpu.memory_space<vmem>>, vector<16xf32>,
      %get3A_145 = vector.shape_cast %get3A_144 : vector<16xf32> to vector<16xf32>
      %add3A_146 = arith.constant 16 : i32
      %add3A_147 = arith.addi %add3A_125, %add3A_146 : i32
      %get3A_148 = arith.index_cast %add3A_147 : i32 to index
      %get3A_149 = tpu.vector_load %arg16[%get3A_148] {strides = array<i32>} : memref<2048xf32, #tpu.memory_space<vmem>>, vector<16xf32>,
      %get3A_150 = vector.shape_cast %get3A_149 : vector<16xf32> to vector<16xf32>
      %mul3A_151 = arith.mulf %get3A_145, %get3A_150 : vector<16xf32>
      %add3A_152 = arith.constant 16 : i32
      %add3A_153 = arith.addi %add3A_125, %add3A_152 : i32
      %swap3A_154 = arith.index_cast %add3A_153 : i32 to index
      %swap3A_155 = tpu.vector_load %arg17[%swap3A_154] {strides = array<i32>} : memref<2048xf32, #tpu.memory_space<vmem>>, vector<16xf32>,
      %swap3A_156 = vector.shape_cast %swap3A_155 : vector<16xf32> to vector<16xf32>
      %swap3A_157 = vector.shape_cast %mul3A_151 : vector<16xf32> to vector<16xf32>
      tpu.vector_store %arg17[%swap3A_154], %swap3A_157 {strides = array<i32>} : memref<2048xf32, #tpu.memory_space<vmem>>, vector<16xf32>,
      %add3A_158 = arith.constant 32 : i32
      %add3A_159 = arith.addi %add3A_125, %add3A_158 : i32
      %get3A_160 = arith.index_cast %add3A_159 : i32 to index
      %get3A_161 = tpu.vector_load %arg14[%get3A_160] {strides = array<i32>} : memref<2048xf32, #tpu.memory_space<vmem>>, vector<16xf32>,
      %get3A_162 = vector.shape_cast %get3A_161 : vector<16xf32> to vector<16xf32>
      %add3A_163 = arith.constant 32 : i32
      %add3A_164 = arith.addi %add3A_125, %add3A_163 : i32
      %get3A_165 = arith.index_cast %add3A_164 : i32 to index
      %get3A_166 = tpu.vector_load %arg16[%get3A_165] {strides = array<i32>} : memref<2048xf32, #tpu.memory_space<vmem>>, vector<16xf32>,
      %get3A_167 = vector.shape_cast %get3A_166 : vector<16xf32> to vector<16xf32>
      %mul3A_168 = arith.mulf %get3A_162, %get3A_167 : vector<16xf32>
      %add3A_169 = arith.constant 32 : i32
      %add3A_170 = arith.addi %add3A_125, %add3A_169 : i32
      %swap3A_171 = arith.index_cast %add3A_170 : i32 to index
      %swap3A_172 = tpu.vector_load %arg17[%swap3A_171] {strides = array<i32>} : memref<2048xf32, #tpu.memory_space<vmem>>, vector<16xf32>,
      %swap3A_173 = vector.shape_cast %swap3A_172 : vector<16xf32> to vector<16xf32>
      %swap3A_174 = vector.shape_cast %mul3A_168 : vector<16xf32> to vector<16xf32>
      tpu.vector_store %arg17[%swap3A_171], %swap3A_174 {strides = array<i32>} : memref<2048xf32, #tpu.memory_space<vmem>>, vector<16xf32>,
      %add3A_175 = arith.constant 48 : i32
      %add3A_176 = arith.addi %add3A_125, %add3A_175 : i32
      %get3A_177 = arith.index_cast %add3A_176 : i32 to index
      %get3A_178 = tpu.vector_load %arg14[%get3A_177] {strides = array<i32>} : memref<2048xf32, #tpu.memory_space<vmem>>, vector<16xf32>,
      %get3A_179 = vector.shape_cast %get3A_178 : vector<16xf32> to vector<16xf32>
      %add3A_180 = arith.constant 48 : i32
      %add3A_181 = arith.addi %add3A_125, %add3A_180 : i32
      %get3A_182 = arith.index_cast %add3A_181 : i32 to index
      %get3A_183 = tpu.vector_load %arg16[%get3A_182] {strides = array<i32>} : memref<2048xf32, #tpu.memory_space<vmem>>, vector<16xf32>,
      %get3A_184 = vector.shape_cast %get3A_183 : vector<16xf32> to vector<16xf32>
      %mul3A_185 = arith.mulf %get3A_179, %get3A_184 : vector<16xf32>
      %add3A_186 = arith.constant 48 : i32
      %add3A_187 = arith.addi %add3A_125, %add3A_186 : i32
      %swap3A_188 = arith.index_cast %add3A_187 : i32 to index
      %swap3A_189 = tpu.vector_load %arg17[%swap3A_188] {strides = array<i32>} : memref<2048xf32, #tpu.memory_space<vmem>>, vector<16xf32>,
      %swap3A_190 = vector.shape_cast %swap3A_189 : vector<16xf32> to vector<16xf32>
      %swap3A_191 = vector.shape_cast %mul3A_185 : vector<16xf32> to vector<16xf32>
      tpu.vector_store %arg17[%swap3A_188], %swap3A_191 {strides = array<i32>} : memref<2048xf32, #tpu.memory_space<vmem>>, vector<16xf32>,
    }
    %scan3A_115 = arith.constant 32 : i32
    "tpu.region"() ({
      %run_scoped3A = tpu.sem_alloc : memref<!tpu.dma_semaphore, #tpu.memory_space<semaphore_mem>>
      %dma_start3A_121 = arith.constant 0 : i32
      %dma_start3A_122 = tpu.memref_slice %arg8[%dma_start3A_121] : memref<100352xf32, #tpu.memory_space<vmem_shared>> -> memref<100352xf32, #tpu.memory_space<vmem_shared>>
      tpu.enqueue_indirect_dma source(%arg17 : memref<2048xf32, #tpu.memory_space<vmem>>) target(%dma_start3A_122 : memref<100352xf32, #tpu.memory_space<vmem_shared>>) offsets(%arg12 : memref<2048xi32, #tpu.memory_space<vmem>>) semaphore(%run_scoped3A : memref<!tpu.dma_semaphore, #tpu.memory_space<semaphore_mem>>) {add = true}
      %dma_wait3A_123 = arith.constant 0 : i32
      %dma_wait3A_124 = tpu.memref_slice %arg8[%dma_wait3A_123] : memref<100352xf32, #tpu.memory_space<vmem_shared>> -> memref<100352xf32, #tpu.memory_space<vmem_shared>>
      tpu.wait_indirect_dma semaphore(%run_scoped3A : memref<!tpu.dma_semaphore, #tpu.memory_space<semaphore_mem>>) src(%arg17 : memref<2048xf32, #tpu.memory_space<vmem>>) dst(%dma_wait3A_124 : memref<100352xf32, #tpu.memory_space<vmem_shared>>)
      tpu.yield
    }) : () -> ()
    %barrier3A_116 = arith.constant 0 : index
    tpu.barrier barrier_id(%barrier3A_116)
    %mul3A_117 = arith.constant 6272 : i32
    %mul3A_118 = arith.muli %arg1, %mul3A_117 : i32
    %mul3A_119 = arith.constant 6272 : i32
    %mul3A_120 = arith.muli %arg1, %mul3A_119 : i32
    "tpu.region"() ({
      %run_scoped3A = tpu.sem_alloc : memref<!tpu.dma_semaphore, #tpu.memory_space<semaphore_mem>>
      %dma_start3A_121 = tpu.memref_slice %arg6[%arg0, %mul3A_120] : memref<2x100352xf32, #tpu.memory_space<hbm>> -> memref<1x6272xf32, #tpu.memory_space<hbm>>
      %dma_start3A_122 = tpu.memref_squeeze %dma_start3A_121 : memref<1x6272xf32, #tpu.memory_space<hbm>> -> memref<6272xf32, #tpu.memory_space<hbm>>
      %dma_start3A_123 = tpu.memref_slice %arg8[%mul3A_118] : memref<100352xf32, #tpu.memory_space<vmem_shared>> -> memref<6272xf32, #tpu.memory_space<vmem_shared>>
      tpu.enqueue_dma source(%dma_start3A_123 : memref<6272xf32, #tpu.memory_space<vmem_shared>>) target(%dma_start3A_122 : memref<6272xf32, #tpu.memory_space<hbm>>) target_semaphore(%run_scoped3A : memref<!tpu.dma_semaphore, #tpu.memory_space<semaphore_mem>>)
      %dma_wait3A_124 = tpu.memref_slice %arg6[%arg0, %mul3A_120] : memref<2x100352xf32, #tpu.memory_space<hbm>> -> memref<1x6272xf32, #tpu.memory_space<hbm>>
      %dma_wait3A_125 = tpu.memref_squeeze %dma_wait3A_124 : memref<1x6272xf32, #tpu.memory_space<hbm>> -> memref<6272xf32, #tpu.memory_space<hbm>>
      %dma_wait3A_126 = tpu.memref_slice %arg8[%mul3A_118] : memref<100352xf32, #tpu.memory_space<vmem_shared>> -> memref<6272xf32, #tpu.memory_space<vmem_shared>>
      tpu.wait_dma2 semaphore(%run_scoped3A : memref<!tpu.dma_semaphore, #tpu.memory_space<semaphore_mem>>) src(%dma_wait3A_126 : memref<6272xf32, #tpu.memory_space<vmem_shared>>) dst(%dma_wait3A_125 : memref<6272xf32, #tpu.memory_space<hbm>>)
      tpu.yield
    }) : () -> ()
    return
  }
}

#map = affine_map<(d0, d1) -> (0)>
#map1 = affine_map<(d0, d1) -> (0, 0)>
module attributes {stable_mosaic.version = 14 : i64} {
  func.func @_spmv_body(%arg0: i32, %arg1: i32, %arg2: memref<100352xf32, #tpu.memory_space<hbm>>, %arg3: memref<3276800xi32, #tpu.memory_space<hbm>>, %arg4: memref<3276800xi32, #tpu.memory_space<hbm>>, %arg5: memref<3276800xf32, #tpu.memory_space<hbm>>, %arg6: memref<2x100352xf32, #tpu.memory_space<hbm>>, %arg7: memref<100352xf32, #tpu.memory_space<vmem_shared>>, %arg8: memref<100352xf32, #tpu.memory_space<vmem_shared>>, %arg9: memref<2048xi32, #tpu.memory_space<vmem>>, %arg10: memref<2048xi32, #tpu.memory_space<vmem>>, %arg11: memref<2048xi32, #tpu.memory_space<vmem>>, %arg12: memref<2048xi32, #tpu.memory_space<vmem>>, %arg13: memref<2048xf32, #tpu.memory_space<vmem>>, %arg14: memref<2048xf32, #tpu.memory_space<vmem>>, %arg15: memref<2048xf32, #tpu.memory_space<vmem>>, %arg16: memref<2048xf32, #tpu.memory_space<vmem>>, %arg17: memref<2048xf32, #tpu.memory_space<vmem>>, %arg18: memref<6272xf32, #tpu.memory_space<vmem>>, %arg19: memref<!tpu.dma_semaphore, #tpu.memory_space<semaphore_mem>>, %arg20: memref<!tpu.dma_semaphore, #tpu.memory_space<semaphore_mem>>, %arg21: memref<!tpu.dma_semaphore, #tpu.memory_space<semaphore_mem>>) attributes {dimension_semantics = [#tpu.dimension_semantics<core_parallel>, #tpu.dimension_semantics<subcore_parallel>], iteration_bounds = array<i64: 2, 16>, scalar_prefetch = 0 : i64, scratch_operands = 15 : i64, tpu.core_type = #tpu.core_type<sc_vector_subcore>, window_params = [{transform_indices = #map}, {transform_indices = #map}, {transform_indices = #map}, {transform_indices = #map}, {transform_indices = #map1}]} {
    %mul3A = arith.constant 16 : i32
    %mul3A_0 = arith.muli %arg0, %mul3A : i32
    %add3A = arith.addi %mul3A_0, %arg1 : i32
    %mul3A_1 = arith.constant 6272 : i32
    %mul3A_2 = arith.muli %arg1, %mul3A_1 : i32
    %mul3A_3 = arith.constant 6272 : i32
    %mul3A_4 = arith.muli %arg1, %mul3A_3 : i32
    "tpu.region"() ({
      %run_scoped3A = tpu.sem_alloc : memref<!tpu.dma_semaphore, #tpu.memory_space<semaphore_mem>>
      %dma_start3A_121 = tpu.memref_slice %arg7[%mul3A_4] : memref<100352xf32, #tpu.memory_space<vmem_shared>> -> memref<6272xf32, #tpu.memory_space<vmem_shared>>
      %dma_start3A_122 = tpu.memref_slice %arg2[%mul3A_2] : memref<100352xf32, #tpu.memory_space<hbm>> -> memref<6272xf32, #tpu.memory_space<hbm>>
      tpu.enqueue_dma source(%dma_start3A_122 : memref<6272xf32, #tpu.memory_space<hbm>>) target(%dma_start3A_121 : memref<6272xf32, #tpu.memory_space<vmem_shared>>) target_semaphore(%run_scoped3A : memref<!tpu.dma_semaphore, #tpu.memory_space<semaphore_mem>>)
      %dma_wait3A_123 = tpu.memref_slice %arg7[%mul3A_4] : memref<100352xf32, #tpu.memory_space<vmem_shared>> -> memref<6272xf32, #tpu.memory_space<vmem_shared>>
      %dma_wait3A_124 = tpu.memref_slice %arg2[%mul3A_2] : memref<100352xf32, #tpu.memory_space<hbm>> -> memref<6272xf32, #tpu.memory_space<hbm>>
      tpu.wait_dma2 semaphore(%run_scoped3A : memref<!tpu.dma_semaphore, #tpu.memory_space<semaphore_mem>>) src(%dma_wait3A_124 : memref<6272xf32, #tpu.memory_space<hbm>>) dst(%dma_wait3A_123 : memref<6272xf32, #tpu.memory_space<vmem_shared>>)
      tpu.yield
    }) : () -> ()
    %scan3A = arith.constant 0 : i32
    %scan3A_5 = arith.constant 392 : i32
    %scan3A_6 = arith.addi %scan3A, %scan3A_5 : i32
    %scan3A_7 = arith.constant 1 : i32
    scf.for %scan3A_121 = %scan3A to %scan3A_6 step %scan3A_7  : i32 {
      %mul3A_122 = arith.constant 16 : i32
      %mul3A_123 = arith.muli %scan3A_121, %mul3A_122 : i32
      %add3A_124 = arith.constant 0 : i32
      %add3A_125 = arith.addi %add3A_124, %mul3A_123 : i32
      %broadcast_in_dim3A = arith.constant 0.000000e+00 : f32
      %broadcast_in_dim3A_126 = vector.broadcast %broadcast_in_dim3A : f32 to vector<16xf32>
      %swap3A = arith.index_cast %add3A_125 : i32 to index
      %swap3A_127 = tpu.vector_load %arg18[%swap3A] {strides = array<i32>} : memref<6272xf32, #tpu.memory_space<vmem>>, vector<16xf32>,
      %swap3A_128 = vector.shape_cast %swap3A_127 : vector<16xf32> to vector<16xf32>
      %swap3A_129 = vector.shape_cast %broadcast_in_dim3A_126 : vector<16xf32> to vector<16xf32>
      tpu.vector_store %arg18[%swap3A], %swap3A_129 {strides = array<i32>} : memref<6272xf32, #tpu.memory_space<vmem>>, vector<16xf32>,
    }
    %scan3A_8 = arith.constant 392 : i32
    %mul3A_9 = arith.constant 6272 : i32
    %mul3A_10 = arith.muli %arg1, %mul3A_9 : i32
    "tpu.region"() ({
      %run_scoped3A = tpu.sem_alloc : memref<!tpu.dma_semaphore, #tpu.memory_space<semaphore_mem>>
      %dma_start3A_121 = tpu.memref_slice %arg8[%mul3A_10] : memref<100352xf32, #tpu.memory_space<vmem_shared>> -> memref<6272xf32, #tpu.memory_space<vmem_shared>>
      %dma_start3A_122 = tpu.memref_slice %arg8[%mul3A_10] : memref<100352xf32, #tpu.memory_space<vmem_shared>> -> memref<6272xf32, #tpu.memory_space<vmem_shared>>
      tpu.enqueue_dma source(%arg18 : memref<6272xf32, #tpu.memory_space<vmem>>) target(%dma_start3A_122 : memref<6272xf32, #tpu.memory_space<vmem_shared>>) target_semaphore(%run_scoped3A : memref<!tpu.dma_semaphore, #tpu.memory_space<semaphore_mem>>)
      %dma_wait3A_123 = tpu.memref_slice %arg8[%mul3A_10] : memref<100352xf32, #tpu.memory_space<vmem_shared>> -> memref<6272xf32, #tpu.memory_space<vmem_shared>>
      %dma_wait3A_124 = tpu.memref_slice %arg8[%mul3A_10] : memref<100352xf32, #tpu.memory_space<vmem_shared>> -> memref<6272xf32, #tpu.memory_space<vmem_shared>>
      tpu.wait_dma2 semaphore(%run_scoped3A : memref<!tpu.dma_semaphore, #tpu.memory_space<semaphore_mem>>) src(%arg18 : memref<6272xf32, #tpu.memory_space<vmem>>) dst(%dma_wait3A_124 : memref<6272xf32, #tpu.memory_space<vmem_shared>>)
      tpu.yield
    }) : () -> ()
    %barrier3A = arith.constant 0 : index
    tpu.barrier barrier_id(%barrier3A)
    %mul3A_11 = arith.constant 102400 : i32
    %mul3A_12 = arith.muli %add3A, %mul3A_11 : i32
    %add3A_13 = arith.constant 0 : i32
    %add3A_14 = arith.addi %mul3A_12, %add3A_13 : i32
    %dma_start3A = tpu.memref_slice %arg3[%add3A_14] : memref<3276800xi32, #tpu.memory_space<hbm>> -> memref<2048xi32, #tpu.memory_space<hbm>>
    %dma_start3A_15 = tpu.memref_slice %arg3[%add3A_14] : memref<3276800xi32, #tpu.memory_space<hbm>> -> memref<2048xi32, #tpu.memory_space<hbm>>
    tpu.enqueue_dma source(%dma_start3A_15 : memref<2048xi32, #tpu.memory_space<hbm>>) target(%arg9 : memref<2048xi32, #tpu.memory_space<vmem>>) target_semaphore(%arg19 : memref<!tpu.dma_semaphore, #tpu.memory_space<semaphore_mem>>)
    %dma_start3A_16 = tpu.memref_slice %arg4[%add3A_14] : memref<3276800xi32, #tpu.memory_space<hbm>> -> memref<2048xi32, #tpu.memory_space<hbm>>
    %dma_start3A_17 = tpu.memref_slice %arg4[%add3A_14] : memref<3276800xi32, #tpu.memory_space<hbm>> -> memref<2048xi32, #tpu.memory_space<hbm>>
    tpu.enqueue_dma source(%dma_start3A_17 : memref<2048xi32, #tpu.memory_space<hbm>>) target(%arg11 : memref<2048xi32, #tpu.memory_space<vmem>>) target_semaphore(%arg19 : memref<!tpu.dma_semaphore, #tpu.memory_space<semaphore_mem>>)
    %dma_start3A_18 = tpu.memref_slice %arg5[%add3A_14] : memref<3276800xf32, #tpu.memory_space<hbm>> -> memref<2048xf32, #tpu.memory_space<hbm>>
    %dma_start3A_19 = tpu.memref_slice %arg5[%add3A_14] : memref<3276800xf32, #tpu.memory_space<hbm>> -> memref<2048xf32, #tpu.memory_space<hbm>>
    tpu.enqueue_dma source(%dma_start3A_19 : memref<2048xf32, #tpu.memory_space<hbm>>) target(%arg13 : memref<2048xf32, #tpu.memory_space<vmem>>) target_semaphore(%arg19 : memref<!tpu.dma_semaphore, #tpu.memory_space<semaphore_mem>>)
    %add3A_20 = arith.constant 2048 : i32
    %add3A_21 = arith.addi %mul3A_12, %add3A_20 : i32
    %dma_start3A_22 = tpu.memref_slice %arg3[%add3A_21] : memref<3276800xi32, #tpu.memory_space<hbm>> -> memref<2048xi32, #tpu.memory_space<hbm>>
    %dma_start3A_23 = tpu.memref_slice %arg3[%add3A_21] : memref<3276800xi32, #tpu.memory_space<hbm>> -> memref<2048xi32, #tpu.memory_space<hbm>>
    tpu.enqueue_dma source(%dma_start3A_23 : memref<2048xi32, #tpu.memory_space<hbm>>) target(%arg10 : memref<2048xi32, #tpu.memory_space<vmem>>) target_semaphore(%arg20 : memref<!tpu.dma_semaphore, #tpu.memory_space<semaphore_mem>>)
    %dma_start3A_24 = tpu.memref_slice %arg4[%add3A_21] : memref<3276800xi32, #tpu.memory_space<hbm>> -> memref<2048xi32, #tpu.memory_space<hbm>>
    %dma_start3A_25 = tpu.memref_slice %arg4[%add3A_21] : memref<3276800xi32, #tpu.memory_space<hbm>> -> memref<2048xi32, #tpu.memory_space<hbm>>
    tpu.enqueue_dma source(%dma_start3A_25 : memref<2048xi32, #tpu.memory_space<hbm>>) target(%arg12 : memref<2048xi32, #tpu.memory_space<vmem>>) target_semaphore(%arg20 : memref<!tpu.dma_semaphore, #tpu.memory_space<semaphore_mem>>)
    %dma_start3A_26 = tpu.memref_slice %arg5[%add3A_21] : memref<3276800xf32, #tpu.memory_space<hbm>> -> memref<2048xf32, #tpu.memory_space<hbm>>
    %dma_start3A_27 = tpu.memref_slice %arg5[%add3A_21] : memref<3276800xf32, #tpu.memory_space<hbm>> -> memref<2048xf32, #tpu.memory_space<hbm>>
    tpu.enqueue_dma source(%dma_start3A_27 : memref<2048xf32, #tpu.memory_space<hbm>>) target(%arg14 : memref<2048xf32, #tpu.memory_space<vmem>>) target_semaphore(%arg20 : memref<!tpu.dma_semaphore, #tpu.memory_space<semaphore_mem>>)
    %add3A_28 = arith.constant 0 : i32
    %add3A_29 = arith.addi %mul3A_12, %add3A_28 : i32
    %dma_wait3A = tpu.memref_slice %arg3[%add3A_29] : memref<3276800xi32, #tpu.memory_space<hbm>> -> memref<2048xi32, #tpu.memory_space<hbm>>
    %dma_wait3A_30 = tpu.memref_slice %arg3[%add3A_29] : memref<3276800xi32, #tpu.memory_space<hbm>> -> memref<2048xi32, #tpu.memory_space<hbm>>
    tpu.wait_dma2 semaphore(%arg19 : memref<!tpu.dma_semaphore, #tpu.memory_space<semaphore_mem>>) src(%dma_wait3A_30 : memref<2048xi32, #tpu.memory_space<hbm>>) dst(%arg9 : memref<2048xi32, #tpu.memory_space<vmem>>)
    %dma_wait3A_31 = tpu.memref_slice %arg4[%add3A_29] : memref<3276800xi32, #tpu.memory_space<hbm>> -> memref<2048xi32, #tpu.memory_space<hbm>>
    %dma_wait3A_32 = tpu.memref_slice %arg4[%add3A_29] : memref<3276800xi32, #tpu.memory_space<hbm>> -> memref<2048xi32, #tpu.memory_space<hbm>>
    tpu.wait_dma2 semaphore(%arg19 : memref<!tpu.dma_semaphore, #tpu.memory_space<semaphore_mem>>) src(%dma_wait3A_32 : memref<2048xi32, #tpu.memory_space<hbm>>) dst(%arg11 : memref<2048xi32, #tpu.memory_space<vmem>>)
    %dma_wait3A_33 = tpu.memref_slice %arg5[%add3A_29] : memref<3276800xf32, #tpu.memory_space<hbm>> -> memref<2048xf32, #tpu.memory_space<hbm>>
    %dma_wait3A_34 = tpu.memref_slice %arg5[%add3A_29] : memref<3276800xf32, #tpu.memory_space<hbm>> -> memref<2048xf32, #tpu.memory_space<hbm>>
    tpu.wait_dma2 semaphore(%arg19 : memref<!tpu.dma_semaphore, #tpu.memory_space<semaphore_mem>>) src(%dma_wait3A_34 : memref<2048xf32, #tpu.memory_space<hbm>>) dst(%arg13 : memref<2048xf32, #tpu.memory_space<vmem>>)
    %dma_start3A_35 = arith.constant 0 : i32
    %dma_start3A_36 = tpu.memref_slice %arg7[%dma_start3A_35] : memref<100352xf32, #tpu.memory_space<vmem_shared>> -> memref<100352xf32, #tpu.memory_space<vmem_shared>>
    tpu.enqueue_indirect_dma source(%dma_start3A_36 : memref<100352xf32, #tpu.memory_space<vmem_shared>>) target(%arg15 : memref<2048xf32, #tpu.memory_space<vmem>>) offsets(%arg9 : memref<2048xi32, #tpu.memory_space<vmem>>) semaphore(%arg21 : memref<!tpu.dma_semaphore, #tpu.memory_space<semaphore_mem>>)
    %dma_wait3A_37 = arith.constant 0 : i32
    %dma_wait3A_38 = tpu.memref_slice %arg7[%dma_wait3A_37] : memref<100352xf32, #tpu.memory_space<vmem_shared>> -> memref<100352xf32, #tpu.memory_space<vmem_shared>>
    tpu.wait_indirect_dma semaphore(%arg21 : memref<!tpu.dma_semaphore, #tpu.memory_space<semaphore_mem>>) src(%dma_wait3A_38 : memref<100352xf32, #tpu.memory_space<vmem_shared>>) dst(%arg15 : memref<2048xf32, #tpu.memory_space<vmem>>)
    %add3A_39 = arith.constant 2048 : i32
    %add3A_40 = arith.addi %mul3A_12, %add3A_39 : i32
    %dma_wait3A_41 = tpu.memref_slice %arg3[%add3A_40] : memref<3276800xi32, #tpu.memory_space<hbm>> -> memref<2048xi32, #tpu.memory_space<hbm>>
    %dma_wait3A_42 = tpu.memref_slice %arg3[%add3A_40] : memref<3276800xi32, #tpu.memory_space<hbm>> -> memref<2048xi32, #tpu.memory_space<hbm>>
    tpu.wait_dma2 semaphore(%arg20 : memref<!tpu.dma_semaphore, #tpu.memory_space<semaphore_mem>>) src(%dma_wait3A_42 : memref<2048xi32, #tpu.memory_space<hbm>>) dst(%arg10 : memref<2048xi32, #tpu.memory_space<vmem>>)
    %dma_wait3A_43 = tpu.memref_slice %arg4[%add3A_40] : memref<3276800xi32, #tpu.memory_space<hbm>> -> memref<2048xi32, #tpu.memory_space<hbm>>
    %dma_wait3A_44 = tpu.memref_slice %arg4[%add3A_40] : memref<3276800xi32, #tpu.memory_space<hbm>> -> memref<2048xi32, #tpu.memory_space<hbm>>
    tpu.wait_dma2 semaphore(%arg20 : memref<!tpu.dma_semaphore, #tpu.memory_space<semaphore_mem>>) src(%dma_wait3A_44 : memref<2048xi32, #tpu.memory_space<hbm>>) dst(%arg12 : memref<2048xi32, #tpu.memory_space<vmem>>)
    %dma_wait3A_45 = tpu.memref_slice %arg5[%add3A_40] : memref<3276800xf32, #tpu.memory_space<hbm>> -> memref<2048xf32, #tpu.memory_space<hbm>>
    %dma_wait3A_46 = tpu.memref_slice %arg5[%add3A_40] : memref<3276800xf32, #tpu.memory_space<hbm>> -> memref<2048xf32, #tpu.memory_space<hbm>>
    tpu.wait_dma2 semaphore(%arg20 : memref<!tpu.dma_semaphore, #tpu.memory_space<semaphore_mem>>) src(%dma_wait3A_46 : memref<2048xf32, #tpu.memory_space<hbm>>) dst(%arg14 : memref<2048xf32, #tpu.memory_space<vmem>>)
    %dma_start3A_47 = arith.constant 0 : i32
    %dma_start3A_48 = tpu.memref_slice %arg7[%dma_start3A_47] : memref<100352xf32, #tpu.memory_space<vmem_shared>> -> memref<100352xf32, #tpu.memory_space<vmem_shared>>
    tpu.enqueue_indirect_dma source(%dma_start3A_48 : memref<100352xf32, #tpu.memory_space<vmem_shared>>) target(%arg16 : memref<2048xf32, #tpu.memory_space<vmem>>) offsets(%arg10 : memref<2048xi32, #tpu.memory_space<vmem>>) semaphore(%arg21 : memref<!tpu.dma_semaphore, #tpu.memory_space<semaphore_mem>>)
    %scan3A_49 = arith.constant 0 : i32
    %scan3A_50 = arith.constant 32 : i32
    %scan3A_51 = arith.addi %scan3A_49, %scan3A_50 : i32
    %scan3A_52 = arith.constant 1 : i32
    scf.for %scan3A_121 = %scan3A_49 to %scan3A_51 step %scan3A_52  : i32 {
      %mul3A_122 = arith.constant 64 : i32
      %mul3A_123 = arith.muli %scan3A_121, %mul3A_122 : i32
      %add3A_124 = arith.constant 0 : i32
      %add3A_125 = arith.addi %add3A_124, %mul3A_123 : i32
      %add3A_126 = arith.constant 0 : i32
      %add3A_127 = arith.addi %add3A_125, %add3A_126 : i32
      %get3A = arith.index_cast %add3A_127 : i32 to index
      %get3A_128 = tpu.vector_load %arg13[%get3A] {strides = array<i32>} : memref<2048xf32, #tpu.memory_space<vmem>>, vector<16xf32>,
      %get3A_129 = vector.shape_cast %get3A_128 : vector<16xf32> to vector<16xf32>
      %add3A_130 = arith.constant 0 : i32
      %add3A_131 = arith.addi %add3A_125, %add3A_130 : i32
      %get3A_132 = arith.index_cast %add3A_131 : i32 to index
      %get3A_133 = tpu.vector_load %arg15[%get3A_132] {strides = array<i32>} : memref<2048xf32, #tpu.memory_space<vmem>>, vector<16xf32>,
      %get3A_134 = vector.shape_cast %get3A_133 : vector<16xf32> to vector<16xf32>
      %mul3A_135 = arith.mulf %get3A_129, %get3A_134 : vector<16xf32>
      %add3A_136 = arith.constant 0 : i32
      %add3A_137 = arith.addi %add3A_125, %add3A_136 : i32
      %swap3A = arith.index_cast %add3A_137 : i32 to index
      %swap3A_138 = tpu.vector_load %arg17[%swap3A] {strides = array<i32>} : memref<2048xf32, #tpu.memory_space<vmem>>, vector<16xf32>,
      %swap3A_139 = vector.shape_cast %swap3A_138 : vector<16xf32> to vector<16xf32>
      %swap3A_140 = vector.shape_cast %mul3A_135 : vector<16xf32> to vector<16xf32>
      tpu.vector_store %arg17[%swap3A], %swap3A_140 {strides = array<i32>} : memref<2048xf32, #tpu.memory_space<vmem>>, vector<16xf32>,
      %add3A_141 = arith.constant 16 : i32
      %add3A_142 = arith.addi %add3A_125, %add3A_141 : i32
      %get3A_143 = arith.index_cast %add3A_142 : i32 to index
      %get3A_144 = tpu.vector_load %arg13[%get3A_143] {strides = array<i32>} : memref<2048xf32, #tpu.memory_space<vmem>>, vector<16xf32>,
      %get3A_145 = vector.shape_cast %get3A_144 : vector<16xf32> to vector<16xf32>
      %add3A_146 = arith.constant 16 : i32
      %add3A_147 = arith.addi %add3A_125, %add3A_146 : i32
      %get3A_148 = arith.index_cast %add3A_147 : i32 to index
      %get3A_149 = tpu.vector_load %arg15[%get3A_148] {strides = array<i32>} : memref<2048xf32, #tpu.memory_space<vmem>>, vector<16xf32>,
      %get3A_150 = vector.shape_cast %get3A_149 : vector<16xf32> to vector<16xf32>
      %mul3A_151 = arith.mulf %get3A_145, %get3A_150 : vector<16xf32>
      %add3A_152 = arith.constant 16 : i32
      %add3A_153 = arith.addi %add3A_125, %add3A_152 : i32
      %swap3A_154 = arith.index_cast %add3A_153 : i32 to index
      %swap3A_155 = tpu.vector_load %arg17[%swap3A_154] {strides = array<i32>} : memref<2048xf32, #tpu.memory_space<vmem>>, vector<16xf32>,
      %swap3A_156 = vector.shape_cast %swap3A_155 : vector<16xf32> to vector<16xf32>
      %swap3A_157 = vector.shape_cast %mul3A_151 : vector<16xf32> to vector<16xf32>
      tpu.vector_store %arg17[%swap3A_154], %swap3A_157 {strides = array<i32>} : memref<2048xf32, #tpu.memory_space<vmem>>, vector<16xf32>,
      %add3A_158 = arith.constant 32 : i32
      %add3A_159 = arith.addi %add3A_125, %add3A_158 : i32
      %get3A_160 = arith.index_cast %add3A_159 : i32 to index
      %get3A_161 = tpu.vector_load %arg13[%get3A_160] {strides = array<i32>} : memref<2048xf32, #tpu.memory_space<vmem>>, vector<16xf32>,
      %get3A_162 = vector.shape_cast %get3A_161 : vector<16xf32> to vector<16xf32>
      %add3A_163 = arith.constant 32 : i32
      %add3A_164 = arith.addi %add3A_125, %add3A_163 : i32
      %get3A_165 = arith.index_cast %add3A_164 : i32 to index
      %get3A_166 = tpu.vector_load %arg15[%get3A_165] {strides = array<i32>} : memref<2048xf32, #tpu.memory_space<vmem>>, vector<16xf32>,
      %get3A_167 = vector.shape_cast %get3A_166 : vector<16xf32> to vector<16xf32>
      %mul3A_168 = arith.mulf %get3A_162, %get3A_167 : vector<16xf32>
      %add3A_169 = arith.constant 32 : i32
      %add3A_170 = arith.addi %add3A_125, %add3A_169 : i32
      %swap3A_171 = arith.index_cast %add3A_170 : i32 to index
      %swap3A_172 = tpu.vector_load %arg17[%swap3A_171] {strides = array<i32>} : memref<2048xf32, #tpu.memory_space<vmem>>, vector<16xf32>,
      %swap3A_173 = vector.shape_cast %swap3A_172 : vector<16xf32> to vector<16xf32>
      %swap3A_174 = vector.shape_cast %mul3A_168 : vector<16xf32> to vector<16xf32>
      tpu.vector_store %arg17[%swap3A_171], %swap3A_174 {strides = array<i32>} : memref<2048xf32, #tpu.memory_space<vmem>>, vector<16xf32>,
      %add3A_175 = arith.constant 48 : i32
      %add3A_176 = arith.addi %add3A_125, %add3A_175 : i32
      %get3A_177 = arith.index_cast %add3A_176 : i32 to index
      %get3A_178 = tpu.vector_load %arg13[%get3A_177] {strides = array<i32>} : memref<2048xf32, #tpu.memory_space<vmem>>, vector<16xf32>,
      %get3A_179 = vector.shape_cast %get3A_178 : vector<16xf32> to vector<16xf32>
      %add3A_180 = arith.constant 48 : i32
      %add3A_181 = arith.addi %add3A_125, %add3A_180 : i32
      %get3A_182 = arith.index_cast %add3A_181 : i32 to index
      %get3A_183 = tpu.vector_load %arg15[%get3A_182] {strides = array<i32>} : memref<2048xf32, #tpu.memory_space<vmem>>, vector<16xf32>,
      %get3A_184 = vector.shape_cast %get3A_183 : vector<16xf32> to vector<16xf32>
      %mul3A_185 = arith.mulf %get3A_179, %get3A_184 : vector<16xf32>
      %add3A_186 = arith.constant 48 : i32
      %add3A_187 = arith.addi %add3A_125, %add3A_186 : i32
      %swap3A_188 = arith.index_cast %add3A_187 : i32 to index
      %swap3A_189 = tpu.vector_load %arg17[%swap3A_188] {strides = array<i32>} : memref<2048xf32, #tpu.memory_space<vmem>>, vector<16xf32>,
      %swap3A_190 = vector.shape_cast %swap3A_189 : vector<16xf32> to vector<16xf32>
      %swap3A_191 = vector.shape_cast %mul3A_185 : vector<16xf32> to vector<16xf32>
      tpu.vector_store %arg17[%swap3A_188], %swap3A_191 {strides = array<i32>} : memref<2048xf32, #tpu.memory_space<vmem>>, vector<16xf32>,
    }
    %scan3A_53 = arith.constant 32 : i32
    "tpu.region"() ({
      %run_scoped3A = tpu.sem_alloc : memref<!tpu.dma_semaphore, #tpu.memory_space<semaphore_mem>>
      %dma_start3A_121 = arith.constant 0 : i32
      %dma_start3A_122 = tpu.memref_slice %arg8[%dma_start3A_121] : memref<100352xf32, #tpu.memory_space<vmem_shared>> -> memref<100352xf32, #tpu.memory_space<vmem_shared>>
      tpu.enqueue_indirect_dma source(%arg17 : memref<2048xf32, #tpu.memory_space<vmem>>) target(%dma_start3A_122 : memref<100352xf32, #tpu.memory_space<vmem_shared>>) offsets(%arg11 : memref<2048xi32, #tpu.memory_space<vmem>>) semaphore(%run_scoped3A : memref<!tpu.dma_semaphore, #tpu.memory_space<semaphore_mem>>) {add = true}
      %dma_wait3A_123 = arith.constant 0 : i32
      %dma_wait3A_124 = tpu.memref_slice %arg8[%dma_wait3A_123] : memref<100352xf32, #tpu.memory_space<vmem_shared>> -> memref<100352xf32, #tpu.memory_space<vmem_shared>>
      tpu.wait_indirect_dma semaphore(%run_scoped3A : memref<!tpu.dma_semaphore, #tpu.memory_space<semaphore_mem>>) src(%arg17 : memref<2048xf32, #tpu.memory_space<vmem>>) dst(%dma_wait3A_124 : memref<100352xf32, #tpu.memory_space<vmem_shared>>)
      tpu.yield
    }) : () -> ()
    %add3A_54 = arith.constant 4096 : i32
    %add3A_55 = arith.addi %mul3A_12, %add3A_54 : i32
    %dma_start3A_56 = tpu.memref_slice %arg3[%add3A_55] : memref<3276800xi32, #tpu.memory_space<hbm>> -> memref<2048xi32, #tpu.memory_space<hbm>>
    %dma_start3A_57 = tpu.memref_slice %arg3[%add3A_55] : memref<3276800xi32, #tpu.memory_space<hbm>> -> memref<2048xi32, #tpu.memory_space<hbm>>
    tpu.enqueue_dma source(%dma_start3A_57 : memref<2048xi32, #tpu.memory_space<hbm>>) target(%arg9 : memref<2048xi32, #tpu.memory_space<vmem>>) target_semaphore(%arg19 : memref<!tpu.dma_semaphore, #tpu.memory_space<semaphore_mem>>)
    %dma_start3A_58 = tpu.memref_slice %arg4[%add3A_55] : memref<3276800xi32, #tpu.memory_space<hbm>> -> memref<2048xi32, #tpu.memory_space<hbm>>
    %dma_start3A_59 = tpu.memref_slice %arg4[%add3A_55] : memref<3276800xi32, #tpu.memory_space<hbm>> -> memref<2048xi32, #tpu.memory_space<hbm>>
    tpu.enqueue_dma source(%dma_start3A_59 : memref<2048xi32, #tpu.memory_space<hbm>>) target(%arg11 : memref<2048xi32, #tpu.memory_space<vmem>>) target_semaphore(%arg19 : memref<!tpu.dma_semaphore, #tpu.memory_space<semaphore_mem>>)
    %dma_start3A_60 = tpu.memref_slice %arg5[%add3A_55] : memref<3276800xf32, #tpu.memory_space<hbm>> -> memref<2048xf32, #tpu.memory_space<hbm>>
    %dma_start3A_61 = tpu.memref_slice %arg5[%add3A_55] : memref<3276800xf32, #tpu.memory_space<hbm>> -> memref<2048xf32, #tpu.memory_space<hbm>>
    tpu.enqueue_dma source(%dma_start3A_61 : memref<2048xf32, #tpu.memory_space<hbm>>) target(%arg13 : memref<2048xf32, #tpu.memory_space<vmem>>) target_semaphore(%arg19 : memref<!tpu.dma_semaphore, #tpu.memory_space<semaphore_mem>>)
    %scan3A_62 = arith.constant 0 : i32
    %scan3A_63 = arith.constant 23 : i32
    %scan3A_64 = arith.addi %scan3A_62, %scan3A_63 : i32
    %scan3A_65 = arith.constant 1 : i32
    scf.for %scan3A_121 = %scan3A_62 to %scan3A_64 step %scan3A_65  : i32 {
      %mul3A_122 = arith.constant 2 : i32
      %mul3A_123 = arith.muli %scan3A_121, %mul3A_122 : i32
      %add3A_124 = arith.constant 1 : i32
      %add3A_125 = arith.addi %add3A_124, %mul3A_123 : i32
      %dma_wait3A_126 = arith.constant 0 : i32
      %dma_wait3A_127 = tpu.memref_slice %arg7[%dma_wait3A_126] : memref<100352xf32, #tpu.memory_space<vmem_shared>> -> memref<100352xf32, #tpu.memory_space<vmem_shared>>
      tpu.wait_indirect_dma semaphore(%arg21 : memref<!tpu.dma_semaphore, #tpu.memory_space<semaphore_mem>>) src(%dma_wait3A_127 : memref<100352xf32, #tpu.memory_space<vmem_shared>>) dst(%arg16 : memref<2048xf32, #tpu.memory_space<vmem>>)
      %add3A_128 = arith.constant 1 : i32
      %add3A_129 = arith.addi %add3A_125, %add3A_128 : i32
      %mul3A_130 = arith.constant 2048 : i32
      %mul3A_131 = arith.muli %add3A_129, %mul3A_130 : i32
      %add3A_132 = arith.addi %mul3A_12, %mul3A_131 : i32
      %dma_wait3A_133 = tpu.memref_slice %arg3[%add3A_132] : memref<3276800xi32, #tpu.memory_space<hbm>> -> memref<2048xi32, #tpu.memory_space<hbm>>
      %dma_wait3A_134 = tpu.memref_slice %arg3[%add3A_132] : memref<3276800xi32, #tpu.memory_space<hbm>> -> memref<2048xi32, #tpu.memory_space<hbm>>
      tpu.wait_dma2 semaphore(%arg19 : memref<!tpu.dma_semaphore, #tpu.memory_space<semaphore_mem>>) src(%dma_wait3A_134 : memref<2048xi32, #tpu.memory_space<hbm>>) dst(%arg9 : memref<2048xi32, #tpu.memory_space<vmem>>)
      %dma_wait3A_135 = tpu.memref_slice %arg4[%add3A_132] : memref<3276800xi32, #tpu.memory_space<hbm>> -> memref<2048xi32, #tpu.memory_space<hbm>>
      %dma_wait3A_136 = tpu.memref_slice %arg4[%add3A_132] : memref<3276800xi32, #tpu.memory_space<hbm>> -> memref<2048xi32, #tpu.memory_space<hbm>>
      tpu.wait_dma2 semaphore(%arg19 : memref<!tpu.dma_semaphore, #tpu.memory_space<semaphore_mem>>) src(%dma_wait3A_136 : memref<2048xi32, #tpu.memory_space<hbm>>) dst(%arg11 : memref<2048xi32, #tpu.memory_space<vmem>>)
      %dma_wait3A_137 = tpu.memref_slice %arg5[%add3A_132] : memref<3276800xf32, #tpu.memory_space<hbm>> -> memref<2048xf32, #tpu.memory_space<hbm>>
      %dma_wait3A_138 = tpu.memref_slice %arg5[%add3A_132] : memref<3276800xf32, #tpu.memory_space<hbm>> -> memref<2048xf32, #tpu.memory_space<hbm>>
      tpu.wait_dma2 semaphore(%arg19 : memref<!tpu.dma_semaphore, #tpu.memory_space<semaphore_mem>>) src(%dma_wait3A_138 : memref<2048xf32, #tpu.memory_space<hbm>>) dst(%arg13 : memref<2048xf32, #tpu.memory_space<vmem>>)
      %dma_start3A_139 = arith.constant 0 : i32
      %dma_start3A_140 = tpu.memref_slice %arg7[%dma_start3A_139] : memref<100352xf32, #tpu.memory_space<vmem_shared>> -> memref<100352xf32, #tpu.memory_space<vmem_shared>>
      tpu.enqueue_indirect_dma source(%dma_start3A_140 : memref<100352xf32, #tpu.memory_space<vmem_shared>>) target(%arg15 : memref<2048xf32, #tpu.memory_space<vmem>>) offsets(%arg9 : memref<2048xi32, #tpu.memory_space<vmem>>) semaphore(%arg21 : memref<!tpu.dma_semaphore, #tpu.memory_space<semaphore_mem>>)
      %scan3A_141 = arith.constant 0 : i32
      %scan3A_142 = arith.constant 32 : i32
      %scan3A_143 = arith.addi %scan3A_141, %scan3A_142 : i32
      %scan3A_144 = arith.constant 1 : i32
      scf.for %scan3A_190 = %scan3A_141 to %scan3A_143 step %scan3A_144  : i32 {
        %mul3A_191 = arith.constant 64 : i32
        %mul3A_192 = arith.muli %scan3A_190, %mul3A_191 : i32
        %add3A_193 = arith.constant 0 : i32
        %add3A_194 = arith.addi %add3A_193, %mul3A_192 : i32
        %add3A_195 = arith.constant 0 : i32
        %add3A_196 = arith.addi %add3A_194, %add3A_195 : i32
        %get3A = arith.index_cast %add3A_196 : i32 to index
        %get3A_197 = tpu.vector_load %arg14[%get3A] {strides = array<i32>} : memref<2048xf32, #tpu.memory_space<vmem>>, vector<16xf32>,
        %get3A_198 = vector.shape_cast %get3A_197 : vector<16xf32> to vector<16xf32>
        %add3A_199 = arith.constant 0 : i32
        %add3A_200 = arith.addi %add3A_194, %add3A_199 : i32
        %get3A_201 = arith.index_cast %add3A_200 : i32 to index
        %get3A_202 = tpu.vector_load %arg16[%get3A_201] {strides = array<i32>} : memref<2048xf32, #tpu.memory_space<vmem>>, vector<16xf32>,
        %get3A_203 = vector.shape_cast %get3A_202 : vector<16xf32> to vector<16xf32>
        %mul3A_204 = arith.mulf %get3A_198, %get3A_203 : vector<16xf32>
        %add3A_205 = arith.constant 0 : i32
        %add3A_206 = arith.addi %add3A_194, %add3A_205 : i32
        %swap3A = arith.index_cast %add3A_206 : i32 to index
        %swap3A_207 = tpu.vector_load %arg17[%swap3A] {strides = array<i32>} : memref<2048xf32, #tpu.memory_space<vmem>>, vector<16xf32>,
        %swap3A_208 = vector.shape_cast %swap3A_207 : vector<16xf32> to vector<16xf32>
        %swap3A_209 = vector.shape_cast %mul3A_204 : vector<16xf32> to vector<16xf32>
        tpu.vector_store %arg17[%swap3A], %swap3A_209 {strides = array<i32>} : memref<2048xf32, #tpu.memory_space<vmem>>, vector<16xf32>,
        %add3A_210 = arith.constant 16 : i32
        %add3A_211 = arith.addi %add3A_194, %add3A_210 : i32
        %get3A_212 = arith.index_cast %add3A_211 : i32 to index
        %get3A_213 = tpu.vector_load %arg14[%get3A_212] {strides = array<i32>} : memref<2048xf32, #tpu.memory_space<vmem>>, vector<16xf32>,
        %get3A_214 = vector.shape_cast %get3A_213 : vector<16xf32> to vector<16xf32>
        %add3A_215 = arith.constant 16 : i32
        %add3A_216 = arith.addi %add3A_194, %add3A_215 : i32
        %get3A_217 = arith.index_cast %add3A_216 : i32 to index
        %get3A_218 = tpu.vector_load %arg16[%get3A_217] {strides = array<i32>} : memref<2048xf32, #tpu.memory_space<vmem>>, vector<16xf32>,
        %get3A_219 = vector.shape_cast %get3A_218 : vector<16xf32> to vector<16xf32>
        %mul3A_220 = arith.mulf %get3A_214, %get3A_219 : vector<16xf32>
        %add3A_221 = arith.constant 16 : i32
        %add3A_222 = arith.addi %add3A_194, %add3A_221 : i32
        %swap3A_223 = arith.index_cast %add3A_222 : i32 to index
        %swap3A_224 = tpu.vector_load %arg17[%swap3A_223] {strides = array<i32>} : memref<2048xf32, #tpu.memory_space<vmem>>, vector<16xf32>,
        %swap3A_225 = vector.shape_cast %swap3A_224 : vector<16xf32> to vector<16xf32>
        %swap3A_226 = vector.shape_cast %mul3A_220 : vector<16xf32> to vector<16xf32>
        tpu.vector_store %arg17[%swap3A_223], %swap3A_226 {strides = array<i32>} : memref<2048xf32, #tpu.memory_space<vmem>>, vector<16xf32>,
        %add3A_227 = arith.constant 32 : i32
        %add3A_228 = arith.addi %add3A_194, %add3A_227 : i32
        %get3A_229 = arith.index_cast %add3A_228 : i32 to index
        %get3A_230 = tpu.vector_load %arg14[%get3A_229] {strides = array<i32>} : memref<2048xf32, #tpu.memory_space<vmem>>, vector<16xf32>,
        %get3A_231 = vector.shape_cast %get3A_230 : vector<16xf32> to vector<16xf32>
        %add3A_232 = arith.constant 32 : i32
        %add3A_233 = arith.addi %add3A_194, %add3A_232 : i32
        %get3A_234 = arith.index_cast %add3A_233 : i32 to index
        %get3A_235 = tpu.vector_load %arg16[%get3A_234] {strides = array<i32>} : memref<2048xf32, #tpu.memory_space<vmem>>, vector<16xf32>,
        %get3A_236 = vector.shape_cast %get3A_235 : vector<16xf32> to vector<16xf32>
        %mul3A_237 = arith.mulf %get3A_231, %get3A_236 : vector<16xf32>
        %add3A_238 = arith.constant 32 : i32
        %add3A_239 = arith.addi %add3A_194, %add3A_238 : i32
        %swap3A_240 = arith.index_cast %add3A_239 : i32 to index
        %swap3A_241 = tpu.vector_load %arg17[%swap3A_240] {strides = array<i32>} : memref<2048xf32, #tpu.memory_space<vmem>>, vector<16xf32>,
        %swap3A_242 = vector.shape_cast %swap3A_241 : vector<16xf32> to vector<16xf32>
        %swap3A_243 = vector.shape_cast %mul3A_237 : vector<16xf32> to vector<16xf32>
        tpu.vector_store %arg17[%swap3A_240], %swap3A_243 {strides = array<i32>} : memref<2048xf32, #tpu.memory_space<vmem>>, vector<16xf32>,
        %add3A_244 = arith.constant 48 : i32
        %add3A_245 = arith.addi %add3A_194, %add3A_244 : i32
        %get3A_246 = arith.index_cast %add3A_245 : i32 to index
        %get3A_247 = tpu.vector_load %arg14[%get3A_246] {strides = array<i32>} : memref<2048xf32, #tpu.memory_space<vmem>>, vector<16xf32>,
        %get3A_248 = vector.shape_cast %get3A_247 : vector<16xf32> to vector<16xf32>
        %add3A_249 = arith.constant 48 : i32
        %add3A_250 = arith.addi %add3A_194, %add3A_249 : i32
        %get3A_251 = arith.index_cast %add3A_250 : i32 to index
        %get3A_252 = tpu.vector_load %arg16[%get3A_251] {strides = array<i32>} : memref<2048xf32, #tpu.memory_space<vmem>>, vector<16xf32>,
        %get3A_253 = vector.shape_cast %get3A_252 : vector<16xf32> to vector<16xf32>
        %mul3A_254 = arith.mulf %get3A_248, %get3A_253 : vector<16xf32>
        %add3A_255 = arith.constant 48 : i32
        %add3A_256 = arith.addi %add3A_194, %add3A_255 : i32
        %swap3A_257 = arith.index_cast %add3A_256 : i32 to index
        %swap3A_258 = tpu.vector_load %arg17[%swap3A_257] {strides = array<i32>} : memref<2048xf32, #tpu.memory_space<vmem>>, vector<16xf32>,
        %swap3A_259 = vector.shape_cast %swap3A_258 : vector<16xf32> to vector<16xf32>
        %swap3A_260 = vector.shape_cast %mul3A_254 : vector<16xf32> to vector<16xf32>
        tpu.vector_store %arg17[%swap3A_257], %swap3A_260 {strides = array<i32>} : memref<2048xf32, #tpu.memory_space<vmem>>, vector<16xf32>,
      }
      %scan3A_145 = arith.constant 32 : i32
      "tpu.region"() ({
        %run_scoped3A = tpu.sem_alloc : memref<!tpu.dma_semaphore, #tpu.memory_space<semaphore_mem>>
        %dma_start3A_190 = arith.constant 0 : i32
        %dma_start3A_191 = tpu.memref_slice %arg8[%dma_start3A_190] : memref<100352xf32, #tpu.memory_space<vmem_shared>> -> memref<100352xf32, #tpu.memory_space<vmem_shared>>
        tpu.enqueue_indirect_dma source(%arg17 : memref<2048xf32, #tpu.memory_space<vmem>>) target(%dma_start3A_191 : memref<100352xf32, #tpu.memory_space<vmem_shared>>) offsets(%arg12 : memref<2048xi32, #tpu.memory_space<vmem>>) semaphore(%run_scoped3A : memref<!tpu.dma_semaphore, #tpu.memory_space<semaphore_mem>>) {add = true}
        %dma_wait3A_192 = arith.constant 0 : i32
        %dma_wait3A_193 = tpu.memref_slice %arg8[%dma_wait3A_192] : memref<100352xf32, #tpu.memory_space<vmem_shared>> -> memref<100352xf32, #tpu.memory_space<vmem_shared>>
        tpu.wait_indirect_dma semaphore(%run_scoped3A : memref<!tpu.dma_semaphore, #tpu.memory_space<semaphore_mem>>) src(%arg17 : memref<2048xf32, #tpu.memory_space<vmem>>) dst(%dma_wait3A_193 : memref<100352xf32, #tpu.memory_space<vmem_shared>>)
        tpu.yield
      }) : () -> ()
      %add3A_146 = arith.constant 2 : i32
      %add3A_147 = arith.addi %add3A_125, %add3A_146 : i32
      %mul3A_148 = arith.constant 2048 : i32
      %mul3A_149 = arith.muli %add3A_147, %mul3A_148 : i32
      %add3A_150 = arith.addi %mul3A_12, %mul3A_149 : i32
      %dma_start3A_151 = tpu.memref_slice %arg3[%add3A_150] : memref<3276800xi32, #tpu.memory_space<hbm>> -> memref<2048xi32, #tpu.memory_space<hbm>>
      %dma_start3A_152 = tpu.memref_slice %arg3[%add3A_150] : memref<3276800xi32, #tpu.memory_space<hbm>> -> memref<2048xi32, #tpu.memory_space<hbm>>
      tpu.enqueue_dma source(%dma_start3A_152 : memref<2048xi32, #tpu.memory_space<hbm>>) target(%arg10 : memref<2048xi32, #tpu.memory_space<vmem>>) target_semaphore(%arg20 : memref<!tpu.dma_semaphore, #tpu.memory_space<semaphore_mem>>)
      %dma_start3A_153 = tpu.memref_slice %arg4[%add3A_150] : memref<3276800xi32, #tpu.memory_space<hbm>> -> memref<2048xi32, #tpu.memory_space<hbm>>
      %dma_start3A_154 = tpu.memref_slice %arg4[%add3A_150] : memref<3276800xi32, #tpu.memory_space<hbm>> -> memref<2048xi32, #tpu.memory_space<hbm>>
      tpu.enqueue_dma source(%dma_start3A_154 : memref<2048xi32, #tpu.memory_space<hbm>>) target(%arg12 : memref<2048xi32, #tpu.memory_space<vmem>>) target_semaphore(%arg20 : memref<!tpu.dma_semaphore, #tpu.memory_space<semaphore_mem>>)
      %dma_start3A_155 = tpu.memref_slice %arg5[%add3A_150] : memref<3276800xf32, #tpu.memory_space<hbm>> -> memref<2048xf32, #tpu.memory_space<hbm>>
      %dma_start3A_156 = tpu.memref_slice %arg5[%add3A_150] : memref<3276800xf32, #tpu.memory_space<hbm>> -> memref<2048xf32, #tpu.memory_space<hbm>>
      tpu.enqueue_dma source(%dma_start3A_156 : memref<2048xf32, #tpu.memory_space<hbm>>) target(%arg14 : memref<2048xf32, #tpu.memory_space<vmem>>) target_semaphore(%arg20 : memref<!tpu.dma_semaphore, #tpu.memory_space<semaphore_mem>>)
      %add3A_157 = arith.constant 1 : i32
      %add3A_158 = arith.addi %add3A_125, %add3A_157 : i32
      %dma_wait3A_159 = arith.constant 0 : i32
      %dma_wait3A_160 = tpu.memref_slice %arg7[%dma_wait3A_159] : memref<100352xf32, #tpu.memory_space<vmem_shared>> -> memref<100352xf32, #tpu.memory_space<vmem_shared>>
      tpu.wait_indirect_dma semaphore(%arg21 : memref<!tpu.dma_semaphore, #tpu.memory_space<semaphore_mem>>) src(%dma_wait3A_160 : memref<100352xf32, #tpu.memory_space<vmem_shared>>) dst(%arg15 : memref<2048xf32, #tpu.memory_space<vmem>>)
      %add3A_161 = arith.constant 1 : i32
      %add3A_162 = arith.addi %add3A_158, %add3A_161 : i32
      %mul3A_163 = arith.constant 2048 : i32
      %mul3A_164 = arith.muli %add3A_162, %mul3A_163 : i32
      %add3A_165 = arith.addi %mul3A_12, %mul3A_164 : i32
      %dma_wait3A_166 = tpu.memref_slice %arg3[%add3A_165] : memref<3276800xi32, #tpu.memory_space<hbm>> -> memref<2048xi32, #tpu.memory_space<hbm>>
      %dma_wait3A_167 = tpu.memref_slice %arg3[%add3A_165] : memref<3276800xi32, #tpu.memory_space<hbm>> -> memref<2048xi32, #tpu.memory_space<hbm>>
      tpu.wait_dma2 semaphore(%arg20 : memref<!tpu.dma_semaphore, #tpu.memory_space<semaphore_mem>>) src(%dma_wait3A_167 : memref<2048xi32, #tpu.memory_space<hbm>>) dst(%arg10 : memref<2048xi32, #tpu.memory_space<vmem>>)
      %dma_wait3A_168 = tpu.memref_slice %arg4[%add3A_165] : memref<3276800xi32, #tpu.memory_space<hbm>> -> memref<2048xi32, #tpu.memory_space<hbm>>
      %dma_wait3A_169 = tpu.memref_slice %arg4[%add3A_165] : memref<3276800xi32, #tpu.memory_space<hbm>> -> memref<2048xi32, #tpu.memory_space<hbm>>
      tpu.wait_dma2 semaphore(%arg20 : memref<!tpu.dma_semaphore, #tpu.memory_space<semaphore_mem>>) src(%dma_wait3A_169 : memref<2048xi32, #tpu.memory_space<hbm>>) dst(%arg12 : memref<2048xi32, #tpu.memory_space<vmem>>)
      %dma_wait3A_170 = tpu.memref_slice %arg5[%add3A_165] : memref<3276800xf32, #tpu.memory_space<hbm>> -> memref<2048xf32, #tpu.memory_space<hbm>>
      %dma_wait3A_171 = tpu.memref_slice %arg5[%add3A_165] : memref<3276800xf32, #tpu.memory_space<hbm>> -> memref<2048xf32, #tpu.memory_space<hbm>>
      tpu.wait_dma2 semaphore(%arg20 : memref<!tpu.dma_semaphore, #tpu.memory_space<semaphore_mem>>) src(%dma_wait3A_171 : memref<2048xf32, #tpu.memory_space<hbm>>) dst(%arg14 : memref<2048xf32, #tpu.memory_space<vmem>>)
      %dma_start3A_172 = arith.constant 0 : i32
      %dma_start3A_173 = tpu.memref_slice %arg7[%dma_start3A_172] : memref<100352xf32, #tpu.memory_space<vmem_shared>> -> memref<100352xf32, #tpu.memory_space<vmem_shared>>
      tpu.enqueue_indirect_dma source(%dma_start3A_173 : memref<100352xf32, #tpu.memory_space<vmem_shared>>) target(%arg16 : memref<2048xf32, #tpu.memory_space<vmem>>) offsets(%arg10 : memref<2048xi32, #tpu.memory_space<vmem>>) semaphore(%arg21 : memref<!tpu.dma_semaphore, #tpu.memory_space<semaphore_mem>>)
      %scan3A_174 = arith.constant 0 : i32
      %scan3A_175 = arith.constant 32 : i32
      %scan3A_176 = arith.addi %scan3A_174, %scan3A_175 : i32
      %scan3A_177 = arith.constant 1 : i32
      scf.for %scan3A_190 = %scan3A_174 to %scan3A_176 step %scan3A_177  : i32 {
        %mul3A_191 = arith.constant 64 : i32
        %mul3A_192 = arith.muli %scan3A_190, %mul3A_191 : i32
        %add3A_193 = arith.constant 0 : i32
        %add3A_194 = arith.addi %add3A_193, %mul3A_192 : i32
        %add3A_195 = arith.constant 0 : i32
        %add3A_196 = arith.addi %add3A_194, %add3A_195 : i32
        %get3A = arith.index_cast %add3A_196 : i32 to index
        %get3A_197 = tpu.vector_load %arg13[%get3A] {strides = array<i32>} : memref<2048xf32, #tpu.memory_space<vmem>>, vector<16xf32>,
        %get3A_198 = vector.shape_cast %get3A_197 : vector<16xf32> to vector<16xf32>
        %add3A_199 = arith.constant 0 : i32
        %add3A_200 = arith.addi %add3A_194, %add3A_199 : i32
        %get3A_201 = arith.index_cast %add3A_200 : i32 to index
        %get3A_202 = tpu.vector_load %arg15[%get3A_201] {strides = array<i32>} : memref<2048xf32, #tpu.memory_space<vmem>>, vector<16xf32>,
        %get3A_203 = vector.shape_cast %get3A_202 : vector<16xf32> to vector<16xf32>
        %mul3A_204 = arith.mulf %get3A_198, %get3A_203 : vector<16xf32>
        %add3A_205 = arith.constant 0 : i32
        %add3A_206 = arith.addi %add3A_194, %add3A_205 : i32
        %swap3A = arith.index_cast %add3A_206 : i32 to index
        %swap3A_207 = tpu.vector_load %arg17[%swap3A] {strides = array<i32>} : memref<2048xf32, #tpu.memory_space<vmem>>, vector<16xf32>,
        %swap3A_208 = vector.shape_cast %swap3A_207 : vector<16xf32> to vector<16xf32>
        %swap3A_209 = vector.shape_cast %mul3A_204 : vector<16xf32> to vector<16xf32>
        tpu.vector_store %arg17[%swap3A], %swap3A_209 {strides = array<i32>} : memref<2048xf32, #tpu.memory_space<vmem>>, vector<16xf32>,
        %add3A_210 = arith.constant 16 : i32
        %add3A_211 = arith.addi %add3A_194, %add3A_210 : i32
        %get3A_212 = arith.index_cast %add3A_211 : i32 to index
        %get3A_213 = tpu.vector_load %arg13[%get3A_212] {strides = array<i32>} : memref<2048xf32, #tpu.memory_space<vmem>>, vector<16xf32>,
        %get3A_214 = vector.shape_cast %get3A_213 : vector<16xf32> to vector<16xf32>
        %add3A_215 = arith.constant 16 : i32
        %add3A_216 = arith.addi %add3A_194, %add3A_215 : i32
        %get3A_217 = arith.index_cast %add3A_216 : i32 to index
        %get3A_218 = tpu.vector_load %arg15[%get3A_217] {strides = array<i32>} : memref<2048xf32, #tpu.memory_space<vmem>>, vector<16xf32>,
        %get3A_219 = vector.shape_cast %get3A_218 : vector<16xf32> to vector<16xf32>
        %mul3A_220 = arith.mulf %get3A_214, %get3A_219 : vector<16xf32>
        %add3A_221 = arith.constant 16 : i32
        %add3A_222 = arith.addi %add3A_194, %add3A_221 : i32
        %swap3A_223 = arith.index_cast %add3A_222 : i32 to index
        %swap3A_224 = tpu.vector_load %arg17[%swap3A_223] {strides = array<i32>} : memref<2048xf32, #tpu.memory_space<vmem>>, vector<16xf32>,
        %swap3A_225 = vector.shape_cast %swap3A_224 : vector<16xf32> to vector<16xf32>
        %swap3A_226 = vector.shape_cast %mul3A_220 : vector<16xf32> to vector<16xf32>
        tpu.vector_store %arg17[%swap3A_223], %swap3A_226 {strides = array<i32>} : memref<2048xf32, #tpu.memory_space<vmem>>, vector<16xf32>,
        %add3A_227 = arith.constant 32 : i32
        %add3A_228 = arith.addi %add3A_194, %add3A_227 : i32
        %get3A_229 = arith.index_cast %add3A_228 : i32 to index
        %get3A_230 = tpu.vector_load %arg13[%get3A_229] {strides = array<i32>} : memref<2048xf32, #tpu.memory_space<vmem>>, vector<16xf32>,
        %get3A_231 = vector.shape_cast %get3A_230 : vector<16xf32> to vector<16xf32>
        %add3A_232 = arith.constant 32 : i32
        %add3A_233 = arith.addi %add3A_194, %add3A_232 : i32
        %get3A_234 = arith.index_cast %add3A_233 : i32 to index
        %get3A_235 = tpu.vector_load %arg15[%get3A_234] {strides = array<i32>} : memref<2048xf32, #tpu.memory_space<vmem>>, vector<16xf32>,
        %get3A_236 = vector.shape_cast %get3A_235 : vector<16xf32> to vector<16xf32>
        %mul3A_237 = arith.mulf %get3A_231, %get3A_236 : vector<16xf32>
        %add3A_238 = arith.constant 32 : i32
        %add3A_239 = arith.addi %add3A_194, %add3A_238 : i32
        %swap3A_240 = arith.index_cast %add3A_239 : i32 to index
        %swap3A_241 = tpu.vector_load %arg17[%swap3A_240] {strides = array<i32>} : memref<2048xf32, #tpu.memory_space<vmem>>, vector<16xf32>,
        %swap3A_242 = vector.shape_cast %swap3A_241 : vector<16xf32> to vector<16xf32>
        %swap3A_243 = vector.shape_cast %mul3A_237 : vector<16xf32> to vector<16xf32>
        tpu.vector_store %arg17[%swap3A_240], %swap3A_243 {strides = array<i32>} : memref<2048xf32, #tpu.memory_space<vmem>>, vector<16xf32>,
        %add3A_244 = arith.constant 48 : i32
        %add3A_245 = arith.addi %add3A_194, %add3A_244 : i32
        %get3A_246 = arith.index_cast %add3A_245 : i32 to index
        %get3A_247 = tpu.vector_load %arg13[%get3A_246] {strides = array<i32>} : memref<2048xf32, #tpu.memory_space<vmem>>, vector<16xf32>,
        %get3A_248 = vector.shape_cast %get3A_247 : vector<16xf32> to vector<16xf32>
        %add3A_249 = arith.constant 48 : i32
        %add3A_250 = arith.addi %add3A_194, %add3A_249 : i32
        %get3A_251 = arith.index_cast %add3A_250 : i32 to index
        %get3A_252 = tpu.vector_load %arg15[%get3A_251] {strides = array<i32>} : memref<2048xf32, #tpu.memory_space<vmem>>, vector<16xf32>,
        %get3A_253 = vector.shape_cast %get3A_252 : vector<16xf32> to vector<16xf32>
        %mul3A_254 = arith.mulf %get3A_248, %get3A_253 : vector<16xf32>
        %add3A_255 = arith.constant 48 : i32
        %add3A_256 = arith.addi %add3A_194, %add3A_255 : i32
        %swap3A_257 = arith.index_cast %add3A_256 : i32 to index
        %swap3A_258 = tpu.vector_load %arg17[%swap3A_257] {strides = array<i32>} : memref<2048xf32, #tpu.memory_space<vmem>>, vector<16xf32>,
        %swap3A_259 = vector.shape_cast %swap3A_258 : vector<16xf32> to vector<16xf32>
        %swap3A_260 = vector.shape_cast %mul3A_254 : vector<16xf32> to vector<16xf32>
        tpu.vector_store %arg17[%swap3A_257], %swap3A_260 {strides = array<i32>} : memref<2048xf32, #tpu.memory_space<vmem>>, vector<16xf32>,
      }
      %scan3A_178 = arith.constant 32 : i32
      "tpu.region"() ({
        %run_scoped3A = tpu.sem_alloc : memref<!tpu.dma_semaphore, #tpu.memory_space<semaphore_mem>>
        %dma_start3A_190 = arith.constant 0 : i32
        %dma_start3A_191 = tpu.memref_slice %arg8[%dma_start3A_190] : memref<100352xf32, #tpu.memory_space<vmem_shared>> -> memref<100352xf32, #tpu.memory_space<vmem_shared>>
        tpu.enqueue_indirect_dma source(%arg17 : memref<2048xf32, #tpu.memory_space<vmem>>) target(%dma_start3A_191 : memref<100352xf32, #tpu.memory_space<vmem_shared>>) offsets(%arg11 : memref<2048xi32, #tpu.memory_space<vmem>>) semaphore(%run_scoped3A : memref<!tpu.dma_semaphore, #tpu.memory_space<semaphore_mem>>) {add = true}
        %dma_wait3A_192 = arith.constant 0 : i32
        %dma_wait3A_193 = tpu.memref_slice %arg8[%dma_wait3A_192] : memref<100352xf32, #tpu.memory_space<vmem_shared>> -> memref<100352xf32, #tpu.memory_space<vmem_shared>>
        tpu.wait_indirect_dma semaphore(%run_scoped3A : memref<!tpu.dma_semaphore, #tpu.memory_space<semaphore_mem>>) src(%arg17 : memref<2048xf32, #tpu.memory_space<vmem>>) dst(%dma_wait3A_193 : memref<100352xf32, #tpu.memory_space<vmem_shared>>)
        tpu.yield
      }) : () -> ()
      %add3A_179 = arith.constant 2 : i32
      %add3A_180 = arith.addi %add3A_158, %add3A_179 : i32
      %mul3A_181 = arith.constant 2048 : i32
      %mul3A_182 = arith.muli %add3A_180, %mul3A_181 : i32
      %add3A_183 = arith.addi %mul3A_12, %mul3A_182 : i32
      %dma_start3A_184 = tpu.memref_slice %arg3[%add3A_183] : memref<3276800xi32, #tpu.memory_space<hbm>> -> memref<2048xi32, #tpu.memory_space<hbm>>
      %dma_start3A_185 = tpu.memref_slice %arg3[%add3A_183] : memref<3276800xi32, #tpu.memory_space<hbm>> -> memref<2048xi32, #tpu.memory_space<hbm>>
      tpu.enqueue_dma source(%dma_start3A_185 : memref<2048xi32, #tpu.memory_space<hbm>>) target(%arg9 : memref<2048xi32, #tpu.memory_space<vmem>>) target_semaphore(%arg19 : memref<!tpu.dma_semaphore, #tpu.memory_space<semaphore_mem>>)
      %dma_start3A_186 = tpu.memref_slice %arg4[%add3A_183] : memref<3276800xi32, #tpu.memory_space<hbm>> -> memref<2048xi32, #tpu.memory_space<hbm>>
      %dma_start3A_187 = tpu.memref_slice %arg4[%add3A_183] : memref<3276800xi32, #tpu.memory_space<hbm>> -> memref<2048xi32, #tpu.memory_space<hbm>>
      tpu.enqueue_dma source(%dma_start3A_187 : memref<2048xi32, #tpu.memory_space<hbm>>) target(%arg11 : memref<2048xi32, #tpu.memory_space<vmem>>) target_semaphore(%arg19 : memref<!tpu.dma_semaphore, #tpu.memory_space<semaphore_mem>>)
      %dma_start3A_188 = tpu.memref_slice %arg5[%add3A_183] : memref<3276800xf32, #tpu.memory_space<hbm>> -> memref<2048xf32, #tpu.memory_space<hbm>>
      %dma_start3A_189 = tpu.memref_slice %arg5[%add3A_183] : memref<3276800xf32, #tpu.memory_space<hbm>> -> memref<2048xf32, #tpu.memory_space<hbm>>
      tpu.enqueue_dma source(%dma_start3A_189 : memref<2048xf32, #tpu.memory_space<hbm>>) target(%arg13 : memref<2048xf32, #tpu.memory_space<vmem>>) target_semaphore(%arg19 : memref<!tpu.dma_semaphore, #tpu.memory_space<semaphore_mem>>)
    }
    %scan3A_66 = arith.constant 23 : i32
    %dma_wait3A_67 = arith.constant 0 : i32
    %dma_wait3A_68 = tpu.memref_slice %arg7[%dma_wait3A_67] : memref<100352xf32, #tpu.memory_space<vmem_shared>> -> memref<100352xf32, #tpu.memory_space<vmem_shared>>
    tpu.wait_indirect_dma semaphore(%arg21 : memref<!tpu.dma_semaphore, #tpu.memory_space<semaphore_mem>>) src(%dma_wait3A_68 : memref<100352xf32, #tpu.memory_space<vmem_shared>>) dst(%arg16 : memref<2048xf32, #tpu.memory_space<vmem>>)
    %add3A_69 = arith.constant 98304 : i32
    %add3A_70 = arith.addi %mul3A_12, %add3A_69 : i32
    %dma_wait3A_71 = tpu.memref_slice %arg3[%add3A_70] : memref<3276800xi32, #tpu.memory_space<hbm>> -> memref<2048xi32, #tpu.memory_space<hbm>>
    %dma_wait3A_72 = tpu.memref_slice %arg3[%add3A_70] : memref<3276800xi32, #tpu.memory_space<hbm>> -> memref<2048xi32, #tpu.memory_space<hbm>>
    tpu.wait_dma2 semaphore(%arg19 : memref<!tpu.dma_semaphore, #tpu.memory_space<semaphore_mem>>) src(%dma_wait3A_72 : memref<2048xi32, #tpu.memory_space<hbm>>) dst(%arg9 : memref<2048xi32, #tpu.memory_space<vmem>>)
    %dma_wait3A_73 = tpu.memref_slice %arg4[%add3A_70] : memref<3276800xi32, #tpu.memory_space<hbm>> -> memref<2048xi32, #tpu.memory_space<hbm>>
    %dma_wait3A_74 = tpu.memref_slice %arg4[%add3A_70] : memref<3276800xi32, #tpu.memory_space<hbm>> -> memref<2048xi32, #tpu.memory_space<hbm>>
    tpu.wait_dma2 semaphore(%arg19 : memref<!tpu.dma_semaphore, #tpu.memory_space<semaphore_mem>>) src(%dma_wait3A_74 : memref<2048xi32, #tpu.memory_space<hbm>>) dst(%arg11 : memref<2048xi32, #tpu.memory_space<vmem>>)
    %dma_wait3A_75 = tpu.memref_slice %arg5[%add3A_70] : memref<3276800xf32, #tpu.memory_space<hbm>> -> memref<2048xf32, #tpu.memory_space<hbm>>
    %dma_wait3A_76 = tpu.memref_slice %arg5[%add3A_70] : memref<3276800xf32, #tpu.memory_space<hbm>> -> memref<2048xf32, #tpu.memory_space<hbm>>
    tpu.wait_dma2 semaphore(%arg19 : memref<!tpu.dma_semaphore, #tpu.memory_space<semaphore_mem>>) src(%dma_wait3A_76 : memref<2048xf32, #tpu.memory_space<hbm>>) dst(%arg13 : memref<2048xf32, #tpu.memory_space<vmem>>)
    %dma_start3A_77 = arith.constant 0 : i32
    %dma_start3A_78 = tpu.memref_slice %arg7[%dma_start3A_77] : memref<100352xf32, #tpu.memory_space<vmem_shared>> -> memref<100352xf32, #tpu.memory_space<vmem_shared>>
    tpu.enqueue_indirect_dma source(%dma_start3A_78 : memref<100352xf32, #tpu.memory_space<vmem_shared>>) target(%arg15 : memref<2048xf32, #tpu.memory_space<vmem>>) offsets(%arg9 : memref<2048xi32, #tpu.memory_space<vmem>>) semaphore(%arg21 : memref<!tpu.dma_semaphore, #tpu.memory_space<semaphore_mem>>)
    %scan3A_79 = arith.constant 0 : i32
    %scan3A_80 = arith.constant 32 : i32
    %scan3A_81 = arith.addi %scan3A_79, %scan3A_80 : i32
    %scan3A_82 = arith.constant 1 : i32
    scf.for %scan3A_121 = %scan3A_79 to %scan3A_81 step %scan3A_82  : i32 {
      %mul3A_122 = arith.constant 64 : i32
      %mul3A_123 = arith.muli %scan3A_121, %mul3A_122 : i32
      %add3A_124 = arith.constant 0 : i32
      %add3A_125 = arith.addi %add3A_124, %mul3A_123 : i32
      %add3A_126 = arith.constant 0 : i32
      %add3A_127 = arith.addi %add3A_125, %add3A_126 : i32
      %get3A = arith.index_cast %add3A_127 : i32 to index
      %get3A_128 = tpu.vector_load %arg14[%get3A] {strides = array<i32>} : memref<2048xf32, #tpu.memory_space<vmem>>, vector<16xf32>,
      %get3A_129 = vector.shape_cast %get3A_128 : vector<16xf32> to vector<16xf32>
      %add3A_130 = arith.constant 0 : i32
      %add3A_131 = arith.addi %add3A_125, %add3A_130 : i32
      %get3A_132 = arith.index_cast %add3A_131 : i32 to index
      %get3A_133 = tpu.vector_load %arg16[%get3A_132] {strides = array<i32>} : memref<2048xf32, #tpu.memory_space<vmem>>, vector<16xf32>,
      %get3A_134 = vector.shape_cast %get3A_133 : vector<16xf32> to vector<16xf32>
      %mul3A_135 = arith.mulf %get3A_129, %get3A_134 : vector<16xf32>
      %add3A_136 = arith.constant 0 : i32
      %add3A_137 = arith.addi %add3A_125, %add3A_136 : i32
      %swap3A = arith.index_cast %add3A_137 : i32 to index
      %swap3A_138 = tpu.vector_load %arg17[%swap3A] {strides = array<i32>} : memref<2048xf32, #tpu.memory_space<vmem>>, vector<16xf32>,
      %swap3A_139 = vector.shape_cast %swap3A_138 : vector<16xf32> to vector<16xf32>
      %swap3A_140 = vector.shape_cast %mul3A_135 : vector<16xf32> to vector<16xf32>
      tpu.vector_store %arg17[%swap3A], %swap3A_140 {strides = array<i32>} : memref<2048xf32, #tpu.memory_space<vmem>>, vector<16xf32>,
      %add3A_141 = arith.constant 16 : i32
      %add3A_142 = arith.addi %add3A_125, %add3A_141 : i32
      %get3A_143 = arith.index_cast %add3A_142 : i32 to index
      %get3A_144 = tpu.vector_load %arg14[%get3A_143] {strides = array<i32>} : memref<2048xf32, #tpu.memory_space<vmem>>, vector<16xf32>,
      %get3A_145 = vector.shape_cast %get3A_144 : vector<16xf32> to vector<16xf32>
      %add3A_146 = arith.constant 16 : i32
      %add3A_147 = arith.addi %add3A_125, %add3A_146 : i32
      %get3A_148 = arith.index_cast %add3A_147 : i32 to index
      %get3A_149 = tpu.vector_load %arg16[%get3A_148] {strides = array<i32>} : memref<2048xf32, #tpu.memory_space<vmem>>, vector<16xf32>,
      %get3A_150 = vector.shape_cast %get3A_149 : vector<16xf32> to vector<16xf32>
      %mul3A_151 = arith.mulf %get3A_145, %get3A_150 : vector<16xf32>
      %add3A_152 = arith.constant 16 : i32
      %add3A_153 = arith.addi %add3A_125, %add3A_152 : i32
      %swap3A_154 = arith.index_cast %add3A_153 : i32 to index
      %swap3A_155 = tpu.vector_load %arg17[%swap3A_154] {strides = array<i32>} : memref<2048xf32, #tpu.memory_space<vmem>>, vector<16xf32>,
      %swap3A_156 = vector.shape_cast %swap3A_155 : vector<16xf32> to vector<16xf32>
      %swap3A_157 = vector.shape_cast %mul3A_151 : vector<16xf32> to vector<16xf32>
      tpu.vector_store %arg17[%swap3A_154], %swap3A_157 {strides = array<i32>} : memref<2048xf32, #tpu.memory_space<vmem>>, vector<16xf32>,
      %add3A_158 = arith.constant 32 : i32
      %add3A_159 = arith.addi %add3A_125, %add3A_158 : i32
      %get3A_160 = arith.index_cast %add3A_159 : i32 to index
      %get3A_161 = tpu.vector_load %arg14[%get3A_160] {strides = array<i32>} : memref<2048xf32, #tpu.memory_space<vmem>>, vector<16xf32>,
      %get3A_162 = vector.shape_cast %get3A_161 : vector<16xf32> to vector<16xf32>
      %add3A_163 = arith.constant 32 : i32
      %add3A_164 = arith.addi %add3A_125, %add3A_163 : i32
      %get3A_165 = arith.index_cast %add3A_164 : i32 to index
      %get3A_166 = tpu.vector_load %arg16[%get3A_165] {strides = array<i32>} : memref<2048xf32, #tpu.memory_space<vmem>>, vector<16xf32>,
      %get3A_167 = vector.shape_cast %get3A_166 : vector<16xf32> to vector<16xf32>
      %mul3A_168 = arith.mulf %get3A_162, %get3A_167 : vector<16xf32>
      %add3A_169 = arith.constant 32 : i32
      %add3A_170 = arith.addi %add3A_125, %add3A_169 : i32
      %swap3A_171 = arith.index_cast %add3A_170 : i32 to index
      %swap3A_172 = tpu.vector_load %arg17[%swap3A_171] {strides = array<i32>} : memref<2048xf32, #tpu.memory_space<vmem>>, vector<16xf32>,
      %swap3A_173 = vector.shape_cast %swap3A_172 : vector<16xf32> to vector<16xf32>
      %swap3A_174 = vector.shape_cast %mul3A_168 : vector<16xf32> to vector<16xf32>
      tpu.vector_store %arg17[%swap3A_171], %swap3A_174 {strides = array<i32>} : memref<2048xf32, #tpu.memory_space<vmem>>, vector<16xf32>,
      %add3A_175 = arith.constant 48 : i32
      %add3A_176 = arith.addi %add3A_125, %add3A_175 : i32
      %get3A_177 = arith.index_cast %add3A_176 : i32 to index
      %get3A_178 = tpu.vector_load %arg14[%get3A_177] {strides = array<i32>} : memref<2048xf32, #tpu.memory_space<vmem>>, vector<16xf32>,
      %get3A_179 = vector.shape_cast %get3A_178 : vector<16xf32> to vector<16xf32>
      %add3A_180 = arith.constant 48 : i32
      %add3A_181 = arith.addi %add3A_125, %add3A_180 : i32
      %get3A_182 = arith.index_cast %add3A_181 : i32 to index
      %get3A_183 = tpu.vector_load %arg16[%get3A_182] {strides = array<i32>} : memref<2048xf32, #tpu.memory_space<vmem>>, vector<16xf32>,
      %get3A_184 = vector.shape_cast %get3A_183 : vector<16xf32> to vector<16xf32>
      %mul3A_185 = arith.mulf %get3A_179, %get3A_184 : vector<16xf32>
      %add3A_186 = arith.constant 48 : i32
      %add3A_187 = arith.addi %add3A_125, %add3A_186 : i32
      %swap3A_188 = arith.index_cast %add3A_187 : i32 to index
      %swap3A_189 = tpu.vector_load %arg17[%swap3A_188] {strides = array<i32>} : memref<2048xf32, #tpu.memory_space<vmem>>, vector<16xf32>,
      %swap3A_190 = vector.shape_cast %swap3A_189 : vector<16xf32> to vector<16xf32>
      %swap3A_191 = vector.shape_cast %mul3A_185 : vector<16xf32> to vector<16xf32>
      tpu.vector_store %arg17[%swap3A_188], %swap3A_191 {strides = array<i32>} : memref<2048xf32, #tpu.memory_space<vmem>>, vector<16xf32>,
    }
    %scan3A_83 = arith.constant 32 : i32
    "tpu.region"() ({
      %run_scoped3A = tpu.sem_alloc : memref<!tpu.dma_semaphore, #tpu.memory_space<semaphore_mem>>
      %dma_start3A_121 = arith.constant 0 : i32
      %dma_start3A_122 = tpu.memref_slice %arg8[%dma_start3A_121] : memref<100352xf32, #tpu.memory_space<vmem_shared>> -> memref<100352xf32, #tpu.memory_space<vmem_shared>>
      tpu.enqueue_indirect_dma source(%arg17 : memref<2048xf32, #tpu.memory_space<vmem>>) target(%dma_start3A_122 : memref<100352xf32, #tpu.memory_space<vmem_shared>>) offsets(%arg12 : memref<2048xi32, #tpu.memory_space<vmem>>) semaphore(%run_scoped3A : memref<!tpu.dma_semaphore, #tpu.memory_space<semaphore_mem>>) {add = true}
      %dma_wait3A_123 = arith.constant 0 : i32
      %dma_wait3A_124 = tpu.memref_slice %arg8[%dma_wait3A_123] : memref<100352xf32, #tpu.memory_space<vmem_shared>> -> memref<100352xf32, #tpu.memory_space<vmem_shared>>
      tpu.wait_indirect_dma semaphore(%run_scoped3A : memref<!tpu.dma_semaphore, #tpu.memory_space<semaphore_mem>>) src(%arg17 : memref<2048xf32, #tpu.memory_space<vmem>>) dst(%dma_wait3A_124 : memref<100352xf32, #tpu.memory_space<vmem_shared>>)
      tpu.yield
    }) : () -> ()
    %add3A_84 = arith.constant 100352 : i32
    %add3A_85 = arith.addi %mul3A_12, %add3A_84 : i32
    %dma_start3A_86 = tpu.memref_slice %arg3[%add3A_85] : memref<3276800xi32, #tpu.memory_space<hbm>> -> memref<2048xi32, #tpu.memory_space<hbm>>
    %dma_start3A_87 = tpu.memref_slice %arg3[%add3A_85] : memref<3276800xi32, #tpu.memory_space<hbm>> -> memref<2048xi32, #tpu.memory_space<hbm>>
    tpu.enqueue_dma source(%dma_start3A_87 : memref<2048xi32, #tpu.memory_space<hbm>>) target(%arg10 : memref<2048xi32, #tpu.memory_space<vmem>>) target_semaphore(%arg20 : memref<!tpu.dma_semaphore, #tpu.memory_space<semaphore_mem>>)
    %dma_start3A_88 = tpu.memref_slice %arg4[%add3A_85] : memref<3276800xi32, #tpu.memory_space<hbm>> -> memref<2048xi32, #tpu.memory_space<hbm>>
    %dma_start3A_89 = tpu.memref_slice %arg4[%add3A_85] : memref<3276800xi32, #tpu.memory_space<hbm>> -> memref<2048xi32, #tpu.memory_space<hbm>>
    tpu.enqueue_dma source(%dma_start3A_89 : memref<2048xi32, #tpu.memory_space<hbm>>) target(%arg12 : memref<2048xi32, #tpu.memory_space<vmem>>) target_semaphore(%arg20 : memref<!tpu.dma_semaphore, #tpu.memory_space<semaphore_mem>>)
    %dma_start3A_90 = tpu.memref_slice %arg5[%add3A_85] : memref<3276800xf32, #tpu.memory_space<hbm>> -> memref<2048xf32, #tpu.memory_space<hbm>>
    %dma_start3A_91 = tpu.memref_slice %arg5[%add3A_85] : memref<3276800xf32, #tpu.memory_space<hbm>> -> memref<2048xf32, #tpu.memory_space<hbm>>
    tpu.enqueue_dma source(%dma_start3A_91 : memref<2048xf32, #tpu.memory_space<hbm>>) target(%arg14 : memref<2048xf32, #tpu.memory_space<vmem>>) target_semaphore(%arg20 : memref<!tpu.dma_semaphore, #tpu.memory_space<semaphore_mem>>)
    %dma_wait3A_92 = arith.constant 0 : i32
    %dma_wait3A_93 = tpu.memref_slice %arg7[%dma_wait3A_92] : memref<100352xf32, #tpu.memory_space<vmem_shared>> -> memref<100352xf32, #tpu.memory_space<vmem_shared>>
    tpu.wait_indirect_dma semaphore(%arg21 : memref<!tpu.dma_semaphore, #tpu.memory_space<semaphore_mem>>) src(%dma_wait3A_93 : memref<100352xf32, #tpu.memory_space<vmem_shared>>) dst(%arg15 : memref<2048xf32, #tpu.memory_space<vmem>>)
    %add3A_94 = arith.constant 100352 : i32
    %add3A_95 = arith.addi %mul3A_12, %add3A_94 : i32
    %dma_wait3A_96 = tpu.memref_slice %arg3[%add3A_95] : memref<3276800xi32, #tpu.memory_space<hbm>> -> memref<2048xi32, #tpu.memory_space<hbm>>
    %dma_wait3A_97 = tpu.memref_slice %arg3[%add3A_95] : memref<3276800xi32, #tpu.memory_space<hbm>> -> memref<2048xi32, #tpu.memory_space<hbm>>
    tpu.wait_dma2 semaphore(%arg20 : memref<!tpu.dma_semaphore, #tpu.memory_space<semaphore_mem>>) src(%dma_wait3A_97 : memref<2048xi32, #tpu.memory_space<hbm>>) dst(%arg10 : memref<2048xi32, #tpu.memory_space<vmem>>)
    %dma_wait3A_98 = tpu.memref_slice %arg4[%add3A_95] : memref<3276800xi32, #tpu.memory_space<hbm>> -> memref<2048xi32, #tpu.memory_space<hbm>>
    %dma_wait3A_99 = tpu.memref_slice %arg4[%add3A_95] : memref<3276800xi32, #tpu.memory_space<hbm>> -> memref<2048xi32, #tpu.memory_space<hbm>>
    tpu.wait_dma2 semaphore(%arg20 : memref<!tpu.dma_semaphore, #tpu.memory_space<semaphore_mem>>) src(%dma_wait3A_99 : memref<2048xi32, #tpu.memory_space<hbm>>) dst(%arg12 : memref<2048xi32, #tpu.memory_space<vmem>>)
    %dma_wait3A_100 = tpu.memref_slice %arg5[%add3A_95] : memref<3276800xf32, #tpu.memory_space<hbm>> -> memref<2048xf32, #tpu.memory_space<hbm>>
    %dma_wait3A_101 = tpu.memref_slice %arg5[%add3A_95] : memref<3276800xf32, #tpu.memory_space<hbm>> -> memref<2048xf32, #tpu.memory_space<hbm>>
    tpu.wait_dma2 semaphore(%arg20 : memref<!tpu.dma_semaphore, #tpu.memory_space<semaphore_mem>>) src(%dma_wait3A_101 : memref<2048xf32, #tpu.memory_space<hbm>>) dst(%arg14 : memref<2048xf32, #tpu.memory_space<vmem>>)
    %dma_start3A_102 = arith.constant 0 : i32
    %dma_start3A_103 = tpu.memref_slice %arg7[%dma_start3A_102] : memref<100352xf32, #tpu.memory_space<vmem_shared>> -> memref<100352xf32, #tpu.memory_space<vmem_shared>>
    tpu.enqueue_indirect_dma source(%dma_start3A_103 : memref<100352xf32, #tpu.memory_space<vmem_shared>>) target(%arg16 : memref<2048xf32, #tpu.memory_space<vmem>>) offsets(%arg10 : memref<2048xi32, #tpu.memory_space<vmem>>) semaphore(%arg21 : memref<!tpu.dma_semaphore, #tpu.memory_space<semaphore_mem>>)
    %scan3A_104 = arith.constant 0 : i32
    %scan3A_105 = arith.constant 32 : i32
    %scan3A_106 = arith.addi %scan3A_104, %scan3A_105 : i32
    %scan3A_107 = arith.constant 1 : i32
    scf.for %scan3A_121 = %scan3A_104 to %scan3A_106 step %scan3A_107  : i32 {
      %mul3A_122 = arith.constant 64 : i32
      %mul3A_123 = arith.muli %scan3A_121, %mul3A_122 : i32
      %add3A_124 = arith.constant 0 : i32
      %add3A_125 = arith.addi %add3A_124, %mul3A_123 : i32
      %add3A_126 = arith.constant 0 : i32
      %add3A_127 = arith.addi %add3A_125, %add3A_126 : i32
      %get3A = arith.index_cast %add3A_127 : i32 to index
      %get3A_128 = tpu.vector_load %arg13[%get3A] {strides = array<i32>} : memref<2048xf32, #tpu.memory_space<vmem>>, vector<16xf32>,
      %get3A_129 = vector.shape_cast %get3A_128 : vector<16xf32> to vector<16xf32>
      %add3A_130 = arith.constant 0 : i32
      %add3A_131 = arith.addi %add3A_125, %add3A_130 : i32
      %get3A_132 = arith.index_cast %add3A_131 : i32 to index
      %get3A_133 = tpu.vector_load %arg15[%get3A_132] {strides = array<i32>} : memref<2048xf32, #tpu.memory_space<vmem>>, vector<16xf32>,
      %get3A_134 = vector.shape_cast %get3A_133 : vector<16xf32> to vector<16xf32>
      %mul3A_135 = arith.mulf %get3A_129, %get3A_134 : vector<16xf32>
      %add3A_136 = arith.constant 0 : i32
      %add3A_137 = arith.addi %add3A_125, %add3A_136 : i32
      %swap3A = arith.index_cast %add3A_137 : i32 to index
      %swap3A_138 = tpu.vector_load %arg17[%swap3A] {strides = array<i32>} : memref<2048xf32, #tpu.memory_space<vmem>>, vector<16xf32>,
      %swap3A_139 = vector.shape_cast %swap3A_138 : vector<16xf32> to vector<16xf32>
      %swap3A_140 = vector.shape_cast %mul3A_135 : vector<16xf32> to vector<16xf32>
      tpu.vector_store %arg17[%swap3A], %swap3A_140 {strides = array<i32>} : memref<2048xf32, #tpu.memory_space<vmem>>, vector<16xf32>,
      %add3A_141 = arith.constant 16 : i32
      %add3A_142 = arith.addi %add3A_125, %add3A_141 : i32
      %get3A_143 = arith.index_cast %add3A_142 : i32 to index
      %get3A_144 = tpu.vector_load %arg13[%get3A_143] {strides = array<i32>} : memref<2048xf32, #tpu.memory_space<vmem>>, vector<16xf32>,
      %get3A_145 = vector.shape_cast %get3A_144 : vector<16xf32> to vector<16xf32>
      %add3A_146 = arith.constant 16 : i32
      %add3A_147 = arith.addi %add3A_125, %add3A_146 : i32
      %get3A_148 = arith.index_cast %add3A_147 : i32 to index
      %get3A_149 = tpu.vector_load %arg15[%get3A_148] {strides = array<i32>} : memref<2048xf32, #tpu.memory_space<vmem>>, vector<16xf32>,
      %get3A_150 = vector.shape_cast %get3A_149 : vector<16xf32> to vector<16xf32>
      %mul3A_151 = arith.mulf %get3A_145, %get3A_150 : vector<16xf32>
      %add3A_152 = arith.constant 16 : i32
      %add3A_153 = arith.addi %add3A_125, %add3A_152 : i32
      %swap3A_154 = arith.index_cast %add3A_153 : i32 to index
      %swap3A_155 = tpu.vector_load %arg17[%swap3A_154] {strides = array<i32>} : memref<2048xf32, #tpu.memory_space<vmem>>, vector<16xf32>,
      %swap3A_156 = vector.shape_cast %swap3A_155 : vector<16xf32> to vector<16xf32>
      %swap3A_157 = vector.shape_cast %mul3A_151 : vector<16xf32> to vector<16xf32>
      tpu.vector_store %arg17[%swap3A_154], %swap3A_157 {strides = array<i32>} : memref<2048xf32, #tpu.memory_space<vmem>>, vector<16xf32>,
      %add3A_158 = arith.constant 32 : i32
      %add3A_159 = arith.addi %add3A_125, %add3A_158 : i32
      %get3A_160 = arith.index_cast %add3A_159 : i32 to index
      %get3A_161 = tpu.vector_load %arg13[%get3A_160] {strides = array<i32>} : memref<2048xf32, #tpu.memory_space<vmem>>, vector<16xf32>,
      %get3A_162 = vector.shape_cast %get3A_161 : vector<16xf32> to vector<16xf32>
      %add3A_163 = arith.constant 32 : i32
      %add3A_164 = arith.addi %add3A_125, %add3A_163 : i32
      %get3A_165 = arith.index_cast %add3A_164 : i32 to index
      %get3A_166 = tpu.vector_load %arg15[%get3A_165] {strides = array<i32>} : memref<2048xf32, #tpu.memory_space<vmem>>, vector<16xf32>,
      %get3A_167 = vector.shape_cast %get3A_166 : vector<16xf32> to vector<16xf32>
      %mul3A_168 = arith.mulf %get3A_162, %get3A_167 : vector<16xf32>
      %add3A_169 = arith.constant 32 : i32
      %add3A_170 = arith.addi %add3A_125, %add3A_169 : i32
      %swap3A_171 = arith.index_cast %add3A_170 : i32 to index
      %swap3A_172 = tpu.vector_load %arg17[%swap3A_171] {strides = array<i32>} : memref<2048xf32, #tpu.memory_space<vmem>>, vector<16xf32>,
      %swap3A_173 = vector.shape_cast %swap3A_172 : vector<16xf32> to vector<16xf32>
      %swap3A_174 = vector.shape_cast %mul3A_168 : vector<16xf32> to vector<16xf32>
      tpu.vector_store %arg17[%swap3A_171], %swap3A_174 {strides = array<i32>} : memref<2048xf32, #tpu.memory_space<vmem>>, vector<16xf32>,
      %add3A_175 = arith.constant 48 : i32
      %add3A_176 = arith.addi %add3A_125, %add3A_175 : i32
      %get3A_177 = arith.index_cast %add3A_176 : i32 to index
      %get3A_178 = tpu.vector_load %arg13[%get3A_177] {strides = array<i32>} : memref<2048xf32, #tpu.memory_space<vmem>>, vector<16xf32>,
      %get3A_179 = vector.shape_cast %get3A_178 : vector<16xf32> to vector<16xf32>
      %add3A_180 = arith.constant 48 : i32
      %add3A_181 = arith.addi %add3A_125, %add3A_180 : i32
      %get3A_182 = arith.index_cast %add3A_181 : i32 to index
      %get3A_183 = tpu.vector_load %arg15[%get3A_182] {strides = array<i32>} : memref<2048xf32, #tpu.memory_space<vmem>>, vector<16xf32>,
      %get3A_184 = vector.shape_cast %get3A_183 : vector<16xf32> to vector<16xf32>
      %mul3A_185 = arith.mulf %get3A_179, %get3A_184 : vector<16xf32>
      %add3A_186 = arith.constant 48 : i32
      %add3A_187 = arith.addi %add3A_125, %add3A_186 : i32
      %swap3A_188 = arith.index_cast %add3A_187 : i32 to index
      %swap3A_189 = tpu.vector_load %arg17[%swap3A_188] {strides = array<i32>} : memref<2048xf32, #tpu.memory_space<vmem>>, vector<16xf32>,
      %swap3A_190 = vector.shape_cast %swap3A_189 : vector<16xf32> to vector<16xf32>
      %swap3A_191 = vector.shape_cast %mul3A_185 : vector<16xf32> to vector<16xf32>
      tpu.vector_store %arg17[%swap3A_188], %swap3A_191 {strides = array<i32>} : memref<2048xf32, #tpu.memory_space<vmem>>, vector<16xf32>,
    }
    %scan3A_108 = arith.constant 32 : i32
    "tpu.region"() ({
      %run_scoped3A = tpu.sem_alloc : memref<!tpu.dma_semaphore, #tpu.memory_space<semaphore_mem>>
      %dma_start3A_121 = arith.constant 0 : i32
      %dma_start3A_122 = tpu.memref_slice %arg8[%dma_start3A_121] : memref<100352xf32, #tpu.memory_space<vmem_shared>> -> memref<100352xf32, #tpu.memory_space<vmem_shared>>
      tpu.enqueue_indirect_dma source(%arg17 : memref<2048xf32, #tpu.memory_space<vmem>>) target(%dma_start3A_122 : memref<100352xf32, #tpu.memory_space<vmem_shared>>) offsets(%arg11 : memref<2048xi32, #tpu.memory_space<vmem>>) semaphore(%run_scoped3A : memref<!tpu.dma_semaphore, #tpu.memory_space<semaphore_mem>>) {add = true}
      %dma_wait3A_123 = arith.constant 0 : i32
      %dma_wait3A_124 = tpu.memref_slice %arg8[%dma_wait3A_123] : memref<100352xf32, #tpu.memory_space<vmem_shared>> -> memref<100352xf32, #tpu.memory_space<vmem_shared>>
      tpu.wait_indirect_dma semaphore(%run_scoped3A : memref<!tpu.dma_semaphore, #tpu.memory_space<semaphore_mem>>) src(%arg17 : memref<2048xf32, #tpu.memory_space<vmem>>) dst(%dma_wait3A_124 : memref<100352xf32, #tpu.memory_space<vmem_shared>>)
      tpu.yield
    }) : () -> ()
    %dma_wait3A_109 = arith.constant 0 : i32
    %dma_wait3A_110 = tpu.memref_slice %arg7[%dma_wait3A_109] : memref<100352xf32, #tpu.memory_space<vmem_shared>> -> memref<100352xf32, #tpu.memory_space<vmem_shared>>
    tpu.wait_indirect_dma semaphore(%arg21 : memref<!tpu.dma_semaphore, #tpu.memory_space<semaphore_mem>>) src(%dma_wait3A_110 : memref<100352xf32, #tpu.memory_space<vmem_shared>>) dst(%arg16 : memref<2048xf32, #tpu.memory_space<vmem>>)
    %scan3A_111 = arith.constant 0 : i32
    %scan3A_112 = arith.constant 32 : i32
    %scan3A_113 = arith.addi %scan3A_111, %scan3A_112 : i32
    %scan3A_114 = arith.constant 1 : i32
    scf.for %scan3A_121 = %scan3A_111 to %scan3A_113 step %scan3A_114  : i32 {
      %mul3A_122 = arith.constant 64 : i32
      %mul3A_123 = arith.muli %scan3A_121, %mul3A_122 : i32
      %add3A_124 = arith.constant 0 : i32
      %add3A_125 = arith.addi %add3A_124, %mul3A_123 : i32
      %add3A_126 = arith.constant 0 : i32
      %add3A_127 = arith.addi %add3A_125, %add3A_126 : i32
      %get3A = arith.index_cast %add3A_127 : i32 to index
      %get3A_128 = tpu.vector_load %arg14[%get3A] {strides = array<i32>} : memref<2048xf32, #tpu.memory_space<vmem>>, vector<16xf32>,
      %get3A_129 = vector.shape_cast %get3A_128 : vector<16xf32> to vector<16xf32>
      %add3A_130 = arith.constant 0 : i32
      %add3A_131 = arith.addi %add3A_125, %add3A_130 : i32
      %get3A_132 = arith.index_cast %add3A_131 : i32 to index
      %get3A_133 = tpu.vector_load %arg16[%get3A_132] {strides = array<i32>} : memref<2048xf32, #tpu.memory_space<vmem>>, vector<16xf32>,
      %get3A_134 = vector.shape_cast %get3A_133 : vector<16xf32> to vector<16xf32>
      %mul3A_135 = arith.mulf %get3A_129, %get3A_134 : vector<16xf32>
      %add3A_136 = arith.constant 0 : i32
      %add3A_137 = arith.addi %add3A_125, %add3A_136 : i32
      %swap3A = arith.index_cast %add3A_137 : i32 to index
      %swap3A_138 = tpu.vector_load %arg17[%swap3A] {strides = array<i32>} : memref<2048xf32, #tpu.memory_space<vmem>>, vector<16xf32>,
      %swap3A_139 = vector.shape_cast %swap3A_138 : vector<16xf32> to vector<16xf32>
      %swap3A_140 = vector.shape_cast %mul3A_135 : vector<16xf32> to vector<16xf32>
      tpu.vector_store %arg17[%swap3A], %swap3A_140 {strides = array<i32>} : memref<2048xf32, #tpu.memory_space<vmem>>, vector<16xf32>,
      %add3A_141 = arith.constant 16 : i32
      %add3A_142 = arith.addi %add3A_125, %add3A_141 : i32
      %get3A_143 = arith.index_cast %add3A_142 : i32 to index
      %get3A_144 = tpu.vector_load %arg14[%get3A_143] {strides = array<i32>} : memref<2048xf32, #tpu.memory_space<vmem>>, vector<16xf32>,
      %get3A_145 = vector.shape_cast %get3A_144 : vector<16xf32> to vector<16xf32>
      %add3A_146 = arith.constant 16 : i32
      %add3A_147 = arith.addi %add3A_125, %add3A_146 : i32
      %get3A_148 = arith.index_cast %add3A_147 : i32 to index
      %get3A_149 = tpu.vector_load %arg16[%get3A_148] {strides = array<i32>} : memref<2048xf32, #tpu.memory_space<vmem>>, vector<16xf32>,
      %get3A_150 = vector.shape_cast %get3A_149 : vector<16xf32> to vector<16xf32>
      %mul3A_151 = arith.mulf %get3A_145, %get3A_150 : vector<16xf32>
      %add3A_152 = arith.constant 16 : i32
      %add3A_153 = arith.addi %add3A_125, %add3A_152 : i32
      %swap3A_154 = arith.index_cast %add3A_153 : i32 to index
      %swap3A_155 = tpu.vector_load %arg17[%swap3A_154] {strides = array<i32>} : memref<2048xf32, #tpu.memory_space<vmem>>, vector<16xf32>,
      %swap3A_156 = vector.shape_cast %swap3A_155 : vector<16xf32> to vector<16xf32>
      %swap3A_157 = vector.shape_cast %mul3A_151 : vector<16xf32> to vector<16xf32>
      tpu.vector_store %arg17[%swap3A_154], %swap3A_157 {strides = array<i32>} : memref<2048xf32, #tpu.memory_space<vmem>>, vector<16xf32>,
      %add3A_158 = arith.constant 32 : i32
      %add3A_159 = arith.addi %add3A_125, %add3A_158 : i32
      %get3A_160 = arith.index_cast %add3A_159 : i32 to index
      %get3A_161 = tpu.vector_load %arg14[%get3A_160] {strides = array<i32>} : memref<2048xf32, #tpu.memory_space<vmem>>, vector<16xf32>,
      %get3A_162 = vector.shape_cast %get3A_161 : vector<16xf32> to vector<16xf32>
      %add3A_163 = arith.constant 32 : i32
      %add3A_164 = arith.addi %add3A_125, %add3A_163 : i32
      %get3A_165 = arith.index_cast %add3A_164 : i32 to index
      %get3A_166 = tpu.vector_load %arg16[%get3A_165] {strides = array<i32>} : memref<2048xf32, #tpu.memory_space<vmem>>, vector<16xf32>,
      %get3A_167 = vector.shape_cast %get3A_166 : vector<16xf32> to vector<16xf32>
      %mul3A_168 = arith.mulf %get3A_162, %get3A_167 : vector<16xf32>
      %add3A_169 = arith.constant 32 : i32
      %add3A_170 = arith.addi %add3A_125, %add3A_169 : i32
      %swap3A_171 = arith.index_cast %add3A_170 : i32 to index
      %swap3A_172 = tpu.vector_load %arg17[%swap3A_171] {strides = array<i32>} : memref<2048xf32, #tpu.memory_space<vmem>>, vector<16xf32>,
      %swap3A_173 = vector.shape_cast %swap3A_172 : vector<16xf32> to vector<16xf32>
      %swap3A_174 = vector.shape_cast %mul3A_168 : vector<16xf32> to vector<16xf32>
      tpu.vector_store %arg17[%swap3A_171], %swap3A_174 {strides = array<i32>} : memref<2048xf32, #tpu.memory_space<vmem>>, vector<16xf32>,
      %add3A_175 = arith.constant 48 : i32
      %add3A_176 = arith.addi %add3A_125, %add3A_175 : i32
      %get3A_177 = arith.index_cast %add3A_176 : i32 to index
      %get3A_178 = tpu.vector_load %arg14[%get3A_177] {strides = array<i32>} : memref<2048xf32, #tpu.memory_space<vmem>>, vector<16xf32>,
      %get3A_179 = vector.shape_cast %get3A_178 : vector<16xf32> to vector<16xf32>
      %add3A_180 = arith.constant 48 : i32
      %add3A_181 = arith.addi %add3A_125, %add3A_180 : i32
      %get3A_182 = arith.index_cast %add3A_181 : i32 to index
      %get3A_183 = tpu.vector_load %arg16[%get3A_182] {strides = array<i32>} : memref<2048xf32, #tpu.memory_space<vmem>>, vector<16xf32>,
      %get3A_184 = vector.shape_cast %get3A_183 : vector<16xf32> to vector<16xf32>
      %mul3A_185 = arith.mulf %get3A_179, %get3A_184 : vector<16xf32>
      %add3A_186 = arith.constant 48 : i32
      %add3A_187 = arith.addi %add3A_125, %add3A_186 : i32
      %swap3A_188 = arith.index_cast %add3A_187 : i32 to index
      %swap3A_189 = tpu.vector_load %arg17[%swap3A_188] {strides = array<i32>} : memref<2048xf32, #tpu.memory_space<vmem>>, vector<16xf32>,
      %swap3A_190 = vector.shape_cast %swap3A_189 : vector<16xf32> to vector<16xf32>
      %swap3A_191 = vector.shape_cast %mul3A_185 : vector<16xf32> to vector<16xf32>
      tpu.vector_store %arg17[%swap3A_188], %swap3A_191 {strides = array<i32>} : memref<2048xf32, #tpu.memory_space<vmem>>, vector<16xf32>,
    }
    %scan3A_115 = arith.constant 32 : i32
    "tpu.region"() ({
      %run_scoped3A = tpu.sem_alloc : memref<!tpu.dma_semaphore, #tpu.memory_space<semaphore_mem>>
      %dma_start3A_121 = arith.constant 0 : i32
      %dma_start3A_122 = tpu.memref_slice %arg8[%dma_start3A_121] : memref<100352xf32, #tpu.memory_space<vmem_shared>> -> memref<100352xf32, #tpu.memory_space<vmem_shared>>
      tpu.enqueue_indirect_dma source(%arg17 : memref<2048xf32, #tpu.memory_space<vmem>>) target(%dma_start3A_122 : memref<100352xf32, #tpu.memory_space<vmem_shared>>) offsets(%arg12 : memref<2048xi32, #tpu.memory_space<vmem>>) semaphore(%run_scoped3A : memref<!tpu.dma_semaphore, #tpu.memory_space<semaphore_mem>>) {add = true}
      %dma_wait3A_123 = arith.constant 0 : i32
      %dma_wait3A_124 = tpu.memref_slice %arg8[%dma_wait3A_123] : memref<100352xf32, #tpu.memory_space<vmem_shared>> -> memref<100352xf32, #tpu.memory_space<vmem_shared>>
      tpu.wait_indirect_dma semaphore(%run_scoped3A : memref<!tpu.dma_semaphore, #tpu.memory_space<semaphore_mem>>) src(%arg17 : memref<2048xf32, #tpu.memory_space<vmem>>) dst(%dma_wait3A_124 : memref<100352xf32, #tpu.memory_space<vmem_shared>>)
      tpu.yield
    }) : () -> ()
    %barrier3A_116 = arith.constant 0 : index
    tpu.barrier barrier_id(%barrier3A_116)
    %mul3A_117 = arith.constant 6272 : i32
    %mul3A_118 = arith.muli %arg1, %mul3A_117 : i32
    %mul3A_119 = arith.constant 6272 : i32
    %mul3A_120 = arith.muli %arg1, %mul3A_119 : i32
    "tpu.region"() ({
      %run_scoped3A = tpu.sem_alloc : memref<!tpu.dma_semaphore, #tpu.memory_space<semaphore_mem>>
      %dma_start3A_121 = tpu.memref_slice %arg6[%arg0, %mul3A_120] : memref<2x100352xf32, #tpu.memory_space<hbm>> -> memref<1x6272xf32, #tpu.memory_space<hbm>>
      %dma_start3A_122 = tpu.memref_squeeze %dma_start3A_121 : memref<1x6272xf32, #tpu.memory_space<hbm>> -> memref<6272xf32, #tpu.memory_space<hbm>>
      %dma_start3A_123 = tpu.memref_slice %arg8[%mul3A_118] : memref<100352xf32, #tpu.memory_space<vmem_shared>> -> memref<6272xf32, #tpu.memory_space<vmem_shared>>
      tpu.enqueue_dma source(%dma_start3A_123 : memref<6272xf32, #tpu.memory_space<vmem_shared>>) target(%dma_start3A_122 : memref<6272xf32, #tpu.memory_space<hbm>>) target_semaphore(%run_scoped3A : memref<!tpu.dma_semaphore, #tpu.memory_space<semaphore_mem>>)
      %dma_wait3A_124 = tpu.memref_slice %arg6[%arg0, %mul3A_120] : memref<2x100352xf32, #tpu.memory_space<hbm>> -> memref<1x6272xf32, #tpu.memory_space<hbm>>
      %dma_wait3A_125 = tpu.memref_squeeze %dma_wait3A_124 : memref<1x6272xf32, #tpu.memory_space<hbm>> -> memref<6272xf32, #tpu.memory_space<hbm>>
      %dma_wait3A_126 = tpu.memref_slice %arg8[%mul3A_118] : memref<100352xf32, #tpu.memory_space<vmem_shared>> -> memref<6272xf32, #tpu.memory_space<vmem_shared>>
      tpu.wait_dma2 semaphore(%run_scoped3A : memref<!tpu.dma_semaphore, #tpu.memory_space<semaphore_mem>>) src(%dma_wait3A_126 : memref<6272xf32, #tpu.memory_space<vmem_shared>>) dst(%dma_wait3A_125 : memref<6272xf32, #tpu.memory_space<hbm>>)
      tpu.yield
    }) : () -> ()
    return
  }
}

#map = affine_map<(d0, d1) -> (0)>
#map1 = affine_map<(d0, d1) -> (0, 0)>
module attributes {stable_mosaic.version = 14 : i64} {
  func.func @_spmv_body(%arg0: i32, %arg1: i32, %arg2: memref<100352xf32, #tpu.memory_space<hbm>>, %arg3: memref<3276800xi32, #tpu.memory_space<hbm>>, %arg4: memref<3276800xi32, #tpu.memory_space<hbm>>, %arg5: memref<3276800xf32, #tpu.memory_space<hbm>>, %arg6: memref<2x100352xf32, #tpu.memory_space<hbm>>, %arg7: memref<100352xf32, #tpu.memory_space<vmem_shared>>, %arg8: memref<100352xf32, #tpu.memory_space<vmem_shared>>, %arg9: memref<2048xi32, #tpu.memory_space<vmem>>, %arg10: memref<2048xi32, #tpu.memory_space<vmem>>, %arg11: memref<2048xi32, #tpu.memory_space<vmem>>, %arg12: memref<2048xi32, #tpu.memory_space<vmem>>, %arg13: memref<2048xf32, #tpu.memory_space<vmem>>, %arg14: memref<2048xf32, #tpu.memory_space<vmem>>, %arg15: memref<2048xf32, #tpu.memory_space<vmem>>, %arg16: memref<2048xf32, #tpu.memory_space<vmem>>, %arg17: memref<2048xf32, #tpu.memory_space<vmem>>, %arg18: memref<6272xf32, #tpu.memory_space<vmem>>, %arg19: memref<!tpu.dma_semaphore, #tpu.memory_space<semaphore_mem>>, %arg20: memref<!tpu.dma_semaphore, #tpu.memory_space<semaphore_mem>>, %arg21: memref<!tpu.dma_semaphore, #tpu.memory_space<semaphore_mem>>) attributes {dimension_semantics = [#tpu.dimension_semantics<core_parallel>, #tpu.dimension_semantics<subcore_parallel>], iteration_bounds = array<i64: 2, 16>, scalar_prefetch = 0 : i64, scratch_operands = 15 : i64, tpu.core_type = #tpu.core_type<sc_vector_subcore>, window_params = [{transform_indices = #map}, {transform_indices = #map}, {transform_indices = #map}, {transform_indices = #map}, {transform_indices = #map1}]} {
    %mul3A = arith.constant 16 : i32
    %mul3A_0 = arith.muli %arg0, %mul3A : i32
    %add3A = arith.addi %mul3A_0, %arg1 : i32
    %mul3A_1 = arith.constant 6272 : i32
    %mul3A_2 = arith.muli %arg1, %mul3A_1 : i32
    %mul3A_3 = arith.constant 6272 : i32
    %mul3A_4 = arith.muli %arg1, %mul3A_3 : i32
    "tpu.region"() ({
      %run_scoped3A = tpu.sem_alloc : memref<!tpu.dma_semaphore, #tpu.memory_space<semaphore_mem>>
      %dma_start3A_121 = tpu.memref_slice %arg7[%mul3A_4] : memref<100352xf32, #tpu.memory_space<vmem_shared>> -> memref<6272xf32, #tpu.memory_space<vmem_shared>>
      %dma_start3A_122 = tpu.memref_slice %arg2[%mul3A_2] : memref<100352xf32, #tpu.memory_space<hbm>> -> memref<6272xf32, #tpu.memory_space<hbm>>
      tpu.enqueue_dma source(%dma_start3A_122 : memref<6272xf32, #tpu.memory_space<hbm>>) target(%dma_start3A_121 : memref<6272xf32, #tpu.memory_space<vmem_shared>>) target_semaphore(%run_scoped3A : memref<!tpu.dma_semaphore, #tpu.memory_space<semaphore_mem>>)
      %dma_wait3A_123 = tpu.memref_slice %arg7[%mul3A_4] : memref<100352xf32, #tpu.memory_space<vmem_shared>> -> memref<6272xf32, #tpu.memory_space<vmem_shared>>
      %dma_wait3A_124 = tpu.memref_slice %arg2[%mul3A_2] : memref<100352xf32, #tpu.memory_space<hbm>> -> memref<6272xf32, #tpu.memory_space<hbm>>
      tpu.wait_dma2 semaphore(%run_scoped3A : memref<!tpu.dma_semaphore, #tpu.memory_space<semaphore_mem>>) src(%dma_wait3A_124 : memref<6272xf32, #tpu.memory_space<hbm>>) dst(%dma_wait3A_123 : memref<6272xf32, #tpu.memory_space<vmem_shared>>)
      tpu.yield
    }) : () -> ()
    %scan3A = arith.constant 0 : i32
    %scan3A_5 = arith.constant 392 : i32
    %scan3A_6 = arith.addi %scan3A, %scan3A_5 : i32
    %scan3A_7 = arith.constant 1 : i32
    scf.for %scan3A_121 = %scan3A to %scan3A_6 step %scan3A_7  : i32 {
      %mul3A_122 = arith.constant 16 : i32
      %mul3A_123 = arith.muli %scan3A_121, %mul3A_122 : i32
      %add3A_124 = arith.constant 0 : i32
      %add3A_125 = arith.addi %add3A_124, %mul3A_123 : i32
      %broadcast_in_dim3A = arith.constant 0.000000e+00 : f32
      %broadcast_in_dim3A_126 = vector.broadcast %broadcast_in_dim3A : f32 to vector<16xf32>
      %swap3A = arith.index_cast %add3A_125 : i32 to index
      %swap3A_127 = tpu.vector_load %arg18[%swap3A] {strides = array<i32>} : memref<6272xf32, #tpu.memory_space<vmem>>, vector<16xf32>,
      %swap3A_128 = vector.shape_cast %swap3A_127 : vector<16xf32> to vector<16xf32>
      %swap3A_129 = vector.shape_cast %broadcast_in_dim3A_126 : vector<16xf32> to vector<16xf32>
      tpu.vector_store %arg18[%swap3A], %swap3A_129 {strides = array<i32>} : memref<6272xf32, #tpu.memory_space<vmem>>, vector<16xf32>,
    }
    %scan3A_8 = arith.constant 392 : i32
    %mul3A_9 = arith.constant 6272 : i32
    %mul3A_10 = arith.muli %arg1, %mul3A_9 : i32
    "tpu.region"() ({
      %run_scoped3A = tpu.sem_alloc : memref<!tpu.dma_semaphore, #tpu.memory_space<semaphore_mem>>
      %dma_start3A_121 = tpu.memref_slice %arg8[%mul3A_10] : memref<100352xf32, #tpu.memory_space<vmem_shared>> -> memref<6272xf32, #tpu.memory_space<vmem_shared>>
      %dma_start3A_122 = tpu.memref_slice %arg8[%mul3A_10] : memref<100352xf32, #tpu.memory_space<vmem_shared>> -> memref<6272xf32, #tpu.memory_space<vmem_shared>>
      tpu.enqueue_dma source(%arg18 : memref<6272xf32, #tpu.memory_space<vmem>>) target(%dma_start3A_122 : memref<6272xf32, #tpu.memory_space<vmem_shared>>) target_semaphore(%run_scoped3A : memref<!tpu.dma_semaphore, #tpu.memory_space<semaphore_mem>>)
      %dma_wait3A_123 = tpu.memref_slice %arg8[%mul3A_10] : memref<100352xf32, #tpu.memory_space<vmem_shared>> -> memref<6272xf32, #tpu.memory_space<vmem_shared>>
      %dma_wait3A_124 = tpu.memref_slice %arg8[%mul3A_10] : memref<100352xf32, #tpu.memory_space<vmem_shared>> -> memref<6272xf32, #tpu.memory_space<vmem_shared>>
      tpu.wait_dma2 semaphore(%run_scoped3A : memref<!tpu.dma_semaphore, #tpu.memory_space<semaphore_mem>>) src(%arg18 : memref<6272xf32, #tpu.memory_space<vmem>>) dst(%dma_wait3A_124 : memref<6272xf32, #tpu.memory_space<vmem_shared>>)
      tpu.yield
    }) : () -> ()
    %barrier3A = arith.constant 0 : index
    tpu.barrier barrier_id(%barrier3A)
    %mul3A_11 = arith.constant 102400 : i32
    %mul3A_12 = arith.muli %add3A, %mul3A_11 : i32
    %add3A_13 = arith.constant 0 : i32
    %add3A_14 = arith.addi %mul3A_12, %add3A_13 : i32
    %dma_start3A = tpu.memref_slice %arg3[%add3A_14] : memref<3276800xi32, #tpu.memory_space<hbm>> -> memref<2048xi32, #tpu.memory_space<hbm>>
    %dma_start3A_15 = tpu.memref_slice %arg3[%add3A_14] : memref<3276800xi32, #tpu.memory_space<hbm>> -> memref<2048xi32, #tpu.memory_space<hbm>>
    tpu.enqueue_dma source(%dma_start3A_15 : memref<2048xi32, #tpu.memory_space<hbm>>) target(%arg9 : memref<2048xi32, #tpu.memory_space<vmem>>) target_semaphore(%arg19 : memref<!tpu.dma_semaphore, #tpu.memory_space<semaphore_mem>>)
    %dma_start3A_16 = tpu.memref_slice %arg4[%add3A_14] : memref<3276800xi32, #tpu.memory_space<hbm>> -> memref<2048xi32, #tpu.memory_space<hbm>>
    %dma_start3A_17 = tpu.memref_slice %arg4[%add3A_14] : memref<3276800xi32, #tpu.memory_space<hbm>> -> memref<2048xi32, #tpu.memory_space<hbm>>
    tpu.enqueue_dma source(%dma_start3A_17 : memref<2048xi32, #tpu.memory_space<hbm>>) target(%arg11 : memref<2048xi32, #tpu.memory_space<vmem>>) target_semaphore(%arg19 : memref<!tpu.dma_semaphore, #tpu.memory_space<semaphore_mem>>)
    %dma_start3A_18 = tpu.memref_slice %arg5[%add3A_14] : memref<3276800xf32, #tpu.memory_space<hbm>> -> memref<2048xf32, #tpu.memory_space<hbm>>
    %dma_start3A_19 = tpu.memref_slice %arg5[%add3A_14] : memref<3276800xf32, #tpu.memory_space<hbm>> -> memref<2048xf32, #tpu.memory_space<hbm>>
    tpu.enqueue_dma source(%dma_start3A_19 : memref<2048xf32, #tpu.memory_space<hbm>>) target(%arg13 : memref<2048xf32, #tpu.memory_space<vmem>>) target_semaphore(%arg19 : memref<!tpu.dma_semaphore, #tpu.memory_space<semaphore_mem>>)
    %add3A_20 = arith.constant 2048 : i32
    %add3A_21 = arith.addi %mul3A_12, %add3A_20 : i32
    %dma_start3A_22 = tpu.memref_slice %arg3[%add3A_21] : memref<3276800xi32, #tpu.memory_space<hbm>> -> memref<2048xi32, #tpu.memory_space<hbm>>
    %dma_start3A_23 = tpu.memref_slice %arg3[%add3A_21] : memref<3276800xi32, #tpu.memory_space<hbm>> -> memref<2048xi32, #tpu.memory_space<hbm>>
    tpu.enqueue_dma source(%dma_start3A_23 : memref<2048xi32, #tpu.memory_space<hbm>>) target(%arg10 : memref<2048xi32, #tpu.memory_space<vmem>>) target_semaphore(%arg20 : memref<!tpu.dma_semaphore, #tpu.memory_space<semaphore_mem>>)
    %dma_start3A_24 = tpu.memref_slice %arg4[%add3A_21] : memref<3276800xi32, #tpu.memory_space<hbm>> -> memref<2048xi32, #tpu.memory_space<hbm>>
    %dma_start3A_25 = tpu.memref_slice %arg4[%add3A_21] : memref<3276800xi32, #tpu.memory_space<hbm>> -> memref<2048xi32, #tpu.memory_space<hbm>>
    tpu.enqueue_dma source(%dma_start3A_25 : memref<2048xi32, #tpu.memory_space<hbm>>) target(%arg12 : memref<2048xi32, #tpu.memory_space<vmem>>) target_semaphore(%arg20 : memref<!tpu.dma_semaphore, #tpu.memory_space<semaphore_mem>>)
    %dma_start3A_26 = tpu.memref_slice %arg5[%add3A_21] : memref<3276800xf32, #tpu.memory_space<hbm>> -> memref<2048xf32, #tpu.memory_space<hbm>>
    %dma_start3A_27 = tpu.memref_slice %arg5[%add3A_21] : memref<3276800xf32, #tpu.memory_space<hbm>> -> memref<2048xf32, #tpu.memory_space<hbm>>
    tpu.enqueue_dma source(%dma_start3A_27 : memref<2048xf32, #tpu.memory_space<hbm>>) target(%arg14 : memref<2048xf32, #tpu.memory_space<vmem>>) target_semaphore(%arg20 : memref<!tpu.dma_semaphore, #tpu.memory_space<semaphore_mem>>)
    %add3A_28 = arith.constant 0 : i32
    %add3A_29 = arith.addi %mul3A_12, %add3A_28 : i32
    %dma_wait3A = tpu.memref_slice %arg3[%add3A_29] : memref<3276800xi32, #tpu.memory_space<hbm>> -> memref<2048xi32, #tpu.memory_space<hbm>>
    %dma_wait3A_30 = tpu.memref_slice %arg3[%add3A_29] : memref<3276800xi32, #tpu.memory_space<hbm>> -> memref<2048xi32, #tpu.memory_space<hbm>>
    tpu.wait_dma2 semaphore(%arg19 : memref<!tpu.dma_semaphore, #tpu.memory_space<semaphore_mem>>) src(%dma_wait3A_30 : memref<2048xi32, #tpu.memory_space<hbm>>) dst(%arg9 : memref<2048xi32, #tpu.memory_space<vmem>>)
    %dma_wait3A_31 = tpu.memref_slice %arg4[%add3A_29] : memref<3276800xi32, #tpu.memory_space<hbm>> -> memref<2048xi32, #tpu.memory_space<hbm>>
    %dma_wait3A_32 = tpu.memref_slice %arg4[%add3A_29] : memref<3276800xi32, #tpu.memory_space<hbm>> -> memref<2048xi32, #tpu.memory_space<hbm>>
    tpu.wait_dma2 semaphore(%arg19 : memref<!tpu.dma_semaphore, #tpu.memory_space<semaphore_mem>>) src(%dma_wait3A_32 : memref<2048xi32, #tpu.memory_space<hbm>>) dst(%arg11 : memref<2048xi32, #tpu.memory_space<vmem>>)
    %dma_wait3A_33 = tpu.memref_slice %arg5[%add3A_29] : memref<3276800xf32, #tpu.memory_space<hbm>> -> memref<2048xf32, #tpu.memory_space<hbm>>
    %dma_wait3A_34 = tpu.memref_slice %arg5[%add3A_29] : memref<3276800xf32, #tpu.memory_space<hbm>> -> memref<2048xf32, #tpu.memory_space<hbm>>
    tpu.wait_dma2 semaphore(%arg19 : memref<!tpu.dma_semaphore, #tpu.memory_space<semaphore_mem>>) src(%dma_wait3A_34 : memref<2048xf32, #tpu.memory_space<hbm>>) dst(%arg13 : memref<2048xf32, #tpu.memory_space<vmem>>)
    %dma_start3A_35 = arith.constant 0 : i32
    %dma_start3A_36 = tpu.memref_slice %arg7[%dma_start3A_35] : memref<100352xf32, #tpu.memory_space<vmem_shared>> -> memref<100352xf32, #tpu.memory_space<vmem_shared>>
    tpu.enqueue_indirect_dma source(%dma_start3A_36 : memref<100352xf32, #tpu.memory_space<vmem_shared>>) target(%arg15 : memref<2048xf32, #tpu.memory_space<vmem>>) offsets(%arg9 : memref<2048xi32, #tpu.memory_space<vmem>>) semaphore(%arg21 : memref<!tpu.dma_semaphore, #tpu.memory_space<semaphore_mem>>)
    %dma_wait3A_37 = arith.constant 0 : i32
    %dma_wait3A_38 = tpu.memref_slice %arg7[%dma_wait3A_37] : memref<100352xf32, #tpu.memory_space<vmem_shared>> -> memref<100352xf32, #tpu.memory_space<vmem_shared>>
    tpu.wait_indirect_dma semaphore(%arg21 : memref<!tpu.dma_semaphore, #tpu.memory_space<semaphore_mem>>) src(%dma_wait3A_38 : memref<100352xf32, #tpu.memory_space<vmem_shared>>) dst(%arg15 : memref<2048xf32, #tpu.memory_space<vmem>>)
    %add3A_39 = arith.constant 2048 : i32
    %add3A_40 = arith.addi %mul3A_12, %add3A_39 : i32
    %dma_wait3A_41 = tpu.memref_slice %arg3[%add3A_40] : memref<3276800xi32, #tpu.memory_space<hbm>> -> memref<2048xi32, #tpu.memory_space<hbm>>
    %dma_wait3A_42 = tpu.memref_slice %arg3[%add3A_40] : memref<3276800xi32, #tpu.memory_space<hbm>> -> memref<2048xi32, #tpu.memory_space<hbm>>
    tpu.wait_dma2 semaphore(%arg20 : memref<!tpu.dma_semaphore, #tpu.memory_space<semaphore_mem>>) src(%dma_wait3A_42 : memref<2048xi32, #tpu.memory_space<hbm>>) dst(%arg10 : memref<2048xi32, #tpu.memory_space<vmem>>)
    %dma_wait3A_43 = tpu.memref_slice %arg4[%add3A_40] : memref<3276800xi32, #tpu.memory_space<hbm>> -> memref<2048xi32, #tpu.memory_space<hbm>>
    %dma_wait3A_44 = tpu.memref_slice %arg4[%add3A_40] : memref<3276800xi32, #tpu.memory_space<hbm>> -> memref<2048xi32, #tpu.memory_space<hbm>>
    tpu.wait_dma2 semaphore(%arg20 : memref<!tpu.dma_semaphore, #tpu.memory_space<semaphore_mem>>) src(%dma_wait3A_44 : memref<2048xi32, #tpu.memory_space<hbm>>) dst(%arg12 : memref<2048xi32, #tpu.memory_space<vmem>>)
    %dma_wait3A_45 = tpu.memref_slice %arg5[%add3A_40] : memref<3276800xf32, #tpu.memory_space<hbm>> -> memref<2048xf32, #tpu.memory_space<hbm>>
    %dma_wait3A_46 = tpu.memref_slice %arg5[%add3A_40] : memref<3276800xf32, #tpu.memory_space<hbm>> -> memref<2048xf32, #tpu.memory_space<hbm>>
    tpu.wait_dma2 semaphore(%arg20 : memref<!tpu.dma_semaphore, #tpu.memory_space<semaphore_mem>>) src(%dma_wait3A_46 : memref<2048xf32, #tpu.memory_space<hbm>>) dst(%arg14 : memref<2048xf32, #tpu.memory_space<vmem>>)
    %dma_start3A_47 = arith.constant 0 : i32
    %dma_start3A_48 = tpu.memref_slice %arg7[%dma_start3A_47] : memref<100352xf32, #tpu.memory_space<vmem_shared>> -> memref<100352xf32, #tpu.memory_space<vmem_shared>>
    tpu.enqueue_indirect_dma source(%dma_start3A_48 : memref<100352xf32, #tpu.memory_space<vmem_shared>>) target(%arg16 : memref<2048xf32, #tpu.memory_space<vmem>>) offsets(%arg10 : memref<2048xi32, #tpu.memory_space<vmem>>) semaphore(%arg21 : memref<!tpu.dma_semaphore, #tpu.memory_space<semaphore_mem>>)
    %scan3A_49 = arith.constant 0 : i32
    %scan3A_50 = arith.constant 32 : i32
    %scan3A_51 = arith.addi %scan3A_49, %scan3A_50 : i32
    %scan3A_52 = arith.constant 1 : i32
    scf.for %scan3A_121 = %scan3A_49 to %scan3A_51 step %scan3A_52  : i32 {
      %mul3A_122 = arith.constant 64 : i32
      %mul3A_123 = arith.muli %scan3A_121, %mul3A_122 : i32
      %add3A_124 = arith.constant 0 : i32
      %add3A_125 = arith.addi %add3A_124, %mul3A_123 : i32
      %add3A_126 = arith.constant 0 : i32
      %add3A_127 = arith.addi %add3A_125, %add3A_126 : i32
      %get3A = arith.index_cast %add3A_127 : i32 to index
      %get3A_128 = tpu.vector_load %arg13[%get3A] {strides = array<i32>} : memref<2048xf32, #tpu.memory_space<vmem>>, vector<16xf32>,
      %get3A_129 = vector.shape_cast %get3A_128 : vector<16xf32> to vector<16xf32>
      %add3A_130 = arith.constant 0 : i32
      %add3A_131 = arith.addi %add3A_125, %add3A_130 : i32
      %get3A_132 = arith.index_cast %add3A_131 : i32 to index
      %get3A_133 = tpu.vector_load %arg15[%get3A_132] {strides = array<i32>} : memref<2048xf32, #tpu.memory_space<vmem>>, vector<16xf32>,
      %get3A_134 = vector.shape_cast %get3A_133 : vector<16xf32> to vector<16xf32>
      %mul3A_135 = arith.mulf %get3A_129, %get3A_134 : vector<16xf32>
      %add3A_136 = arith.constant 0 : i32
      %add3A_137 = arith.addi %add3A_125, %add3A_136 : i32
      %swap3A = arith.index_cast %add3A_137 : i32 to index
      %swap3A_138 = tpu.vector_load %arg17[%swap3A] {strides = array<i32>} : memref<2048xf32, #tpu.memory_space<vmem>>, vector<16xf32>,
      %swap3A_139 = vector.shape_cast %swap3A_138 : vector<16xf32> to vector<16xf32>
      %swap3A_140 = vector.shape_cast %mul3A_135 : vector<16xf32> to vector<16xf32>
      tpu.vector_store %arg17[%swap3A], %swap3A_140 {strides = array<i32>} : memref<2048xf32, #tpu.memory_space<vmem>>, vector<16xf32>,
      %add3A_141 = arith.constant 16 : i32
      %add3A_142 = arith.addi %add3A_125, %add3A_141 : i32
      %get3A_143 = arith.index_cast %add3A_142 : i32 to index
      %get3A_144 = tpu.vector_load %arg13[%get3A_143] {strides = array<i32>} : memref<2048xf32, #tpu.memory_space<vmem>>, vector<16xf32>,
      %get3A_145 = vector.shape_cast %get3A_144 : vector<16xf32> to vector<16xf32>
      %add3A_146 = arith.constant 16 : i32
      %add3A_147 = arith.addi %add3A_125, %add3A_146 : i32
      %get3A_148 = arith.index_cast %add3A_147 : i32 to index
      %get3A_149 = tpu.vector_load %arg15[%get3A_148] {strides = array<i32>} : memref<2048xf32, #tpu.memory_space<vmem>>, vector<16xf32>,
      %get3A_150 = vector.shape_cast %get3A_149 : vector<16xf32> to vector<16xf32>
      %mul3A_151 = arith.mulf %get3A_145, %get3A_150 : vector<16xf32>
      %add3A_152 = arith.constant 16 : i32
      %add3A_153 = arith.addi %add3A_125, %add3A_152 : i32
      %swap3A_154 = arith.index_cast %add3A_153 : i32 to index
      %swap3A_155 = tpu.vector_load %arg17[%swap3A_154] {strides = array<i32>} : memref<2048xf32, #tpu.memory_space<vmem>>, vector<16xf32>,
      %swap3A_156 = vector.shape_cast %swap3A_155 : vector<16xf32> to vector<16xf32>
      %swap3A_157 = vector.shape_cast %mul3A_151 : vector<16xf32> to vector<16xf32>
      tpu.vector_store %arg17[%swap3A_154], %swap3A_157 {strides = array<i32>} : memref<2048xf32, #tpu.memory_space<vmem>>, vector<16xf32>,
      %add3A_158 = arith.constant 32 : i32
      %add3A_159 = arith.addi %add3A_125, %add3A_158 : i32
      %get3A_160 = arith.index_cast %add3A_159 : i32 to index
      %get3A_161 = tpu.vector_load %arg13[%get3A_160] {strides = array<i32>} : memref<2048xf32, #tpu.memory_space<vmem>>, vector<16xf32>,
      %get3A_162 = vector.shape_cast %get3A_161 : vector<16xf32> to vector<16xf32>
      %add3A_163 = arith.constant 32 : i32
      %add3A_164 = arith.addi %add3A_125, %add3A_163 : i32
      %get3A_165 = arith.index_cast %add3A_164 : i32 to index
      %get3A_166 = tpu.vector_load %arg15[%get3A_165] {strides = array<i32>} : memref<2048xf32, #tpu.memory_space<vmem>>, vector<16xf32>,
      %get3A_167 = vector.shape_cast %get3A_166 : vector<16xf32> to vector<16xf32>
      %mul3A_168 = arith.mulf %get3A_162, %get3A_167 : vector<16xf32>
      %add3A_169 = arith.constant 32 : i32
      %add3A_170 = arith.addi %add3A_125, %add3A_169 : i32
      %swap3A_171 = arith.index_cast %add3A_170 : i32 to index
      %swap3A_172 = tpu.vector_load %arg17[%swap3A_171] {strides = array<i32>} : memref<2048xf32, #tpu.memory_space<vmem>>, vector<16xf32>,
      %swap3A_173 = vector.shape_cast %swap3A_172 : vector<16xf32> to vector<16xf32>
      %swap3A_174 = vector.shape_cast %mul3A_168 : vector<16xf32> to vector<16xf32>
      tpu.vector_store %arg17[%swap3A_171], %swap3A_174 {strides = array<i32>} : memref<2048xf32, #tpu.memory_space<vmem>>, vector<16xf32>,
      %add3A_175 = arith.constant 48 : i32
      %add3A_176 = arith.addi %add3A_125, %add3A_175 : i32
      %get3A_177 = arith.index_cast %add3A_176 : i32 to index
      %get3A_178 = tpu.vector_load %arg13[%get3A_177] {strides = array<i32>} : memref<2048xf32, #tpu.memory_space<vmem>>, vector<16xf32>,
      %get3A_179 = vector.shape_cast %get3A_178 : vector<16xf32> to vector<16xf32>
      %add3A_180 = arith.constant 48 : i32
      %add3A_181 = arith.addi %add3A_125, %add3A_180 : i32
      %get3A_182 = arith.index_cast %add3A_181 : i32 to index
      %get3A_183 = tpu.vector_load %arg15[%get3A_182] {strides = array<i32>} : memref<2048xf32, #tpu.memory_space<vmem>>, vector<16xf32>,
      %get3A_184 = vector.shape_cast %get3A_183 : vector<16xf32> to vector<16xf32>
      %mul3A_185 = arith.mulf %get3A_179, %get3A_184 : vector<16xf32>
      %add3A_186 = arith.constant 48 : i32
      %add3A_187 = arith.addi %add3A_125, %add3A_186 : i32
      %swap3A_188 = arith.index_cast %add3A_187 : i32 to index
      %swap3A_189 = tpu.vector_load %arg17[%swap3A_188] {strides = array<i32>} : memref<2048xf32, #tpu.memory_space<vmem>>, vector<16xf32>,
      %swap3A_190 = vector.shape_cast %swap3A_189 : vector<16xf32> to vector<16xf32>
      %swap3A_191 = vector.shape_cast %mul3A_185 : vector<16xf32> to vector<16xf32>
      tpu.vector_store %arg17[%swap3A_188], %swap3A_191 {strides = array<i32>} : memref<2048xf32, #tpu.memory_space<vmem>>, vector<16xf32>,
    }
    %scan3A_53 = arith.constant 32 : i32
    "tpu.region"() ({
      %run_scoped3A = tpu.sem_alloc : memref<!tpu.dma_semaphore, #tpu.memory_space<semaphore_mem>>
      %dma_start3A_121 = arith.constant 0 : i32
      %dma_start3A_122 = tpu.memref_slice %arg8[%dma_start3A_121] : memref<100352xf32, #tpu.memory_space<vmem_shared>> -> memref<100352xf32, #tpu.memory_space<vmem_shared>>
      tpu.enqueue_indirect_dma source(%arg17 : memref<2048xf32, #tpu.memory_space<vmem>>) target(%dma_start3A_122 : memref<100352xf32, #tpu.memory_space<vmem_shared>>) offsets(%arg11 : memref<2048xi32, #tpu.memory_space<vmem>>) semaphore(%run_scoped3A : memref<!tpu.dma_semaphore, #tpu.memory_space<semaphore_mem>>) {add = true}
      %dma_wait3A_123 = arith.constant 0 : i32
      %dma_wait3A_124 = tpu.memref_slice %arg8[%dma_wait3A_123] : memref<100352xf32, #tpu.memory_space<vmem_shared>> -> memref<100352xf32, #tpu.memory_space<vmem_shared>>
      tpu.wait_indirect_dma semaphore(%run_scoped3A : memref<!tpu.dma_semaphore, #tpu.memory_space<semaphore_mem>>) src(%arg17 : memref<2048xf32, #tpu.memory_space<vmem>>) dst(%dma_wait3A_124 : memref<100352xf32, #tpu.memory_space<vmem_shared>>)
      tpu.yield
    }) : () -> ()
    %add3A_54 = arith.constant 4096 : i32
    %add3A_55 = arith.addi %mul3A_12, %add3A_54 : i32
    %dma_start3A_56 = tpu.memref_slice %arg3[%add3A_55] : memref<3276800xi32, #tpu.memory_space<hbm>> -> memref<2048xi32, #tpu.memory_space<hbm>>
    %dma_start3A_57 = tpu.memref_slice %arg3[%add3A_55] : memref<3276800xi32, #tpu.memory_space<hbm>> -> memref<2048xi32, #tpu.memory_space<hbm>>
    tpu.enqueue_dma source(%dma_start3A_57 : memref<2048xi32, #tpu.memory_space<hbm>>) target(%arg9 : memref<2048xi32, #tpu.memory_space<vmem>>) target_semaphore(%arg19 : memref<!tpu.dma_semaphore, #tpu.memory_space<semaphore_mem>>)
    %dma_start3A_58 = tpu.memref_slice %arg4[%add3A_55] : memref<3276800xi32, #tpu.memory_space<hbm>> -> memref<2048xi32, #tpu.memory_space<hbm>>
    %dma_start3A_59 = tpu.memref_slice %arg4[%add3A_55] : memref<3276800xi32, #tpu.memory_space<hbm>> -> memref<2048xi32, #tpu.memory_space<hbm>>
    tpu.enqueue_dma source(%dma_start3A_59 : memref<2048xi32, #tpu.memory_space<hbm>>) target(%arg11 : memref<2048xi32, #tpu.memory_space<vmem>>) target_semaphore(%arg19 : memref<!tpu.dma_semaphore, #tpu.memory_space<semaphore_mem>>)
    %dma_start3A_60 = tpu.memref_slice %arg5[%add3A_55] : memref<3276800xf32, #tpu.memory_space<hbm>> -> memref<2048xf32, #tpu.memory_space<hbm>>
    %dma_start3A_61 = tpu.memref_slice %arg5[%add3A_55] : memref<3276800xf32, #tpu.memory_space<hbm>> -> memref<2048xf32, #tpu.memory_space<hbm>>
    tpu.enqueue_dma source(%dma_start3A_61 : memref<2048xf32, #tpu.memory_space<hbm>>) target(%arg13 : memref<2048xf32, #tpu.memory_space<vmem>>) target_semaphore(%arg19 : memref<!tpu.dma_semaphore, #tpu.memory_space<semaphore_mem>>)
    %scan3A_62 = arith.constant 0 : i32
    %scan3A_63 = arith.constant 23 : i32
    %scan3A_64 = arith.addi %scan3A_62, %scan3A_63 : i32
    %scan3A_65 = arith.constant 1 : i32
    scf.for %scan3A_121 = %scan3A_62 to %scan3A_64 step %scan3A_65  : i32 {
      %mul3A_122 = arith.constant 2 : i32
      %mul3A_123 = arith.muli %scan3A_121, %mul3A_122 : i32
      %add3A_124 = arith.constant 1 : i32
      %add3A_125 = arith.addi %add3A_124, %mul3A_123 : i32
      %dma_wait3A_126 = arith.constant 0 : i32
      %dma_wait3A_127 = tpu.memref_slice %arg7[%dma_wait3A_126] : memref<100352xf32, #tpu.memory_space<vmem_shared>> -> memref<100352xf32, #tpu.memory_space<vmem_shared>>
      tpu.wait_indirect_dma semaphore(%arg21 : memref<!tpu.dma_semaphore, #tpu.memory_space<semaphore_mem>>) src(%dma_wait3A_127 : memref<100352xf32, #tpu.memory_space<vmem_shared>>) dst(%arg16 : memref<2048xf32, #tpu.memory_space<vmem>>)
      %add3A_128 = arith.constant 1 : i32
      %add3A_129 = arith.addi %add3A_125, %add3A_128 : i32
      %mul3A_130 = arith.constant 2048 : i32
      %mul3A_131 = arith.muli %add3A_129, %mul3A_130 : i32
      %add3A_132 = arith.addi %mul3A_12, %mul3A_131 : i32
      %dma_wait3A_133 = tpu.memref_slice %arg3[%add3A_132] : memref<3276800xi32, #tpu.memory_space<hbm>> -> memref<2048xi32, #tpu.memory_space<hbm>>
      %dma_wait3A_134 = tpu.memref_slice %arg3[%add3A_132] : memref<3276800xi32, #tpu.memory_space<hbm>> -> memref<2048xi32, #tpu.memory_space<hbm>>
      tpu.wait_dma2 semaphore(%arg19 : memref<!tpu.dma_semaphore, #tpu.memory_space<semaphore_mem>>) src(%dma_wait3A_134 : memref<2048xi32, #tpu.memory_space<hbm>>) dst(%arg9 : memref<2048xi32, #tpu.memory_space<vmem>>)
      %dma_wait3A_135 = tpu.memref_slice %arg4[%add3A_132] : memref<3276800xi32, #tpu.memory_space<hbm>> -> memref<2048xi32, #tpu.memory_space<hbm>>
      %dma_wait3A_136 = tpu.memref_slice %arg4[%add3A_132] : memref<3276800xi32, #tpu.memory_space<hbm>> -> memref<2048xi32, #tpu.memory_space<hbm>>
      tpu.wait_dma2 semaphore(%arg19 : memref<!tpu.dma_semaphore, #tpu.memory_space<semaphore_mem>>) src(%dma_wait3A_136 : memref<2048xi32, #tpu.memory_space<hbm>>) dst(%arg11 : memref<2048xi32, #tpu.memory_space<vmem>>)
      %dma_wait3A_137 = tpu.memref_slice %arg5[%add3A_132] : memref<3276800xf32, #tpu.memory_space<hbm>> -> memref<2048xf32, #tpu.memory_space<hbm>>
      %dma_wait3A_138 = tpu.memref_slice %arg5[%add3A_132] : memref<3276800xf32, #tpu.memory_space<hbm>> -> memref<2048xf32, #tpu.memory_space<hbm>>
      tpu.wait_dma2 semaphore(%arg19 : memref<!tpu.dma_semaphore, #tpu.memory_space<semaphore_mem>>) src(%dma_wait3A_138 : memref<2048xf32, #tpu.memory_space<hbm>>) dst(%arg13 : memref<2048xf32, #tpu.memory_space<vmem>>)
      %dma_start3A_139 = arith.constant 0 : i32
      %dma_start3A_140 = tpu.memref_slice %arg7[%dma_start3A_139] : memref<100352xf32, #tpu.memory_space<vmem_shared>> -> memref<100352xf32, #tpu.memory_space<vmem_shared>>
      tpu.enqueue_indirect_dma source(%dma_start3A_140 : memref<100352xf32, #tpu.memory_space<vmem_shared>>) target(%arg15 : memref<2048xf32, #tpu.memory_space<vmem>>) offsets(%arg9 : memref<2048xi32, #tpu.memory_space<vmem>>) semaphore(%arg21 : memref<!tpu.dma_semaphore, #tpu.memory_space<semaphore_mem>>)
      %scan3A_141 = arith.constant 0 : i32
      %scan3A_142 = arith.constant 32 : i32
      %scan3A_143 = arith.addi %scan3A_141, %scan3A_142 : i32
      %scan3A_144 = arith.constant 1 : i32
      scf.for %scan3A_190 = %scan3A_141 to %scan3A_143 step %scan3A_144  : i32 {
        %mul3A_191 = arith.constant 64 : i32
        %mul3A_192 = arith.muli %scan3A_190, %mul3A_191 : i32
        %add3A_193 = arith.constant 0 : i32
        %add3A_194 = arith.addi %add3A_193, %mul3A_192 : i32
        %add3A_195 = arith.constant 0 : i32
        %add3A_196 = arith.addi %add3A_194, %add3A_195 : i32
        %get3A = arith.index_cast %add3A_196 : i32 to index
        %get3A_197 = tpu.vector_load %arg14[%get3A] {strides = array<i32>} : memref<2048xf32, #tpu.memory_space<vmem>>, vector<16xf32>,
        %get3A_198 = vector.shape_cast %get3A_197 : vector<16xf32> to vector<16xf32>
        %add3A_199 = arith.constant 0 : i32
        %add3A_200 = arith.addi %add3A_194, %add3A_199 : i32
        %get3A_201 = arith.index_cast %add3A_200 : i32 to index
        %get3A_202 = tpu.vector_load %arg16[%get3A_201] {strides = array<i32>} : memref<2048xf32, #tpu.memory_space<vmem>>, vector<16xf32>,
        %get3A_203 = vector.shape_cast %get3A_202 : vector<16xf32> to vector<16xf32>
        %mul3A_204 = arith.mulf %get3A_198, %get3A_203 : vector<16xf32>
        %add3A_205 = arith.constant 0 : i32
        %add3A_206 = arith.addi %add3A_194, %add3A_205 : i32
        %swap3A = arith.index_cast %add3A_206 : i32 to index
        %swap3A_207 = tpu.vector_load %arg17[%swap3A] {strides = array<i32>} : memref<2048xf32, #tpu.memory_space<vmem>>, vector<16xf32>,
        %swap3A_208 = vector.shape_cast %swap3A_207 : vector<16xf32> to vector<16xf32>
        %swap3A_209 = vector.shape_cast %mul3A_204 : vector<16xf32> to vector<16xf32>
        tpu.vector_store %arg17[%swap3A], %swap3A_209 {strides = array<i32>} : memref<2048xf32, #tpu.memory_space<vmem>>, vector<16xf32>,
        %add3A_210 = arith.constant 16 : i32
        %add3A_211 = arith.addi %add3A_194, %add3A_210 : i32
        %get3A_212 = arith.index_cast %add3A_211 : i32 to index
        %get3A_213 = tpu.vector_load %arg14[%get3A_212] {strides = array<i32>} : memref<2048xf32, #tpu.memory_space<vmem>>, vector<16xf32>,
        %get3A_214 = vector.shape_cast %get3A_213 : vector<16xf32> to vector<16xf32>
        %add3A_215 = arith.constant 16 : i32
        %add3A_216 = arith.addi %add3A_194, %add3A_215 : i32
        %get3A_217 = arith.index_cast %add3A_216 : i32 to index
        %get3A_218 = tpu.vector_load %arg16[%get3A_217] {strides = array<i32>} : memref<2048xf32, #tpu.memory_space<vmem>>, vector<16xf32>,
        %get3A_219 = vector.shape_cast %get3A_218 : vector<16xf32> to vector<16xf32>
        %mul3A_220 = arith.mulf %get3A_214, %get3A_219 : vector<16xf32>
        %add3A_221 = arith.constant 16 : i32
        %add3A_222 = arith.addi %add3A_194, %add3A_221 : i32
        %swap3A_223 = arith.index_cast %add3A_222 : i32 to index
        %swap3A_224 = tpu.vector_load %arg17[%swap3A_223] {strides = array<i32>} : memref<2048xf32, #tpu.memory_space<vmem>>, vector<16xf32>,
        %swap3A_225 = vector.shape_cast %swap3A_224 : vector<16xf32> to vector<16xf32>
        %swap3A_226 = vector.shape_cast %mul3A_220 : vector<16xf32> to vector<16xf32>
        tpu.vector_store %arg17[%swap3A_223], %swap3A_226 {strides = array<i32>} : memref<2048xf32, #tpu.memory_space<vmem>>, vector<16xf32>,
        %add3A_227 = arith.constant 32 : i32
        %add3A_228 = arith.addi %add3A_194, %add3A_227 : i32
        %get3A_229 = arith.index_cast %add3A_228 : i32 to index
        %get3A_230 = tpu.vector_load %arg14[%get3A_229] {strides = array<i32>} : memref<2048xf32, #tpu.memory_space<vmem>>, vector<16xf32>,
        %get3A_231 = vector.shape_cast %get3A_230 : vector<16xf32> to vector<16xf32>
        %add3A_232 = arith.constant 32 : i32
        %add3A_233 = arith.addi %add3A_194, %add3A_232 : i32
        %get3A_234 = arith.index_cast %add3A_233 : i32 to index
        %get3A_235 = tpu.vector_load %arg16[%get3A_234] {strides = array<i32>} : memref<2048xf32, #tpu.memory_space<vmem>>, vector<16xf32>,
        %get3A_236 = vector.shape_cast %get3A_235 : vector<16xf32> to vector<16xf32>
        %mul3A_237 = arith.mulf %get3A_231, %get3A_236 : vector<16xf32>
        %add3A_238 = arith.constant 32 : i32
        %add3A_239 = arith.addi %add3A_194, %add3A_238 : i32
        %swap3A_240 = arith.index_cast %add3A_239 : i32 to index
        %swap3A_241 = tpu.vector_load %arg17[%swap3A_240] {strides = array<i32>} : memref<2048xf32, #tpu.memory_space<vmem>>, vector<16xf32>,
        %swap3A_242 = vector.shape_cast %swap3A_241 : vector<16xf32> to vector<16xf32>
        %swap3A_243 = vector.shape_cast %mul3A_237 : vector<16xf32> to vector<16xf32>
        tpu.vector_store %arg17[%swap3A_240], %swap3A_243 {strides = array<i32>} : memref<2048xf32, #tpu.memory_space<vmem>>, vector<16xf32>,
        %add3A_244 = arith.constant 48 : i32
        %add3A_245 = arith.addi %add3A_194, %add3A_244 : i32
        %get3A_246 = arith.index_cast %add3A_245 : i32 to index
        %get3A_247 = tpu.vector_load %arg14[%get3A_246] {strides = array<i32>} : memref<2048xf32, #tpu.memory_space<vmem>>, vector<16xf32>,
        %get3A_248 = vector.shape_cast %get3A_247 : vector<16xf32> to vector<16xf32>
        %add3A_249 = arith.constant 48 : i32
        %add3A_250 = arith.addi %add3A_194, %add3A_249 : i32
        %get3A_251 = arith.index_cast %add3A_250 : i32 to index
        %get3A_252 = tpu.vector_load %arg16[%get3A_251] {strides = array<i32>} : memref<2048xf32, #tpu.memory_space<vmem>>, vector<16xf32>,
        %get3A_253 = vector.shape_cast %get3A_252 : vector<16xf32> to vector<16xf32>
        %mul3A_254 = arith.mulf %get3A_248, %get3A_253 : vector<16xf32>
        %add3A_255 = arith.constant 48 : i32
        %add3A_256 = arith.addi %add3A_194, %add3A_255 : i32
        %swap3A_257 = arith.index_cast %add3A_256 : i32 to index
        %swap3A_258 = tpu.vector_load %arg17[%swap3A_257] {strides = array<i32>} : memref<2048xf32, #tpu.memory_space<vmem>>, vector<16xf32>,
        %swap3A_259 = vector.shape_cast %swap3A_258 : vector<16xf32> to vector<16xf32>
        %swap3A_260 = vector.shape_cast %mul3A_254 : vector<16xf32> to vector<16xf32>
        tpu.vector_store %arg17[%swap3A_257], %swap3A_260 {strides = array<i32>} : memref<2048xf32, #tpu.memory_space<vmem>>, vector<16xf32>,
      }
      %scan3A_145 = arith.constant 32 : i32
      "tpu.region"() ({
        %run_scoped3A = tpu.sem_alloc : memref<!tpu.dma_semaphore, #tpu.memory_space<semaphore_mem>>
        %dma_start3A_190 = arith.constant 0 : i32
        %dma_start3A_191 = tpu.memref_slice %arg8[%dma_start3A_190] : memref<100352xf32, #tpu.memory_space<vmem_shared>> -> memref<100352xf32, #tpu.memory_space<vmem_shared>>
        tpu.enqueue_indirect_dma source(%arg17 : memref<2048xf32, #tpu.memory_space<vmem>>) target(%dma_start3A_191 : memref<100352xf32, #tpu.memory_space<vmem_shared>>) offsets(%arg12 : memref<2048xi32, #tpu.memory_space<vmem>>) semaphore(%run_scoped3A : memref<!tpu.dma_semaphore, #tpu.memory_space<semaphore_mem>>) {add = true}
        %dma_wait3A_192 = arith.constant 0 : i32
        %dma_wait3A_193 = tpu.memref_slice %arg8[%dma_wait3A_192] : memref<100352xf32, #tpu.memory_space<vmem_shared>> -> memref<100352xf32, #tpu.memory_space<vmem_shared>>
        tpu.wait_indirect_dma semaphore(%run_scoped3A : memref<!tpu.dma_semaphore, #tpu.memory_space<semaphore_mem>>) src(%arg17 : memref<2048xf32, #tpu.memory_space<vmem>>) dst(%dma_wait3A_193 : memref<100352xf32, #tpu.memory_space<vmem_shared>>)
        tpu.yield
      }) : () -> ()
      %add3A_146 = arith.constant 2 : i32
      %add3A_147 = arith.addi %add3A_125, %add3A_146 : i32
      %mul3A_148 = arith.constant 2048 : i32
      %mul3A_149 = arith.muli %add3A_147, %mul3A_148 : i32
      %add3A_150 = arith.addi %mul3A_12, %mul3A_149 : i32
      %dma_start3A_151 = tpu.memref_slice %arg3[%add3A_150] : memref<3276800xi32, #tpu.memory_space<hbm>> -> memref<2048xi32, #tpu.memory_space<hbm>>
      %dma_start3A_152 = tpu.memref_slice %arg3[%add3A_150] : memref<3276800xi32, #tpu.memory_space<hbm>> -> memref<2048xi32, #tpu.memory_space<hbm>>
      tpu.enqueue_dma source(%dma_start3A_152 : memref<2048xi32, #tpu.memory_space<hbm>>) target(%arg10 : memref<2048xi32, #tpu.memory_space<vmem>>) target_semaphore(%arg20 : memref<!tpu.dma_semaphore, #tpu.memory_space<semaphore_mem>>)
      %dma_start3A_153 = tpu.memref_slice %arg4[%add3A_150] : memref<3276800xi32, #tpu.memory_space<hbm>> -> memref<2048xi32, #tpu.memory_space<hbm>>
      %dma_start3A_154 = tpu.memref_slice %arg4[%add3A_150] : memref<3276800xi32, #tpu.memory_space<hbm>> -> memref<2048xi32, #tpu.memory_space<hbm>>
      tpu.enqueue_dma source(%dma_start3A_154 : memref<2048xi32, #tpu.memory_space<hbm>>) target(%arg12 : memref<2048xi32, #tpu.memory_space<vmem>>) target_semaphore(%arg20 : memref<!tpu.dma_semaphore, #tpu.memory_space<semaphore_mem>>)
      %dma_start3A_155 = tpu.memref_slice %arg5[%add3A_150] : memref<3276800xf32, #tpu.memory_space<hbm>> -> memref<2048xf32, #tpu.memory_space<hbm>>
      %dma_start3A_156 = tpu.memref_slice %arg5[%add3A_150] : memref<3276800xf32, #tpu.memory_space<hbm>> -> memref<2048xf32, #tpu.memory_space<hbm>>
      tpu.enqueue_dma source(%dma_start3A_156 : memref<2048xf32, #tpu.memory_space<hbm>>) target(%arg14 : memref<2048xf32, #tpu.memory_space<vmem>>) target_semaphore(%arg20 : memref<!tpu.dma_semaphore, #tpu.memory_space<semaphore_mem>>)
      %add3A_157 = arith.constant 1 : i32
      %add3A_158 = arith.addi %add3A_125, %add3A_157 : i32
      %dma_wait3A_159 = arith.constant 0 : i32
      %dma_wait3A_160 = tpu.memref_slice %arg7[%dma_wait3A_159] : memref<100352xf32, #tpu.memory_space<vmem_shared>> -> memref<100352xf32, #tpu.memory_space<vmem_shared>>
      tpu.wait_indirect_dma semaphore(%arg21 : memref<!tpu.dma_semaphore, #tpu.memory_space<semaphore_mem>>) src(%dma_wait3A_160 : memref<100352xf32, #tpu.memory_space<vmem_shared>>) dst(%arg15 : memref<2048xf32, #tpu.memory_space<vmem>>)
      %add3A_161 = arith.constant 1 : i32
      %add3A_162 = arith.addi %add3A_158, %add3A_161 : i32
      %mul3A_163 = arith.constant 2048 : i32
      %mul3A_164 = arith.muli %add3A_162, %mul3A_163 : i32
      %add3A_165 = arith.addi %mul3A_12, %mul3A_164 : i32
      %dma_wait3A_166 = tpu.memref_slice %arg3[%add3A_165] : memref<3276800xi32, #tpu.memory_space<hbm>> -> memref<2048xi32, #tpu.memory_space<hbm>>
      %dma_wait3A_167 = tpu.memref_slice %arg3[%add3A_165] : memref<3276800xi32, #tpu.memory_space<hbm>> -> memref<2048xi32, #tpu.memory_space<hbm>>
      tpu.wait_dma2 semaphore(%arg20 : memref<!tpu.dma_semaphore, #tpu.memory_space<semaphore_mem>>) src(%dma_wait3A_167 : memref<2048xi32, #tpu.memory_space<hbm>>) dst(%arg10 : memref<2048xi32, #tpu.memory_space<vmem>>)
      %dma_wait3A_168 = tpu.memref_slice %arg4[%add3A_165] : memref<3276800xi32, #tpu.memory_space<hbm>> -> memref<2048xi32, #tpu.memory_space<hbm>>
      %dma_wait3A_169 = tpu.memref_slice %arg4[%add3A_165] : memref<3276800xi32, #tpu.memory_space<hbm>> -> memref<2048xi32, #tpu.memory_space<hbm>>
      tpu.wait_dma2 semaphore(%arg20 : memref<!tpu.dma_semaphore, #tpu.memory_space<semaphore_mem>>) src(%dma_wait3A_169 : memref<2048xi32, #tpu.memory_space<hbm>>) dst(%arg12 : memref<2048xi32, #tpu.memory_space<vmem>>)
      %dma_wait3A_170 = tpu.memref_slice %arg5[%add3A_165] : memref<3276800xf32, #tpu.memory_space<hbm>> -> memref<2048xf32, #tpu.memory_space<hbm>>
      %dma_wait3A_171 = tpu.memref_slice %arg5[%add3A_165] : memref<3276800xf32, #tpu.memory_space<hbm>> -> memref<2048xf32, #tpu.memory_space<hbm>>
      tpu.wait_dma2 semaphore(%arg20 : memref<!tpu.dma_semaphore, #tpu.memory_space<semaphore_mem>>) src(%dma_wait3A_171 : memref<2048xf32, #tpu.memory_space<hbm>>) dst(%arg14 : memref<2048xf32, #tpu.memory_space<vmem>>)
      %dma_start3A_172 = arith.constant 0 : i32
      %dma_start3A_173 = tpu.memref_slice %arg7[%dma_start3A_172] : memref<100352xf32, #tpu.memory_space<vmem_shared>> -> memref<100352xf32, #tpu.memory_space<vmem_shared>>
      tpu.enqueue_indirect_dma source(%dma_start3A_173 : memref<100352xf32, #tpu.memory_space<vmem_shared>>) target(%arg16 : memref<2048xf32, #tpu.memory_space<vmem>>) offsets(%arg10 : memref<2048xi32, #tpu.memory_space<vmem>>) semaphore(%arg21 : memref<!tpu.dma_semaphore, #tpu.memory_space<semaphore_mem>>)
      %scan3A_174 = arith.constant 0 : i32
      %scan3A_175 = arith.constant 32 : i32
      %scan3A_176 = arith.addi %scan3A_174, %scan3A_175 : i32
      %scan3A_177 = arith.constant 1 : i32
      scf.for %scan3A_190 = %scan3A_174 to %scan3A_176 step %scan3A_177  : i32 {
        %mul3A_191 = arith.constant 64 : i32
        %mul3A_192 = arith.muli %scan3A_190, %mul3A_191 : i32
        %add3A_193 = arith.constant 0 : i32
        %add3A_194 = arith.addi %add3A_193, %mul3A_192 : i32
        %add3A_195 = arith.constant 0 : i32
        %add3A_196 = arith.addi %add3A_194, %add3A_195 : i32
        %get3A = arith.index_cast %add3A_196 : i32 to index
        %get3A_197 = tpu.vector_load %arg13[%get3A] {strides = array<i32>} : memref<2048xf32, #tpu.memory_space<vmem>>, vector<16xf32>,
        %get3A_198 = vector.shape_cast %get3A_197 : vector<16xf32> to vector<16xf32>
        %add3A_199 = arith.constant 0 : i32
        %add3A_200 = arith.addi %add3A_194, %add3A_199 : i32
        %get3A_201 = arith.index_cast %add3A_200 : i32 to index
        %get3A_202 = tpu.vector_load %arg15[%get3A_201] {strides = array<i32>} : memref<2048xf32, #tpu.memory_space<vmem>>, vector<16xf32>,
        %get3A_203 = vector.shape_cast %get3A_202 : vector<16xf32> to vector<16xf32>
        %mul3A_204 = arith.mulf %get3A_198, %get3A_203 : vector<16xf32>
        %add3A_205 = arith.constant 0 : i32
        %add3A_206 = arith.addi %add3A_194, %add3A_205 : i32
        %swap3A = arith.index_cast %add3A_206 : i32 to index
        %swap3A_207 = tpu.vector_load %arg17[%swap3A] {strides = array<i32>} : memref<2048xf32, #tpu.memory_space<vmem>>, vector<16xf32>,
        %swap3A_208 = vector.shape_cast %swap3A_207 : vector<16xf32> to vector<16xf32>
        %swap3A_209 = vector.shape_cast %mul3A_204 : vector<16xf32> to vector<16xf32>
        tpu.vector_store %arg17[%swap3A], %swap3A_209 {strides = array<i32>} : memref<2048xf32, #tpu.memory_space<vmem>>, vector<16xf32>,
        %add3A_210 = arith.constant 16 : i32
        %add3A_211 = arith.addi %add3A_194, %add3A_210 : i32
        %get3A_212 = arith.index_cast %add3A_211 : i32 to index
        %get3A_213 = tpu.vector_load %arg13[%get3A_212] {strides = array<i32>} : memref<2048xf32, #tpu.memory_space<vmem>>, vector<16xf32>,
        %get3A_214 = vector.shape_cast %get3A_213 : vector<16xf32> to vector<16xf32>
        %add3A_215 = arith.constant 16 : i32
        %add3A_216 = arith.addi %add3A_194, %add3A_215 : i32
        %get3A_217 = arith.index_cast %add3A_216 : i32 to index
        %get3A_218 = tpu.vector_load %arg15[%get3A_217] {strides = array<i32>} : memref<2048xf32, #tpu.memory_space<vmem>>, vector<16xf32>,
        %get3A_219 = vector.shape_cast %get3A_218 : vector<16xf32> to vector<16xf32>
        %mul3A_220 = arith.mulf %get3A_214, %get3A_219 : vector<16xf32>
        %add3A_221 = arith.constant 16 : i32
        %add3A_222 = arith.addi %add3A_194, %add3A_221 : i32
        %swap3A_223 = arith.index_cast %add3A_222 : i32 to index
        %swap3A_224 = tpu.vector_load %arg17[%swap3A_223] {strides = array<i32>} : memref<2048xf32, #tpu.memory_space<vmem>>, vector<16xf32>,
        %swap3A_225 = vector.shape_cast %swap3A_224 : vector<16xf32> to vector<16xf32>
        %swap3A_226 = vector.shape_cast %mul3A_220 : vector<16xf32> to vector<16xf32>
        tpu.vector_store %arg17[%swap3A_223], %swap3A_226 {strides = array<i32>} : memref<2048xf32, #tpu.memory_space<vmem>>, vector<16xf32>,
        %add3A_227 = arith.constant 32 : i32
        %add3A_228 = arith.addi %add3A_194, %add3A_227 : i32
        %get3A_229 = arith.index_cast %add3A_228 : i32 to index
        %get3A_230 = tpu.vector_load %arg13[%get3A_229] {strides = array<i32>} : memref<2048xf32, #tpu.memory_space<vmem>>, vector<16xf32>,
        %get3A_231 = vector.shape_cast %get3A_230 : vector<16xf32> to vector<16xf32>
        %add3A_232 = arith.constant 32 : i32
        %add3A_233 = arith.addi %add3A_194, %add3A_232 : i32
        %get3A_234 = arith.index_cast %add3A_233 : i32 to index
        %get3A_235 = tpu.vector_load %arg15[%get3A_234] {strides = array<i32>} : memref<2048xf32, #tpu.memory_space<vmem>>, vector<16xf32>,
        %get3A_236 = vector.shape_cast %get3A_235 : vector<16xf32> to vector<16xf32>
        %mul3A_237 = arith.mulf %get3A_231, %get3A_236 : vector<16xf32>
        %add3A_238 = arith.constant 32 : i32
        %add3A_239 = arith.addi %add3A_194, %add3A_238 : i32
        %swap3A_240 = arith.index_cast %add3A_239 : i32 to index
        %swap3A_241 = tpu.vector_load %arg17[%swap3A_240] {strides = array<i32>} : memref<2048xf32, #tpu.memory_space<vmem>>, vector<16xf32>,
        %swap3A_242 = vector.shape_cast %swap3A_241 : vector<16xf32> to vector<16xf32>
        %swap3A_243 = vector.shape_cast %mul3A_237 : vector<16xf32> to vector<16xf32>
        tpu.vector_store %arg17[%swap3A_240], %swap3A_243 {strides = array<i32>} : memref<2048xf32, #tpu.memory_space<vmem>>, vector<16xf32>,
        %add3A_244 = arith.constant 48 : i32
        %add3A_245 = arith.addi %add3A_194, %add3A_244 : i32
        %get3A_246 = arith.index_cast %add3A_245 : i32 to index
        %get3A_247 = tpu.vector_load %arg13[%get3A_246] {strides = array<i32>} : memref<2048xf32, #tpu.memory_space<vmem>>, vector<16xf32>,
        %get3A_248 = vector.shape_cast %get3A_247 : vector<16xf32> to vector<16xf32>
        %add3A_249 = arith.constant 48 : i32
        %add3A_250 = arith.addi %add3A_194, %add3A_249 : i32
        %get3A_251 = arith.index_cast %add3A_250 : i32 to index
        %get3A_252 = tpu.vector_load %arg15[%get3A_251] {strides = array<i32>} : memref<2048xf32, #tpu.memory_space<vmem>>, vector<16xf32>,
        %get3A_253 = vector.shape_cast %get3A_252 : vector<16xf32> to vector<16xf32>
        %mul3A_254 = arith.mulf %get3A_248, %get3A_253 : vector<16xf32>
        %add3A_255 = arith.constant 48 : i32
        %add3A_256 = arith.addi %add3A_194, %add3A_255 : i32
        %swap3A_257 = arith.index_cast %add3A_256 : i32 to index
        %swap3A_258 = tpu.vector_load %arg17[%swap3A_257] {strides = array<i32>} : memref<2048xf32, #tpu.memory_space<vmem>>, vector<16xf32>,
        %swap3A_259 = vector.shape_cast %swap3A_258 : vector<16xf32> to vector<16xf32>
        %swap3A_260 = vector.shape_cast %mul3A_254 : vector<16xf32> to vector<16xf32>
        tpu.vector_store %arg17[%swap3A_257], %swap3A_260 {strides = array<i32>} : memref<2048xf32, #tpu.memory_space<vmem>>, vector<16xf32>,
      }
      %scan3A_178 = arith.constant 32 : i32
      "tpu.region"() ({
        %run_scoped3A = tpu.sem_alloc : memref<!tpu.dma_semaphore, #tpu.memory_space<semaphore_mem>>
        %dma_start3A_190 = arith.constant 0 : i32
        %dma_start3A_191 = tpu.memref_slice %arg8[%dma_start3A_190] : memref<100352xf32, #tpu.memory_space<vmem_shared>> -> memref<100352xf32, #tpu.memory_space<vmem_shared>>
        tpu.enqueue_indirect_dma source(%arg17 : memref<2048xf32, #tpu.memory_space<vmem>>) target(%dma_start3A_191 : memref<100352xf32, #tpu.memory_space<vmem_shared>>) offsets(%arg11 : memref<2048xi32, #tpu.memory_space<vmem>>) semaphore(%run_scoped3A : memref<!tpu.dma_semaphore, #tpu.memory_space<semaphore_mem>>) {add = true}
        %dma_wait3A_192 = arith.constant 0 : i32
        %dma_wait3A_193 = tpu.memref_slice %arg8[%dma_wait3A_192] : memref<100352xf32, #tpu.memory_space<vmem_shared>> -> memref<100352xf32, #tpu.memory_space<vmem_shared>>
        tpu.wait_indirect_dma semaphore(%run_scoped3A : memref<!tpu.dma_semaphore, #tpu.memory_space<semaphore_mem>>) src(%arg17 : memref<2048xf32, #tpu.memory_space<vmem>>) dst(%dma_wait3A_193 : memref<100352xf32, #tpu.memory_space<vmem_shared>>)
        tpu.yield
      }) : () -> ()
      %add3A_179 = arith.constant 2 : i32
      %add3A_180 = arith.addi %add3A_158, %add3A_179 : i32
      %mul3A_181 = arith.constant 2048 : i32
      %mul3A_182 = arith.muli %add3A_180, %mul3A_181 : i32
      %add3A_183 = arith.addi %mul3A_12, %mul3A_182 : i32
      %dma_start3A_184 = tpu.memref_slice %arg3[%add3A_183] : memref<3276800xi32, #tpu.memory_space<hbm>> -> memref<2048xi32, #tpu.memory_space<hbm>>
      %dma_start3A_185 = tpu.memref_slice %arg3[%add3A_183] : memref<3276800xi32, #tpu.memory_space<hbm>> -> memref<2048xi32, #tpu.memory_space<hbm>>
      tpu.enqueue_dma source(%dma_start3A_185 : memref<2048xi32, #tpu.memory_space<hbm>>) target(%arg9 : memref<2048xi32, #tpu.memory_space<vmem>>) target_semaphore(%arg19 : memref<!tpu.dma_semaphore, #tpu.memory_space<semaphore_mem>>)
      %dma_start3A_186 = tpu.memref_slice %arg4[%add3A_183] : memref<3276800xi32, #tpu.memory_space<hbm>> -> memref<2048xi32, #tpu.memory_space<hbm>>
      %dma_start3A_187 = tpu.memref_slice %arg4[%add3A_183] : memref<3276800xi32, #tpu.memory_space<hbm>> -> memref<2048xi32, #tpu.memory_space<hbm>>
      tpu.enqueue_dma source(%dma_start3A_187 : memref<2048xi32, #tpu.memory_space<hbm>>) target(%arg11 : memref<2048xi32, #tpu.memory_space<vmem>>) target_semaphore(%arg19 : memref<!tpu.dma_semaphore, #tpu.memory_space<semaphore_mem>>)
      %dma_start3A_188 = tpu.memref_slice %arg5[%add3A_183] : memref<3276800xf32, #tpu.memory_space<hbm>> -> memref<2048xf32, #tpu.memory_space<hbm>>
      %dma_start3A_189 = tpu.memref_slice %arg5[%add3A_183] : memref<3276800xf32, #tpu.memory_space<hbm>> -> memref<2048xf32, #tpu.memory_space<hbm>>
      tpu.enqueue_dma source(%dma_start3A_189 : memref<2048xf32, #tpu.memory_space<hbm>>) target(%arg13 : memref<2048xf32, #tpu.memory_space<vmem>>) target_semaphore(%arg19 : memref<!tpu.dma_semaphore, #tpu.memory_space<semaphore_mem>>)
    }
    %scan3A_66 = arith.constant 23 : i32
    %dma_wait3A_67 = arith.constant 0 : i32
    %dma_wait3A_68 = tpu.memref_slice %arg7[%dma_wait3A_67] : memref<100352xf32, #tpu.memory_space<vmem_shared>> -> memref<100352xf32, #tpu.memory_space<vmem_shared>>
    tpu.wait_indirect_dma semaphore(%arg21 : memref<!tpu.dma_semaphore, #tpu.memory_space<semaphore_mem>>) src(%dma_wait3A_68 : memref<100352xf32, #tpu.memory_space<vmem_shared>>) dst(%arg16 : memref<2048xf32, #tpu.memory_space<vmem>>)
    %add3A_69 = arith.constant 98304 : i32
    %add3A_70 = arith.addi %mul3A_12, %add3A_69 : i32
    %dma_wait3A_71 = tpu.memref_slice %arg3[%add3A_70] : memref<3276800xi32, #tpu.memory_space<hbm>> -> memref<2048xi32, #tpu.memory_space<hbm>>
    %dma_wait3A_72 = tpu.memref_slice %arg3[%add3A_70] : memref<3276800xi32, #tpu.memory_space<hbm>> -> memref<2048xi32, #tpu.memory_space<hbm>>
    tpu.wait_dma2 semaphore(%arg19 : memref<!tpu.dma_semaphore, #tpu.memory_space<semaphore_mem>>) src(%dma_wait3A_72 : memref<2048xi32, #tpu.memory_space<hbm>>) dst(%arg9 : memref<2048xi32, #tpu.memory_space<vmem>>)
    %dma_wait3A_73 = tpu.memref_slice %arg4[%add3A_70] : memref<3276800xi32, #tpu.memory_space<hbm>> -> memref<2048xi32, #tpu.memory_space<hbm>>
    %dma_wait3A_74 = tpu.memref_slice %arg4[%add3A_70] : memref<3276800xi32, #tpu.memory_space<hbm>> -> memref<2048xi32, #tpu.memory_space<hbm>>
    tpu.wait_dma2 semaphore(%arg19 : memref<!tpu.dma_semaphore, #tpu.memory_space<semaphore_mem>>) src(%dma_wait3A_74 : memref<2048xi32, #tpu.memory_space<hbm>>) dst(%arg11 : memref<2048xi32, #tpu.memory_space<vmem>>)
    %dma_wait3A_75 = tpu.memref_slice %arg5[%add3A_70] : memref<3276800xf32, #tpu.memory_space<hbm>> -> memref<2048xf32, #tpu.memory_space<hbm>>
    %dma_wait3A_76 = tpu.memref_slice %arg5[%add3A_70] : memref<3276800xf32, #tpu.memory_space<hbm>> -> memref<2048xf32, #tpu.memory_space<hbm>>
    tpu.wait_dma2 semaphore(%arg19 : memref<!tpu.dma_semaphore, #tpu.memory_space<semaphore_mem>>) src(%dma_wait3A_76 : memref<2048xf32, #tpu.memory_space<hbm>>) dst(%arg13 : memref<2048xf32, #tpu.memory_space<vmem>>)
    %dma_start3A_77 = arith.constant 0 : i32
    %dma_start3A_78 = tpu.memref_slice %arg7[%dma_start3A_77] : memref<100352xf32, #tpu.memory_space<vmem_shared>> -> memref<100352xf32, #tpu.memory_space<vmem_shared>>
    tpu.enqueue_indirect_dma source(%dma_start3A_78 : memref<100352xf32, #tpu.memory_space<vmem_shared>>) target(%arg15 : memref<2048xf32, #tpu.memory_space<vmem>>) offsets(%arg9 : memref<2048xi32, #tpu.memory_space<vmem>>) semaphore(%arg21 : memref<!tpu.dma_semaphore, #tpu.memory_space<semaphore_mem>>)
    %scan3A_79 = arith.constant 0 : i32
    %scan3A_80 = arith.constant 32 : i32
    %scan3A_81 = arith.addi %scan3A_79, %scan3A_80 : i32
    %scan3A_82 = arith.constant 1 : i32
    scf.for %scan3A_121 = %scan3A_79 to %scan3A_81 step %scan3A_82  : i32 {
      %mul3A_122 = arith.constant 64 : i32
      %mul3A_123 = arith.muli %scan3A_121, %mul3A_122 : i32
      %add3A_124 = arith.constant 0 : i32
      %add3A_125 = arith.addi %add3A_124, %mul3A_123 : i32
      %add3A_126 = arith.constant 0 : i32
      %add3A_127 = arith.addi %add3A_125, %add3A_126 : i32
      %get3A = arith.index_cast %add3A_127 : i32 to index
      %get3A_128 = tpu.vector_load %arg14[%get3A] {strides = array<i32>} : memref<2048xf32, #tpu.memory_space<vmem>>, vector<16xf32>,
      %get3A_129 = vector.shape_cast %get3A_128 : vector<16xf32> to vector<16xf32>
      %add3A_130 = arith.constant 0 : i32
      %add3A_131 = arith.addi %add3A_125, %add3A_130 : i32
      %get3A_132 = arith.index_cast %add3A_131 : i32 to index
      %get3A_133 = tpu.vector_load %arg16[%get3A_132] {strides = array<i32>} : memref<2048xf32, #tpu.memory_space<vmem>>, vector<16xf32>,
      %get3A_134 = vector.shape_cast %get3A_133 : vector<16xf32> to vector<16xf32>
      %mul3A_135 = arith.mulf %get3A_129, %get3A_134 : vector<16xf32>
      %add3A_136 = arith.constant 0 : i32
      %add3A_137 = arith.addi %add3A_125, %add3A_136 : i32
      %swap3A = arith.index_cast %add3A_137 : i32 to index
      %swap3A_138 = tpu.vector_load %arg17[%swap3A] {strides = array<i32>} : memref<2048xf32, #tpu.memory_space<vmem>>, vector<16xf32>,
      %swap3A_139 = vector.shape_cast %swap3A_138 : vector<16xf32> to vector<16xf32>
      %swap3A_140 = vector.shape_cast %mul3A_135 : vector<16xf32> to vector<16xf32>
      tpu.vector_store %arg17[%swap3A], %swap3A_140 {strides = array<i32>} : memref<2048xf32, #tpu.memory_space<vmem>>, vector<16xf32>,
      %add3A_141 = arith.constant 16 : i32
      %add3A_142 = arith.addi %add3A_125, %add3A_141 : i32
      %get3A_143 = arith.index_cast %add3A_142 : i32 to index
      %get3A_144 = tpu.vector_load %arg14[%get3A_143] {strides = array<i32>} : memref<2048xf32, #tpu.memory_space<vmem>>, vector<16xf32>,
      %get3A_145 = vector.shape_cast %get3A_144 : vector<16xf32> to vector<16xf32>
      %add3A_146 = arith.constant 16 : i32
      %add3A_147 = arith.addi %add3A_125, %add3A_146 : i32
      %get3A_148 = arith.index_cast %add3A_147 : i32 to index
      %get3A_149 = tpu.vector_load %arg16[%get3A_148] {strides = array<i32>} : memref<2048xf32, #tpu.memory_space<vmem>>, vector<16xf32>,
      %get3A_150 = vector.shape_cast %get3A_149 : vector<16xf32> to vector<16xf32>
      %mul3A_151 = arith.mulf %get3A_145, %get3A_150 : vector<16xf32>
      %add3A_152 = arith.constant 16 : i32
      %add3A_153 = arith.addi %add3A_125, %add3A_152 : i32
      %swap3A_154 = arith.index_cast %add3A_153 : i32 to index
      %swap3A_155 = tpu.vector_load %arg17[%swap3A_154] {strides = array<i32>} : memref<2048xf32, #tpu.memory_space<vmem>>, vector<16xf32>,
      %swap3A_156 = vector.shape_cast %swap3A_155 : vector<16xf32> to vector<16xf32>
      %swap3A_157 = vector.shape_cast %mul3A_151 : vector<16xf32> to vector<16xf32>
      tpu.vector_store %arg17[%swap3A_154], %swap3A_157 {strides = array<i32>} : memref<2048xf32, #tpu.memory_space<vmem>>, vector<16xf32>,
      %add3A_158 = arith.constant 32 : i32
      %add3A_159 = arith.addi %add3A_125, %add3A_158 : i32
      %get3A_160 = arith.index_cast %add3A_159 : i32 to index
      %get3A_161 = tpu.vector_load %arg14[%get3A_160] {strides = array<i32>} : memref<2048xf32, #tpu.memory_space<vmem>>, vector<16xf32>,
      %get3A_162 = vector.shape_cast %get3A_161 : vector<16xf32> to vector<16xf32>
      %add3A_163 = arith.constant 32 : i32
      %add3A_164 = arith.addi %add3A_125, %add3A_163 : i32
      %get3A_165 = arith.index_cast %add3A_164 : i32 to index
      %get3A_166 = tpu.vector_load %arg16[%get3A_165] {strides = array<i32>} : memref<2048xf32, #tpu.memory_space<vmem>>, vector<16xf32>,
      %get3A_167 = vector.shape_cast %get3A_166 : vector<16xf32> to vector<16xf32>
      %mul3A_168 = arith.mulf %get3A_162, %get3A_167 : vector<16xf32>
      %add3A_169 = arith.constant 32 : i32
      %add3A_170 = arith.addi %add3A_125, %add3A_169 : i32
      %swap3A_171 = arith.index_cast %add3A_170 : i32 to index
      %swap3A_172 = tpu.vector_load %arg17[%swap3A_171] {strides = array<i32>} : memref<2048xf32, #tpu.memory_space<vmem>>, vector<16xf32>,
      %swap3A_173 = vector.shape_cast %swap3A_172 : vector<16xf32> to vector<16xf32>
      %swap3A_174 = vector.shape_cast %mul3A_168 : vector<16xf32> to vector<16xf32>
      tpu.vector_store %arg17[%swap3A_171], %swap3A_174 {strides = array<i32>} : memref<2048xf32, #tpu.memory_space<vmem>>, vector<16xf32>,
      %add3A_175 = arith.constant 48 : i32
      %add3A_176 = arith.addi %add3A_125, %add3A_175 : i32
      %get3A_177 = arith.index_cast %add3A_176 : i32 to index
      %get3A_178 = tpu.vector_load %arg14[%get3A_177] {strides = array<i32>} : memref<2048xf32, #tpu.memory_space<vmem>>, vector<16xf32>,
      %get3A_179 = vector.shape_cast %get3A_178 : vector<16xf32> to vector<16xf32>
      %add3A_180 = arith.constant 48 : i32
      %add3A_181 = arith.addi %add3A_125, %add3A_180 : i32
      %get3A_182 = arith.index_cast %add3A_181 : i32 to index
      %get3A_183 = tpu.vector_load %arg16[%get3A_182] {strides = array<i32>} : memref<2048xf32, #tpu.memory_space<vmem>>, vector<16xf32>,
      %get3A_184 = vector.shape_cast %get3A_183 : vector<16xf32> to vector<16xf32>
      %mul3A_185 = arith.mulf %get3A_179, %get3A_184 : vector<16xf32>
      %add3A_186 = arith.constant 48 : i32
      %add3A_187 = arith.addi %add3A_125, %add3A_186 : i32
      %swap3A_188 = arith.index_cast %add3A_187 : i32 to index
      %swap3A_189 = tpu.vector_load %arg17[%swap3A_188] {strides = array<i32>} : memref<2048xf32, #tpu.memory_space<vmem>>, vector<16xf32>,
      %swap3A_190 = vector.shape_cast %swap3A_189 : vector<16xf32> to vector<16xf32>
      %swap3A_191 = vector.shape_cast %mul3A_185 : vector<16xf32> to vector<16xf32>
      tpu.vector_store %arg17[%swap3A_188], %swap3A_191 {strides = array<i32>} : memref<2048xf32, #tpu.memory_space<vmem>>, vector<16xf32>,
    }
    %scan3A_83 = arith.constant 32 : i32
    "tpu.region"() ({
      %run_scoped3A = tpu.sem_alloc : memref<!tpu.dma_semaphore, #tpu.memory_space<semaphore_mem>>
      %dma_start3A_121 = arith.constant 0 : i32
      %dma_start3A_122 = tpu.memref_slice %arg8[%dma_start3A_121] : memref<100352xf32, #tpu.memory_space<vmem_shared>> -> memref<100352xf32, #tpu.memory_space<vmem_shared>>
      tpu.enqueue_indirect_dma source(%arg17 : memref<2048xf32, #tpu.memory_space<vmem>>) target(%dma_start3A_122 : memref<100352xf32, #tpu.memory_space<vmem_shared>>) offsets(%arg12 : memref<2048xi32, #tpu.memory_space<vmem>>) semaphore(%run_scoped3A : memref<!tpu.dma_semaphore, #tpu.memory_space<semaphore_mem>>) {add = true}
      %dma_wait3A_123 = arith.constant 0 : i32
      %dma_wait3A_124 = tpu.memref_slice %arg8[%dma_wait3A_123] : memref<100352xf32, #tpu.memory_space<vmem_shared>> -> memref<100352xf32, #tpu.memory_space<vmem_shared>>
      tpu.wait_indirect_dma semaphore(%run_scoped3A : memref<!tpu.dma_semaphore, #tpu.memory_space<semaphore_mem>>) src(%arg17 : memref<2048xf32, #tpu.memory_space<vmem>>) dst(%dma_wait3A_124 : memref<100352xf32, #tpu.memory_space<vmem_shared>>)
      tpu.yield
    }) : () -> ()
    %add3A_84 = arith.constant 100352 : i32
    %add3A_85 = arith.addi %mul3A_12, %add3A_84 : i32
    %dma_start3A_86 = tpu.memref_slice %arg3[%add3A_85] : memref<3276800xi32, #tpu.memory_space<hbm>> -> memref<2048xi32, #tpu.memory_space<hbm>>
    %dma_start3A_87 = tpu.memref_slice %arg3[%add3A_85] : memref<3276800xi32, #tpu.memory_space<hbm>> -> memref<2048xi32, #tpu.memory_space<hbm>>
    tpu.enqueue_dma source(%dma_start3A_87 : memref<2048xi32, #tpu.memory_space<hbm>>) target(%arg10 : memref<2048xi32, #tpu.memory_space<vmem>>) target_semaphore(%arg20 : memref<!tpu.dma_semaphore, #tpu.memory_space<semaphore_mem>>)
    %dma_start3A_88 = tpu.memref_slice %arg4[%add3A_85] : memref<3276800xi32, #tpu.memory_space<hbm>> -> memref<2048xi32, #tpu.memory_space<hbm>>
    %dma_start3A_89 = tpu.memref_slice %arg4[%add3A_85] : memref<3276800xi32, #tpu.memory_space<hbm>> -> memref<2048xi32, #tpu.memory_space<hbm>>
    tpu.enqueue_dma source(%dma_start3A_89 : memref<2048xi32, #tpu.memory_space<hbm>>) target(%arg12 : memref<2048xi32, #tpu.memory_space<vmem>>) target_semaphore(%arg20 : memref<!tpu.dma_semaphore, #tpu.memory_space<semaphore_mem>>)
    %dma_start3A_90 = tpu.memref_slice %arg5[%add3A_85] : memref<3276800xf32, #tpu.memory_space<hbm>> -> memref<2048xf32, #tpu.memory_space<hbm>>
    %dma_start3A_91 = tpu.memref_slice %arg5[%add3A_85] : memref<3276800xf32, #tpu.memory_space<hbm>> -> memref<2048xf32, #tpu.memory_space<hbm>>
    tpu.enqueue_dma source(%dma_start3A_91 : memref<2048xf32, #tpu.memory_space<hbm>>) target(%arg14 : memref<2048xf32, #tpu.memory_space<vmem>>) target_semaphore(%arg20 : memref<!tpu.dma_semaphore, #tpu.memory_space<semaphore_mem>>)
    %dma_wait3A_92 = arith.constant 0 : i32
    %dma_wait3A_93 = tpu.memref_slice %arg7[%dma_wait3A_92] : memref<100352xf32, #tpu.memory_space<vmem_shared>> -> memref<100352xf32, #tpu.memory_space<vmem_shared>>
    tpu.wait_indirect_dma semaphore(%arg21 : memref<!tpu.dma_semaphore, #tpu.memory_space<semaphore_mem>>) src(%dma_wait3A_93 : memref<100352xf32, #tpu.memory_space<vmem_shared>>) dst(%arg15 : memref<2048xf32, #tpu.memory_space<vmem>>)
    %add3A_94 = arith.constant 100352 : i32
    %add3A_95 = arith.addi %mul3A_12, %add3A_94 : i32
    %dma_wait3A_96 = tpu.memref_slice %arg3[%add3A_95] : memref<3276800xi32, #tpu.memory_space<hbm>> -> memref<2048xi32, #tpu.memory_space<hbm>>
    %dma_wait3A_97 = tpu.memref_slice %arg3[%add3A_95] : memref<3276800xi32, #tpu.memory_space<hbm>> -> memref<2048xi32, #tpu.memory_space<hbm>>
    tpu.wait_dma2 semaphore(%arg20 : memref<!tpu.dma_semaphore, #tpu.memory_space<semaphore_mem>>) src(%dma_wait3A_97 : memref<2048xi32, #tpu.memory_space<hbm>>) dst(%arg10 : memref<2048xi32, #tpu.memory_space<vmem>>)
    %dma_wait3A_98 = tpu.memref_slice %arg4[%add3A_95] : memref<3276800xi32, #tpu.memory_space<hbm>> -> memref<2048xi32, #tpu.memory_space<hbm>>
    %dma_wait3A_99 = tpu.memref_slice %arg4[%add3A_95] : memref<3276800xi32, #tpu.memory_space<hbm>> -> memref<2048xi32, #tpu.memory_space<hbm>>
    tpu.wait_dma2 semaphore(%arg20 : memref<!tpu.dma_semaphore, #tpu.memory_space<semaphore_mem>>) src(%dma_wait3A_99 : memref<2048xi32, #tpu.memory_space<hbm>>) dst(%arg12 : memref<2048xi32, #tpu.memory_space<vmem>>)
    %dma_wait3A_100 = tpu.memref_slice %arg5[%add3A_95] : memref<3276800xf32, #tpu.memory_space<hbm>> -> memref<2048xf32, #tpu.memory_space<hbm>>
    %dma_wait3A_101 = tpu.memref_slice %arg5[%add3A_95] : memref<3276800xf32, #tpu.memory_space<hbm>> -> memref<2048xf32, #tpu.memory_space<hbm>>
    tpu.wait_dma2 semaphore(%arg20 : memref<!tpu.dma_semaphore, #tpu.memory_space<semaphore_mem>>) src(%dma_wait3A_101 : memref<2048xf32, #tpu.memory_space<hbm>>) dst(%arg14 : memref<2048xf32, #tpu.memory_space<vmem>>)
    %dma_start3A_102 = arith.constant 0 : i32
    %dma_start3A_103 = tpu.memref_slice %arg7[%dma_start3A_102] : memref<100352xf32, #tpu.memory_space<vmem_shared>> -> memref<100352xf32, #tpu.memory_space<vmem_shared>>
    tpu.enqueue_indirect_dma source(%dma_start3A_103 : memref<100352xf32, #tpu.memory_space<vmem_shared>>) target(%arg16 : memref<2048xf32, #tpu.memory_space<vmem>>) offsets(%arg10 : memref<2048xi32, #tpu.memory_space<vmem>>) semaphore(%arg21 : memref<!tpu.dma_semaphore, #tpu.memory_space<semaphore_mem>>)
    %scan3A_104 = arith.constant 0 : i32
    %scan3A_105 = arith.constant 32 : i32
    %scan3A_106 = arith.addi %scan3A_104, %scan3A_105 : i32
    %scan3A_107 = arith.constant 1 : i32
    scf.for %scan3A_121 = %scan3A_104 to %scan3A_106 step %scan3A_107  : i32 {
      %mul3A_122 = arith.constant 64 : i32
      %mul3A_123 = arith.muli %scan3A_121, %mul3A_122 : i32
      %add3A_124 = arith.constant 0 : i32
      %add3A_125 = arith.addi %add3A_124, %mul3A_123 : i32
      %add3A_126 = arith.constant 0 : i32
      %add3A_127 = arith.addi %add3A_125, %add3A_126 : i32
      %get3A = arith.index_cast %add3A_127 : i32 to index
      %get3A_128 = tpu.vector_load %arg13[%get3A] {strides = array<i32>} : memref<2048xf32, #tpu.memory_space<vmem>>, vector<16xf32>,
      %get3A_129 = vector.shape_cast %get3A_128 : vector<16xf32> to vector<16xf32>
      %add3A_130 = arith.constant 0 : i32
      %add3A_131 = arith.addi %add3A_125, %add3A_130 : i32
      %get3A_132 = arith.index_cast %add3A_131 : i32 to index
      %get3A_133 = tpu.vector_load %arg15[%get3A_132] {strides = array<i32>} : memref<2048xf32, #tpu.memory_space<vmem>>, vector<16xf32>,
      %get3A_134 = vector.shape_cast %get3A_133 : vector<16xf32> to vector<16xf32>
      %mul3A_135 = arith.mulf %get3A_129, %get3A_134 : vector<16xf32>
      %add3A_136 = arith.constant 0 : i32
      %add3A_137 = arith.addi %add3A_125, %add3A_136 : i32
      %swap3A = arith.index_cast %add3A_137 : i32 to index
      %swap3A_138 = tpu.vector_load %arg17[%swap3A] {strides = array<i32>} : memref<2048xf32, #tpu.memory_space<vmem>>, vector<16xf32>,
      %swap3A_139 = vector.shape_cast %swap3A_138 : vector<16xf32> to vector<16xf32>
      %swap3A_140 = vector.shape_cast %mul3A_135 : vector<16xf32> to vector<16xf32>
      tpu.vector_store %arg17[%swap3A], %swap3A_140 {strides = array<i32>} : memref<2048xf32, #tpu.memory_space<vmem>>, vector<16xf32>,
      %add3A_141 = arith.constant 16 : i32
      %add3A_142 = arith.addi %add3A_125, %add3A_141 : i32
      %get3A_143 = arith.index_cast %add3A_142 : i32 to index
      %get3A_144 = tpu.vector_load %arg13[%get3A_143] {strides = array<i32>} : memref<2048xf32, #tpu.memory_space<vmem>>, vector<16xf32>,
      %get3A_145 = vector.shape_cast %get3A_144 : vector<16xf32> to vector<16xf32>
      %add3A_146 = arith.constant 16 : i32
      %add3A_147 = arith.addi %add3A_125, %add3A_146 : i32
      %get3A_148 = arith.index_cast %add3A_147 : i32 to index
      %get3A_149 = tpu.vector_load %arg15[%get3A_148] {strides = array<i32>} : memref<2048xf32, #tpu.memory_space<vmem>>, vector<16xf32>,
      %get3A_150 = vector.shape_cast %get3A_149 : vector<16xf32> to vector<16xf32>
      %mul3A_151 = arith.mulf %get3A_145, %get3A_150 : vector<16xf32>
      %add3A_152 = arith.constant 16 : i32
      %add3A_153 = arith.addi %add3A_125, %add3A_152 : i32
      %swap3A_154 = arith.index_cast %add3A_153 : i32 to index
      %swap3A_155 = tpu.vector_load %arg17[%swap3A_154] {strides = array<i32>} : memref<2048xf32, #tpu.memory_space<vmem>>, vector<16xf32>,
      %swap3A_156 = vector.shape_cast %swap3A_155 : vector<16xf32> to vector<16xf32>
      %swap3A_157 = vector.shape_cast %mul3A_151 : vector<16xf32> to vector<16xf32>
      tpu.vector_store %arg17[%swap3A_154], %swap3A_157 {strides = array<i32>} : memref<2048xf32, #tpu.memory_space<vmem>>, vector<16xf32>,
      %add3A_158 = arith.constant 32 : i32
      %add3A_159 = arith.addi %add3A_125, %add3A_158 : i32
      %get3A_160 = arith.index_cast %add3A_159 : i32 to index
      %get3A_161 = tpu.vector_load %arg13[%get3A_160] {strides = array<i32>} : memref<2048xf32, #tpu.memory_space<vmem>>, vector<16xf32>,
      %get3A_162 = vector.shape_cast %get3A_161 : vector<16xf32> to vector<16xf32>
      %add3A_163 = arith.constant 32 : i32
      %add3A_164 = arith.addi %add3A_125, %add3A_163 : i32
      %get3A_165 = arith.index_cast %add3A_164 : i32 to index
      %get3A_166 = tpu.vector_load %arg15[%get3A_165] {strides = array<i32>} : memref<2048xf32, #tpu.memory_space<vmem>>, vector<16xf32>,
      %get3A_167 = vector.shape_cast %get3A_166 : vector<16xf32> to vector<16xf32>
      %mul3A_168 = arith.mulf %get3A_162, %get3A_167 : vector<16xf32>
      %add3A_169 = arith.constant 32 : i32
      %add3A_170 = arith.addi %add3A_125, %add3A_169 : i32
      %swap3A_171 = arith.index_cast %add3A_170 : i32 to index
      %swap3A_172 = tpu.vector_load %arg17[%swap3A_171] {strides = array<i32>} : memref<2048xf32, #tpu.memory_space<vmem>>, vector<16xf32>,
      %swap3A_173 = vector.shape_cast %swap3A_172 : vector<16xf32> to vector<16xf32>
      %swap3A_174 = vector.shape_cast %mul3A_168 : vector<16xf32> to vector<16xf32>
      tpu.vector_store %arg17[%swap3A_171], %swap3A_174 {strides = array<i32>} : memref<2048xf32, #tpu.memory_space<vmem>>, vector<16xf32>,
      %add3A_175 = arith.constant 48 : i32
      %add3A_176 = arith.addi %add3A_125, %add3A_175 : i32
      %get3A_177 = arith.index_cast %add3A_176 : i32 to index
      %get3A_178 = tpu.vector_load %arg13[%get3A_177] {strides = array<i32>} : memref<2048xf32, #tpu.memory_space<vmem>>, vector<16xf32>,
      %get3A_179 = vector.shape_cast %get3A_178 : vector<16xf32> to vector<16xf32>
      %add3A_180 = arith.constant 48 : i32
      %add3A_181 = arith.addi %add3A_125, %add3A_180 : i32
      %get3A_182 = arith.index_cast %add3A_181 : i32 to index
      %get3A_183 = tpu.vector_load %arg15[%get3A_182] {strides = array<i32>} : memref<2048xf32, #tpu.memory_space<vmem>>, vector<16xf32>,
      %get3A_184 = vector.shape_cast %get3A_183 : vector<16xf32> to vector<16xf32>
      %mul3A_185 = arith.mulf %get3A_179, %get3A_184 : vector<16xf32>
      %add3A_186 = arith.constant 48 : i32
      %add3A_187 = arith.addi %add3A_125, %add3A_186 : i32
      %swap3A_188 = arith.index_cast %add3A_187 : i32 to index
      %swap3A_189 = tpu.vector_load %arg17[%swap3A_188] {strides = array<i32>} : memref<2048xf32, #tpu.memory_space<vmem>>, vector<16xf32>,
      %swap3A_190 = vector.shape_cast %swap3A_189 : vector<16xf32> to vector<16xf32>
      %swap3A_191 = vector.shape_cast %mul3A_185 : vector<16xf32> to vector<16xf32>
      tpu.vector_store %arg17[%swap3A_188], %swap3A_191 {strides = array<i32>} : memref<2048xf32, #tpu.memory_space<vmem>>, vector<16xf32>,
    }
    %scan3A_108 = arith.constant 32 : i32
    "tpu.region"() ({
      %run_scoped3A = tpu.sem_alloc : memref<!tpu.dma_semaphore, #tpu.memory_space<semaphore_mem>>
      %dma_start3A_121 = arith.constant 0 : i32
      %dma_start3A_122 = tpu.memref_slice %arg8[%dma_start3A_121] : memref<100352xf32, #tpu.memory_space<vmem_shared>> -> memref<100352xf32, #tpu.memory_space<vmem_shared>>
      tpu.enqueue_indirect_dma source(%arg17 : memref<2048xf32, #tpu.memory_space<vmem>>) target(%dma_start3A_122 : memref<100352xf32, #tpu.memory_space<vmem_shared>>) offsets(%arg11 : memref<2048xi32, #tpu.memory_space<vmem>>) semaphore(%run_scoped3A : memref<!tpu.dma_semaphore, #tpu.memory_space<semaphore_mem>>) {add = true}
      %dma_wait3A_123 = arith.constant 0 : i32
      %dma_wait3A_124 = tpu.memref_slice %arg8[%dma_wait3A_123] : memref<100352xf32, #tpu.memory_space<vmem_shared>> -> memref<100352xf32, #tpu.memory_space<vmem_shared>>
      tpu.wait_indirect_dma semaphore(%run_scoped3A : memref<!tpu.dma_semaphore, #tpu.memory_space<semaphore_mem>>) src(%arg17 : memref<2048xf32, #tpu.memory_space<vmem>>) dst(%dma_wait3A_124 : memref<100352xf32, #tpu.memory_space<vmem_shared>>)
      tpu.yield
    }) : () -> ()
    %dma_wait3A_109 = arith.constant 0 : i32
    %dma_wait3A_110 = tpu.memref_slice %arg7[%dma_wait3A_109] : memref<100352xf32, #tpu.memory_space<vmem_shared>> -> memref<100352xf32, #tpu.memory_space<vmem_shared>>
    tpu.wait_indirect_dma semaphore(%arg21 : memref<!tpu.dma_semaphore, #tpu.memory_space<semaphore_mem>>) src(%dma_wait3A_110 : memref<100352xf32, #tpu.memory_space<vmem_shared>>) dst(%arg16 : memref<2048xf32, #tpu.memory_space<vmem>>)
    %scan3A_111 = arith.constant 0 : i32
    %scan3A_112 = arith.constant 32 : i32
    %scan3A_113 = arith.addi %scan3A_111, %scan3A_112 : i32
    %scan3A_114 = arith.constant 1 : i32
    scf.for %scan3A_121 = %scan3A_111 to %scan3A_113 step %scan3A_114  : i32 {
      %mul3A_122 = arith.constant 64 : i32
      %mul3A_123 = arith.muli %scan3A_121, %mul3A_122 : i32
      %add3A_124 = arith.constant 0 : i32
      %add3A_125 = arith.addi %add3A_124, %mul3A_123 : i32
      %add3A_126 = arith.constant 0 : i32
      %add3A_127 = arith.addi %add3A_125, %add3A_126 : i32
      %get3A = arith.index_cast %add3A_127 : i32 to index
      %get3A_128 = tpu.vector_load %arg14[%get3A] {strides = array<i32>} : memref<2048xf32, #tpu.memory_space<vmem>>, vector<16xf32>,
      %get3A_129 = vector.shape_cast %get3A_128 : vector<16xf32> to vector<16xf32>
      %add3A_130 = arith.constant 0 : i32
      %add3A_131 = arith.addi %add3A_125, %add3A_130 : i32
      %get3A_132 = arith.index_cast %add3A_131 : i32 to index
      %get3A_133 = tpu.vector_load %arg16[%get3A_132] {strides = array<i32>} : memref<2048xf32, #tpu.memory_space<vmem>>, vector<16xf32>,
      %get3A_134 = vector.shape_cast %get3A_133 : vector<16xf32> to vector<16xf32>
      %mul3A_135 = arith.mulf %get3A_129, %get3A_134 : vector<16xf32>
      %add3A_136 = arith.constant 0 : i32
      %add3A_137 = arith.addi %add3A_125, %add3A_136 : i32
      %swap3A = arith.index_cast %add3A_137 : i32 to index
      %swap3A_138 = tpu.vector_load %arg17[%swap3A] {strides = array<i32>} : memref<2048xf32, #tpu.memory_space<vmem>>, vector<16xf32>,
      %swap3A_139 = vector.shape_cast %swap3A_138 : vector<16xf32> to vector<16xf32>
      %swap3A_140 = vector.shape_cast %mul3A_135 : vector<16xf32> to vector<16xf32>
      tpu.vector_store %arg17[%swap3A], %swap3A_140 {strides = array<i32>} : memref<2048xf32, #tpu.memory_space<vmem>>, vector<16xf32>,
      %add3A_141 = arith.constant 16 : i32
      %add3A_142 = arith.addi %add3A_125, %add3A_141 : i32
      %get3A_143 = arith.index_cast %add3A_142 : i32 to index
      %get3A_144 = tpu.vector_load %arg14[%get3A_143] {strides = array<i32>} : memref<2048xf32, #tpu.memory_space<vmem>>, vector<16xf32>,
      %get3A_145 = vector.shape_cast %get3A_144 : vector<16xf32> to vector<16xf32>
      %add3A_146 = arith.constant 16 : i32
      %add3A_147 = arith.addi %add3A_125, %add3A_146 : i32
      %get3A_148 = arith.index_cast %add3A_147 : i32 to index
      %get3A_149 = tpu.vector_load %arg16[%get3A_148] {strides = array<i32>} : memref<2048xf32, #tpu.memory_space<vmem>>, vector<16xf32>,
      %get3A_150 = vector.shape_cast %get3A_149 : vector<16xf32> to vector<16xf32>
      %mul3A_151 = arith.mulf %get3A_145, %get3A_150 : vector<16xf32>
      %add3A_152 = arith.constant 16 : i32
      %add3A_153 = arith.addi %add3A_125, %add3A_152 : i32
      %swap3A_154 = arith.index_cast %add3A_153 : i32 to index
      %swap3A_155 = tpu.vector_load %arg17[%swap3A_154] {strides = array<i32>} : memref<2048xf32, #tpu.memory_space<vmem>>, vector<16xf32>,
      %swap3A_156 = vector.shape_cast %swap3A_155 : vector<16xf32> to vector<16xf32>
      %swap3A_157 = vector.shape_cast %mul3A_151 : vector<16xf32> to vector<16xf32>
      tpu.vector_store %arg17[%swap3A_154], %swap3A_157 {strides = array<i32>} : memref<2048xf32, #tpu.memory_space<vmem>>, vector<16xf32>,
      %add3A_158 = arith.constant 32 : i32
      %add3A_159 = arith.addi %add3A_125, %add3A_158 : i32
      %get3A_160 = arith.index_cast %add3A_159 : i32 to index
      %get3A_161 = tpu.vector_load %arg14[%get3A_160] {strides = array<i32>} : memref<2048xf32, #tpu.memory_space<vmem>>, vector<16xf32>,
      %get3A_162 = vector.shape_cast %get3A_161 : vector<16xf32> to vector<16xf32>
      %add3A_163 = arith.constant 32 : i32
      %add3A_164 = arith.addi %add3A_125, %add3A_163 : i32
      %get3A_165 = arith.index_cast %add3A_164 : i32 to index
      %get3A_166 = tpu.vector_load %arg16[%get3A_165] {strides = array<i32>} : memref<2048xf32, #tpu.memory_space<vmem>>, vector<16xf32>,
      %get3A_167 = vector.shape_cast %get3A_166 : vector<16xf32> to vector<16xf32>
      %mul3A_168 = arith.mulf %get3A_162, %get3A_167 : vector<16xf32>
      %add3A_169 = arith.constant 32 : i32
      %add3A_170 = arith.addi %add3A_125, %add3A_169 : i32
      %swap3A_171 = arith.index_cast %add3A_170 : i32 to index
      %swap3A_172 = tpu.vector_load %arg17[%swap3A_171] {strides = array<i32>} : memref<2048xf32, #tpu.memory_space<vmem>>, vector<16xf32>,
      %swap3A_173 = vector.shape_cast %swap3A_172 : vector<16xf32> to vector<16xf32>
      %swap3A_174 = vector.shape_cast %mul3A_168 : vector<16xf32> to vector<16xf32>
      tpu.vector_store %arg17[%swap3A_171], %swap3A_174 {strides = array<i32>} : memref<2048xf32, #tpu.memory_space<vmem>>, vector<16xf32>,
      %add3A_175 = arith.constant 48 : i32
      %add3A_176 = arith.addi %add3A_125, %add3A_175 : i32
      %get3A_177 = arith.index_cast %add3A_176 : i32 to index
      %get3A_178 = tpu.vector_load %arg14[%get3A_177] {strides = array<i32>} : memref<2048xf32, #tpu.memory_space<vmem>>, vector<16xf32>,
      %get3A_179 = vector.shape_cast %get3A_178 : vector<16xf32> to vector<16xf32>
      %add3A_180 = arith.constant 48 : i32
      %add3A_181 = arith.addi %add3A_125, %add3A_180 : i32
      %get3A_182 = arith.index_cast %add3A_181 : i32 to index
      %get3A_183 = tpu.vector_load %arg16[%get3A_182] {strides = array<i32>} : memref<2048xf32, #tpu.memory_space<vmem>>, vector<16xf32>,
      %get3A_184 = vector.shape_cast %get3A_183 : vector<16xf32> to vector<16xf32>
      %mul3A_185 = arith.mulf %get3A_179, %get3A_184 : vector<16xf32>
      %add3A_186 = arith.constant 48 : i32
      %add3A_187 = arith.addi %add3A_125, %add3A_186 : i32
      %swap3A_188 = arith.index_cast %add3A_187 : i32 to index
      %swap3A_189 = tpu.vector_load %arg17[%swap3A_188] {strides = array<i32>} : memref<2048xf32, #tpu.memory_space<vmem>>, vector<16xf32>,
      %swap3A_190 = vector.shape_cast %swap3A_189 : vector<16xf32> to vector<16xf32>
      %swap3A_191 = vector.shape_cast %mul3A_185 : vector<16xf32> to vector<16xf32>
      tpu.vector_store %arg17[%swap3A_188], %swap3A_191 {strides = array<i32>} : memref<2048xf32, #tpu.memory_space<vmem>>, vector<16xf32>,
    }
    %scan3A_115 = arith.constant 32 : i32
    "tpu.region"() ({
      %run_scoped3A = tpu.sem_alloc : memref<!tpu.dma_semaphore, #tpu.memory_space<semaphore_mem>>
      %dma_start3A_121 = arith.constant 0 : i32
      %dma_start3A_122 = tpu.memref_slice %arg8[%dma_start3A_121] : memref<100352xf32, #tpu.memory_space<vmem_shared>> -> memref<100352xf32, #tpu.memory_space<vmem_shared>>
      tpu.enqueue_indirect_dma source(%arg17 : memref<2048xf32, #tpu.memory_space<vmem>>) target(%dma_start3A_122 : memref<100352xf32, #tpu.memory_space<vmem_shared>>) offsets(%arg12 : memref<2048xi32, #tpu.memory_space<vmem>>) semaphore(%run_scoped3A : memref<!tpu.dma_semaphore, #tpu.memory_space<semaphore_mem>>) {add = true}
      %dma_wait3A_123 = arith.constant 0 : i32
      %dma_wait3A_124 = tpu.memref_slice %arg8[%dma_wait3A_123] : memref<100352xf32, #tpu.memory_space<vmem_shared>> -> memref<100352xf32, #tpu.memory_space<vmem_shared>>
      tpu.wait_indirect_dma semaphore(%run_scoped3A : memref<!tpu.dma_semaphore, #tpu.memory_space<semaphore_mem>>) src(%arg17 : memref<2048xf32, #tpu.memory_space<vmem>>) dst(%dma_wait3A_124 : memref<100352xf32, #tpu.memory_space<vmem_shared>>)
      tpu.yield
    }) : () -> ()
    %barrier3A_116 = arith.constant 0 : index
    tpu.barrier barrier_id(%barrier3A_116)
    %mul3A_117 = arith.constant 6272 : i32
    %mul3A_118 = arith.muli %arg1, %mul3A_117 : i32
    %mul3A_119 = arith.constant 6272 : i32
    %mul3A_120 = arith.muli %arg1, %mul3A_119 : i32
    "tpu.region"() ({
      %run_scoped3A = tpu.sem_alloc : memref<!tpu.dma_semaphore, #tpu.memory_space<semaphore_mem>>
      %dma_start3A_121 = tpu.memref_slice %arg6[%arg0, %mul3A_120] : memref<2x100352xf32, #tpu.memory_space<hbm>> -> memref<1x6272xf32, #tpu.memory_space<hbm>>
      %dma_start3A_122 = tpu.memref_squeeze %dma_start3A_121 : memref<1x6272xf32, #tpu.memory_space<hbm>> -> memref<6272xf32, #tpu.memory_space<hbm>>
      %dma_start3A_123 = tpu.memref_slice %arg8[%mul3A_118] : memref<100352xf32, #tpu.memory_space<vmem_shared>> -> memref<6272xf32, #tpu.memory_space<vmem_shared>>
      tpu.enqueue_dma source(%dma_start3A_123 : memref<6272xf32, #tpu.memory_space<vmem_shared>>) target(%dma_start3A_122 : memref<6272xf32, #tpu.memory_space<hbm>>) target_semaphore(%run_scoped3A : memref<!tpu.dma_semaphore, #tpu.memory_space<semaphore_mem>>)
      %dma_wait3A_124 = tpu.memref_slice %arg6[%arg0, %mul3A_120] : memref<2x100352xf32, #tpu.memory_space<hbm>> -> memref<1x6272xf32, #tpu.memory_space<hbm>>
      %dma_wait3A_125 = tpu.memref_squeeze %dma_wait3A_124 : memref<1x6272xf32, #tpu.memory_space<hbm>> -> memref<6272xf32, #tpu.memory_space<hbm>>
      %dma_wait3A_126 = tpu.memref_slice %arg8[%mul3A_118] : memref<100352xf32, #tpu.memory_space<vmem_shared>> -> memref<6272xf32, #tpu.memory_space<vmem_shared>>
      tpu.wait_dma2 semaphore(%run_scoped3A : memref<!tpu.dma_semaphore, #tpu.memory_space<semaphore_mem>>) src(%dma_wait3A_126 : memref<6272xf32, #tpu.memory_space<vmem_shared>>) dst(%dma_wait3A_125 : memref<6272xf32, #tpu.memory_space<hbm>>)
      tpu.yield
    }) : () -> ()
    return
  }
}

#map = affine_map<(d0, d1) -> (0)>
#map1 = affine_map<(d0, d1) -> (0, 0)>
module attributes {stable_mosaic.version = 14 : i64} {
  func.func @_spmv_body(%arg0: i32, %arg1: i32, %arg2: memref<100352xf32, #tpu.memory_space<hbm>>, %arg3: memref<3276800xi32, #tpu.memory_space<hbm>>, %arg4: memref<3276800xi32, #tpu.memory_space<hbm>>, %arg5: memref<3276800xf32, #tpu.memory_space<hbm>>, %arg6: memref<2x100352xf32, #tpu.memory_space<hbm>>, %arg7: memref<100352xf32, #tpu.memory_space<vmem_shared>>, %arg8: memref<100352xf32, #tpu.memory_space<vmem_shared>>, %arg9: memref<2048xi32, #tpu.memory_space<vmem>>, %arg10: memref<2048xi32, #tpu.memory_space<vmem>>, %arg11: memref<2048xi32, #tpu.memory_space<vmem>>, %arg12: memref<2048xi32, #tpu.memory_space<vmem>>, %arg13: memref<2048xf32, #tpu.memory_space<vmem>>, %arg14: memref<2048xf32, #tpu.memory_space<vmem>>, %arg15: memref<2048xf32, #tpu.memory_space<vmem>>, %arg16: memref<2048xf32, #tpu.memory_space<vmem>>, %arg17: memref<2048xf32, #tpu.memory_space<vmem>>, %arg18: memref<6272xf32, #tpu.memory_space<vmem>>, %arg19: memref<!tpu.dma_semaphore, #tpu.memory_space<semaphore_mem>>, %arg20: memref<!tpu.dma_semaphore, #tpu.memory_space<semaphore_mem>>, %arg21: memref<!tpu.dma_semaphore, #tpu.memory_space<semaphore_mem>>) attributes {dimension_semantics = [#tpu.dimension_semantics<core_parallel>, #tpu.dimension_semantics<subcore_parallel>], iteration_bounds = array<i64: 2, 16>, scalar_prefetch = 0 : i64, scratch_operands = 15 : i64, tpu.core_type = #tpu.core_type<sc_vector_subcore>, window_params = [{transform_indices = #map}, {transform_indices = #map}, {transform_indices = #map}, {transform_indices = #map}, {transform_indices = #map1}]} {
    %mul3A = arith.constant 16 : i32
    %mul3A_0 = arith.muli %arg0, %mul3A : i32
    %add3A = arith.addi %mul3A_0, %arg1 : i32
    %mul3A_1 = arith.constant 6272 : i32
    %mul3A_2 = arith.muli %arg1, %mul3A_1 : i32
    %mul3A_3 = arith.constant 6272 : i32
    %mul3A_4 = arith.muli %arg1, %mul3A_3 : i32
    "tpu.region"() ({
      %run_scoped3A = tpu.sem_alloc : memref<!tpu.dma_semaphore, #tpu.memory_space<semaphore_mem>>
      %dma_start3A_121 = tpu.memref_slice %arg7[%mul3A_4] : memref<100352xf32, #tpu.memory_space<vmem_shared>> -> memref<6272xf32, #tpu.memory_space<vmem_shared>>
      %dma_start3A_122 = tpu.memref_slice %arg2[%mul3A_2] : memref<100352xf32, #tpu.memory_space<hbm>> -> memref<6272xf32, #tpu.memory_space<hbm>>
      tpu.enqueue_dma source(%dma_start3A_122 : memref<6272xf32, #tpu.memory_space<hbm>>) target(%dma_start3A_121 : memref<6272xf32, #tpu.memory_space<vmem_shared>>) target_semaphore(%run_scoped3A : memref<!tpu.dma_semaphore, #tpu.memory_space<semaphore_mem>>)
      %dma_wait3A_123 = tpu.memref_slice %arg7[%mul3A_4] : memref<100352xf32, #tpu.memory_space<vmem_shared>> -> memref<6272xf32, #tpu.memory_space<vmem_shared>>
      %dma_wait3A_124 = tpu.memref_slice %arg2[%mul3A_2] : memref<100352xf32, #tpu.memory_space<hbm>> -> memref<6272xf32, #tpu.memory_space<hbm>>
      tpu.wait_dma2 semaphore(%run_scoped3A : memref<!tpu.dma_semaphore, #tpu.memory_space<semaphore_mem>>) src(%dma_wait3A_124 : memref<6272xf32, #tpu.memory_space<hbm>>) dst(%dma_wait3A_123 : memref<6272xf32, #tpu.memory_space<vmem_shared>>)
      tpu.yield
    }) : () -> ()
    %scan3A = arith.constant 0 : i32
    %scan3A_5 = arith.constant 392 : i32
    %scan3A_6 = arith.addi %scan3A, %scan3A_5 : i32
    %scan3A_7 = arith.constant 1 : i32
    scf.for %scan3A_121 = %scan3A to %scan3A_6 step %scan3A_7  : i32 {
      %mul3A_122 = arith.constant 16 : i32
      %mul3A_123 = arith.muli %scan3A_121, %mul3A_122 : i32
      %add3A_124 = arith.constant 0 : i32
      %add3A_125 = arith.addi %add3A_124, %mul3A_123 : i32
      %broadcast_in_dim3A = arith.constant 0.000000e+00 : f32
      %broadcast_in_dim3A_126 = vector.broadcast %broadcast_in_dim3A : f32 to vector<16xf32>
      %swap3A = arith.index_cast %add3A_125 : i32 to index
      %swap3A_127 = tpu.vector_load %arg18[%swap3A] {strides = array<i32>} : memref<6272xf32, #tpu.memory_space<vmem>>, vector<16xf32>,
      %swap3A_128 = vector.shape_cast %swap3A_127 : vector<16xf32> to vector<16xf32>
      %swap3A_129 = vector.shape_cast %broadcast_in_dim3A_126 : vector<16xf32> to vector<16xf32>
      tpu.vector_store %arg18[%swap3A], %swap3A_129 {strides = array<i32>} : memref<6272xf32, #tpu.memory_space<vmem>>, vector<16xf32>,
    }
    %scan3A_8 = arith.constant 392 : i32
    %mul3A_9 = arith.constant 6272 : i32
    %mul3A_10 = arith.muli %arg1, %mul3A_9 : i32
    "tpu.region"() ({
      %run_scoped3A = tpu.sem_alloc : memref<!tpu.dma_semaphore, #tpu.memory_space<semaphore_mem>>
      %dma_start3A_121 = tpu.memref_slice %arg8[%mul3A_10] : memref<100352xf32, #tpu.memory_space<vmem_shared>> -> memref<6272xf32, #tpu.memory_space<vmem_shared>>
      %dma_start3A_122 = tpu.memref_slice %arg8[%mul3A_10] : memref<100352xf32, #tpu.memory_space<vmem_shared>> -> memref<6272xf32, #tpu.memory_space<vmem_shared>>
      tpu.enqueue_dma source(%arg18 : memref<6272xf32, #tpu.memory_space<vmem>>) target(%dma_start3A_122 : memref<6272xf32, #tpu.memory_space<vmem_shared>>) target_semaphore(%run_scoped3A : memref<!tpu.dma_semaphore, #tpu.memory_space<semaphore_mem>>)
      %dma_wait3A_123 = tpu.memref_slice %arg8[%mul3A_10] : memref<100352xf32, #tpu.memory_space<vmem_shared>> -> memref<6272xf32, #tpu.memory_space<vmem_shared>>
      %dma_wait3A_124 = tpu.memref_slice %arg8[%mul3A_10] : memref<100352xf32, #tpu.memory_space<vmem_shared>> -> memref<6272xf32, #tpu.memory_space<vmem_shared>>
      tpu.wait_dma2 semaphore(%run_scoped3A : memref<!tpu.dma_semaphore, #tpu.memory_space<semaphore_mem>>) src(%arg18 : memref<6272xf32, #tpu.memory_space<vmem>>) dst(%dma_wait3A_124 : memref<6272xf32, #tpu.memory_space<vmem_shared>>)
      tpu.yield
    }) : () -> ()
    %barrier3A = arith.constant 0 : index
    tpu.barrier barrier_id(%barrier3A)
    %mul3A_11 = arith.constant 102400 : i32
    %mul3A_12 = arith.muli %add3A, %mul3A_11 : i32
    %add3A_13 = arith.constant 0 : i32
    %add3A_14 = arith.addi %mul3A_12, %add3A_13 : i32
    %dma_start3A = tpu.memref_slice %arg3[%add3A_14] : memref<3276800xi32, #tpu.memory_space<hbm>> -> memref<2048xi32, #tpu.memory_space<hbm>>
    %dma_start3A_15 = tpu.memref_slice %arg3[%add3A_14] : memref<3276800xi32, #tpu.memory_space<hbm>> -> memref<2048xi32, #tpu.memory_space<hbm>>
    tpu.enqueue_dma source(%dma_start3A_15 : memref<2048xi32, #tpu.memory_space<hbm>>) target(%arg9 : memref<2048xi32, #tpu.memory_space<vmem>>) target_semaphore(%arg19 : memref<!tpu.dma_semaphore, #tpu.memory_space<semaphore_mem>>)
    %dma_start3A_16 = tpu.memref_slice %arg4[%add3A_14] : memref<3276800xi32, #tpu.memory_space<hbm>> -> memref<2048xi32, #tpu.memory_space<hbm>>
    %dma_start3A_17 = tpu.memref_slice %arg4[%add3A_14] : memref<3276800xi32, #tpu.memory_space<hbm>> -> memref<2048xi32, #tpu.memory_space<hbm>>
    tpu.enqueue_dma source(%dma_start3A_17 : memref<2048xi32, #tpu.memory_space<hbm>>) target(%arg11 : memref<2048xi32, #tpu.memory_space<vmem>>) target_semaphore(%arg19 : memref<!tpu.dma_semaphore, #tpu.memory_space<semaphore_mem>>)
    %dma_start3A_18 = tpu.memref_slice %arg5[%add3A_14] : memref<3276800xf32, #tpu.memory_space<hbm>> -> memref<2048xf32, #tpu.memory_space<hbm>>
    %dma_start3A_19 = tpu.memref_slice %arg5[%add3A_14] : memref<3276800xf32, #tpu.memory_space<hbm>> -> memref<2048xf32, #tpu.memory_space<hbm>>
    tpu.enqueue_dma source(%dma_start3A_19 : memref<2048xf32, #tpu.memory_space<hbm>>) target(%arg13 : memref<2048xf32, #tpu.memory_space<vmem>>) target_semaphore(%arg19 : memref<!tpu.dma_semaphore, #tpu.memory_space<semaphore_mem>>)
    %add3A_20 = arith.constant 2048 : i32
    %add3A_21 = arith.addi %mul3A_12, %add3A_20 : i32
    %dma_start3A_22 = tpu.memref_slice %arg3[%add3A_21] : memref<3276800xi32, #tpu.memory_space<hbm>> -> memref<2048xi32, #tpu.memory_space<hbm>>
    %dma_start3A_23 = tpu.memref_slice %arg3[%add3A_21] : memref<3276800xi32, #tpu.memory_space<hbm>> -> memref<2048xi32, #tpu.memory_space<hbm>>
    tpu.enqueue_dma source(%dma_start3A_23 : memref<2048xi32, #tpu.memory_space<hbm>>) target(%arg10 : memref<2048xi32, #tpu.memory_space<vmem>>) target_semaphore(%arg20 : memref<!tpu.dma_semaphore, #tpu.memory_space<semaphore_mem>>)
    %dma_start3A_24 = tpu.memref_slice %arg4[%add3A_21] : memref<3276800xi32, #tpu.memory_space<hbm>> -> memref<2048xi32, #tpu.memory_space<hbm>>
    %dma_start3A_25 = tpu.memref_slice %arg4[%add3A_21] : memref<3276800xi32, #tpu.memory_space<hbm>> -> memref<2048xi32, #tpu.memory_space<hbm>>
    tpu.enqueue_dma source(%dma_start3A_25 : memref<2048xi32, #tpu.memory_space<hbm>>) target(%arg12 : memref<2048xi32, #tpu.memory_space<vmem>>) target_semaphore(%arg20 : memref<!tpu.dma_semaphore, #tpu.memory_space<semaphore_mem>>)
    %dma_start3A_26 = tpu.memref_slice %arg5[%add3A_21] : memref<3276800xf32, #tpu.memory_space<hbm>> -> memref<2048xf32, #tpu.memory_space<hbm>>
    %dma_start3A_27 = tpu.memref_slice %arg5[%add3A_21] : memref<3276800xf32, #tpu.memory_space<hbm>> -> memref<2048xf32, #tpu.memory_space<hbm>>
    tpu.enqueue_dma source(%dma_start3A_27 : memref<2048xf32, #tpu.memory_space<hbm>>) target(%arg14 : memref<2048xf32, #tpu.memory_space<vmem>>) target_semaphore(%arg20 : memref<!tpu.dma_semaphore, #tpu.memory_space<semaphore_mem>>)
    %add3A_28 = arith.constant 0 : i32
    %add3A_29 = arith.addi %mul3A_12, %add3A_28 : i32
    %dma_wait3A = tpu.memref_slice %arg3[%add3A_29] : memref<3276800xi32, #tpu.memory_space<hbm>> -> memref<2048xi32, #tpu.memory_space<hbm>>
    %dma_wait3A_30 = tpu.memref_slice %arg3[%add3A_29] : memref<3276800xi32, #tpu.memory_space<hbm>> -> memref<2048xi32, #tpu.memory_space<hbm>>
    tpu.wait_dma2 semaphore(%arg19 : memref<!tpu.dma_semaphore, #tpu.memory_space<semaphore_mem>>) src(%dma_wait3A_30 : memref<2048xi32, #tpu.memory_space<hbm>>) dst(%arg9 : memref<2048xi32, #tpu.memory_space<vmem>>)
    %dma_wait3A_31 = tpu.memref_slice %arg4[%add3A_29] : memref<3276800xi32, #tpu.memory_space<hbm>> -> memref<2048xi32, #tpu.memory_space<hbm>>
    %dma_wait3A_32 = tpu.memref_slice %arg4[%add3A_29] : memref<3276800xi32, #tpu.memory_space<hbm>> -> memref<2048xi32, #tpu.memory_space<hbm>>
    tpu.wait_dma2 semaphore(%arg19 : memref<!tpu.dma_semaphore, #tpu.memory_space<semaphore_mem>>) src(%dma_wait3A_32 : memref<2048xi32, #tpu.memory_space<hbm>>) dst(%arg11 : memref<2048xi32, #tpu.memory_space<vmem>>)
    %dma_wait3A_33 = tpu.memref_slice %arg5[%add3A_29] : memref<3276800xf32, #tpu.memory_space<hbm>> -> memref<2048xf32, #tpu.memory_space<hbm>>
    %dma_wait3A_34 = tpu.memref_slice %arg5[%add3A_29] : memref<3276800xf32, #tpu.memory_space<hbm>> -> memref<2048xf32, #tpu.memory_space<hbm>>
    tpu.wait_dma2 semaphore(%arg19 : memref<!tpu.dma_semaphore, #tpu.memory_space<semaphore_mem>>) src(%dma_wait3A_34 : memref<2048xf32, #tpu.memory_space<hbm>>) dst(%arg13 : memref<2048xf32, #tpu.memory_space<vmem>>)
    %dma_start3A_35 = arith.constant 0 : i32
    %dma_start3A_36 = tpu.memref_slice %arg7[%dma_start3A_35] : memref<100352xf32, #tpu.memory_space<vmem_shared>> -> memref<100352xf32, #tpu.memory_space<vmem_shared>>
    tpu.enqueue_indirect_dma source(%dma_start3A_36 : memref<100352xf32, #tpu.memory_space<vmem_shared>>) target(%arg15 : memref<2048xf32, #tpu.memory_space<vmem>>) offsets(%arg9 : memref<2048xi32, #tpu.memory_space<vmem>>) semaphore(%arg21 : memref<!tpu.dma_semaphore, #tpu.memory_space<semaphore_mem>>)
    %dma_wait3A_37 = arith.constant 0 : i32
    %dma_wait3A_38 = tpu.memref_slice %arg7[%dma_wait3A_37] : memref<100352xf32, #tpu.memory_space<vmem_shared>> -> memref<100352xf32, #tpu.memory_space<vmem_shared>>
    tpu.wait_indirect_dma semaphore(%arg21 : memref<!tpu.dma_semaphore, #tpu.memory_space<semaphore_mem>>) src(%dma_wait3A_38 : memref<100352xf32, #tpu.memory_space<vmem_shared>>) dst(%arg15 : memref<2048xf32, #tpu.memory_space<vmem>>)
    %add3A_39 = arith.constant 2048 : i32
    %add3A_40 = arith.addi %mul3A_12, %add3A_39 : i32
    %dma_wait3A_41 = tpu.memref_slice %arg3[%add3A_40] : memref<3276800xi32, #tpu.memory_space<hbm>> -> memref<2048xi32, #tpu.memory_space<hbm>>
    %dma_wait3A_42 = tpu.memref_slice %arg3[%add3A_40] : memref<3276800xi32, #tpu.memory_space<hbm>> -> memref<2048xi32, #tpu.memory_space<hbm>>
    tpu.wait_dma2 semaphore(%arg20 : memref<!tpu.dma_semaphore, #tpu.memory_space<semaphore_mem>>) src(%dma_wait3A_42 : memref<2048xi32, #tpu.memory_space<hbm>>) dst(%arg10 : memref<2048xi32, #tpu.memory_space<vmem>>)
    %dma_wait3A_43 = tpu.memref_slice %arg4[%add3A_40] : memref<3276800xi32, #tpu.memory_space<hbm>> -> memref<2048xi32, #tpu.memory_space<hbm>>
    %dma_wait3A_44 = tpu.memref_slice %arg4[%add3A_40] : memref<3276800xi32, #tpu.memory_space<hbm>> -> memref<2048xi32, #tpu.memory_space<hbm>>
    tpu.wait_dma2 semaphore(%arg20 : memref<!tpu.dma_semaphore, #tpu.memory_space<semaphore_mem>>) src(%dma_wait3A_44 : memref<2048xi32, #tpu.memory_space<hbm>>) dst(%arg12 : memref<2048xi32, #tpu.memory_space<vmem>>)
    %dma_wait3A_45 = tpu.memref_slice %arg5[%add3A_40] : memref<3276800xf32, #tpu.memory_space<hbm>> -> memref<2048xf32, #tpu.memory_space<hbm>>
    %dma_wait3A_46 = tpu.memref_slice %arg5[%add3A_40] : memref<3276800xf32, #tpu.memory_space<hbm>> -> memref<2048xf32, #tpu.memory_space<hbm>>
    tpu.wait_dma2 semaphore(%arg20 : memref<!tpu.dma_semaphore, #tpu.memory_space<semaphore_mem>>) src(%dma_wait3A_46 : memref<2048xf32, #tpu.memory_space<hbm>>) dst(%arg14 : memref<2048xf32, #tpu.memory_space<vmem>>)
    %dma_start3A_47 = arith.constant 0 : i32
    %dma_start3A_48 = tpu.memref_slice %arg7[%dma_start3A_47] : memref<100352xf32, #tpu.memory_space<vmem_shared>> -> memref<100352xf32, #tpu.memory_space<vmem_shared>>
    tpu.enqueue_indirect_dma source(%dma_start3A_48 : memref<100352xf32, #tpu.memory_space<vmem_shared>>) target(%arg16 : memref<2048xf32, #tpu.memory_space<vmem>>) offsets(%arg10 : memref<2048xi32, #tpu.memory_space<vmem>>) semaphore(%arg21 : memref<!tpu.dma_semaphore, #tpu.memory_space<semaphore_mem>>)
    %scan3A_49 = arith.constant 0 : i32
    %scan3A_50 = arith.constant 32 : i32
    %scan3A_51 = arith.addi %scan3A_49, %scan3A_50 : i32
    %scan3A_52 = arith.constant 1 : i32
    scf.for %scan3A_121 = %scan3A_49 to %scan3A_51 step %scan3A_52  : i32 {
      %mul3A_122 = arith.constant 64 : i32
      %mul3A_123 = arith.muli %scan3A_121, %mul3A_122 : i32
      %add3A_124 = arith.constant 0 : i32
      %add3A_125 = arith.addi %add3A_124, %mul3A_123 : i32
      %add3A_126 = arith.constant 0 : i32
      %add3A_127 = arith.addi %add3A_125, %add3A_126 : i32
      %get3A = arith.index_cast %add3A_127 : i32 to index
      %get3A_128 = tpu.vector_load %arg13[%get3A] {strides = array<i32>} : memref<2048xf32, #tpu.memory_space<vmem>>, vector<16xf32>,
      %get3A_129 = vector.shape_cast %get3A_128 : vector<16xf32> to vector<16xf32>
      %add3A_130 = arith.constant 0 : i32
      %add3A_131 = arith.addi %add3A_125, %add3A_130 : i32
      %get3A_132 = arith.index_cast %add3A_131 : i32 to index
      %get3A_133 = tpu.vector_load %arg15[%get3A_132] {strides = array<i32>} : memref<2048xf32, #tpu.memory_space<vmem>>, vector<16xf32>,
      %get3A_134 = vector.shape_cast %get3A_133 : vector<16xf32> to vector<16xf32>
      %mul3A_135 = arith.mulf %get3A_129, %get3A_134 : vector<16xf32>
      %add3A_136 = arith.constant 0 : i32
      %add3A_137 = arith.addi %add3A_125, %add3A_136 : i32
      %swap3A = arith.index_cast %add3A_137 : i32 to index
      %swap3A_138 = tpu.vector_load %arg17[%swap3A] {strides = array<i32>} : memref<2048xf32, #tpu.memory_space<vmem>>, vector<16xf32>,
      %swap3A_139 = vector.shape_cast %swap3A_138 : vector<16xf32> to vector<16xf32>
      %swap3A_140 = vector.shape_cast %mul3A_135 : vector<16xf32> to vector<16xf32>
      tpu.vector_store %arg17[%swap3A], %swap3A_140 {strides = array<i32>} : memref<2048xf32, #tpu.memory_space<vmem>>, vector<16xf32>,
      %add3A_141 = arith.constant 16 : i32
      %add3A_142 = arith.addi %add3A_125, %add3A_141 : i32
      %get3A_143 = arith.index_cast %add3A_142 : i32 to index
      %get3A_144 = tpu.vector_load %arg13[%get3A_143] {strides = array<i32>} : memref<2048xf32, #tpu.memory_space<vmem>>, vector<16xf32>,
      %get3A_145 = vector.shape_cast %get3A_144 : vector<16xf32> to vector<16xf32>
      %add3A_146 = arith.constant 16 : i32
      %add3A_147 = arith.addi %add3A_125, %add3A_146 : i32
      %get3A_148 = arith.index_cast %add3A_147 : i32 to index
      %get3A_149 = tpu.vector_load %arg15[%get3A_148] {strides = array<i32>} : memref<2048xf32, #tpu.memory_space<vmem>>, vector<16xf32>,
      %get3A_150 = vector.shape_cast %get3A_149 : vector<16xf32> to vector<16xf32>
      %mul3A_151 = arith.mulf %get3A_145, %get3A_150 : vector<16xf32>
      %add3A_152 = arith.constant 16 : i32
      %add3A_153 = arith.addi %add3A_125, %add3A_152 : i32
      %swap3A_154 = arith.index_cast %add3A_153 : i32 to index
      %swap3A_155 = tpu.vector_load %arg17[%swap3A_154] {strides = array<i32>} : memref<2048xf32, #tpu.memory_space<vmem>>, vector<16xf32>,
      %swap3A_156 = vector.shape_cast %swap3A_155 : vector<16xf32> to vector<16xf32>
      %swap3A_157 = vector.shape_cast %mul3A_151 : vector<16xf32> to vector<16xf32>
      tpu.vector_store %arg17[%swap3A_154], %swap3A_157 {strides = array<i32>} : memref<2048xf32, #tpu.memory_space<vmem>>, vector<16xf32>,
      %add3A_158 = arith.constant 32 : i32
      %add3A_159 = arith.addi %add3A_125, %add3A_158 : i32
      %get3A_160 = arith.index_cast %add3A_159 : i32 to index
      %get3A_161 = tpu.vector_load %arg13[%get3A_160] {strides = array<i32>} : memref<2048xf32, #tpu.memory_space<vmem>>, vector<16xf32>,
      %get3A_162 = vector.shape_cast %get3A_161 : vector<16xf32> to vector<16xf32>
      %add3A_163 = arith.constant 32 : i32
      %add3A_164 = arith.addi %add3A_125, %add3A_163 : i32
      %get3A_165 = arith.index_cast %add3A_164 : i32 to index
      %get3A_166 = tpu.vector_load %arg15[%get3A_165] {strides = array<i32>} : memref<2048xf32, #tpu.memory_space<vmem>>, vector<16xf32>,
      %get3A_167 = vector.shape_cast %get3A_166 : vector<16xf32> to vector<16xf32>
      %mul3A_168 = arith.mulf %get3A_162, %get3A_167 : vector<16xf32>
      %add3A_169 = arith.constant 32 : i32
      %add3A_170 = arith.addi %add3A_125, %add3A_169 : i32
      %swap3A_171 = arith.index_cast %add3A_170 : i32 to index
      %swap3A_172 = tpu.vector_load %arg17[%swap3A_171] {strides = array<i32>} : memref<2048xf32, #tpu.memory_space<vmem>>, vector<16xf32>,
      %swap3A_173 = vector.shape_cast %swap3A_172 : vector<16xf32> to vector<16xf32>
      %swap3A_174 = vector.shape_cast %mul3A_168 : vector<16xf32> to vector<16xf32>
      tpu.vector_store %arg17[%swap3A_171], %swap3A_174 {strides = array<i32>} : memref<2048xf32, #tpu.memory_space<vmem>>, vector<16xf32>,
      %add3A_175 = arith.constant 48 : i32
      %add3A_176 = arith.addi %add3A_125, %add3A_175 : i32
      %get3A_177 = arith.index_cast %add3A_176 : i32 to index
      %get3A_178 = tpu.vector_load %arg13[%get3A_177] {strides = array<i32>} : memref<2048xf32, #tpu.memory_space<vmem>>, vector<16xf32>,
      %get3A_179 = vector.shape_cast %get3A_178 : vector<16xf32> to vector<16xf32>
      %add3A_180 = arith.constant 48 : i32
      %add3A_181 = arith.addi %add3A_125, %add3A_180 : i32
      %get3A_182 = arith.index_cast %add3A_181 : i32 to index
      %get3A_183 = tpu.vector_load %arg15[%get3A_182] {strides = array<i32>} : memref<2048xf32, #tpu.memory_space<vmem>>, vector<16xf32>,
      %get3A_184 = vector.shape_cast %get3A_183 : vector<16xf32> to vector<16xf32>
      %mul3A_185 = arith.mulf %get3A_179, %get3A_184 : vector<16xf32>
      %add3A_186 = arith.constant 48 : i32
      %add3A_187 = arith.addi %add3A_125, %add3A_186 : i32
      %swap3A_188 = arith.index_cast %add3A_187 : i32 to index
      %swap3A_189 = tpu.vector_load %arg17[%swap3A_188] {strides = array<i32>} : memref<2048xf32, #tpu.memory_space<vmem>>, vector<16xf32>,
      %swap3A_190 = vector.shape_cast %swap3A_189 : vector<16xf32> to vector<16xf32>
      %swap3A_191 = vector.shape_cast %mul3A_185 : vector<16xf32> to vector<16xf32>
      tpu.vector_store %arg17[%swap3A_188], %swap3A_191 {strides = array<i32>} : memref<2048xf32, #tpu.memory_space<vmem>>, vector<16xf32>,
    }
    %scan3A_53 = arith.constant 32 : i32
    "tpu.region"() ({
      %run_scoped3A = tpu.sem_alloc : memref<!tpu.dma_semaphore, #tpu.memory_space<semaphore_mem>>
      %dma_start3A_121 = arith.constant 0 : i32
      %dma_start3A_122 = tpu.memref_slice %arg8[%dma_start3A_121] : memref<100352xf32, #tpu.memory_space<vmem_shared>> -> memref<100352xf32, #tpu.memory_space<vmem_shared>>
      tpu.enqueue_indirect_dma source(%arg17 : memref<2048xf32, #tpu.memory_space<vmem>>) target(%dma_start3A_122 : memref<100352xf32, #tpu.memory_space<vmem_shared>>) offsets(%arg11 : memref<2048xi32, #tpu.memory_space<vmem>>) semaphore(%run_scoped3A : memref<!tpu.dma_semaphore, #tpu.memory_space<semaphore_mem>>) {add = true}
      %dma_wait3A_123 = arith.constant 0 : i32
      %dma_wait3A_124 = tpu.memref_slice %arg8[%dma_wait3A_123] : memref<100352xf32, #tpu.memory_space<vmem_shared>> -> memref<100352xf32, #tpu.memory_space<vmem_shared>>
      tpu.wait_indirect_dma semaphore(%run_scoped3A : memref<!tpu.dma_semaphore, #tpu.memory_space<semaphore_mem>>) src(%arg17 : memref<2048xf32, #tpu.memory_space<vmem>>) dst(%dma_wait3A_124 : memref<100352xf32, #tpu.memory_space<vmem_shared>>)
      tpu.yield
    }) : () -> ()
    %add3A_54 = arith.constant 4096 : i32
    %add3A_55 = arith.addi %mul3A_12, %add3A_54 : i32
    %dma_start3A_56 = tpu.memref_slice %arg3[%add3A_55] : memref<3276800xi32, #tpu.memory_space<hbm>> -> memref<2048xi32, #tpu.memory_space<hbm>>
    %dma_start3A_57 = tpu.memref_slice %arg3[%add3A_55] : memref<3276800xi32, #tpu.memory_space<hbm>> -> memref<2048xi32, #tpu.memory_space<hbm>>
    tpu.enqueue_dma source(%dma_start3A_57 : memref<2048xi32, #tpu.memory_space<hbm>>) target(%arg9 : memref<2048xi32, #tpu.memory_space<vmem>>) target_semaphore(%arg19 : memref<!tpu.dma_semaphore, #tpu.memory_space<semaphore_mem>>)
    %dma_start3A_58 = tpu.memref_slice %arg4[%add3A_55] : memref<3276800xi32, #tpu.memory_space<hbm>> -> memref<2048xi32, #tpu.memory_space<hbm>>
    %dma_start3A_59 = tpu.memref_slice %arg4[%add3A_55] : memref<3276800xi32, #tpu.memory_space<hbm>> -> memref<2048xi32, #tpu.memory_space<hbm>>
    tpu.enqueue_dma source(%dma_start3A_59 : memref<2048xi32, #tpu.memory_space<hbm>>) target(%arg11 : memref<2048xi32, #tpu.memory_space<vmem>>) target_semaphore(%arg19 : memref<!tpu.dma_semaphore, #tpu.memory_space<semaphore_mem>>)
    %dma_start3A_60 = tpu.memref_slice %arg5[%add3A_55] : memref<3276800xf32, #tpu.memory_space<hbm>> -> memref<2048xf32, #tpu.memory_space<hbm>>
    %dma_start3A_61 = tpu.memref_slice %arg5[%add3A_55] : memref<3276800xf32, #tpu.memory_space<hbm>> -> memref<2048xf32, #tpu.memory_space<hbm>>
    tpu.enqueue_dma source(%dma_start3A_61 : memref<2048xf32, #tpu.memory_space<hbm>>) target(%arg13 : memref<2048xf32, #tpu.memory_space<vmem>>) target_semaphore(%arg19 : memref<!tpu.dma_semaphore, #tpu.memory_space<semaphore_mem>>)
    %scan3A_62 = arith.constant 0 : i32
    %scan3A_63 = arith.constant 23 : i32
    %scan3A_64 = arith.addi %scan3A_62, %scan3A_63 : i32
    %scan3A_65 = arith.constant 1 : i32
    scf.for %scan3A_121 = %scan3A_62 to %scan3A_64 step %scan3A_65  : i32 {
      %mul3A_122 = arith.constant 2 : i32
      %mul3A_123 = arith.muli %scan3A_121, %mul3A_122 : i32
      %add3A_124 = arith.constant 1 : i32
      %add3A_125 = arith.addi %add3A_124, %mul3A_123 : i32
      %dma_wait3A_126 = arith.constant 0 : i32
      %dma_wait3A_127 = tpu.memref_slice %arg7[%dma_wait3A_126] : memref<100352xf32, #tpu.memory_space<vmem_shared>> -> memref<100352xf32, #tpu.memory_space<vmem_shared>>
      tpu.wait_indirect_dma semaphore(%arg21 : memref<!tpu.dma_semaphore, #tpu.memory_space<semaphore_mem>>) src(%dma_wait3A_127 : memref<100352xf32, #tpu.memory_space<vmem_shared>>) dst(%arg16 : memref<2048xf32, #tpu.memory_space<vmem>>)
      %add3A_128 = arith.constant 1 : i32
      %add3A_129 = arith.addi %add3A_125, %add3A_128 : i32
      %mul3A_130 = arith.constant 2048 : i32
      %mul3A_131 = arith.muli %add3A_129, %mul3A_130 : i32
      %add3A_132 = arith.addi %mul3A_12, %mul3A_131 : i32
      %dma_wait3A_133 = tpu.memref_slice %arg3[%add3A_132] : memref<3276800xi32, #tpu.memory_space<hbm>> -> memref<2048xi32, #tpu.memory_space<hbm>>
      %dma_wait3A_134 = tpu.memref_slice %arg3[%add3A_132] : memref<3276800xi32, #tpu.memory_space<hbm>> -> memref<2048xi32, #tpu.memory_space<hbm>>
      tpu.wait_dma2 semaphore(%arg19 : memref<!tpu.dma_semaphore, #tpu.memory_space<semaphore_mem>>) src(%dma_wait3A_134 : memref<2048xi32, #tpu.memory_space<hbm>>) dst(%arg9 : memref<2048xi32, #tpu.memory_space<vmem>>)
      %dma_wait3A_135 = tpu.memref_slice %arg4[%add3A_132] : memref<3276800xi32, #tpu.memory_space<hbm>> -> memref<2048xi32, #tpu.memory_space<hbm>>
      %dma_wait3A_136 = tpu.memref_slice %arg4[%add3A_132] : memref<3276800xi32, #tpu.memory_space<hbm>> -> memref<2048xi32, #tpu.memory_space<hbm>>
      tpu.wait_dma2 semaphore(%arg19 : memref<!tpu.dma_semaphore, #tpu.memory_space<semaphore_mem>>) src(%dma_wait3A_136 : memref<2048xi32, #tpu.memory_space<hbm>>) dst(%arg11 : memref<2048xi32, #tpu.memory_space<vmem>>)
      %dma_wait3A_137 = tpu.memref_slice %arg5[%add3A_132] : memref<3276800xf32, #tpu.memory_space<hbm>> -> memref<2048xf32, #tpu.memory_space<hbm>>
      %dma_wait3A_138 = tpu.memref_slice %arg5[%add3A_132] : memref<3276800xf32, #tpu.memory_space<hbm>> -> memref<2048xf32, #tpu.memory_space<hbm>>
      tpu.wait_dma2 semaphore(%arg19 : memref<!tpu.dma_semaphore, #tpu.memory_space<semaphore_mem>>) src(%dma_wait3A_138 : memref<2048xf32, #tpu.memory_space<hbm>>) dst(%arg13 : memref<2048xf32, #tpu.memory_space<vmem>>)
      %dma_start3A_139 = arith.constant 0 : i32
      %dma_start3A_140 = tpu.memref_slice %arg7[%dma_start3A_139] : memref<100352xf32, #tpu.memory_space<vmem_shared>> -> memref<100352xf32, #tpu.memory_space<vmem_shared>>
      tpu.enqueue_indirect_dma source(%dma_start3A_140 : memref<100352xf32, #tpu.memory_space<vmem_shared>>) target(%arg15 : memref<2048xf32, #tpu.memory_space<vmem>>) offsets(%arg9 : memref<2048xi32, #tpu.memory_space<vmem>>) semaphore(%arg21 : memref<!tpu.dma_semaphore, #tpu.memory_space<semaphore_mem>>)
      %scan3A_141 = arith.constant 0 : i32
      %scan3A_142 = arith.constant 32 : i32
      %scan3A_143 = arith.addi %scan3A_141, %scan3A_142 : i32
      %scan3A_144 = arith.constant 1 : i32
      scf.for %scan3A_190 = %scan3A_141 to %scan3A_143 step %scan3A_144  : i32 {
        %mul3A_191 = arith.constant 64 : i32
        %mul3A_192 = arith.muli %scan3A_190, %mul3A_191 : i32
        %add3A_193 = arith.constant 0 : i32
        %add3A_194 = arith.addi %add3A_193, %mul3A_192 : i32
        %add3A_195 = arith.constant 0 : i32
        %add3A_196 = arith.addi %add3A_194, %add3A_195 : i32
        %get3A = arith.index_cast %add3A_196 : i32 to index
        %get3A_197 = tpu.vector_load %arg14[%get3A] {strides = array<i32>} : memref<2048xf32, #tpu.memory_space<vmem>>, vector<16xf32>,
        %get3A_198 = vector.shape_cast %get3A_197 : vector<16xf32> to vector<16xf32>
        %add3A_199 = arith.constant 0 : i32
        %add3A_200 = arith.addi %add3A_194, %add3A_199 : i32
        %get3A_201 = arith.index_cast %add3A_200 : i32 to index
        %get3A_202 = tpu.vector_load %arg16[%get3A_201] {strides = array<i32>} : memref<2048xf32, #tpu.memory_space<vmem>>, vector<16xf32>,
        %get3A_203 = vector.shape_cast %get3A_202 : vector<16xf32> to vector<16xf32>
        %mul3A_204 = arith.mulf %get3A_198, %get3A_203 : vector<16xf32>
        %add3A_205 = arith.constant 0 : i32
        %add3A_206 = arith.addi %add3A_194, %add3A_205 : i32
        %swap3A = arith.index_cast %add3A_206 : i32 to index
        %swap3A_207 = tpu.vector_load %arg17[%swap3A] {strides = array<i32>} : memref<2048xf32, #tpu.memory_space<vmem>>, vector<16xf32>,
        %swap3A_208 = vector.shape_cast %swap3A_207 : vector<16xf32> to vector<16xf32>
        %swap3A_209 = vector.shape_cast %mul3A_204 : vector<16xf32> to vector<16xf32>
        tpu.vector_store %arg17[%swap3A], %swap3A_209 {strides = array<i32>} : memref<2048xf32, #tpu.memory_space<vmem>>, vector<16xf32>,
        %add3A_210 = arith.constant 16 : i32
        %add3A_211 = arith.addi %add3A_194, %add3A_210 : i32
        %get3A_212 = arith.index_cast %add3A_211 : i32 to index
        %get3A_213 = tpu.vector_load %arg14[%get3A_212] {strides = array<i32>} : memref<2048xf32, #tpu.memory_space<vmem>>, vector<16xf32>,
        %get3A_214 = vector.shape_cast %get3A_213 : vector<16xf32> to vector<16xf32>
        %add3A_215 = arith.constant 16 : i32
        %add3A_216 = arith.addi %add3A_194, %add3A_215 : i32
        %get3A_217 = arith.index_cast %add3A_216 : i32 to index
        %get3A_218 = tpu.vector_load %arg16[%get3A_217] {strides = array<i32>} : memref<2048xf32, #tpu.memory_space<vmem>>, vector<16xf32>,
        %get3A_219 = vector.shape_cast %get3A_218 : vector<16xf32> to vector<16xf32>
        %mul3A_220 = arith.mulf %get3A_214, %get3A_219 : vector<16xf32>
        %add3A_221 = arith.constant 16 : i32
        %add3A_222 = arith.addi %add3A_194, %add3A_221 : i32
        %swap3A_223 = arith.index_cast %add3A_222 : i32 to index
        %swap3A_224 = tpu.vector_load %arg17[%swap3A_223] {strides = array<i32>} : memref<2048xf32, #tpu.memory_space<vmem>>, vector<16xf32>,
        %swap3A_225 = vector.shape_cast %swap3A_224 : vector<16xf32> to vector<16xf32>
        %swap3A_226 = vector.shape_cast %mul3A_220 : vector<16xf32> to vector<16xf32>
        tpu.vector_store %arg17[%swap3A_223], %swap3A_226 {strides = array<i32>} : memref<2048xf32, #tpu.memory_space<vmem>>, vector<16xf32>,
        %add3A_227 = arith.constant 32 : i32
        %add3A_228 = arith.addi %add3A_194, %add3A_227 : i32
        %get3A_229 = arith.index_cast %add3A_228 : i32 to index
        %get3A_230 = tpu.vector_load %arg14[%get3A_229] {strides = array<i32>} : memref<2048xf32, #tpu.memory_space<vmem>>, vector<16xf32>,
        %get3A_231 = vector.shape_cast %get3A_230 : vector<16xf32> to vector<16xf32>
        %add3A_232 = arith.constant 32 : i32
        %add3A_233 = arith.addi %add3A_194, %add3A_232 : i32
        %get3A_234 = arith.index_cast %add3A_233 : i32 to index
        %get3A_235 = tpu.vector_load %arg16[%get3A_234] {strides = array<i32>} : memref<2048xf32, #tpu.memory_space<vmem>>, vector<16xf32>,
        %get3A_236 = vector.shape_cast %get3A_235 : vector<16xf32> to vector<16xf32>
        %mul3A_237 = arith.mulf %get3A_231, %get3A_236 : vector<16xf32>
        %add3A_238 = arith.constant 32 : i32
        %add3A_239 = arith.addi %add3A_194, %add3A_238 : i32
        %swap3A_240 = arith.index_cast %add3A_239 : i32 to index
        %swap3A_241 = tpu.vector_load %arg17[%swap3A_240] {strides = array<i32>} : memref<2048xf32, #tpu.memory_space<vmem>>, vector<16xf32>,
        %swap3A_242 = vector.shape_cast %swap3A_241 : vector<16xf32> to vector<16xf32>
        %swap3A_243 = vector.shape_cast %mul3A_237 : vector<16xf32> to vector<16xf32>
        tpu.vector_store %arg17[%swap3A_240], %swap3A_243 {strides = array<i32>} : memref<2048xf32, #tpu.memory_space<vmem>>, vector<16xf32>,
        %add3A_244 = arith.constant 48 : i32
        %add3A_245 = arith.addi %add3A_194, %add3A_244 : i32
        %get3A_246 = arith.index_cast %add3A_245 : i32 to index
        %get3A_247 = tpu.vector_load %arg14[%get3A_246] {strides = array<i32>} : memref<2048xf32, #tpu.memory_space<vmem>>, vector<16xf32>,
        %get3A_248 = vector.shape_cast %get3A_247 : vector<16xf32> to vector<16xf32>
        %add3A_249 = arith.constant 48 : i32
        %add3A_250 = arith.addi %add3A_194, %add3A_249 : i32
        %get3A_251 = arith.index_cast %add3A_250 : i32 to index
        %get3A_252 = tpu.vector_load %arg16[%get3A_251] {strides = array<i32>} : memref<2048xf32, #tpu.memory_space<vmem>>, vector<16xf32>,
        %get3A_253 = vector.shape_cast %get3A_252 : vector<16xf32> to vector<16xf32>
        %mul3A_254 = arith.mulf %get3A_248, %get3A_253 : vector<16xf32>
        %add3A_255 = arith.constant 48 : i32
        %add3A_256 = arith.addi %add3A_194, %add3A_255 : i32
        %swap3A_257 = arith.index_cast %add3A_256 : i32 to index
        %swap3A_258 = tpu.vector_load %arg17[%swap3A_257] {strides = array<i32>} : memref<2048xf32, #tpu.memory_space<vmem>>, vector<16xf32>,
        %swap3A_259 = vector.shape_cast %swap3A_258 : vector<16xf32> to vector<16xf32>
        %swap3A_260 = vector.shape_cast %mul3A_254 : vector<16xf32> to vector<16xf32>
        tpu.vector_store %arg17[%swap3A_257], %swap3A_260 {strides = array<i32>} : memref<2048xf32, #tpu.memory_space<vmem>>, vector<16xf32>,
      }
      %scan3A_145 = arith.constant 32 : i32
      "tpu.region"() ({
        %run_scoped3A = tpu.sem_alloc : memref<!tpu.dma_semaphore, #tpu.memory_space<semaphore_mem>>
        %dma_start3A_190 = arith.constant 0 : i32
        %dma_start3A_191 = tpu.memref_slice %arg8[%dma_start3A_190] : memref<100352xf32, #tpu.memory_space<vmem_shared>> -> memref<100352xf32, #tpu.memory_space<vmem_shared>>
        tpu.enqueue_indirect_dma source(%arg17 : memref<2048xf32, #tpu.memory_space<vmem>>) target(%dma_start3A_191 : memref<100352xf32, #tpu.memory_space<vmem_shared>>) offsets(%arg12 : memref<2048xi32, #tpu.memory_space<vmem>>) semaphore(%run_scoped3A : memref<!tpu.dma_semaphore, #tpu.memory_space<semaphore_mem>>) {add = true}
        %dma_wait3A_192 = arith.constant 0 : i32
        %dma_wait3A_193 = tpu.memref_slice %arg8[%dma_wait3A_192] : memref<100352xf32, #tpu.memory_space<vmem_shared>> -> memref<100352xf32, #tpu.memory_space<vmem_shared>>
        tpu.wait_indirect_dma semaphore(%run_scoped3A : memref<!tpu.dma_semaphore, #tpu.memory_space<semaphore_mem>>) src(%arg17 : memref<2048xf32, #tpu.memory_space<vmem>>) dst(%dma_wait3A_193 : memref<100352xf32, #tpu.memory_space<vmem_shared>>)
        tpu.yield
      }) : () -> ()
      %add3A_146 = arith.constant 2 : i32
      %add3A_147 = arith.addi %add3A_125, %add3A_146 : i32
      %mul3A_148 = arith.constant 2048 : i32
      %mul3A_149 = arith.muli %add3A_147, %mul3A_148 : i32
      %add3A_150 = arith.addi %mul3A_12, %mul3A_149 : i32
      %dma_start3A_151 = tpu.memref_slice %arg3[%add3A_150] : memref<3276800xi32, #tpu.memory_space<hbm>> -> memref<2048xi32, #tpu.memory_space<hbm>>
      %dma_start3A_152 = tpu.memref_slice %arg3[%add3A_150] : memref<3276800xi32, #tpu.memory_space<hbm>> -> memref<2048xi32, #tpu.memory_space<hbm>>
      tpu.enqueue_dma source(%dma_start3A_152 : memref<2048xi32, #tpu.memory_space<hbm>>) target(%arg10 : memref<2048xi32, #tpu.memory_space<vmem>>) target_semaphore(%arg20 : memref<!tpu.dma_semaphore, #tpu.memory_space<semaphore_mem>>)
      %dma_start3A_153 = tpu.memref_slice %arg4[%add3A_150] : memref<3276800xi32, #tpu.memory_space<hbm>> -> memref<2048xi32, #tpu.memory_space<hbm>>
      %dma_start3A_154 = tpu.memref_slice %arg4[%add3A_150] : memref<3276800xi32, #tpu.memory_space<hbm>> -> memref<2048xi32, #tpu.memory_space<hbm>>
      tpu.enqueue_dma source(%dma_start3A_154 : memref<2048xi32, #tpu.memory_space<hbm>>) target(%arg12 : memref<2048xi32, #tpu.memory_space<vmem>>) target_semaphore(%arg20 : memref<!tpu.dma_semaphore, #tpu.memory_space<semaphore_mem>>)
      %dma_start3A_155 = tpu.memref_slice %arg5[%add3A_150] : memref<3276800xf32, #tpu.memory_space<hbm>> -> memref<2048xf32, #tpu.memory_space<hbm>>
      %dma_start3A_156 = tpu.memref_slice %arg5[%add3A_150] : memref<3276800xf32, #tpu.memory_space<hbm>> -> memref<2048xf32, #tpu.memory_space<hbm>>
      tpu.enqueue_dma source(%dma_start3A_156 : memref<2048xf32, #tpu.memory_space<hbm>>) target(%arg14 : memref<2048xf32, #tpu.memory_space<vmem>>) target_semaphore(%arg20 : memref<!tpu.dma_semaphore, #tpu.memory_space<semaphore_mem>>)
      %add3A_157 = arith.constant 1 : i32
      %add3A_158 = arith.addi %add3A_125, %add3A_157 : i32
      %dma_wait3A_159 = arith.constant 0 : i32
      %dma_wait3A_160 = tpu.memref_slice %arg7[%dma_wait3A_159] : memref<100352xf32, #tpu.memory_space<vmem_shared>> -> memref<100352xf32, #tpu.memory_space<vmem_shared>>
      tpu.wait_indirect_dma semaphore(%arg21 : memref<!tpu.dma_semaphore, #tpu.memory_space<semaphore_mem>>) src(%dma_wait3A_160 : memref<100352xf32, #tpu.memory_space<vmem_shared>>) dst(%arg15 : memref<2048xf32, #tpu.memory_space<vmem>>)
      %add3A_161 = arith.constant 1 : i32
      %add3A_162 = arith.addi %add3A_158, %add3A_161 : i32
      %mul3A_163 = arith.constant 2048 : i32
      %mul3A_164 = arith.muli %add3A_162, %mul3A_163 : i32
      %add3A_165 = arith.addi %mul3A_12, %mul3A_164 : i32
      %dma_wait3A_166 = tpu.memref_slice %arg3[%add3A_165] : memref<3276800xi32, #tpu.memory_space<hbm>> -> memref<2048xi32, #tpu.memory_space<hbm>>
      %dma_wait3A_167 = tpu.memref_slice %arg3[%add3A_165] : memref<3276800xi32, #tpu.memory_space<hbm>> -> memref<2048xi32, #tpu.memory_space<hbm>>
      tpu.wait_dma2 semaphore(%arg20 : memref<!tpu.dma_semaphore, #tpu.memory_space<semaphore_mem>>) src(%dma_wait3A_167 : memref<2048xi32, #tpu.memory_space<hbm>>) dst(%arg10 : memref<2048xi32, #tpu.memory_space<vmem>>)
      %dma_wait3A_168 = tpu.memref_slice %arg4[%add3A_165] : memref<3276800xi32, #tpu.memory_space<hbm>> -> memref<2048xi32, #tpu.memory_space<hbm>>
      %dma_wait3A_169 = tpu.memref_slice %arg4[%add3A_165] : memref<3276800xi32, #tpu.memory_space<hbm>> -> memref<2048xi32, #tpu.memory_space<hbm>>
      tpu.wait_dma2 semaphore(%arg20 : memref<!tpu.dma_semaphore, #tpu.memory_space<semaphore_mem>>) src(%dma_wait3A_169 : memref<2048xi32, #tpu.memory_space<hbm>>) dst(%arg12 : memref<2048xi32, #tpu.memory_space<vmem>>)
      %dma_wait3A_170 = tpu.memref_slice %arg5[%add3A_165] : memref<3276800xf32, #tpu.memory_space<hbm>> -> memref<2048xf32, #tpu.memory_space<hbm>>
      %dma_wait3A_171 = tpu.memref_slice %arg5[%add3A_165] : memref<3276800xf32, #tpu.memory_space<hbm>> -> memref<2048xf32, #tpu.memory_space<hbm>>
      tpu.wait_dma2 semaphore(%arg20 : memref<!tpu.dma_semaphore, #tpu.memory_space<semaphore_mem>>) src(%dma_wait3A_171 : memref<2048xf32, #tpu.memory_space<hbm>>) dst(%arg14 : memref<2048xf32, #tpu.memory_space<vmem>>)
      %dma_start3A_172 = arith.constant 0 : i32
      %dma_start3A_173 = tpu.memref_slice %arg7[%dma_start3A_172] : memref<100352xf32, #tpu.memory_space<vmem_shared>> -> memref<100352xf32, #tpu.memory_space<vmem_shared>>
      tpu.enqueue_indirect_dma source(%dma_start3A_173 : memref<100352xf32, #tpu.memory_space<vmem_shared>>) target(%arg16 : memref<2048xf32, #tpu.memory_space<vmem>>) offsets(%arg10 : memref<2048xi32, #tpu.memory_space<vmem>>) semaphore(%arg21 : memref<!tpu.dma_semaphore, #tpu.memory_space<semaphore_mem>>)
      %scan3A_174 = arith.constant 0 : i32
      %scan3A_175 = arith.constant 32 : i32
      %scan3A_176 = arith.addi %scan3A_174, %scan3A_175 : i32
      %scan3A_177 = arith.constant 1 : i32
      scf.for %scan3A_190 = %scan3A_174 to %scan3A_176 step %scan3A_177  : i32 {
        %mul3A_191 = arith.constant 64 : i32
        %mul3A_192 = arith.muli %scan3A_190, %mul3A_191 : i32
        %add3A_193 = arith.constant 0 : i32
        %add3A_194 = arith.addi %add3A_193, %mul3A_192 : i32
        %add3A_195 = arith.constant 0 : i32
        %add3A_196 = arith.addi %add3A_194, %add3A_195 : i32
        %get3A = arith.index_cast %add3A_196 : i32 to index
        %get3A_197 = tpu.vector_load %arg13[%get3A] {strides = array<i32>} : memref<2048xf32, #tpu.memory_space<vmem>>, vector<16xf32>,
        %get3A_198 = vector.shape_cast %get3A_197 : vector<16xf32> to vector<16xf32>
        %add3A_199 = arith.constant 0 : i32
        %add3A_200 = arith.addi %add3A_194, %add3A_199 : i32
        %get3A_201 = arith.index_cast %add3A_200 : i32 to index
        %get3A_202 = tpu.vector_load %arg15[%get3A_201] {strides = array<i32>} : memref<2048xf32, #tpu.memory_space<vmem>>, vector<16xf32>,
        %get3A_203 = vector.shape_cast %get3A_202 : vector<16xf32> to vector<16xf32>
        %mul3A_204 = arith.mulf %get3A_198, %get3A_203 : vector<16xf32>
        %add3A_205 = arith.constant 0 : i32
        %add3A_206 = arith.addi %add3A_194, %add3A_205 : i32
        %swap3A = arith.index_cast %add3A_206 : i32 to index
        %swap3A_207 = tpu.vector_load %arg17[%swap3A] {strides = array<i32>} : memref<2048xf32, #tpu.memory_space<vmem>>, vector<16xf32>,
        %swap3A_208 = vector.shape_cast %swap3A_207 : vector<16xf32> to vector<16xf32>
        %swap3A_209 = vector.shape_cast %mul3A_204 : vector<16xf32> to vector<16xf32>
        tpu.vector_store %arg17[%swap3A], %swap3A_209 {strides = array<i32>} : memref<2048xf32, #tpu.memory_space<vmem>>, vector<16xf32>,
        %add3A_210 = arith.constant 16 : i32
        %add3A_211 = arith.addi %add3A_194, %add3A_210 : i32
        %get3A_212 = arith.index_cast %add3A_211 : i32 to index
        %get3A_213 = tpu.vector_load %arg13[%get3A_212] {strides = array<i32>} : memref<2048xf32, #tpu.memory_space<vmem>>, vector<16xf32>,
        %get3A_214 = vector.shape_cast %get3A_213 : vector<16xf32> to vector<16xf32>
        %add3A_215 = arith.constant 16 : i32
        %add3A_216 = arith.addi %add3A_194, %add3A_215 : i32
        %get3A_217 = arith.index_cast %add3A_216 : i32 to index
        %get3A_218 = tpu.vector_load %arg15[%get3A_217] {strides = array<i32>} : memref<2048xf32, #tpu.memory_space<vmem>>, vector<16xf32>,
        %get3A_219 = vector.shape_cast %get3A_218 : vector<16xf32> to vector<16xf32>
        %mul3A_220 = arith.mulf %get3A_214, %get3A_219 : vector<16xf32>
        %add3A_221 = arith.constant 16 : i32
        %add3A_222 = arith.addi %add3A_194, %add3A_221 : i32
        %swap3A_223 = arith.index_cast %add3A_222 : i32 to index
        %swap3A_224 = tpu.vector_load %arg17[%swap3A_223] {strides = array<i32>} : memref<2048xf32, #tpu.memory_space<vmem>>, vector<16xf32>,
        %swap3A_225 = vector.shape_cast %swap3A_224 : vector<16xf32> to vector<16xf32>
        %swap3A_226 = vector.shape_cast %mul3A_220 : vector<16xf32> to vector<16xf32>
        tpu.vector_store %arg17[%swap3A_223], %swap3A_226 {strides = array<i32>} : memref<2048xf32, #tpu.memory_space<vmem>>, vector<16xf32>,
        %add3A_227 = arith.constant 32 : i32
        %add3A_228 = arith.addi %add3A_194, %add3A_227 : i32
        %get3A_229 = arith.index_cast %add3A_228 : i32 to index
        %get3A_230 = tpu.vector_load %arg13[%get3A_229] {strides = array<i32>} : memref<2048xf32, #tpu.memory_space<vmem>>, vector<16xf32>,
        %get3A_231 = vector.shape_cast %get3A_230 : vector<16xf32> to vector<16xf32>
        %add3A_232 = arith.constant 32 : i32
        %add3A_233 = arith.addi %add3A_194, %add3A_232 : i32
        %get3A_234 = arith.index_cast %add3A_233 : i32 to index
        %get3A_235 = tpu.vector_load %arg15[%get3A_234] {strides = array<i32>} : memref<2048xf32, #tpu.memory_space<vmem>>, vector<16xf32>,
        %get3A_236 = vector.shape_cast %get3A_235 : vector<16xf32> to vector<16xf32>
        %mul3A_237 = arith.mulf %get3A_231, %get3A_236 : vector<16xf32>
        %add3A_238 = arith.constant 32 : i32
        %add3A_239 = arith.addi %add3A_194, %add3A_238 : i32
        %swap3A_240 = arith.index_cast %add3A_239 : i32 to index
        %swap3A_241 = tpu.vector_load %arg17[%swap3A_240] {strides = array<i32>} : memref<2048xf32, #tpu.memory_space<vmem>>, vector<16xf32>,
        %swap3A_242 = vector.shape_cast %swap3A_241 : vector<16xf32> to vector<16xf32>
        %swap3A_243 = vector.shape_cast %mul3A_237 : vector<16xf32> to vector<16xf32>
        tpu.vector_store %arg17[%swap3A_240], %swap3A_243 {strides = array<i32>} : memref<2048xf32, #tpu.memory_space<vmem>>, vector<16xf32>,
        %add3A_244 = arith.constant 48 : i32
        %add3A_245 = arith.addi %add3A_194, %add3A_244 : i32
        %get3A_246 = arith.index_cast %add3A_245 : i32 to index
        %get3A_247 = tpu.vector_load %arg13[%get3A_246] {strides = array<i32>} : memref<2048xf32, #tpu.memory_space<vmem>>, vector<16xf32>,
        %get3A_248 = vector.shape_cast %get3A_247 : vector<16xf32> to vector<16xf32>
        %add3A_249 = arith.constant 48 : i32
        %add3A_250 = arith.addi %add3A_194, %add3A_249 : i32
        %get3A_251 = arith.index_cast %add3A_250 : i32 to index
        %get3A_252 = tpu.vector_load %arg15[%get3A_251] {strides = array<i32>} : memref<2048xf32, #tpu.memory_space<vmem>>, vector<16xf32>,
        %get3A_253 = vector.shape_cast %get3A_252 : vector<16xf32> to vector<16xf32>
        %mul3A_254 = arith.mulf %get3A_248, %get3A_253 : vector<16xf32>
        %add3A_255 = arith.constant 48 : i32
        %add3A_256 = arith.addi %add3A_194, %add3A_255 : i32
        %swap3A_257 = arith.index_cast %add3A_256 : i32 to index
        %swap3A_258 = tpu.vector_load %arg17[%swap3A_257] {strides = array<i32>} : memref<2048xf32, #tpu.memory_space<vmem>>, vector<16xf32>,
        %swap3A_259 = vector.shape_cast %swap3A_258 : vector<16xf32> to vector<16xf32>
        %swap3A_260 = vector.shape_cast %mul3A_254 : vector<16xf32> to vector<16xf32>
        tpu.vector_store %arg17[%swap3A_257], %swap3A_260 {strides = array<i32>} : memref<2048xf32, #tpu.memory_space<vmem>>, vector<16xf32>,
      }
      %scan3A_178 = arith.constant 32 : i32
      "tpu.region"() ({
        %run_scoped3A = tpu.sem_alloc : memref<!tpu.dma_semaphore, #tpu.memory_space<semaphore_mem>>
        %dma_start3A_190 = arith.constant 0 : i32
        %dma_start3A_191 = tpu.memref_slice %arg8[%dma_start3A_190] : memref<100352xf32, #tpu.memory_space<vmem_shared>> -> memref<100352xf32, #tpu.memory_space<vmem_shared>>
        tpu.enqueue_indirect_dma source(%arg17 : memref<2048xf32, #tpu.memory_space<vmem>>) target(%dma_start3A_191 : memref<100352xf32, #tpu.memory_space<vmem_shared>>) offsets(%arg11 : memref<2048xi32, #tpu.memory_space<vmem>>) semaphore(%run_scoped3A : memref<!tpu.dma_semaphore, #tpu.memory_space<semaphore_mem>>) {add = true}
        %dma_wait3A_192 = arith.constant 0 : i32
        %dma_wait3A_193 = tpu.memref_slice %arg8[%dma_wait3A_192] : memref<100352xf32, #tpu.memory_space<vmem_shared>> -> memref<100352xf32, #tpu.memory_space<vmem_shared>>
        tpu.wait_indirect_dma semaphore(%run_scoped3A : memref<!tpu.dma_semaphore, #tpu.memory_space<semaphore_mem>>) src(%arg17 : memref<2048xf32, #tpu.memory_space<vmem>>) dst(%dma_wait3A_193 : memref<100352xf32, #tpu.memory_space<vmem_shared>>)
        tpu.yield
      }) : () -> ()
      %add3A_179 = arith.constant 2 : i32
      %add3A_180 = arith.addi %add3A_158, %add3A_179 : i32
      %mul3A_181 = arith.constant 2048 : i32
      %mul3A_182 = arith.muli %add3A_180, %mul3A_181 : i32
      %add3A_183 = arith.addi %mul3A_12, %mul3A_182 : i32
      %dma_start3A_184 = tpu.memref_slice %arg3[%add3A_183] : memref<3276800xi32, #tpu.memory_space<hbm>> -> memref<2048xi32, #tpu.memory_space<hbm>>
      %dma_start3A_185 = tpu.memref_slice %arg3[%add3A_183] : memref<3276800xi32, #tpu.memory_space<hbm>> -> memref<2048xi32, #tpu.memory_space<hbm>>
      tpu.enqueue_dma source(%dma_start3A_185 : memref<2048xi32, #tpu.memory_space<hbm>>) target(%arg9 : memref<2048xi32, #tpu.memory_space<vmem>>) target_semaphore(%arg19 : memref<!tpu.dma_semaphore, #tpu.memory_space<semaphore_mem>>)
      %dma_start3A_186 = tpu.memref_slice %arg4[%add3A_183] : memref<3276800xi32, #tpu.memory_space<hbm>> -> memref<2048xi32, #tpu.memory_space<hbm>>
      %dma_start3A_187 = tpu.memref_slice %arg4[%add3A_183] : memref<3276800xi32, #tpu.memory_space<hbm>> -> memref<2048xi32, #tpu.memory_space<hbm>>
      tpu.enqueue_dma source(%dma_start3A_187 : memref<2048xi32, #tpu.memory_space<hbm>>) target(%arg11 : memref<2048xi32, #tpu.memory_space<vmem>>) target_semaphore(%arg19 : memref<!tpu.dma_semaphore, #tpu.memory_space<semaphore_mem>>)
      %dma_start3A_188 = tpu.memref_slice %arg5[%add3A_183] : memref<3276800xf32, #tpu.memory_space<hbm>> -> memref<2048xf32, #tpu.memory_space<hbm>>
      %dma_start3A_189 = tpu.memref_slice %arg5[%add3A_183] : memref<3276800xf32, #tpu.memory_space<hbm>> -> memref<2048xf32, #tpu.memory_space<hbm>>
      tpu.enqueue_dma source(%dma_start3A_189 : memref<2048xf32, #tpu.memory_space<hbm>>) target(%arg13 : memref<2048xf32, #tpu.memory_space<vmem>>) target_semaphore(%arg19 : memref<!tpu.dma_semaphore, #tpu.memory_space<semaphore_mem>>)
    }
    %scan3A_66 = arith.constant 23 : i32
    %dma_wait3A_67 = arith.constant 0 : i32
    %dma_wait3A_68 = tpu.memref_slice %arg7[%dma_wait3A_67] : memref<100352xf32, #tpu.memory_space<vmem_shared>> -> memref<100352xf32, #tpu.memory_space<vmem_shared>>
    tpu.wait_indirect_dma semaphore(%arg21 : memref<!tpu.dma_semaphore, #tpu.memory_space<semaphore_mem>>) src(%dma_wait3A_68 : memref<100352xf32, #tpu.memory_space<vmem_shared>>) dst(%arg16 : memref<2048xf32, #tpu.memory_space<vmem>>)
    %add3A_69 = arith.constant 98304 : i32
    %add3A_70 = arith.addi %mul3A_12, %add3A_69 : i32
    %dma_wait3A_71 = tpu.memref_slice %arg3[%add3A_70] : memref<3276800xi32, #tpu.memory_space<hbm>> -> memref<2048xi32, #tpu.memory_space<hbm>>
    %dma_wait3A_72 = tpu.memref_slice %arg3[%add3A_70] : memref<3276800xi32, #tpu.memory_space<hbm>> -> memref<2048xi32, #tpu.memory_space<hbm>>
    tpu.wait_dma2 semaphore(%arg19 : memref<!tpu.dma_semaphore, #tpu.memory_space<semaphore_mem>>) src(%dma_wait3A_72 : memref<2048xi32, #tpu.memory_space<hbm>>) dst(%arg9 : memref<2048xi32, #tpu.memory_space<vmem>>)
    %dma_wait3A_73 = tpu.memref_slice %arg4[%add3A_70] : memref<3276800xi32, #tpu.memory_space<hbm>> -> memref<2048xi32, #tpu.memory_space<hbm>>
    %dma_wait3A_74 = tpu.memref_slice %arg4[%add3A_70] : memref<3276800xi32, #tpu.memory_space<hbm>> -> memref<2048xi32, #tpu.memory_space<hbm>>
    tpu.wait_dma2 semaphore(%arg19 : memref<!tpu.dma_semaphore, #tpu.memory_space<semaphore_mem>>) src(%dma_wait3A_74 : memref<2048xi32, #tpu.memory_space<hbm>>) dst(%arg11 : memref<2048xi32, #tpu.memory_space<vmem>>)
    %dma_wait3A_75 = tpu.memref_slice %arg5[%add3A_70] : memref<3276800xf32, #tpu.memory_space<hbm>> -> memref<2048xf32, #tpu.memory_space<hbm>>
    %dma_wait3A_76 = tpu.memref_slice %arg5[%add3A_70] : memref<3276800xf32, #tpu.memory_space<hbm>> -> memref<2048xf32, #tpu.memory_space<hbm>>
    tpu.wait_dma2 semaphore(%arg19 : memref<!tpu.dma_semaphore, #tpu.memory_space<semaphore_mem>>) src(%dma_wait3A_76 : memref<2048xf32, #tpu.memory_space<hbm>>) dst(%arg13 : memref<2048xf32, #tpu.memory_space<vmem>>)
    %dma_start3A_77 = arith.constant 0 : i32
    %dma_start3A_78 = tpu.memref_slice %arg7[%dma_start3A_77] : memref<100352xf32, #tpu.memory_space<vmem_shared>> -> memref<100352xf32, #tpu.memory_space<vmem_shared>>
    tpu.enqueue_indirect_dma source(%dma_start3A_78 : memref<100352xf32, #tpu.memory_space<vmem_shared>>) target(%arg15 : memref<2048xf32, #tpu.memory_space<vmem>>) offsets(%arg9 : memref<2048xi32, #tpu.memory_space<vmem>>) semaphore(%arg21 : memref<!tpu.dma_semaphore, #tpu.memory_space<semaphore_mem>>)
    %scan3A_79 = arith.constant 0 : i32
    %scan3A_80 = arith.constant 32 : i32
    %scan3A_81 = arith.addi %scan3A_79, %scan3A_80 : i32
    %scan3A_82 = arith.constant 1 : i32
    scf.for %scan3A_121 = %scan3A_79 to %scan3A_81 step %scan3A_82  : i32 {
      %mul3A_122 = arith.constant 64 : i32
      %mul3A_123 = arith.muli %scan3A_121, %mul3A_122 : i32
      %add3A_124 = arith.constant 0 : i32
      %add3A_125 = arith.addi %add3A_124, %mul3A_123 : i32
      %add3A_126 = arith.constant 0 : i32
      %add3A_127 = arith.addi %add3A_125, %add3A_126 : i32
      %get3A = arith.index_cast %add3A_127 : i32 to index
      %get3A_128 = tpu.vector_load %arg14[%get3A] {strides = array<i32>} : memref<2048xf32, #tpu.memory_space<vmem>>, vector<16xf32>,
      %get3A_129 = vector.shape_cast %get3A_128 : vector<16xf32> to vector<16xf32>
      %add3A_130 = arith.constant 0 : i32
      %add3A_131 = arith.addi %add3A_125, %add3A_130 : i32
      %get3A_132 = arith.index_cast %add3A_131 : i32 to index
      %get3A_133 = tpu.vector_load %arg16[%get3A_132] {strides = array<i32>} : memref<2048xf32, #tpu.memory_space<vmem>>, vector<16xf32>,
      %get3A_134 = vector.shape_cast %get3A_133 : vector<16xf32> to vector<16xf32>
      %mul3A_135 = arith.mulf %get3A_129, %get3A_134 : vector<16xf32>
      %add3A_136 = arith.constant 0 : i32
      %add3A_137 = arith.addi %add3A_125, %add3A_136 : i32
      %swap3A = arith.index_cast %add3A_137 : i32 to index
      %swap3A_138 = tpu.vector_load %arg17[%swap3A] {strides = array<i32>} : memref<2048xf32, #tpu.memory_space<vmem>>, vector<16xf32>,
      %swap3A_139 = vector.shape_cast %swap3A_138 : vector<16xf32> to vector<16xf32>
      %swap3A_140 = vector.shape_cast %mul3A_135 : vector<16xf32> to vector<16xf32>
      tpu.vector_store %arg17[%swap3A], %swap3A_140 {strides = array<i32>} : memref<2048xf32, #tpu.memory_space<vmem>>, vector<16xf32>,
      %add3A_141 = arith.constant 16 : i32
      %add3A_142 = arith.addi %add3A_125, %add3A_141 : i32
      %get3A_143 = arith.index_cast %add3A_142 : i32 to index
      %get3A_144 = tpu.vector_load %arg14[%get3A_143] {strides = array<i32>} : memref<2048xf32, #tpu.memory_space<vmem>>, vector<16xf32>,
      %get3A_145 = vector.shape_cast %get3A_144 : vector<16xf32> to vector<16xf32>
      %add3A_146 = arith.constant 16 : i32
      %add3A_147 = arith.addi %add3A_125, %add3A_146 : i32
      %get3A_148 = arith.index_cast %add3A_147 : i32 to index
      %get3A_149 = tpu.vector_load %arg16[%get3A_148] {strides = array<i32>} : memref<2048xf32, #tpu.memory_space<vmem>>, vector<16xf32>,
      %get3A_150 = vector.shape_cast %get3A_149 : vector<16xf32> to vector<16xf32>
      %mul3A_151 = arith.mulf %get3A_145, %get3A_150 : vector<16xf32>
      %add3A_152 = arith.constant 16 : i32
      %add3A_153 = arith.addi %add3A_125, %add3A_152 : i32
      %swap3A_154 = arith.index_cast %add3A_153 : i32 to index
      %swap3A_155 = tpu.vector_load %arg17[%swap3A_154] {strides = array<i32>} : memref<2048xf32, #tpu.memory_space<vmem>>, vector<16xf32>,
      %swap3A_156 = vector.shape_cast %swap3A_155 : vector<16xf32> to vector<16xf32>
      %swap3A_157 = vector.shape_cast %mul3A_151 : vector<16xf32> to vector<16xf32>
      tpu.vector_store %arg17[%swap3A_154], %swap3A_157 {strides = array<i32>} : memref<2048xf32, #tpu.memory_space<vmem>>, vector<16xf32>,
      %add3A_158 = arith.constant 32 : i32
      %add3A_159 = arith.addi %add3A_125, %add3A_158 : i32
      %get3A_160 = arith.index_cast %add3A_159 : i32 to index
      %get3A_161 = tpu.vector_load %arg14[%get3A_160] {strides = array<i32>} : memref<2048xf32, #tpu.memory_space<vmem>>, vector<16xf32>,
      %get3A_162 = vector.shape_cast %get3A_161 : vector<16xf32> to vector<16xf32>
      %add3A_163 = arith.constant 32 : i32
      %add3A_164 = arith.addi %add3A_125, %add3A_163 : i32
      %get3A_165 = arith.index_cast %add3A_164 : i32 to index
      %get3A_166 = tpu.vector_load %arg16[%get3A_165] {strides = array<i32>} : memref<2048xf32, #tpu.memory_space<vmem>>, vector<16xf32>,
      %get3A_167 = vector.shape_cast %get3A_166 : vector<16xf32> to vector<16xf32>
      %mul3A_168 = arith.mulf %get3A_162, %get3A_167 : vector<16xf32>
      %add3A_169 = arith.constant 32 : i32
      %add3A_170 = arith.addi %add3A_125, %add3A_169 : i32
      %swap3A_171 = arith.index_cast %add3A_170 : i32 to index
      %swap3A_172 = tpu.vector_load %arg17[%swap3A_171] {strides = array<i32>} : memref<2048xf32, #tpu.memory_space<vmem>>, vector<16xf32>,
      %swap3A_173 = vector.shape_cast %swap3A_172 : vector<16xf32> to vector<16xf32>
      %swap3A_174 = vector.shape_cast %mul3A_168 : vector<16xf32> to vector<16xf32>
      tpu.vector_store %arg17[%swap3A_171], %swap3A_174 {strides = array<i32>} : memref<2048xf32, #tpu.memory_space<vmem>>, vector<16xf32>,
      %add3A_175 = arith.constant 48 : i32
      %add3A_176 = arith.addi %add3A_125, %add3A_175 : i32
      %get3A_177 = arith.index_cast %add3A_176 : i32 to index
      %get3A_178 = tpu.vector_load %arg14[%get3A_177] {strides = array<i32>} : memref<2048xf32, #tpu.memory_space<vmem>>, vector<16xf32>,
      %get3A_179 = vector.shape_cast %get3A_178 : vector<16xf32> to vector<16xf32>
      %add3A_180 = arith.constant 48 : i32
      %add3A_181 = arith.addi %add3A_125, %add3A_180 : i32
      %get3A_182 = arith.index_cast %add3A_181 : i32 to index
      %get3A_183 = tpu.vector_load %arg16[%get3A_182] {strides = array<i32>} : memref<2048xf32, #tpu.memory_space<vmem>>, vector<16xf32>,
      %get3A_184 = vector.shape_cast %get3A_183 : vector<16xf32> to vector<16xf32>
      %mul3A_185 = arith.mulf %get3A_179, %get3A_184 : vector<16xf32>
      %add3A_186 = arith.constant 48 : i32
      %add3A_187 = arith.addi %add3A_125, %add3A_186 : i32
      %swap3A_188 = arith.index_cast %add3A_187 : i32 to index
      %swap3A_189 = tpu.vector_load %arg17[%swap3A_188] {strides = array<i32>} : memref<2048xf32, #tpu.memory_space<vmem>>, vector<16xf32>,
      %swap3A_190 = vector.shape_cast %swap3A_189 : vector<16xf32> to vector<16xf32>
      %swap3A_191 = vector.shape_cast %mul3A_185 : vector<16xf32> to vector<16xf32>
      tpu.vector_store %arg17[%swap3A_188], %swap3A_191 {strides = array<i32>} : memref<2048xf32, #tpu.memory_space<vmem>>, vector<16xf32>,
    }
    %scan3A_83 = arith.constant 32 : i32
    "tpu.region"() ({
      %run_scoped3A = tpu.sem_alloc : memref<!tpu.dma_semaphore, #tpu.memory_space<semaphore_mem>>
      %dma_start3A_121 = arith.constant 0 : i32
      %dma_start3A_122 = tpu.memref_slice %arg8[%dma_start3A_121] : memref<100352xf32, #tpu.memory_space<vmem_shared>> -> memref<100352xf32, #tpu.memory_space<vmem_shared>>
      tpu.enqueue_indirect_dma source(%arg17 : memref<2048xf32, #tpu.memory_space<vmem>>) target(%dma_start3A_122 : memref<100352xf32, #tpu.memory_space<vmem_shared>>) offsets(%arg12 : memref<2048xi32, #tpu.memory_space<vmem>>) semaphore(%run_scoped3A : memref<!tpu.dma_semaphore, #tpu.memory_space<semaphore_mem>>) {add = true}
      %dma_wait3A_123 = arith.constant 0 : i32
      %dma_wait3A_124 = tpu.memref_slice %arg8[%dma_wait3A_123] : memref<100352xf32, #tpu.memory_space<vmem_shared>> -> memref<100352xf32, #tpu.memory_space<vmem_shared>>
      tpu.wait_indirect_dma semaphore(%run_scoped3A : memref<!tpu.dma_semaphore, #tpu.memory_space<semaphore_mem>>) src(%arg17 : memref<2048xf32, #tpu.memory_space<vmem>>) dst(%dma_wait3A_124 : memref<100352xf32, #tpu.memory_space<vmem_shared>>)
      tpu.yield
    }) : () -> ()
    %add3A_84 = arith.constant 100352 : i32
    %add3A_85 = arith.addi %mul3A_12, %add3A_84 : i32
    %dma_start3A_86 = tpu.memref_slice %arg3[%add3A_85] : memref<3276800xi32, #tpu.memory_space<hbm>> -> memref<2048xi32, #tpu.memory_space<hbm>>
    %dma_start3A_87 = tpu.memref_slice %arg3[%add3A_85] : memref<3276800xi32, #tpu.memory_space<hbm>> -> memref<2048xi32, #tpu.memory_space<hbm>>
    tpu.enqueue_dma source(%dma_start3A_87 : memref<2048xi32, #tpu.memory_space<hbm>>) target(%arg10 : memref<2048xi32, #tpu.memory_space<vmem>>) target_semaphore(%arg20 : memref<!tpu.dma_semaphore, #tpu.memory_space<semaphore_mem>>)
    %dma_start3A_88 = tpu.memref_slice %arg4[%add3A_85] : memref<3276800xi32, #tpu.memory_space<hbm>> -> memref<2048xi32, #tpu.memory_space<hbm>>
    %dma_start3A_89 = tpu.memref_slice %arg4[%add3A_85] : memref<3276800xi32, #tpu.memory_space<hbm>> -> memref<2048xi32, #tpu.memory_space<hbm>>
    tpu.enqueue_dma source(%dma_start3A_89 : memref<2048xi32, #tpu.memory_space<hbm>>) target(%arg12 : memref<2048xi32, #tpu.memory_space<vmem>>) target_semaphore(%arg20 : memref<!tpu.dma_semaphore, #tpu.memory_space<semaphore_mem>>)
    %dma_start3A_90 = tpu.memref_slice %arg5[%add3A_85] : memref<3276800xf32, #tpu.memory_space<hbm>> -> memref<2048xf32, #tpu.memory_space<hbm>>
    %dma_start3A_91 = tpu.memref_slice %arg5[%add3A_85] : memref<3276800xf32, #tpu.memory_space<hbm>> -> memref<2048xf32, #tpu.memory_space<hbm>>
    tpu.enqueue_dma source(%dma_start3A_91 : memref<2048xf32, #tpu.memory_space<hbm>>) target(%arg14 : memref<2048xf32, #tpu.memory_space<vmem>>) target_semaphore(%arg20 : memref<!tpu.dma_semaphore, #tpu.memory_space<semaphore_mem>>)
    %dma_wait3A_92 = arith.constant 0 : i32
    %dma_wait3A_93 = tpu.memref_slice %arg7[%dma_wait3A_92] : memref<100352xf32, #tpu.memory_space<vmem_shared>> -> memref<100352xf32, #tpu.memory_space<vmem_shared>>
    tpu.wait_indirect_dma semaphore(%arg21 : memref<!tpu.dma_semaphore, #tpu.memory_space<semaphore_mem>>) src(%dma_wait3A_93 : memref<100352xf32, #tpu.memory_space<vmem_shared>>) dst(%arg15 : memref<2048xf32, #tpu.memory_space<vmem>>)
    %add3A_94 = arith.constant 100352 : i32
    %add3A_95 = arith.addi %mul3A_12, %add3A_94 : i32
    %dma_wait3A_96 = tpu.memref_slice %arg3[%add3A_95] : memref<3276800xi32, #tpu.memory_space<hbm>> -> memref<2048xi32, #tpu.memory_space<hbm>>
    %dma_wait3A_97 = tpu.memref_slice %arg3[%add3A_95] : memref<3276800xi32, #tpu.memory_space<hbm>> -> memref<2048xi32, #tpu.memory_space<hbm>>
    tpu.wait_dma2 semaphore(%arg20 : memref<!tpu.dma_semaphore, #tpu.memory_space<semaphore_mem>>) src(%dma_wait3A_97 : memref<2048xi32, #tpu.memory_space<hbm>>) dst(%arg10 : memref<2048xi32, #tpu.memory_space<vmem>>)
    %dma_wait3A_98 = tpu.memref_slice %arg4[%add3A_95] : memref<3276800xi32, #tpu.memory_space<hbm>> -> memref<2048xi32, #tpu.memory_space<hbm>>
    %dma_wait3A_99 = tpu.memref_slice %arg4[%add3A_95] : memref<3276800xi32, #tpu.memory_space<hbm>> -> memref<2048xi32, #tpu.memory_space<hbm>>
    tpu.wait_dma2 semaphore(%arg20 : memref<!tpu.dma_semaphore, #tpu.memory_space<semaphore_mem>>) src(%dma_wait3A_99 : memref<2048xi32, #tpu.memory_space<hbm>>) dst(%arg12 : memref<2048xi32, #tpu.memory_space<vmem>>)
    %dma_wait3A_100 = tpu.memref_slice %arg5[%add3A_95] : memref<3276800xf32, #tpu.memory_space<hbm>> -> memref<2048xf32, #tpu.memory_space<hbm>>
    %dma_wait3A_101 = tpu.memref_slice %arg5[%add3A_95] : memref<3276800xf32, #tpu.memory_space<hbm>> -> memref<2048xf32, #tpu.memory_space<hbm>>
    tpu.wait_dma2 semaphore(%arg20 : memref<!tpu.dma_semaphore, #tpu.memory_space<semaphore_mem>>) src(%dma_wait3A_101 : memref<2048xf32, #tpu.memory_space<hbm>>) dst(%arg14 : memref<2048xf32, #tpu.memory_space<vmem>>)
    %dma_start3A_102 = arith.constant 0 : i32
    %dma_start3A_103 = tpu.memref_slice %arg7[%dma_start3A_102] : memref<100352xf32, #tpu.memory_space<vmem_shared>> -> memref<100352xf32, #tpu.memory_space<vmem_shared>>
    tpu.enqueue_indirect_dma source(%dma_start3A_103 : memref<100352xf32, #tpu.memory_space<vmem_shared>>) target(%arg16 : memref<2048xf32, #tpu.memory_space<vmem>>) offsets(%arg10 : memref<2048xi32, #tpu.memory_space<vmem>>) semaphore(%arg21 : memref<!tpu.dma_semaphore, #tpu.memory_space<semaphore_mem>>)
    %scan3A_104 = arith.constant 0 : i32
    %scan3A_105 = arith.constant 32 : i32
    %scan3A_106 = arith.addi %scan3A_104, %scan3A_105 : i32
    %scan3A_107 = arith.constant 1 : i32
    scf.for %scan3A_121 = %scan3A_104 to %scan3A_106 step %scan3A_107  : i32 {
      %mul3A_122 = arith.constant 64 : i32
      %mul3A_123 = arith.muli %scan3A_121, %mul3A_122 : i32
      %add3A_124 = arith.constant 0 : i32
      %add3A_125 = arith.addi %add3A_124, %mul3A_123 : i32
      %add3A_126 = arith.constant 0 : i32
      %add3A_127 = arith.addi %add3A_125, %add3A_126 : i32
      %get3A = arith.index_cast %add3A_127 : i32 to index
      %get3A_128 = tpu.vector_load %arg13[%get3A] {strides = array<i32>} : memref<2048xf32, #tpu.memory_space<vmem>>, vector<16xf32>,
      %get3A_129 = vector.shape_cast %get3A_128 : vector<16xf32> to vector<16xf32>
      %add3A_130 = arith.constant 0 : i32
      %add3A_131 = arith.addi %add3A_125, %add3A_130 : i32
      %get3A_132 = arith.index_cast %add3A_131 : i32 to index
      %get3A_133 = tpu.vector_load %arg15[%get3A_132] {strides = array<i32>} : memref<2048xf32, #tpu.memory_space<vmem>>, vector<16xf32>,
      %get3A_134 = vector.shape_cast %get3A_133 : vector<16xf32> to vector<16xf32>
      %mul3A_135 = arith.mulf %get3A_129, %get3A_134 : vector<16xf32>
      %add3A_136 = arith.constant 0 : i32
      %add3A_137 = arith.addi %add3A_125, %add3A_136 : i32
      %swap3A = arith.index_cast %add3A_137 : i32 to index
      %swap3A_138 = tpu.vector_load %arg17[%swap3A] {strides = array<i32>} : memref<2048xf32, #tpu.memory_space<vmem>>, vector<16xf32>,
      %swap3A_139 = vector.shape_cast %swap3A_138 : vector<16xf32> to vector<16xf32>
      %swap3A_140 = vector.shape_cast %mul3A_135 : vector<16xf32> to vector<16xf32>
      tpu.vector_store %arg17[%swap3A], %swap3A_140 {strides = array<i32>} : memref<2048xf32, #tpu.memory_space<vmem>>, vector<16xf32>,
      %add3A_141 = arith.constant 16 : i32
      %add3A_142 = arith.addi %add3A_125, %add3A_141 : i32
      %get3A_143 = arith.index_cast %add3A_142 : i32 to index
      %get3A_144 = tpu.vector_load %arg13[%get3A_143] {strides = array<i32>} : memref<2048xf32, #tpu.memory_space<vmem>>, vector<16xf32>,
      %get3A_145 = vector.shape_cast %get3A_144 : vector<16xf32> to vector<16xf32>
      %add3A_146 = arith.constant 16 : i32
      %add3A_147 = arith.addi %add3A_125, %add3A_146 : i32
      %get3A_148 = arith.index_cast %add3A_147 : i32 to index
      %get3A_149 = tpu.vector_load %arg15[%get3A_148] {strides = array<i32>} : memref<2048xf32, #tpu.memory_space<vmem>>, vector<16xf32>,
      %get3A_150 = vector.shape_cast %get3A_149 : vector<16xf32> to vector<16xf32>
      %mul3A_151 = arith.mulf %get3A_145, %get3A_150 : vector<16xf32>
      %add3A_152 = arith.constant 16 : i32
      %add3A_153 = arith.addi %add3A_125, %add3A_152 : i32
      %swap3A_154 = arith.index_cast %add3A_153 : i32 to index
      %swap3A_155 = tpu.vector_load %arg17[%swap3A_154] {strides = array<i32>} : memref<2048xf32, #tpu.memory_space<vmem>>, vector<16xf32>,
      %swap3A_156 = vector.shape_cast %swap3A_155 : vector<16xf32> to vector<16xf32>
      %swap3A_157 = vector.shape_cast %mul3A_151 : vector<16xf32> to vector<16xf32>
      tpu.vector_store %arg17[%swap3A_154], %swap3A_157 {strides = array<i32>} : memref<2048xf32, #tpu.memory_space<vmem>>, vector<16xf32>,
      %add3A_158 = arith.constant 32 : i32
      %add3A_159 = arith.addi %add3A_125, %add3A_158 : i32
      %get3A_160 = arith.index_cast %add3A_159 : i32 to index
      %get3A_161 = tpu.vector_load %arg13[%get3A_160] {strides = array<i32>} : memref<2048xf32, #tpu.memory_space<vmem>>, vector<16xf32>,
      %get3A_162 = vector.shape_cast %get3A_161 : vector<16xf32> to vector<16xf32>
      %add3A_163 = arith.constant 32 : i32
      %add3A_164 = arith.addi %add3A_125, %add3A_163 : i32
      %get3A_165 = arith.index_cast %add3A_164 : i32 to index
      %get3A_166 = tpu.vector_load %arg15[%get3A_165] {strides = array<i32>} : memref<2048xf32, #tpu.memory_space<vmem>>, vector<16xf32>,
      %get3A_167 = vector.shape_cast %get3A_166 : vector<16xf32> to vector<16xf32>
      %mul3A_168 = arith.mulf %get3A_162, %get3A_167 : vector<16xf32>
      %add3A_169 = arith.constant 32 : i32
      %add3A_170 = arith.addi %add3A_125, %add3A_169 : i32
      %swap3A_171 = arith.index_cast %add3A_170 : i32 to index
      %swap3A_172 = tpu.vector_load %arg17[%swap3A_171] {strides = array<i32>} : memref<2048xf32, #tpu.memory_space<vmem>>, vector<16xf32>,
      %swap3A_173 = vector.shape_cast %swap3A_172 : vector<16xf32> to vector<16xf32>
      %swap3A_174 = vector.shape_cast %mul3A_168 : vector<16xf32> to vector<16xf32>
      tpu.vector_store %arg17[%swap3A_171], %swap3A_174 {strides = array<i32>} : memref<2048xf32, #tpu.memory_space<vmem>>, vector<16xf32>,
      %add3A_175 = arith.constant 48 : i32
      %add3A_176 = arith.addi %add3A_125, %add3A_175 : i32
      %get3A_177 = arith.index_cast %add3A_176 : i32 to index
      %get3A_178 = tpu.vector_load %arg13[%get3A_177] {strides = array<i32>} : memref<2048xf32, #tpu.memory_space<vmem>>, vector<16xf32>,
      %get3A_179 = vector.shape_cast %get3A_178 : vector<16xf32> to vector<16xf32>
      %add3A_180 = arith.constant 48 : i32
      %add3A_181 = arith.addi %add3A_125, %add3A_180 : i32
      %get3A_182 = arith.index_cast %add3A_181 : i32 to index
      %get3A_183 = tpu.vector_load %arg15[%get3A_182] {strides = array<i32>} : memref<2048xf32, #tpu.memory_space<vmem>>, vector<16xf32>,
      %get3A_184 = vector.shape_cast %get3A_183 : vector<16xf32> to vector<16xf32>
      %mul3A_185 = arith.mulf %get3A_179, %get3A_184 : vector<16xf32>
      %add3A_186 = arith.constant 48 : i32
      %add3A_187 = arith.addi %add3A_125, %add3A_186 : i32
      %swap3A_188 = arith.index_cast %add3A_187 : i32 to index
      %swap3A_189 = tpu.vector_load %arg17[%swap3A_188] {strides = array<i32>} : memref<2048xf32, #tpu.memory_space<vmem>>, vector<16xf32>,
      %swap3A_190 = vector.shape_cast %swap3A_189 : vector<16xf32> to vector<16xf32>
      %swap3A_191 = vector.shape_cast %mul3A_185 : vector<16xf32> to vector<16xf32>
      tpu.vector_store %arg17[%swap3A_188], %swap3A_191 {strides = array<i32>} : memref<2048xf32, #tpu.memory_space<vmem>>, vector<16xf32>,
    }
    %scan3A_108 = arith.constant 32 : i32
    "tpu.region"() ({
      %run_scoped3A = tpu.sem_alloc : memref<!tpu.dma_semaphore, #tpu.memory_space<semaphore_mem>>
      %dma_start3A_121 = arith.constant 0 : i32
      %dma_start3A_122 = tpu.memref_slice %arg8[%dma_start3A_121] : memref<100352xf32, #tpu.memory_space<vmem_shared>> -> memref<100352xf32, #tpu.memory_space<vmem_shared>>
      tpu.enqueue_indirect_dma source(%arg17 : memref<2048xf32, #tpu.memory_space<vmem>>) target(%dma_start3A_122 : memref<100352xf32, #tpu.memory_space<vmem_shared>>) offsets(%arg11 : memref<2048xi32, #tpu.memory_space<vmem>>) semaphore(%run_scoped3A : memref<!tpu.dma_semaphore, #tpu.memory_space<semaphore_mem>>) {add = true}
      %dma_wait3A_123 = arith.constant 0 : i32
      %dma_wait3A_124 = tpu.memref_slice %arg8[%dma_wait3A_123] : memref<100352xf32, #tpu.memory_space<vmem_shared>> -> memref<100352xf32, #tpu.memory_space<vmem_shared>>
      tpu.wait_indirect_dma semaphore(%run_scoped3A : memref<!tpu.dma_semaphore, #tpu.memory_space<semaphore_mem>>) src(%arg17 : memref<2048xf32, #tpu.memory_space<vmem>>) dst(%dma_wait3A_124 : memref<100352xf32, #tpu.memory_space<vmem_shared>>)
      tpu.yield
    }) : () -> ()
    %dma_wait3A_109 = arith.constant 0 : i32
    %dma_wait3A_110 = tpu.memref_slice %arg7[%dma_wait3A_109] : memref<100352xf32, #tpu.memory_space<vmem_shared>> -> memref<100352xf32, #tpu.memory_space<vmem_shared>>
    tpu.wait_indirect_dma semaphore(%arg21 : memref<!tpu.dma_semaphore, #tpu.memory_space<semaphore_mem>>) src(%dma_wait3A_110 : memref<100352xf32, #tpu.memory_space<vmem_shared>>) dst(%arg16 : memref<2048xf32, #tpu.memory_space<vmem>>)
    %scan3A_111 = arith.constant 0 : i32
    %scan3A_112 = arith.constant 32 : i32
    %scan3A_113 = arith.addi %scan3A_111, %scan3A_112 : i32
    %scan3A_114 = arith.constant 1 : i32
    scf.for %scan3A_121 = %scan3A_111 to %scan3A_113 step %scan3A_114  : i32 {
      %mul3A_122 = arith.constant 64 : i32
      %mul3A_123 = arith.muli %scan3A_121, %mul3A_122 : i32
      %add3A_124 = arith.constant 0 : i32
      %add3A_125 = arith.addi %add3A_124, %mul3A_123 : i32
      %add3A_126 = arith.constant 0 : i32
      %add3A_127 = arith.addi %add3A_125, %add3A_126 : i32
      %get3A = arith.index_cast %add3A_127 : i32 to index
      %get3A_128 = tpu.vector_load %arg14[%get3A] {strides = array<i32>} : memref<2048xf32, #tpu.memory_space<vmem>>, vector<16xf32>,
      %get3A_129 = vector.shape_cast %get3A_128 : vector<16xf32> to vector<16xf32>
      %add3A_130 = arith.constant 0 : i32
      %add3A_131 = arith.addi %add3A_125, %add3A_130 : i32
      %get3A_132 = arith.index_cast %add3A_131 : i32 to index
      %get3A_133 = tpu.vector_load %arg16[%get3A_132] {strides = array<i32>} : memref<2048xf32, #tpu.memory_space<vmem>>, vector<16xf32>,
      %get3A_134 = vector.shape_cast %get3A_133 : vector<16xf32> to vector<16xf32>
      %mul3A_135 = arith.mulf %get3A_129, %get3A_134 : vector<16xf32>
      %add3A_136 = arith.constant 0 : i32
      %add3A_137 = arith.addi %add3A_125, %add3A_136 : i32
      %swap3A = arith.index_cast %add3A_137 : i32 to index
      %swap3A_138 = tpu.vector_load %arg17[%swap3A] {strides = array<i32>} : memref<2048xf32, #tpu.memory_space<vmem>>, vector<16xf32>,
      %swap3A_139 = vector.shape_cast %swap3A_138 : vector<16xf32> to vector<16xf32>
      %swap3A_140 = vector.shape_cast %mul3A_135 : vector<16xf32> to vector<16xf32>
      tpu.vector_store %arg17[%swap3A], %swap3A_140 {strides = array<i32>} : memref<2048xf32, #tpu.memory_space<vmem>>, vector<16xf32>,
      %add3A_141 = arith.constant 16 : i32
      %add3A_142 = arith.addi %add3A_125, %add3A_141 : i32
      %get3A_143 = arith.index_cast %add3A_142 : i32 to index
      %get3A_144 = tpu.vector_load %arg14[%get3A_143] {strides = array<i32>} : memref<2048xf32, #tpu.memory_space<vmem>>, vector<16xf32>,
      %get3A_145 = vector.shape_cast %get3A_144 : vector<16xf32> to vector<16xf32>
      %add3A_146 = arith.constant 16 : i32
      %add3A_147 = arith.addi %add3A_125, %add3A_146 : i32
      %get3A_148 = arith.index_cast %add3A_147 : i32 to index
      %get3A_149 = tpu.vector_load %arg16[%get3A_148] {strides = array<i32>} : memref<2048xf32, #tpu.memory_space<vmem>>, vector<16xf32>,
      %get3A_150 = vector.shape_cast %get3A_149 : vector<16xf32> to vector<16xf32>
      %mul3A_151 = arith.mulf %get3A_145, %get3A_150 : vector<16xf32>
      %add3A_152 = arith.constant 16 : i32
      %add3A_153 = arith.addi %add3A_125, %add3A_152 : i32
      %swap3A_154 = arith.index_cast %add3A_153 : i32 to index
      %swap3A_155 = tpu.vector_load %arg17[%swap3A_154] {strides = array<i32>} : memref<2048xf32, #tpu.memory_space<vmem>>, vector<16xf32>,
      %swap3A_156 = vector.shape_cast %swap3A_155 : vector<16xf32> to vector<16xf32>
      %swap3A_157 = vector.shape_cast %mul3A_151 : vector<16xf32> to vector<16xf32>
      tpu.vector_store %arg17[%swap3A_154], %swap3A_157 {strides = array<i32>} : memref<2048xf32, #tpu.memory_space<vmem>>, vector<16xf32>,
      %add3A_158 = arith.constant 32 : i32
      %add3A_159 = arith.addi %add3A_125, %add3A_158 : i32
      %get3A_160 = arith.index_cast %add3A_159 : i32 to index
      %get3A_161 = tpu.vector_load %arg14[%get3A_160] {strides = array<i32>} : memref<2048xf32, #tpu.memory_space<vmem>>, vector<16xf32>,
      %get3A_162 = vector.shape_cast %get3A_161 : vector<16xf32> to vector<16xf32>
      %add3A_163 = arith.constant 32 : i32
      %add3A_164 = arith.addi %add3A_125, %add3A_163 : i32
      %get3A_165 = arith.index_cast %add3A_164 : i32 to index
      %get3A_166 = tpu.vector_load %arg16[%get3A_165] {strides = array<i32>} : memref<2048xf32, #tpu.memory_space<vmem>>, vector<16xf32>,
      %get3A_167 = vector.shape_cast %get3A_166 : vector<16xf32> to vector<16xf32>
      %mul3A_168 = arith.mulf %get3A_162, %get3A_167 : vector<16xf32>
      %add3A_169 = arith.constant 32 : i32
      %add3A_170 = arith.addi %add3A_125, %add3A_169 : i32
      %swap3A_171 = arith.index_cast %add3A_170 : i32 to index
      %swap3A_172 = tpu.vector_load %arg17[%swap3A_171] {strides = array<i32>} : memref<2048xf32, #tpu.memory_space<vmem>>, vector<16xf32>,
      %swap3A_173 = vector.shape_cast %swap3A_172 : vector<16xf32> to vector<16xf32>
      %swap3A_174 = vector.shape_cast %mul3A_168 : vector<16xf32> to vector<16xf32>
      tpu.vector_store %arg17[%swap3A_171], %swap3A_174 {strides = array<i32>} : memref<2048xf32, #tpu.memory_space<vmem>>, vector<16xf32>,
      %add3A_175 = arith.constant 48 : i32
      %add3A_176 = arith.addi %add3A_125, %add3A_175 : i32
      %get3A_177 = arith.index_cast %add3A_176 : i32 to index
      %get3A_178 = tpu.vector_load %arg14[%get3A_177] {strides = array<i32>} : memref<2048xf32, #tpu.memory_space<vmem>>, vector<16xf32>,
      %get3A_179 = vector.shape_cast %get3A_178 : vector<16xf32> to vector<16xf32>
      %add3A_180 = arith.constant 48 : i32
      %add3A_181 = arith.addi %add3A_125, %add3A_180 : i32
      %get3A_182 = arith.index_cast %add3A_181 : i32 to index
      %get3A_183 = tpu.vector_load %arg16[%get3A_182] {strides = array<i32>} : memref<2048xf32, #tpu.memory_space<vmem>>, vector<16xf32>,
      %get3A_184 = vector.shape_cast %get3A_183 : vector<16xf32> to vector<16xf32>
      %mul3A_185 = arith.mulf %get3A_179, %get3A_184 : vector<16xf32>
      %add3A_186 = arith.constant 48 : i32
      %add3A_187 = arith.addi %add3A_125, %add3A_186 : i32
      %swap3A_188 = arith.index_cast %add3A_187 : i32 to index
      %swap3A_189 = tpu.vector_load %arg17[%swap3A_188] {strides = array<i32>} : memref<2048xf32, #tpu.memory_space<vmem>>, vector<16xf32>,
      %swap3A_190 = vector.shape_cast %swap3A_189 : vector<16xf32> to vector<16xf32>
      %swap3A_191 = vector.shape_cast %mul3A_185 : vector<16xf32> to vector<16xf32>
      tpu.vector_store %arg17[%swap3A_188], %swap3A_191 {strides = array<i32>} : memref<2048xf32, #tpu.memory_space<vmem>>, vector<16xf32>,
    }
    %scan3A_115 = arith.constant 32 : i32
    "tpu.region"() ({
      %run_scoped3A = tpu.sem_alloc : memref<!tpu.dma_semaphore, #tpu.memory_space<semaphore_mem>>
      %dma_start3A_121 = arith.constant 0 : i32
      %dma_start3A_122 = tpu.memref_slice %arg8[%dma_start3A_121] : memref<100352xf32, #tpu.memory_space<vmem_shared>> -> memref<100352xf32, #tpu.memory_space<vmem_shared>>
      tpu.enqueue_indirect_dma source(%arg17 : memref<2048xf32, #tpu.memory_space<vmem>>) target(%dma_start3A_122 : memref<100352xf32, #tpu.memory_space<vmem_shared>>) offsets(%arg12 : memref<2048xi32, #tpu.memory_space<vmem>>) semaphore(%run_scoped3A : memref<!tpu.dma_semaphore, #tpu.memory_space<semaphore_mem>>) {add = true}
      %dma_wait3A_123 = arith.constant 0 : i32
      %dma_wait3A_124 = tpu.memref_slice %arg8[%dma_wait3A_123] : memref<100352xf32, #tpu.memory_space<vmem_shared>> -> memref<100352xf32, #tpu.memory_space<vmem_shared>>
      tpu.wait_indirect_dma semaphore(%run_scoped3A : memref<!tpu.dma_semaphore, #tpu.memory_space<semaphore_mem>>) src(%arg17 : memref<2048xf32, #tpu.memory_space<vmem>>) dst(%dma_wait3A_124 : memref<100352xf32, #tpu.memory_space<vmem_shared>>)
      tpu.yield
    }) : () -> ()
    %barrier3A_116 = arith.constant 0 : index
    tpu.barrier barrier_id(%barrier3A_116)
    %mul3A_117 = arith.constant 6272 : i32
    %mul3A_118 = arith.muli %arg1, %mul3A_117 : i32
    %mul3A_119 = arith.constant 6272 : i32
    %mul3A_120 = arith.muli %arg1, %mul3A_119 : i32
    "tpu.region"() ({
      %run_scoped3A = tpu.sem_alloc : memref<!tpu.dma_semaphore, #tpu.memory_space<semaphore_mem>>
      %dma_start3A_121 = tpu.memref_slice %arg6[%arg0, %mul3A_120] : memref<2x100352xf32, #tpu.memory_space<hbm>> -> memref<1x6272xf32, #tpu.memory_space<hbm>>
      %dma_start3A_122 = tpu.memref_squeeze %dma_start3A_121 : memref<1x6272xf32, #tpu.memory_space<hbm>> -> memref<6272xf32, #tpu.memory_space<hbm>>
      %dma_start3A_123 = tpu.memref_slice %arg8[%mul3A_118] : memref<100352xf32, #tpu.memory_space<vmem_shared>> -> memref<6272xf32, #tpu.memory_space<vmem_shared>>
      tpu.enqueue_dma source(%dma_start3A_123 : memref<6272xf32, #tpu.memory_space<vmem_shared>>) target(%dma_start3A_122 : memref<6272xf32, #tpu.memory_space<hbm>>) target_semaphore(%run_scoped3A : memref<!tpu.dma_semaphore, #tpu.memory_space<semaphore_mem>>)
      %dma_wait3A_124 = tpu.memref_slice %arg6[%arg0, %mul3A_120] : memref<2x100352xf32, #tpu.memory_space<hbm>> -> memref<1x6272xf32, #tpu.memory_space<hbm>>
      %dma_wait3A_125 = tpu.memref_squeeze %dma_wait3A_124 : memref<1x6272xf32, #tpu.memory_space<hbm>> -> memref<6272xf32, #tpu.memory_space<hbm>>
      %dma_wait3A_126 = tpu.memref_slice %arg8[%mul3A_118] : memref<100352xf32, #tpu.memory_space<vmem_shared>> -> memref<6272xf32, #tpu.memory_space<vmem_shared>>
      tpu.wait_dma2 semaphore(%run_scoped3A : memref<!tpu.dma_semaphore, #tpu.memory_space<semaphore_mem>>) src(%dma_wait3A_126 : memref<6272xf32, #tpu.memory_space<vmem_shared>>) dst(%dma_wait3A_125 : memref<6272xf32, #tpu.memory_space<hbm>>)
      tpu.yield
    }) : () -> ()
    return
  }
}

module attributes {stable_mosaic.version = 14 : i64} {
  func.func @_act_body(%arg0: memref<2x784x128xf32, #tpu.memory_space<vmem>>, %arg1: memref<784x128xf32, #tpu.memory_space<vmem>>, %arg2: memref<784x128xf32, #tpu.memory_space<vmem>>, %arg3: memref<784x128xf32, #tpu.memory_space<vmem>>) attributes {dimension_semantics = [], scalar_prefetch = 0 : i64, scratch_operands = 0 : i64, tpu.core_type = #tpu.core_type<tc>} {
    %get3A = arith.constant 0 : index
    %get3A_0 = arith.constant 0 : index
    %get3A_1 = arith.constant 0 : index
    %get3A_2 = vector.load %arg0[%get3A, %get3A_0, %get3A_1] : memref<2x784x128xf32, #tpu.memory_space<vmem>>, vector<1x784x128xf32>
    %get3A_3 = vector.shape_cast %get3A_2 : vector<1x784x128xf32> to vector<784x128xf32>
    %get3A_4 = arith.constant 1 : index
    %get3A_5 = arith.constant 0 : index
    %get3A_6 = arith.constant 0 : index
    %get3A_7 = vector.load %arg0[%get3A_4, %get3A_5, %get3A_6] : memref<2x784x128xf32, #tpu.memory_space<vmem>>, vector<1x784x128xf32>
    %get3A_8 = vector.shape_cast %get3A_7 : vector<1x784x128xf32> to vector<784x128xf32>
    %add3A = arith.addf %get3A_3, %get3A_8 : vector<784x128xf32>
    %ge3A = arith.constant 0.00999999977 : f32
    %ge3A_9 = vector.broadcast %ge3A : f32 to vector<784x128xf32>
    %ge3A_10 = arith.cmpf oge, %add3A, %ge3A_9 : vector<784x128xf32>
    %jit3A = arith.constant 0.000000e+00 : f32
    %broadcast_in_dim3A = vector.broadcast %jit3A : f32 to vector<784x128xf32>
    %select_n3A = arith.select %ge3A_10, %add3A, %broadcast_in_dim3A : vector<784x128xi1>, vector<784x128xf32>
    %mul3A = arith.constant 5.000000e+00 : f32
    %mul3A_11 = vector.broadcast %mul3A : f32 to vector<784x128xf32>
    %mul3A_12 = arith.mulf %mul3A_11, %select_n3A : vector<784x128xf32>
    %max3A = arith.constant 0.000000e+00 : f32
    %max3A_13 = vector.broadcast %max3A : f32 to vector<784x128xf32>
    %max3A_14 = arith.maximumf %mul3A_12, %max3A_13 : vector<784x128xf32>
    %tanh3A = math.tanh %max3A_14 : vector<784x128xf32>
    %get3A_15 = arith.constant 0 : index
    %get3A_16 = arith.constant 0 : index
    %get3A_17 = vector.load %arg1[%get3A_15, %get3A_16] : memref<784x128xf32, #tpu.memory_space<vmem>>, vector<784x128xf32>
    %gt3A = arith.constant 0.000000e+00 : f32
    %gt3A_18 = vector.broadcast %gt3A : f32 to vector<784x128xf32>
    %gt3A_19 = arith.cmpf ogt, %get3A_17, %gt3A_18 : vector<784x128xf32>
    %get3A_20 = arith.constant 0 : index
    %get3A_21 = arith.constant 0 : index
    %get3A_22 = vector.load %arg2[%get3A_20, %get3A_21] : memref<784x128xf32, #tpu.memory_space<vmem>>, vector<784x128xf32>
    %select_n3A_23 = arith.select %gt3A_19, %get3A_22, %tanh3A : vector<784x128xi1>, vector<784x128xf32>
    %swap3A = arith.constant 0 : index
    %swap3A_24 = arith.constant 0 : index
    %swap3A_25 = vector.load %arg3[%swap3A, %swap3A_24] : memref<784x128xf32, #tpu.memory_space<vmem>>, vector<784x128xf32>
    tpu.vector_store %arg3[%swap3A, %swap3A_24], %select_n3A_23 {strides = array<i32>} : memref<784x128xf32, #tpu.memory_space<vmem>>, vector<784x128xf32>,
    return
  }
}

</mosaic_0001>

<sc_bundles>
// kernel: kernel.10.cloned.1.call-start
scs
__scs_entry_jumppad:
0x0: {  	(pc) =	sbr.rel $0x88, $3  }
0x1: {  	(tag) =	ssettag $0x0;
	lr =	simm.s32 $0x1  }
0x2: {  	[smem:$0x3F9C] =	sst lr;
	_ =	strace $0xD0000000  }
0x3: {  	_ = 	snop  }
0x4: {  	_ = 	snop  }
0x5: {  	_ = 	snop  }
0x6: {  	_ = 	snop  }
0x7: {  	_ = 	snop  }
__scs_overlays_trampoline_lowered:
0x8: {  	[smem:$0x3FAB] =	sst s0  }
0x9: {  	[smem:$0x3FAC] =	sst s1  }
0xa: {  	[smem:$0x3FAD] =	sst s2  }
0xb: {  	[smem:$0x3FAE] =	sst s3  }
0xc: {  	[smem:$0x3FAF] =	sst s4  }
0xd: {  	[smem:$0x3FB0] =	sst s5  }
0xe: {  	[smem:$0x3FB1] =	sst s6  }
0xf: {  	[smem:$0x3FB2] =	sst s7  }
0x10: {  	[smem:$0x3FB3] =	sst s8  }
0x11: {  	[smem:$0x3FB4] =	sst s9;
	s0 =	simm.s32 @!p0 $0x0  }
0x12: {  	s1 =	sld [smem:$0x3F9A];
	s0 =	simm.s32 @p0 $0x1  }
0x13: {  	[smem:$0x3FB5] =	sst s0;
	s0 =	simm.s32 @!p1 $0x0  }
0x14: {  	s2 =	sld [smem:$0x3F99];
	s0 =	simm.s32 @p1 $0x1  }
0x15: {  	[smem:$0x3FB6] =	sst s0;
	s0 =	simm.s32 @!p2 $0x0  }
0x16: {  	s3 =	sld [smem:$0x3FDB];
	s0 =	simm.s32 @p2 $0x1  }
0x17: {  	s4 =	simm.s32 $0x1BF5;
	[smem:$0x3FB8] =	sst s0  }
0x18: {  	s0 =	sld [smem:$0x3F9B];
	_ =	swait.ge [sflag:s4], $0x0  }
0x19: {  	s7 =	sld [smem:$0x3F9C]  }
0x1a: {  	s8 =	sadd.s32 $0xFFFFE003, lr  }
0x1b: {  	s9 =	sadd.s32 $0xFFFFFEF7, lr;
	s5 =	simm.s32 $0xFFFFFFFF;
	p2 =	slt.u32 s8, $0xFFFFF086  }
0x1c: {  	p1 =	slt.u32 s9, $0xF7A;
	s5 =	simm.s32 @!p2 $0x0  }
0x1d: {  	s5 =	simm.s32 @p1 $0x1;
	p0 =	seq.s32 s7, s2  }
0x1e: {  	s7 =	smul.u32 @!p0 $0xF7A, s2;
	p2 =	seq.s32 @!p0 s5, $0x0  }
0x1f: {  	s9 =	smul.u32 $0xF7A, s1;
	s8 =	simm.s32 @!p0 $0x1BF5;
	p2 =	por !p2, p0  }
0x20: {  	[sflag:s8] =	ssyncset.s32 @!p0 $0xFFFFF086;
	s6 =	sadd.s32 @!p0 s3, s7;
	s7 =	simm.s32 @!p0 $0x108  }
0x21: {  	s3 =	sadd.s32 s3, s9;
	s6 =	sadd.s32 @!p0 $0x88, s6;
	s7 =	simm.s32 @p2 $0x1082  }
0x22: {  	[simem:s7], [sflag:s8] =	dma.local @!p0 [hbm:s6], $0xF7A  }
0x23: {  	s9 =	sor.u32 $0xD0000000, s2;
	s6 =	simm.s32 $0x108;
	_ =	swait.ge @!p0 [sflag:s8], $0x0  }
0x24: {  	s3 =	sadd.s32 $0x88, s3;
	s6 =	simm.s32 @!p1 $0x1082;
	[sflag:s4] =	ssyncset.s32 $0xFFFFF086  }
0x25: {  	[simem:s6], [sflag:s4] =	dma.local [hbm:s3], $0xF7A  }
0x26: {  	[smem:$0x3F9C] =	sst s1;
	(tag) =	ssettag s2;
	_ =	strace s9  }
0x27: {  	s1 =	sld [smem:$0x3FAC]  }
0x28: {  	s2 =	sld [smem:$0x3FAD]  }
0x29: {  	s4 =	sld [smem:$0x3FAF]  }
0x2a: {  	p0 =	seq.s32 s5, $0x0;
	s5 =	sld [smem:$0x3FB0]  }
0x2b: {  	s6 =	sld [smem:$0x3FB1]  }
0x2c: {  	s7 =	sld [smem:$0x3FB2]  }
0x2d: {  	s3 =	simm.s32 $0x108;
	s8 =	sld [smem:$0x3FB3]  }
0x2e: {  	s3 =	simm.s32 @!p0 $0x1082;
	s9 =	sld [smem:$0x3FB4]  }
0x2f: {  	lr =	sadd.s32 s0, s3;
	s0 =	sld [smem:$0x3FAB]  }
0x30: {  	s3 =	sld [smem:$0x3FAE]  }
0x31: {  	[smem:$0x3FB7] =	sst s10  }
0x32: {  	s10 =	sld [smem:$0x3FB5];
	_ =	sdelay $0x3  }
0x33: {  	p0 =	seq.s32 s10, $0x1;
	s10 =	sld [smem:$0x3FB7];
	_ =	sdelay $0x3  }
0x34: {  	[smem:$0x3FB7] =	sst s10  }
0x35: {  	s10 =	sld [smem:$0x3FB6];
	_ =	sdelay $0x3  }
0x36: {  	p1 =	seq.s32 s10, $0x1;
	s10 =	sld [smem:$0x3FB7];
	_ =	sdelay $0x3  }
0x37: {  	[smem:$0x3FB7] =	sst s10  }
0x38: {  	s10 =	sld [smem:$0x3FB8]  }
0x39: {  	_ = 	snop;
	(pc) =	sbr.ind lr, $3  }
0x3a: {  	_ = 	snop  }
0x3b: {  	_ = 	snop  }
0x3c: {  	p2 =	seq.s32 s10, $0x1;
	s10 =	sld [smem:$0x3FB7]  }
0x3d: {  	_ =	shalt  }
0x3e: {  	_ =	shalt  }
0x3f: {  	_ =	shalt  }
0x40: {  	_ =	shalt  }
0x41: {  	_ =	shalt  }
0x42: {  	_ =	shalt  }
0x43: {  	_ =	shalt  }
0x44: {  	_ =	shalt  }
0x45: {  	_ =	shalt  }
0x46: {  	_ =	shalt  }
0x47: {  	_ =	shalt  }
0x48: {  	_ =	shalt  }
0x49: {  	_ =	shalt  }
0x4a: {  	_ =	shalt  }
0x4b: {  	_ =	shalt  }
0x4c: {  	_ =	shalt  }
0x4d: {  	_ =	shalt  }
0x4e: {  	_ =	shalt  }
0x4f: {  	_ =	shalt  }
0x50: {  	_ =	shalt  }
0x51: {  	_ =	shalt  }
0x52: {  	_ =	shalt  }
0x53: {  	_ =	shalt  }
0x54: {  	_ =	shalt  }
0x55: {  	_ =	shalt  }
0x56: {  	_ =	shalt  }
0x57: {  	_ =	shalt  }
0x58: {  	_ =	shalt  }
0x59: {  	_ =	shalt  }
0x5a: {  	_ =	shalt  }
0x5b: {  	_ =	shalt  }
0x5c: {  	_ =	shalt  }
0x5d: {  	_ =	shalt  }
0x5e: {  	_ =	shalt  }
0x5f: {  	_ =	shalt  }
0x60: {  	_ =	shalt  }
0x61: {  	_ =	shalt  }
0x62: {  	_ =	shalt  }
0x63: {  	_ =	shalt  }
0x64: {  	_ =	shalt  }
0x65: {  	_ =	shalt  }
0x66: {  	_ =	shalt  }
0x67: {  	_ =	shalt  }
0x68: {  	_ =	shalt  }
0x69: {  	_ =	shalt  }
0x6a: {  	_ =	shalt  }
0x6b: {  	_ =	shalt  }
0x6c: {  	_ =	shalt  }
0x6d: {  	_ =	shalt  }
0x6e: {  	_ =	shalt  }
0x6f: {  	_ =	shalt  }
0x70: {  	_ =	shalt  }
0x71: {  	_ =	shalt  }
0x72: {  	_ =	shalt  }
0x73: {  	_ =	shalt  }
0x74: {  	_ =	shalt  }
0x75: {  	_ =	shalt  }
0x76: {  	_ =	shalt  }
0x77: {  	_ =	shalt  }
0x78: {  	_ =	shalt  }
0x79: {  	_ =	shalt  }
0x7a: {  	_ =	shalt  }
0x7b: {  	_ =	shalt  }
0x7c: {  	_ =	shalt  }
0x7d: {  	_ =	shalt  }
0x7e: {  	_ =	shalt  }
0x7f: {  	_ =	shalt  }
0x80: {  	_ =	shalt  }
0x81: {  	_ =	shalt  }
0x82: {  	_ =	shalt  }
0x83: {  	_ =	shalt  }
0x84: {  	_ =	shalt  }
0x85: {  	_ =	shalt  }
0x86: {  	_ =	shalt  }
0x87: {  	_ =	shalt  }
.Lfunc_end0:
.L_simem_size_0:
called_computation_lowered:
.L_overlay_start_0:
0x88: {  	s2 =	sld [smem:$0x3FD9]  }
0x89: {  	s3 =	sld [smem:$0x3FFE];
	_ =	sdelay $0x1  }
0x8a: {  	s1 =	srdreg.scid  }
0x8b: {  	s0 =	sand.u32 $0x1, s1  }
0x8c: {  	s17 =	sshll.u32 s0, $0xA;
	s2 =	sadd.s32 s3, s2  }
0x8d: {  	s2 =	sadd.s32 s2, s17  }
0x8e: {  	[smem:$0x3FC3] =	sst s2  }
0x8f: {  	_ = 	snop  }
0x90: {  	s2 =	sld [smem:$0x3FD0];
	(tm) =	ssettm $0x1  }
0x91: {  	s18 =	sld [smem:$0x3FFB];
	_ =	sdelay $0x3  }
0x92: {  	_ =	strace s18  }
0x93: {  	s3 =	sld [smem:$0x3FFC];
	_ =	sdelay $0x3  }
0x94: {  	_ =	strace s3  }
0x95: {  	s3 =	sld [smem:$0x3FFD];
	_ =	sdelay $0x3  }
0x96: {  	_ =	strace s3  }
0x97: {  	_ =	strace $0x8FFFFFFF  }
0x98: {  	s19 =	sld [smem:$0x3FDB];
	_ =	sdelay $0x1  }
0x99: {  	s4 =	simm.s32 $_scs_section_size  }
0x9a: {  	s5 =	simm.s32 $_size__tile_overlayer_lowered;
	s6 =	simm.s32 $_tile_overlayer_lowered  }
0x9b: {  	s22 =	simm.s32 $0x1BFF;
	s21 =	sshll.u32 s6, $0x1;
	s3 =	sadd.s32 s4, s19  }
0x9c: {  	s7 =	simm.s32 $0x0;
	s20 =	sshll.u32 s5, $0x1;
	s5 =	sadd.s32 s21, s3  }
0x9d: {  	[timem:s7], [sflag:s22] =	dma.local [hbm:s5], s20  }
0x9e: {  	_ =	swait.ge [sflag:s22], s20  }
0x9f: {  	s4 =	ssub.s32 $0x0, s20;
	[sflag:s22] =	ssyncset.done $0x0  }
0xa0: {  	[sflag:s22] =	ssyncadd.s32 s4;
	_ =	sdelay $0x1  }
0xa1: {  	s23 =	simm.s32 $0x1B8B  }
0xa2: {  	_ =	swait.ge [sflag:s23], $0x1  }
0xa3: {  	[sflag:s23] =	ssyncset.done $0x0  }
0xa4: {  	s25 =	simm.s32 $0x1B8E;
	s24 =	sld [smem:$0x3FFE];
	[sflag:s23] =	ssyncadd.s32 $0xFFFFFFFF  }
0xa5: {  	s26 =	simm.s32 $execute0_lowered;
	[smem:$0x3FD2] =	sst s25  }
0xa6: {  	s5 =	sshll.u32 s26, $0x1;
	_ =	strace $0x80000046;
	[dreg:$0x1] =	wrdreg $0xFFFFFFFF  }
0xa7: {  	s28 =	simm.s32 $_size_execute0_lowered;
	s3 =	sadd.s32 s3, s5;
	[dreg:$0x0] =	wrdreg $0x0  }
0xa8: {  	s5 =	sshll.u32 s28, $0x1;
	[dreg:$0x2] =	wrdreg s3  }
0xa9: {  	[dreg:$0x3] =	wrdreg s5  }
0xaa: {  	[dreg:$0x4] =	wrdreg $0xC0  }
0xab: {  	_ =	task [dreg:s7], $0x5FFFF  }
0xac: {  	[dreg:$0x1] =	wrdreg $0xFFFFFFFF  }
0xad: {  	[dreg:$0x0] =	wrdreg $0x60  }
0xae: {  	[dreg:$0x2] =	wrdreg s24  }
0xaf: {  	[dreg:$0x3] =	wrdreg s2  }
0xb0: {  	[dreg:$0x4] =	wrdreg $0x0  }
0xb1: {  	[dreg:$0x5] =	wrdreg $0x18800  }
0xb2: {  	[dreg:$0x6] =	wrdreg $0x9  }
0xb3: {  	_ =	task.clear_ibuf [dreg:s7], $0x7FFFF;
	_ =	strace $0x90000046  }
0xb4: {  	s29 =	simm.s32 $0x9;
	_ =	strace $0x80000048  }
0xb5: {  	_ =	swait.ge [sflag:s29], $0x1  }
0xb6: {  	[sflag:s29] =	ssyncadd.s32 $0xFFFFFFFF  }
0xb7: {  	_ =	strace $0x90000048  }
0xb8: {  	_ =	sfence  }
0xb9: {  	s30 =	sld [smem:$0x0];
	_ =	sdelay $0x2  }
0xba: {  	s31 =	sshll.u32 s1, $0xD;
	s1 =	sshrl.u32 s1, $0x2  }
0xbb: {  	s3 =	sand.u32 $0x4000, s31;
	s1 =	sadd.s32 s1, s30  }
0xbc: {  	s0 =	sor.u32 s3, s0;
	s1 =	sshll.u32 s1, $0x11  }
0xbd: {  	s0 =	sor.u32 s1, s0  }
0xbe: {  	s0 =	sadd.s32 $0x8F2B, s0  }
0xbf: {  	[sflag:s0] =	ssyncadd.remote.s32 $0x1  }
0xc0: {  	_ =	sfence.sel $0xFFFF  }
0xc1: {  	[dreg:$0x0] =	wrdreg $0xFFFFFFFF;
	(pc) =	sbr.abs _section_cstart, $3  }
0xc2: {  	[dreg:$0x1] =	wrdreg $0xFFFFFFFF  }
0xc3: {  	_ =	task.clear_ibuf [dreg:s7], $0x2FFFF;
	_ =	strace $0x9FFFFFFF  }
0xc4: {  	(tm) =	ssettm $0x7FFFFFFF  }
0xc5: {  	_ =	shalt  }
tec
execute0_lowered:
.L_overlay_start_1:
0x0: {  	(tag) =	ssettag $0x1  }
0x1: {  	s0 =	rddreg [dreg:$0x0]  }
0x2: {  	s1 =	rddreg [dreg:$0x1]  }
0x3: {  	s2 =	rddreg [dreg:$0x2];
	s15 =	stileid.u32  }
0x4: {  	s3 =	rddreg [dreg:$0x3];
	s4 =	simm.s32 $0x0;
	s6 =	srdreg.scid  }
0x5: {  	s29 =	simm.s32 $0x4;
	s31 =	simm.s32 $0x3100;
	s30 =	simm.s32 $0x3900  }
0x6: {  	s8 =	smul.u32 $0x1880, s15;
	[smem:$0x7FF] =	sst s4;
	s11 =	sand.u32 $0x1, s6  }
0x7: {  	s6 =	sadd.s32 $0x65E00, s0;
	s25 =	sshll.u32 s15, $0x6;
	_ =	strace $0x80000047  }
0x8: {  	s10 =	ssub.s32 $0x2, s11;
	s7 =	sshll.u32 s11, $0x4;
	s11 =	sshll.u32 s11, $0x7  }
0x9: {  	s5 =	sshrl.u32 s8, $0x3;
	s12 =	sshrl.u32 s10, $0x1;
	s13 =	sor.u32 s15, s7  }
0xa: {  	s7 =	sadd.s32 $0xC9E00, s0;
	s15 =	smul.u32 $0x3100, s15;
	s9 =	sadd.s32 s5, s0  }
0xb: {  	s5 =	sadd.s32 $0x1E00, s0;
	s0 =	ssub.s32 s10, s12;
	s12 =	smul.u32 $0x19000, s13  }
0xc: {  	s13 =	sadd.s32 s8, s2;
	s10 =	sadd.s32 s8, s3;
	s9 =	sadd.s32 $0x12DE00, s9  }
0xd: {  	s11 =	sor.u32 s11, s15;
	s0 =	smax.u32 s0, $0x1;
	s28 =	sshrl.u32 s13, $0x3  }
0xe: {  	s13 =	simm.s32 $0x800;
	[dreg:$0x5] =	wrdreg s9;
	s26 =	sshrl.u32 s12, $0x3  }
0xf: {  	s15 =	simm.s32 $0x3;
	[dreg:$0x13] =	wrdreg s0;
	s14 =	sadd.s32 s5, s26  }
0x10: {  	s9 =	sor.u32 $0x1C04, s25;
	s17 =	sadd.s32 s6, s26;
	[dreg:$0x6] =	wrdreg s14  }
0x11: {  	s11 =	sshrl.u32 s11, $0x3;
	s16 =	sadd.s32 s7, s26;
	[dreg:$0x7] =	wrdreg s17  }
0x12: {  	s18 =	sor.u32 $0x100, s26;
	s1 =	sadd.s32 s1, s11;
	[dreg:$0x8] =	wrdreg s16  }
0x13: {  	s0 =	simm.s32 $0x5100;
	s19 =	sadd.s32 s5, s18;
	[dreg:$0xf] =	wrdreg s1  }
0x14: {  	s21 =	sadd.s32 $0x200, s26;
	s20 =	sadd.s32 s6, s18;
	[dreg:$0x9] =	wrdreg s19  }
0x15: {  	s25 =	sadd.s32 $0x3100, s26;
	s14 =	sadd.s32 s7, s18;
	[dreg:$0xa] =	wrdreg s20  }
0x16: {  	s11 =	simm.s32 $0x5900;
	s22 =	sadd.s32 s5, s21;
	[dreg:$0xb] =	wrdreg s14  }
0x17: {  	s23 =	sadd.s32 s6, s21;
	s24 =	sadd.s32 s7, s21;
	[dreg:$0xc] =	wrdreg s22  }
0x18: {  	s21 =	sadd.s32 $0x1800, s12;
	s8 =	sadd.s32 s5, s25;
	[dreg:$0xd] =	wrdreg s23  }
0x19: {  	s26 =	sadd.s32 s6, s25;
	s1 =	sadd.s32 s7, s25;
	[dreg:$0xe] =	wrdreg s24  }
0x1a: {  	s16 =	simm.s32 $0x2;
	s17 =	simm.s32 $0x6900;
	[dreg:$0x10] =	wrdreg s8  }
0x1b: {  	s18 =	simm.s32 $0x7100;
	s22 =	sadd.s32 $0x2000, s12;
	[dreg:$0x11] =	wrdreg s26  }
0x1c: {  	[dreg:$0x12] =	wrdreg s1;
	s1 =	simm.s32 $0x4100;
	s8 =	simm.s32 $0x4900  }
0x1d: {  	v0 =	vimm.f32 $0.0e+00;
	s12 =	simm.s32 $0x1;
	s14 =	simm.s32 $0x6100;
	s19 =	simm.s32 $0x0  }
.LBB2_1:
0x1e: {  	s20 =	rddreg [dreg:$0x5]  }
0x1f: {  	[spmem:s28], [sflag:s9] =	dma.local [hbm:s20], $0x310  }
0x20: {  	_ =	swait.ge [sflag:s29], $0x310  }
0x21: {  	[sflag:s29] =	ssyncset.done $0x0  }
0x22: {  	s23 =	simm.s32 $0x0;
	s20 =	simm.s32 $0x40;
	[sflag:s29] =	ssyncadd.s32 $0xFFFFFCF0  }
.LBB2_2:
0x23: {  	p0 =	sne.s32 s20, $0x61C0;
	[tilespmem:s23+$0x7900] =	vst v0;
	s23 =	smov.u32 s20;
	s20 =	sadd.s32 $0x40, s20  }
.Ltmp0:
0x24: {  	(pc) =	sbr.rel @p0 .LBB2_2-.Ltmp0, $2  }
0x25: {  	_ =	sdelay $0x2  }
0x26: {  	s23 =	sshra.s32 s23, $0x2  }
0x27: {  	[tilespmem:s23+$0x7900] =	vst v0;
	s20 =	simm.s32 $0x7900  }
0x28: {  	[spmem:s10] =	stream.linear.scatter [tilespmem:s20], [sflag:$0x4], $0x1880, $0x38;
	[tilespmem:$0x9180] =	vst v63  }
0x29: {  	_ =	swait.ge [sflag:s29], $0x1880  }
0x2a: {  	[sflag:s29] =	ssyncset.done $0x0  }
0x2b: {  	[sflag:s29] =	ssyncadd.s32 $0xFFFFE780  }
0x2c: {  	[bflag:$0x0] =	sbarrier.arrive $0xFFFF  }
0x2d: {  	s20 =	simm.s32 $0x0;
	s24 =	rddreg [dreg:$0x6]  }
0x2e: {  	[tilespmem:s31], [sflag:$0x1] =	stream.linear.gather [hbm4b:s24+s20], $0x800, $0x38;
	[tilespmem:$0x9180] =	vst v63  }
0x2f: {  	s25 =	rddreg [dreg:$0x7]  }
0x30: {  	[tilespmem:s1], [sflag:$0x1] =	stream.linear.gather [hbm4b:s25+s20], $0x800, $0x38;
	[tilespmem:$0x9180] =	vst v63  }
0x31: {  	s26 =	rddreg [dreg:$0x8]  }
0x32: {  	[tilespmem:s0], [sflag:$0x1] =	stream.linear.gather [hbm4b:s26+s20], $0x800, $0x38;
	[tilespmem:$0x9180] =	vst v63  }
0x33: {  	s24 =	rddreg [dreg:$0x9]  }
0x34: {  	[tilespmem:s30], [sflag:$0x2] =	stream.linear.gather [hbm4b:s24+s20], $0x800, $0x38;
	[tilespmem:$0x9180] =	vst v63  }
0x35: {  	s25 =	rddreg [dreg:$0xa]  }
0x36: {  	[tilespmem:s8], [sflag:$0x2] =	stream.linear.gather [hbm4b:s25+s20], $0x800, $0x38;
	[tilespmem:$0x9180] =	vst v63  }
0x37: {  	s26 =	rddreg [dreg:$0xb]  }
0x38: {  	[tilespmem:s11], [sflag:$0x2] =	stream.linear.gather [hbm4b:s26+s20], $0x800, $0x38;
	[tilespmem:$0x9180] =	vst v63  }
0x39: {  	_ =	swait.ge [sflag:s12], $0x800  }
0x3a: {  	[sflag:s12] =	ssyncset.done $0x0  }
0x3b: {  	[sflag:s12] =	ssyncadd.s32 $0xFFFFF800  }
0x3c: {  	_ =	swait.ge [sflag:s12], $0x800  }
0x3d: {  	[sflag:s12] =	ssyncset.done $0x0  }
0x3e: {  	[sflag:s12] =	ssyncadd.s32 $0xFFFFF800  }
0x3f: {  	_ =	swait.ge [sflag:s12], $0x800  }
0x40: {  	[sflag:s12] =	ssyncset.done $0x0  }
0x41: {  	[sflag:s12] =	ssyncadd.s32 $0xFFFFF800  }
0x42: {  	[tilespmem:s14], [sflag:$0x3] =	stream.indirect.gather [spmem:s2], $0x1, s31, s13, $0xb8;
	[tilespmem:$0x9180] =	vst v63  }
0x43: {  	_ =	swait.ge [sflag:s15], $0x800  }
0x44: {  	[sflag:s15] =	ssyncset.done $0x0  }
0x45: {  	[sflag:s15] =	ssyncadd.s32 $0xFFFFF800  }
0x46: {  	_ =	swait.ge [sflag:s16], $0x800  }
0x47: {  	[sflag:s16] =	ssyncset.done $0x0  }
0x48: {  	[sflag:s16] =	ssyncadd.s32 $0xFFFFF800  }
0x49: {  	_ =	swait.ge [sflag:s16], $0x800  }
0x4a: {  	[sflag:s16] =	ssyncset.done $0x0  }
0x4b: {  	[sflag:s16] =	ssyncadd.s32 $0xFFFFF800  }
0x4c: {  	_ =	swait.ge [sflag:s16], $0x800  }
0x4d: {  	[sflag:s16] =	ssyncset.done $0x0  }
0x4e: {  	s20 =	simm.s32 $0x0;
	[sflag:s16] =	ssyncadd.s32 $0xFFFFF800  }
0x4f: {  	[tilespmem:s17], [sflag:$0x3] =	stream.indirect.gather [spmem:s2], $0x1, s30, s13, $0xb8;
	[tilespmem:$0x9180] =	vst v63  }
0x50: {  	v3 =	vld [tilespmem:s20+$0x5130]  }
0x51: {  	v5 =	vld [tilespmem:s20+$0x6130]  }
0x52: {  	v6 =	vld [tilespmem:s20+$0x5100]  }
0x53: {  	v7 =	vld [tilespmem:s20+$0x6100]  }
0x54: {  	v2 =	vld [tilespmem:s20+$0x5110]  }
0x55: {  	v4 =	vld [tilespmem:s20+$0x6110]  }
0x56: {  	v1 =	vld [tilespmem:s20+$0x5120];
	v8 =	vmul.f32 v5, v3  }
0x57: {  	s23 =	simm.s32 $0x40;
	v5 =	vld [tilespmem:s20+$0x6120]  }
0x58: {  	s24 =	simm.s32 $0x200;
	v3 =	vld [tilespmem:s23+$0x5130];
	v6 =	vmul.f32 v7, v6;
	[tilespmem:s20+$0x7130] =	vst v8  }
.LBB2_4:
0x59: {  	p0 =	sne.s32 s24, $0x1F00;
	v7 =	vld [tilespmem:s23+$0x6130]  }
0x5a: {  	v8 =	vld [tilespmem:s23+$0x5100];
	[tilespmem:s20+$0x7100] =	vst v6;
	v4 =	vmul.f32 v4, v2  }
0x5b: {  	v6 =	vld [tilespmem:s23+$0x6100]  }
.Ltmp1:
0x5c: {  	v2 =	vld [tilespmem:s23+$0x5110];
	[tilespmem:s20+$0x7110] =	vst v4;
	v5 =	vmul.f32 v5, v1;
	(pc) =	sbr.rel @p0 .LBB2_4-.Ltmp1, $4  }
0x5d: {  	v4 =	vld [tilespmem:s23+$0x6110]  }
0x5e: {  	v1 =	vld [tilespmem:s23+$0x5120];
	v7 =	vmul.f32 v7, v3;
	[tilespmem:s20+$0x7120] =	vst v5;
	s20 =	smov.u32 s23  }
0x5f: {  	s23 =	sshra.s32 s24, $0x2;
	v5 =	vld [tilespmem:s20+$0x6120]  }
0x60: {  	s24 =	sadd.s32 $0x100, s24;
	v3 =	vld [tilespmem:s23+$0x5130];
	v6 =	vmul.f32 v6, v8;
	[tilespmem:s20+$0x7130] =	vst v7  }
0x61: {  	v7 =	vld [tilespmem:s23+$0x6130]  }
0x62: {  	v8 =	vld [tilespmem:s23+$0x5100];
	[tilespmem:s20+$0x7100] =	vst v6;
	v2 =	vmul.f32 v4, v2  }
0x63: {  	v62 =	vld [tilespmem:s23+$0x6100]  }
0x64: {  	v6 =	vld [tilespmem:s23+$0x5110];
	[tilespmem:s20+$0x7110] =	vst v2;
	v1 =	vmul.f32 v5, v1  }
0x65: {  	v2 =	vld [tilespmem:s23+$0x6110]  }
0x66: {  	v63 =	vld [tilespmem:s23+$0x5120];
	[tilespmem:s20+$0x7120] =	vst v1  }
0x67: {  	v1 =	vld [tilespmem:s23+$0x6120];
	_ =	sdelay $0x1  }
0x68: {  	v3 =	vmul.f32 v7, v3  }
0x69: {  	v4 =	vmul.f32 v62, v8  }
0x6a: {  	[tilespmem:s23+$0x7130] =	vst v3;
	v2 =	vmul.f32 v2, v6  }
0x6b: {  	[tilespmem:s23+$0x7100] =	vst v4;
	v1 =	vmul.f32 v1, v63  }
0x6c: {  	[tilespmem:s23+$0x7110] =	vst v2  }
0x6d: {  	[tilespmem:s23+$0x7120] =	vst v1  }
0x6e: {  	[spmem:s3] =	stream.indirect.scatter.add.f32 [tilespmem:s18], [sflag:$0x4], $0x1, s1, s13, $0xb8;
	[tilespmem:$0x9180] =	vst v63  }
0x6f: {  	_ =	swait.ge [sflag:s29], $0x800  }
0x70: {  	[sflag:s29] =	ssyncset.done $0x0  }
0x71: {  	s20 =	simm.s32 $0x0;
	s24 =	rddreg [dreg:$0xc];
	[sflag:s29] =	ssyncadd.s32 $0xFFFFF800  }
0x72: {  	[tilespmem:s31], [sflag:$0x1] =	stream.linear.gather [hbm4b:s24+s20], $0x800, $0x38;
	[tilespmem:$0x9180] =	vst v63  }
0x73: {  	s25 =	rddreg [dreg:$0xd]  }
0x74: {  	[tilespmem:s1], [sflag:$0x1] =	stream.linear.gather [hbm4b:s25+s20], $0x800, $0x38;
	[tilespmem:$0x9180] =	vst v63  }
0x75: {  	s26 =	rddreg [dreg:$0xe]  }
0x76: {  	[tilespmem:s0], [sflag:$0x1] =	stream.linear.gather [hbm4b:s26+s20], $0x800, $0x38;
	[tilespmem:$0x9180] =	vst v63  }
.LBB2_6:
0x77: {  	_ =	swait.ge [sflag:s15], $0x800  }
0x78: {  	[sflag:s15] =	ssyncset.done $0x0  }
0x79: {  	[sflag:s15] =	ssyncadd.s32 $0xFFFFF800  }
0x7a: {  	_ =	swait.ge [sflag:s12], $0x800  }
0x7b: {  	[sflag:s12] =	ssyncset.done $0x0  }
0x7c: {  	[sflag:s12] =	ssyncadd.s32 $0xFFFFF800  }
0x7d: {  	_ =	swait.ge [sflag:s12], $0x800  }
0x7e: {  	[sflag:s12] =	ssyncset.done $0x0  }
0x7f: {  	[sflag:s12] =	ssyncadd.s32 $0xFFFFF800  }
0x80: {  	_ =	swait.ge [sflag:s12], $0x800  }
0x81: {  	[sflag:s12] =	ssyncset.done $0x0  }
0x82: {  	s23 =	simm.s32 $0x0;
	[sflag:s12] =	ssyncadd.s32 $0xFFFFF800  }
0x83: {  	[tilespmem:s14], [sflag:$0x3] =	stream.indirect.gather [spmem:s2], $0x1, s31, s13, $0xb8;
	[tilespmem:$0x9180] =	vst v63  }
0x84: {  	v3 =	vld [tilespmem:s23+$0x5930]  }
0x85: {  	v5 =	vld [tilespmem:s23+$0x6930]  }
0x86: {  	v6 =	vld [tilespmem:s23+$0x5900]  }
0x87: {  	v7 =	vld [tilespmem:s23+$0x6900]  }
0x88: {  	v2 =	vld [tilespmem:s23+$0x5910]  }
0x89: {  	v4 =	vld [tilespmem:s23+$0x6910]  }
0x8a: {  	v1 =	vld [tilespmem:s23+$0x5920];
	v8 =	vmul.f32 v5, v3  }
0x8b: {  	s24 =	simm.s32 $0x40;
	v5 =	vld [tilespmem:s23+$0x6920]  }
0x8c: {  	s25 =	simm.s32 $0x200;
	v3 =	vld [tilespmem:s24+$0x5930];
	v6 =	vmul.f32 v7, v6;
	[tilespmem:s23+$0x7130] =	vst v8  }
.LBB2_7:
0x8d: {  	p0 =	sne.s32 s25, $0x1F00;
	v7 =	vld [tilespmem:s24+$0x6930]  }
0x8e: {  	v8 =	vld [tilespmem:s24+$0x5900];
	[tilespmem:s23+$0x7100] =	vst v6;
	v4 =	vmul.f32 v4, v2  }
0x8f: {  	v6 =	vld [tilespmem:s24+$0x6900]  }
.Ltmp2:
0x90: {  	v2 =	vld [tilespmem:s24+$0x5910];
	[tilespmem:s23+$0x7110] =	vst v4;
	v5 =	vmul.f32 v5, v1;
	(pc) =	sbr.rel @p0 .LBB2_7-.Ltmp2, $4  }
0x91: {  	v4 =	vld [tilespmem:s24+$0x6910]  }
0x92: {  	v1 =	vld [tilespmem:s24+$0x5920];
	v7 =	vmul.f32 v7, v3;
	[tilespmem:s23+$0x7120] =	vst v5;
	s23 =	smov.u32 s24  }
0x93: {  	s24 =	sshra.s32 s25, $0x2;
	v5 =	vld [tilespmem:s23+$0x6920]  }
0x94: {  	s25 =	sadd.s32 $0x100, s25;
	v3 =	vld [tilespmem:s24+$0x5930];
	v6 =	vmul.f32 v6, v8;
	[tilespmem:s23+$0x7130] =	vst v7  }
0x95: {  	v7 =	vld [tilespmem:s24+$0x6930]  }
0x96: {  	v8 =	vld [tilespmem:s24+$0x5900];
	[tilespmem:s23+$0x7100] =	vst v6;
	v2 =	vmul.f32 v4, v2  }
0x97: {  	v4 =	vld [tilespmem:s24+$0x6900]  }
0x98: {  	v6 =	vld [tilespmem:s24+$0x5910];
	[tilespmem:s23+$0x7110] =	vst v2;
	v1 =	vmul.f32 v5, v1  }
0x99: {  	v2 =	vld [tilespmem:s24+$0x6910]  }
0x9a: {  	v5 =	vld [tilespmem:s24+$0x5920];
	[tilespmem:s23+$0x7120] =	vst v1  }
0x9b: {  	v1 =	vld [tilespmem:s24+$0x6920];
	_ =	sdelay $0x1  }
0x9c: {  	v3 =	vmul.f32 v7, v3  }
0x9d: {  	v4 =	vmul.f32 v4, v8  }
0x9e: {  	[tilespmem:s24+$0x7130] =	vst v3;
	v2 =	vmul.f32 v2, v6  }
0x9f: {  	[tilespmem:s24+$0x7100] =	vst v4;
	v1 =	vmul.f32 v1, v5  }
0xa0: {  	[tilespmem:s24+$0x7110] =	vst v2  }
0xa1: {  	s23 =	sshll.u32 s20, $0xC;
	[tilespmem:s24+$0x7120] =	vst v1  }
0xa2: {  	[spmem:s3] =	stream.indirect.scatter.add.f32 [tilespmem:s18], [sflag:$0x4], $0x1, s8, s13, $0xb8;
	[tilespmem:$0x9180] =	vst v63  }
0xa3: {  	s26 =	sadd.s32 s23, s21;
	_ =	swait.ge [sflag:s29], $0x800  }
0xa4: {  	s24 =	sshrl.u32 s26, $0x3;
	[sflag:s29] =	ssyncset.done $0x0  }
0xa5: {  	s26 =	simm.s32 $0x0;
	s25 =	sadd.s32 s5, s24;
	[sflag:s29] =	ssyncadd.s32 $0xFFFFF800  }
0xa6: {  	[tilespmem:s30], [sflag:$0x2] =	stream.linear.gather [hbm4b:s25+s26], $0x800, $0x38;
	[tilespmem:$0x9180] =	vst v63  }
0xa7: {  	s25 =	sadd.s32 s6, s24  }
0xa8: {  	[tilespmem:s8], [sflag:$0x2] =	stream.linear.gather [hbm4b:s25+s26], $0x800, $0x38;
	[tilespmem:$0x9180] =	vst v63  }
0xa9: {  	s24 =	sadd.s32 s7, s24  }
0xaa: {  	[tilespmem:s11], [sflag:$0x2] =	stream.linear.gather [hbm4b:s24+s26], $0x800, $0x38;
	[tilespmem:$0x9180] =	vst v63  }
0xab: {  	_ =	swait.ge [sflag:s15], $0x800  }
0xac: {  	[sflag:s15] =	ssyncset.done $0x0  }
0xad: {  	[sflag:s15] =	ssyncadd.s32 $0xFFFFF800  }
0xae: {  	_ =	swait.ge [sflag:s16], $0x800  }
0xaf: {  	[sflag:s16] =	ssyncset.done $0x0  }
0xb0: {  	[sflag:s16] =	ssyncadd.s32 $0xFFFFF800  }
0xb1: {  	_ =	swait.ge [sflag:s16], $0x800  }
0xb2: {  	[sflag:s16] =	ssyncset.done $0x0  }
0xb3: {  	[sflag:s16] =	ssyncadd.s32 $0xFFFFF800  }
0xb4: {  	_ =	swait.ge [sflag:s16], $0x800  }
0xb5: {  	[sflag:s16] =	ssyncset.done $0x0  }
0xb6: {  	s24 =	simm.s32 $0x0;
	[sflag:s16] =	ssyncadd.s32 $0xFFFFF800  }
0xb7: {  	[tilespmem:s17], [sflag:$0x3] =	stream.indirect.gather [spmem:s2], $0x1, s30, s13, $0xb8;
	[tilespmem:$0x9180] =	vst v63  }
0xb8: {  	v3 =	vld [tilespmem:s24+$0x5130]  }
0xb9: {  	v5 =	vld [tilespmem:s24+$0x6130]  }
0xba: {  	v6 =	vld [tilespmem:s24+$0x5100]  }
0xbb: {  	v7 =	vld [tilespmem:s24+$0x6100]  }
0xbc: {  	v2 =	vld [tilespmem:s24+$0x5110]  }
0xbd: {  	v4 =	vld [tilespmem:s24+$0x6110]  }
0xbe: {  	v1 =	vld [tilespmem:s24+$0x5120];
	v8 =	vmul.f32 v5, v3  }
0xbf: {  	s25 =	simm.s32 $0x40;
	v5 =	vld [tilespmem:s24+$0x6120]  }
0xc0: {  	s26 =	simm.s32 $0x200;
	v3 =	vld [tilespmem:s25+$0x5130];
	v6 =	vmul.f32 v7, v6;
	[tilespmem:s24+$0x7130] =	vst v8  }
.LBB2_9:
0xc1: {  	p0 =	sne.s32 s26, $0x1F00;
	v7 =	vld [tilespmem:s25+$0x6130]  }
0xc2: {  	v8 =	vld [tilespmem:s25+$0x5100];
	[tilespmem:s24+$0x7100] =	vst v6;
	v4 =	vmul.f32 v4, v2  }
0xc3: {  	v6 =	vld [tilespmem:s25+$0x6100]  }
.Ltmp3:
0xc4: {  	v2 =	vld [tilespmem:s25+$0x5110];
	[tilespmem:s24+$0x7110] =	vst v4;
	v5 =	vmul.f32 v5, v1;
	(pc) =	sbr.rel @p0 .LBB2_9-.Ltmp3, $4  }
0xc5: {  	v4 =	vld [tilespmem:s25+$0x6110]  }
0xc6: {  	v1 =	vld [tilespmem:s25+$0x5120];
	v7 =	vmul.f32 v7, v3;
	[tilespmem:s24+$0x7120] =	vst v5;
	s24 =	smov.u32 s25  }
0xc7: {  	s25 =	sshra.s32 s26, $0x2;
	v5 =	vld [tilespmem:s24+$0x6120]  }
0xc8: {  	s26 =	sadd.s32 $0x100, s26;
	v3 =	vld [tilespmem:s25+$0x5130];
	v6 =	vmul.f32 v6, v8;
	[tilespmem:s24+$0x7130] =	vst v7  }
0xc9: {  	v7 =	vld [tilespmem:s25+$0x6130]  }
0xca: {  	v8 =	vld [tilespmem:s25+$0x5100];
	[tilespmem:s24+$0x7100] =	vst v6;
	v2 =	vmul.f32 v4, v2  }
0xcb: {  	v62 =	vld [tilespmem:s25+$0x6100]  }
0xcc: {  	v6 =	vld [tilespmem:s25+$0x5110];
	[tilespmem:s24+$0x7110] =	vst v2;
	v1 =	vmul.f32 v5, v1  }
0xcd: {  	v2 =	vld [tilespmem:s25+$0x6110]  }
0xce: {  	v63 =	vld [tilespmem:s25+$0x5120];
	[tilespmem:s24+$0x7120] =	vst v1  }
0xcf: {  	v1 =	vld [tilespmem:s25+$0x6120];
	_ =	sdelay $0x1  }
0xd0: {  	v3 =	vmul.f32 v7, v3  }
0xd1: {  	v4 =	vmul.f32 v62, v8  }
0xd2: {  	[tilespmem:s25+$0x7130] =	vst v3;
	v2 =	vmul.f32 v2, v6  }
0xd3: {  	[tilespmem:s25+$0x7100] =	vst v4;
	v1 =	vmul.f32 v1, v63  }
0xd4: {  	[tilespmem:s25+$0x7110] =	vst v2  }
0xd5: {  	[tilespmem:s25+$0x7120] =	vst v1  }
0xd6: {  	[spmem:s3] =	stream.indirect.scatter.add.f32 [tilespmem:s18], [sflag:$0x4], $0x1, s1, s13, $0xb8;
	[tilespmem:$0x9180] =	vst v63  }
0xd7: {  	s23 =	sadd.s32 s23, s22;
	_ =	swait.ge [sflag:s29], $0x800  }
0xd8: {  	s20 =	sadd.s32 $0x1, s20;
	s23 =	sshrl.u32 s23, $0x3;
	[sflag:s29] =	ssyncset.done $0x0  }
0xd9: {  	p0 =	sne.s32 s20, $0x17;
	s25 =	sadd.s32 s5, s23;
	[sflag:s29] =	ssyncadd.s32 $0xFFFFF800  }
0xda: {  	[tilespmem:s31], [sflag:$0x1] =	stream.linear.gather [hbm4b:s25+s4], $0x800, $0x38;
	[tilespmem:$0x9180] =	vst v63  }
.Ltmp4:
0xdb: {  	_ = 	snop;
	(pc) =	sbr.rel @p0 .LBB2_6-.Ltmp4, $4  }
0xdc: {  	s26 =	sadd.s32 s6, s23  }
0xdd: {  	[tilespmem:s1], [sflag:$0x1] =	stream.linear.gather [hbm4b:s26+s4], $0x800, $0x38;
	[tilespmem:$0x9180] =	vst v63  }
0xde: {  	s23 =	sadd.s32 s7, s23  }
0xdf: {  	[tilespmem:s0], [sflag:$0x1] =	stream.linear.gather [hbm4b:s23+s4], $0x800, $0x38;
	[tilespmem:$0x9180] =	vst v63  }
0xe0: {  	_ =	swait.ge [sflag:s15], $0x800  }
0xe1: {  	[sflag:s15] =	ssyncset.done $0x0  }
0xe2: {  	[sflag:s15] =	ssyncadd.s32 $0xFFFFF800  }
0xe3: {  	_ =	swait.ge [sflag:s12], $0x800  }
0xe4: {  	[sflag:s12] =	ssyncset.done $0x0  }
0xe5: {  	[sflag:s12] =	ssyncadd.s32 $0xFFFFF800  }
0xe6: {  	_ =	swait.ge [sflag:s12], $0x800  }
0xe7: {  	[sflag:s12] =	ssyncset.done $0x0  }
0xe8: {  	[sflag:s12] =	ssyncadd.s32 $0xFFFFF800  }
0xe9: {  	_ =	swait.ge [sflag:s12], $0x800  }
0xea: {  	[sflag:s12] =	ssyncset.done $0x0  }
0xeb: {  	s20 =	simm.s32 $0x0;
	[sflag:s12] =	ssyncadd.s32 $0xFFFFF800  }
0xec: {  	[tilespmem:s14], [sflag:$0x3] =	stream.indirect.gather [spmem:s2], $0x1, s31, s13, $0xb8;
	[tilespmem:$0x9180] =	vst v63  }
0xed: {  	v3 =	vld [tilespmem:s20+$0x5930]  }
0xee: {  	v5 =	vld [tilespmem:s20+$0x6930]  }
0xef: {  	v6 =	vld [tilespmem:s20+$0x5900]  }
0xf0: {  	v7 =	vld [tilespmem:s20+$0x6900]  }
0xf1: {  	v2 =	vld [tilespmem:s20+$0x5910]  }
0xf2: {  	v4 =	vld [tilespmem:s20+$0x6910]  }
0xf3: {  	v1 =	vld [tilespmem:s20+$0x5920];
	v8 =	vmul.f32 v5, v3  }
0xf4: {  	s23 =	simm.s32 $0x40;
	v5 =	vld [tilespmem:s20+$0x6920]  }
0xf5: {  	s24 =	simm.s32 $0x200;
	v3 =	vld [tilespmem:s23+$0x5930];
	v6 =	vmul.f32 v7, v6;
	[tilespmem:s20+$0x7130] =	vst v8  }
.LBB2_12:
0xf6: {  	p0 =	sne.s32 s24, $0x1F00;
	v7 =	vld [tilespmem:s23+$0x6930]  }
0xf7: {  	v8 =	vld [tilespmem:s23+$0x5900];
	[tilespmem:s20+$0x7100] =	vst v6;
	v4 =	vmul.f32 v4, v2  }
0xf8: {  	v6 =	vld [tilespmem:s23+$0x6900]  }
.Ltmp5:
0xf9: {  	v2 =	vld [tilespmem:s23+$0x5910];
	[tilespmem:s20+$0x7110] =	vst v4;
	v5 =	vmul.f32 v5, v1;
	(pc) =	sbr.rel @p0 .LBB2_12-.Ltmp5, $4  }
0xfa: {  	v4 =	vld [tilespmem:s23+$0x6910]  }
0xfb: {  	v1 =	vld [tilespmem:s23+$0x5920];
	v7 =	vmul.f32 v7, v3;
	[tilespmem:s20+$0x7120] =	vst v5;
	s20 =	smov.u32 s23  }
0xfc: {  	s23 =	sshra.s32 s24, $0x2;
	v5 =	vld [tilespmem:s20+$0x6920]  }
0xfd: {  	s24 =	sadd.s32 $0x100, s24;
	v3 =	vld [tilespmem:s23+$0x5930];
	v6 =	vmul.f32 v6, v8;
	[tilespmem:s20+$0x7130] =	vst v7  }
0xfe: {  	v7 =	vld [tilespmem:s23+$0x6930]  }
0xff: {  	v8 =	vld [tilespmem:s23+$0x5900];
	[tilespmem:s20+$0x7100] =	vst v6;
	v2 =	vmul.f32 v4, v2  }
0x100: {  	v4 =	vld [tilespmem:s23+$0x6900]  }
0x101: {  	v6 =	vld [tilespmem:s23+$0x5910];
	[tilespmem:s20+$0x7110] =	vst v2;
	v1 =	vmul.f32 v5, v1  }
0x102: {  	v2 =	vld [tilespmem:s23+$0x6910]  }
0x103: {  	v5 =	vld [tilespmem:s23+$0x5920];
	[tilespmem:s20+$0x7120] =	vst v1  }
0x104: {  	v1 =	vld [tilespmem:s23+$0x6920];
	_ =	sdelay $0x1  }
0x105: {  	v3 =	vmul.f32 v7, v3  }
0x106: {  	v4 =	vmul.f32 v4, v8  }
0x107: {  	[tilespmem:s23+$0x7130] =	vst v3;
	v2 =	vmul.f32 v2, v6  }
0x108: {  	[tilespmem:s23+$0x7100] =	vst v4;
	v1 =	vmul.f32 v1, v5  }
0x109: {  	[tilespmem:s23+$0x7110] =	vst v2  }
0x10a: {  	[tilespmem:s23+$0x7120] =	vst v1  }
0x10b: {  	[spmem:s3] =	stream.indirect.scatter.add.f32 [tilespmem:s18], [sflag:$0x4], $0x1, s8, s13, $0xb8;
	[tilespmem:$0x9180] =	vst v63  }
0x10c: {  	_ =	swait.ge [sflag:s29], $0x800  }
0x10d: {  	[sflag:s29] =	ssyncset.done $0x0  }
0x10e: {  	s20 =	simm.s32 $0x0;
	s24 =	rddreg [dreg:$0x10];
	[sflag:s29] =	ssyncadd.s32 $0xFFFFF800  }
0x10f: {  	[tilespmem:s30], [sflag:$0x2] =	stream.linear.gather [hbm4b:s24+s20], $0x800, $0x38;
	[tilespmem:$0x9180] =	vst v63  }
0x110: {  	s25 =	rddreg [dreg:$0x11]  }
0x111: {  	[tilespmem:s8], [sflag:$0x2] =	stream.linear.gather [hbm4b:s25+s20], $0x800, $0x38;
	[tilespmem:$0x9180] =	vst v63  }
0x112: {  	s26 =	rddreg [dreg:$0x12]  }
0x113: {  	[tilespmem:s11], [sflag:$0x2] =	stream.linear.gather [hbm4b:s26+s20], $0x800, $0x38;
	[tilespmem:$0x9180] =	vst v63  }
0x114: {  	_ =	swait.ge [sflag:s15], $0x800  }
0x115: {  	[sflag:s15] =	ssyncset.done $0x0  }
0x116: {  	[sflag:s15] =	ssyncadd.s32 $0xFFFFF800  }
0x117: {  	_ =	swait.ge [sflag:s16], $0x800  }
0x118: {  	[sflag:s16] =	ssyncset.done $0x0  }
0x119: {  	[sflag:s16] =	ssyncadd.s32 $0xFFFFF800  }
0x11a: {  	_ =	swait.ge [sflag:s16], $0x800  }
0x11b: {  	[sflag:s16] =	ssyncset.done $0x0  }
0x11c: {  	[sflag:s16] =	ssyncadd.s32 $0xFFFFF800  }
0x11d: {  	_ =	swait.ge [sflag:s16], $0x800  }
0x11e: {  	[sflag:s16] =	ssyncset.done $0x0  }
0x11f: {  	s20 =	simm.s32 $0x0;
	[sflag:s16] =	ssyncadd.s32 $0xFFFFF800  }
0x120: {  	[tilespmem:s17], [sflag:$0x3] =	stream.indirect.gather [spmem:s2], $0x1, s30, s13, $0xb8;
	[tilespmem:$0x9180] =	vst v63  }
0x121: {  	v3 =	vld [tilespmem:s20+$0x5130]  }
0x122: {  	v5 =	vld [tilespmem:s20+$0x6130]  }
0x123: {  	v6 =	vld [tilespmem:s20+$0x5100]  }
0x124: {  	v7 =	vld [tilespmem:s20+$0x6100]  }
0x125: {  	v2 =	vld [tilespmem:s20+$0x5110]  }
0x126: {  	v4 =	vld [tilespmem:s20+$0x6110]  }
0x127: {  	v1 =	vld [tilespmem:s20+$0x5120];
	v8 =	vmul.f32 v5, v3  }
0x128: {  	s23 =	simm.s32 $0x40;
	v5 =	vld [tilespmem:s20+$0x6120]  }
0x129: {  	s24 =	simm.s32 $0x200;
	v3 =	vld [tilespmem:s23+$0x5130];
	v6 =	vmul.f32 v7, v6;
	[tilespmem:s20+$0x7130] =	vst v8  }
.LBB2_14:
0x12a: {  	p0 =	sne.s32 s24, $0x1F00;
	v7 =	vld [tilespmem:s23+$0x6130]  }
0x12b: {  	v8 =	vld [tilespmem:s23+$0x5100];
	[tilespmem:s20+$0x7100] =	vst v6;
	v4 =	vmul.f32 v4, v2  }
0x12c: {  	v6 =	vld [tilespmem:s23+$0x6100]  }
.Ltmp6:
0x12d: {  	v2 =	vld [tilespmem:s23+$0x5110];
	[tilespmem:s20+$0x7110] =	vst v4;
	v5 =	vmul.f32 v5, v1;
	(pc) =	sbr.rel @p0 .LBB2_14-.Ltmp6, $4  }
0x12e: {  	v4 =	vld [tilespmem:s23+$0x6110]  }
0x12f: {  	v1 =	vld [tilespmem:s23+$0x5120];
	v7 =	vmul.f32 v7, v3;
	[tilespmem:s20+$0x7120] =	vst v5;
	s20 =	smov.u32 s23  }
0x130: {  	s23 =	sshra.s32 s24, $0x2;
	v5 =	vld [tilespmem:s20+$0x6120]  }
0x131: {  	s24 =	sadd.s32 $0x100, s24;
	v3 =	vld [tilespmem:s23+$0x5130];
	v6 =	vmul.f32 v6, v8;
	[tilespmem:s20+$0x7130] =	vst v7  }
0x132: {  	v7 =	vld [tilespmem:s23+$0x6130]  }
0x133: {  	v8 =	vld [tilespmem:s23+$0x5100];
	[tilespmem:s20+$0x7100] =	vst v6;
	v2 =	vmul.f32 v4, v2  }
0x134: {  	v4 =	vld [tilespmem:s23+$0x6100]  }
0x135: {  	v6 =	vld [tilespmem:s23+$0x5110];
	[tilespmem:s20+$0x7110] =	vst v2;
	v1 =	vmul.f32 v5, v1  }
0x136: {  	v2 =	vld [tilespmem:s23+$0x6110]  }
0x137: {  	v5 =	vld [tilespmem:s23+$0x5120];
	[tilespmem:s20+$0x7120] =	vst v1  }
0x138: {  	v1 =	vld [tilespmem:s23+$0x6120];
	_ =	sdelay $0x1  }
0x139: {  	v3 =	vmul.f32 v7, v3  }
0x13a: {  	v4 =	vmul.f32 v4, v8  }
0x13b: {  	[tilespmem:s23+$0x7130] =	vst v3;
	v2 =	vmul.f32 v2, v6  }
0x13c: {  	[tilespmem:s23+$0x7100] =	vst v4;
	v1 =	vmul.f32 v1, v5  }
0x13d: {  	[tilespmem:s23+$0x7110] =	vst v2  }
0x13e: {  	[tilespmem:s23+$0x7120] =	vst v1  }
0x13f: {  	[spmem:s3] =	stream.indirect.scatter.add.f32 [tilespmem:s18], [sflag:$0x4], $0x1, s1, s13, $0xb8;
	[tilespmem:$0x9180] =	vst v63  }
0x140: {  	_ =	swait.ge [sflag:s29], $0x800  }
0x141: {  	[sflag:s29] =	ssyncset.done $0x0  }
0x142: {  	[sflag:s29] =	ssyncadd.s32 $0xFFFFF800  }
0x143: {  	_ =	swait.ge [sflag:s15], $0x800  }
0x144: {  	[sflag:s15] =	ssyncset.done $0x0  }
0x145: {  	s20 =	simm.s32 $0x0;
	[sflag:s15] =	ssyncadd.s32 $0xFFFFF800  }
0x146: {  	v3 =	vld [tilespmem:s20+$0x5930]  }
0x147: {  	v5 =	vld [tilespmem:s20+$0x6930]  }
0x148: {  	v6 =	vld [tilespmem:s20+$0x5900]  }
0x149: {  	v7 =	vld [tilespmem:s20+$0x6900]  }
0x14a: {  	v2 =	vld [tilespmem:s20+$0x5910]  }
0x14b: {  	v4 =	vld [tilespmem:s20+$0x6910]  }
0x14c: {  	v1 =	vld [tilespmem:s20+$0x5920];
	v8 =	vmul.f32 v5, v3  }
0x14d: {  	s23 =	simm.s32 $0x40;
	v5 =	vld [tilespmem:s20+$0x6920]  }
0x14e: {  	s24 =	simm.s32 $0x200;
	v3 =	vld [tilespmem:s23+$0x5930];
	v6 =	vmul.f32 v7, v6;
	[tilespmem:s20+$0x7130] =	vst v8  }
.LBB2_16:
0x14f: {  	p0 =	sne.s32 s24, $0x1F00;
	v7 =	vld [tilespmem:s23+$0x6930]  }
0x150: {  	v8 =	vld [tilespmem:s23+$0x5900];
	[tilespmem:s20+$0x7100] =	vst v6;
	v4 =	vmul.f32 v4, v2  }
0x151: {  	v6 =	vld [tilespmem:s23+$0x6900]  }
.Ltmp7:
0x152: {  	v2 =	vld [tilespmem:s23+$0x5910];
	[tilespmem:s20+$0x7110] =	vst v4;
	v5 =	vmul.f32 v5, v1;
	(pc) =	sbr.rel @p0 .LBB2_16-.Ltmp7, $4  }
0x153: {  	v4 =	vld [tilespmem:s23+$0x6910]  }
0x154: {  	v1 =	vld [tilespmem:s23+$0x5920];
	v7 =	vmul.f32 v7, v3;
	[tilespmem:s20+$0x7120] =	vst v5;
	s20 =	smov.u32 s23  }
0x155: {  	s23 =	sshra.s32 s24, $0x2;
	v5 =	vld [tilespmem:s20+$0x6920]  }
0x156: {  	s24 =	sadd.s32 $0x100, s24;
	v3 =	vld [tilespmem:s23+$0x5930];
	v6 =	vmul.f32 v6, v8;
	[tilespmem:s20+$0x7130] =	vst v7  }
0x157: {  	v7 =	vld [tilespmem:s23+$0x6930]  }
0x158: {  	v8 =	vld [tilespmem:s23+$0x5900];
	[tilespmem:s20+$0x7100] =	vst v6;
	v2 =	vmul.f32 v4, v2  }
0x159: {  	v62 =	vld [tilespmem:s23+$0x6900]  }
0x15a: {  	v6 =	vld [tilespmem:s23+$0x5910];
	[tilespmem:s20+$0x7110] =	vst v2;
	v1 =	vmul.f32 v5, v1  }
0x15b: {  	v2 =	vld [tilespmem:s23+$0x6910]  }
0x15c: {  	v63 =	vld [tilespmem:s23+$0x5920];
	[tilespmem:s20+$0x7120] =	vst v1  }
0x15d: {  	v1 =	vld [tilespmem:s23+$0x6920];
	_ =	sdelay $0x1  }
0x15e: {  	v3 =	vmul.f32 v7, v3  }
0x15f: {  	v4 =	vmul.f32 v62, v8  }
0x160: {  	[tilespmem:s23+$0x7130] =	vst v3;
	v2 =	vmul.f32 v2, v6  }
0x161: {  	[tilespmem:s23+$0x7100] =	vst v4;
	v1 =	vmul.f32 v1, v63  }
0x162: {  	[tilespmem:s23+$0x7110] =	vst v2  }
0x163: {  	[tilespmem:s23+$0x7120] =	vst v1  }
0x164: {  	[spmem:s3] =	stream.indirect.scatter.add.f32 [tilespmem:s18], [sflag:$0x4], $0x1, s8, s13, $0xb8;
	[tilespmem:$0x9180] =	vst v63  }
0x165: {  	_ =	swait.ge [sflag:s29], $0x800  }
0x166: {  	[sflag:s29] =	ssyncset.done $0x0  }
0x167: {  	[sflag:s29] =	ssyncadd.s32 $0xFFFFF800  }
0x168: {  	s24 =	simm.s32 $0x20;
	[bflag:$0x0] =	sbarrier.arrive $0xFFFF  }
0x169: {  	s25 =	simm.s32 $0x10;
	s23 =	sshrl.u32 s10, $0x3;
	s26 =	rddreg [dreg:$0xf]  }
0x16a: {  	[hbm:s26@s24], [sflag:s9] =	dma.strided [spmem:s23@s25], $0x310, s12, $0x10   }
0x16b: {  	_ =	swait.ge [sflag:s29], $0x310  }
0x16c: {  	s19 =	sadd.s32 $0x1, s19;
	s26 =	rddreg [dreg:$0x13]  }
0x16d: {  	p0 =	sne.s32 s19, s26  }
.Ltmp8:
0x16e: {  	_ = 	snop;
	(pc) =	sbr.rel @p0 .LBB2_1-.Ltmp8, $3  }
0x16f: {  	_ =	sdelay $0x1  }
0x170: {  	[sflag:s29] =	ssyncset.done $0x0  }
0x171: {  	[sflag:s29] =	ssyncadd.s32 $0xFFFFFCF0  }
0x172: {  	_ =	sfence.sel $0x180000  }
0x173: {  	[bflag:$0x0] =	sbarrier.arrive $0xFFFF  }
0x174: {  	_ =	strace $0x90000047  }
0x175: {  	s0 =	stileid.u32;
	[bflag:$0x2] =	sbarrier.arrive $0xFFFF  }
0x176: {  	p0 =	sne.s32 s0, $0x0;
	s0 =	rddreg [dreg:$0x4]  }
0x177: {  	s0 =	sadd.s32 @!p0 $0x100000, s0  }
0x178: {  	[sflag:s0] =	ssyncadd.tile.s32 @!p0 $0x1;
	_ =	shalt  }
.Lfunc_end2:
_tile_overlayer_lowered:
.L_overlay_start_2:
0x179: {  	(tag) =	ssettag $0x2  }
0x17a: {  	s0 =	rddreg [dreg:$0x0];
	s2 =	stileid.u32  }
0x17b: {  	s1 =	rddreg [dreg:$0x1];
	p0 =	sne.s32 s2, $0x0  }
0x17c: {  	s3 =	rddreg [dreg:$0x2];
	[bflag:$0x3] =	sbarrier.arrive $0xFFFF;
	s2 =	simm.s32 @!p0 $0x1C04  }
0x17d: {  	[timem:s3], [sflag:s2] =	dma.local @!p0 [hbm:s0], s1  }
0x17e: {  	s0 =	simm.s32 @!p0 $0x4  }
0x17f: {  	_ =	swait.ge @!p0 [sflag:s0], s1  }
0x180: {  	s1 =	ssub.s32 @!p0 $0x0, s1;
	[sflag:s0] =	ssyncset.done @!p0 $0x0  }
0x181: {  	[sflag:s0] =	ssyncadd.s32 @!p0 s1  }
0x182: {  	[bflag:$0x3] =	sbarrier.arrive $0xFFFF  }
0x183: {  	_ =	shalt  }

// kernel: kernel.13.cloned.1.call-start
scs
__scs_entry_jumppad:
0x0: {  	(pc) =	sbr.rel $0x88, $3  }
0x1: {  	(tag) =	ssettag $0x0;
	lr =	simm.s32 $0x1  }
0x2: {  	[smem:$0x3F9C] =	sst lr;
	_ =	strace $0xD0000000  }
0x3: {  	_ = 	snop  }
0x4: {  	_ = 	snop  }
0x5: {  	_ = 	snop  }
0x6: {  	_ = 	snop  }
0x7: {  	_ = 	snop  }
__scs_overlays_trampoline_lowered:
0x8: {  	[smem:$0x3FAB] =	sst s0  }
0x9: {  	[smem:$0x3FAC] =	sst s1  }
0xa: {  	[smem:$0x3FAD] =	sst s2  }
0xb: {  	[smem:$0x3FAE] =	sst s3  }
0xc: {  	[smem:$0x3FAF] =	sst s4  }
0xd: {  	[smem:$0x3FB0] =	sst s5  }
0xe: {  	[smem:$0x3FB1] =	sst s6  }
0xf: {  	[smem:$0x3FB2] =	sst s7  }
0x10: {  	[smem:$0x3FB3] =	sst s8  }
0x11: {  	[smem:$0x3FB4] =	sst s9;
	s0 =	simm.s32 @!p0 $0x0  }
0x12: {  	s1 =	sld [smem:$0x3F9A];
	s0 =	simm.s32 @p0 $0x1  }
0x13: {  	[smem:$0x3FB5] =	sst s0;
	s0 =	simm.s32 @!p1 $0x0  }
0x14: {  	s2 =	sld [smem:$0x3F99];
	s0 =	simm.s32 @p1 $0x1  }
0x15: {  	[smem:$0x3FB6] =	sst s0;
	s0 =	simm.s32 @!p2 $0x0  }
0x16: {  	s3 =	sld [smem:$0x3FDB];
	s0 =	simm.s32 @p2 $0x1  }
0x17: {  	s4 =	simm.s32 $0x1BF5;
	[smem:$0x3FB8] =	sst s0  }
0x18: {  	s0 =	sld [smem:$0x3F9B];
	_ =	swait.ge [sflag:s4], $0x0  }
0x19: {  	s7 =	sld [smem:$0x3F9C]  }
0x1a: {  	s8 =	sadd.s32 $0xFFFFE003, lr  }
0x1b: {  	s9 =	sadd.s32 $0xFFFFFEF7, lr;
	s5 =	simm.s32 $0xFFFFFFFF;
	p2 =	slt.u32 s8, $0xFFFFF086  }
0x1c: {  	p1 =	slt.u32 s9, $0xF7A;
	s5 =	simm.s32 @!p2 $0x0  }
0x1d: {  	s5 =	simm.s32 @p1 $0x1;
	p0 =	seq.s32 s7, s2  }
0x1e: {  	s7 =	smul.u32 @!p0 $0xF7A, s2;
	p2 =	seq.s32 @!p0 s5, $0x0  }
0x1f: {  	s9 =	smul.u32 $0xF7A, s1;
	s8 =	simm.s32 @!p0 $0x1BF5;
	p2 =	por !p2, p0  }
0x20: {  	[sflag:s8] =	ssyncset.s32 @!p0 $0xFFFFF086;
	s6 =	sadd.s32 @!p0 s3, s7;
	s7 =	simm.s32 @!p0 $0x108  }
0x21: {  	s3 =	sadd.s32 s3, s9;
	s6 =	sadd.s32 @!p0 $0x88, s6;
	s7 =	simm.s32 @p2 $0x1082  }
0x22: {  	[simem:s7], [sflag:s8] =	dma.local @!p0 [hbm:s6], $0xF7A  }
0x23: {  	s9 =	sor.u32 $0xD0000000, s2;
	s6 =	simm.s32 $0x108;
	_ =	swait.ge @!p0 [sflag:s8], $0x0  }
0x24: {  	s3 =	sadd.s32 $0x88, s3;
	s6 =	simm.s32 @!p1 $0x1082;
	[sflag:s4] =	ssyncset.s32 $0xFFFFF086  }
0x25: {  	[simem:s6], [sflag:s4] =	dma.local [hbm:s3], $0xF7A  }
0x26: {  	[smem:$0x3F9C] =	sst s1;
	(tag) =	ssettag s2;
	_ =	strace s9  }
0x27: {  	s1 =	sld [smem:$0x3FAC]  }
0x28: {  	s2 =	sld [smem:$0x3FAD]  }
0x29: {  	s4 =	sld [smem:$0x3FAF]  }
0x2a: {  	p0 =	seq.s32 s5, $0x0;
	s5 =	sld [smem:$0x3FB0]  }
0x2b: {  	s6 =	sld [smem:$0x3FB1]  }
0x2c: {  	s7 =	sld [smem:$0x3FB2]  }
0x2d: {  	s3 =	simm.s32 $0x108;
	s8 =	sld [smem:$0x3FB3]  }
0x2e: {  	s3 =	simm.s32 @!p0 $0x1082;
	s9 =	sld [smem:$0x3FB4]  }
0x2f: {  	lr =	sadd.s32 s0, s3;
	s0 =	sld [smem:$0x3FAB]  }
0x30: {  	s3 =	sld [smem:$0x3FAE]  }
0x31: {  	[smem:$0x3FB7] =	sst s10  }
0x32: {  	s10 =	sld [smem:$0x3FB5];
	_ =	sdelay $0x3  }
0x33: {  	p0 =	seq.s32 s10, $0x1;
	s10 =	sld [smem:$0x3FB7];
	_ =	sdelay $0x3  }
0x34: {  	[smem:$0x3FB7] =	sst s10  }
0x35: {  	s10 =	sld [smem:$0x3FB6];
	_ =	sdelay $0x3  }
0x36: {  	p1 =	seq.s32 s10, $0x1;
	s10 =	sld [smem:$0x3FB7];
	_ =	sdelay $0x3  }
0x37: {  	[smem:$0x3FB7] =	sst s10  }
0x38: {  	s10 =	sld [smem:$0x3FB8]  }
0x39: {  	_ = 	snop;
	(pc) =	sbr.ind lr, $3  }
0x3a: {  	_ = 	snop  }
0x3b: {  	_ = 	snop  }
0x3c: {  	p2 =	seq.s32 s10, $0x1;
	s10 =	sld [smem:$0x3FB7]  }
0x3d: {  	_ =	shalt  }
0x3e: {  	_ =	shalt  }
0x3f: {  	_ =	shalt  }
0x40: {  	_ =	shalt  }
0x41: {  	_ =	shalt  }
0x42: {  	_ =	shalt  }
0x43: {  	_ =	shalt  }
0x44: {  	_ =	shalt  }
0x45: {  	_ =	shalt  }
0x46: {  	_ =	shalt  }
0x47: {  	_ =	shalt  }
0x48: {  	_ =	shalt  }
0x49: {  	_ =	shalt  }
0x4a: {  	_ =	shalt  }
0x4b: {  	_ =	shalt  }
0x4c: {  	_ =	shalt  }
0x4d: {  	_ =	shalt  }
0x4e: {  	_ =	shalt  }
0x4f: {  	_ =	shalt  }
0x50: {  	_ =	shalt  }
0x51: {  	_ =	shalt  }
0x52: {  	_ =	shalt  }
0x53: {  	_ =	shalt  }
0x54: {  	_ =	shalt  }
0x55: {  	_ =	shalt  }
0x56: {  	_ =	shalt  }
0x57: {  	_ =	shalt  }
0x58: {  	_ =	shalt  }
0x59: {  	_ =	shalt  }
0x5a: {  	_ =	shalt  }
0x5b: {  	_ =	shalt  }
0x5c: {  	_ =	shalt  }
0x5d: {  	_ =	shalt  }
0x5e: {  	_ =	shalt  }
0x5f: {  	_ =	shalt  }
0x60: {  	_ =	shalt  }
0x61: {  	_ =	shalt  }
0x62: {  	_ =	shalt  }
0x63: {  	_ =	shalt  }
0x64: {  	_ =	shalt  }
0x65: {  	_ =	shalt  }
0x66: {  	_ =	shalt  }
0x67: {  	_ =	shalt  }
0x68: {  	_ =	shalt  }
0x69: {  	_ =	shalt  }
0x6a: {  	_ =	shalt  }
0x6b: {  	_ =	shalt  }
0x6c: {  	_ =	shalt  }
0x6d: {  	_ =	shalt  }
0x6e: {  	_ =	shalt  }
0x6f: {  	_ =	shalt  }
0x70: {  	_ =	shalt  }
0x71: {  	_ =	shalt  }
0x72: {  	_ =	shalt  }
0x73: {  	_ =	shalt  }
0x74: {  	_ =	shalt  }
0x75: {  	_ =	shalt  }
0x76: {  	_ =	shalt  }
0x77: {  	_ =	shalt  }
0x78: {  	_ =	shalt  }
0x79: {  	_ =	shalt  }
0x7a: {  	_ =	shalt  }
0x7b: {  	_ =	shalt  }
0x7c: {  	_ =	shalt  }
0x7d: {  	_ =	shalt  }
0x7e: {  	_ =	shalt  }
0x7f: {  	_ =	shalt  }
0x80: {  	_ =	shalt  }
0x81: {  	_ =	shalt  }
0x82: {  	_ =	shalt  }
0x83: {  	_ =	shalt  }
0x84: {  	_ =	shalt  }
0x85: {  	_ =	shalt  }
0x86: {  	_ =	shalt  }
0x87: {  	_ =	shalt  }
.Lfunc_end0:
.L_simem_size_0:
called_computation.1_lowered:
.L_overlay_start_0:
0x88: {  	s2 =	sld [smem:$0x3FD9]  }
0x89: {  	s3 =	sld [smem:$0x3FFE];
	_ =	sdelay $0x1  }
0x8a: {  	s1 =	srdreg.scid  }
0x8b: {  	s0 =	sand.u32 $0x1, s1  }
0x8c: {  	s17 =	sshll.u32 s0, $0xA;
	s2 =	sadd.s32 s3, s2  }
0x8d: {  	s2 =	sadd.s32 s2, s17  }
0x8e: {  	[smem:$0x3FC3] =	sst s2  }
0x8f: {  	_ = 	snop  }
0x90: {  	s2 =	sld [smem:$0x3FD0];
	(tm) =	ssettm $0x1  }
0x91: {  	s18 =	sld [smem:$0x3FFB];
	_ =	sdelay $0x3  }
0x92: {  	_ =	strace s18  }
0x93: {  	s3 =	sld [smem:$0x3FFC];
	_ =	sdelay $0x3  }
0x94: {  	_ =	strace s3  }
0x95: {  	s3 =	sld [smem:$0x3FFD];
	_ =	sdelay $0x3  }
0x96: {  	_ =	strace s3  }
0x97: {  	_ =	strace $0x8FFFFFFF  }
0x98: {  	s19 =	sld [smem:$0x3FDB];
	_ =	sdelay $0x1  }
0x99: {  	s4 =	simm.s32 $_scs_section_size  }
0x9a: {  	s5 =	simm.s32 $_size__tile_overlayer_lowered;
	s6 =	simm.s32 $_tile_overlayer_lowered  }
0x9b: {  	s22 =	simm.s32 $0x1BFF;
	s21 =	sshll.u32 s6, $0x1;
	s3 =	sadd.s32 s4, s19  }
0x9c: {  	s7 =	simm.s32 $0x0;
	s20 =	sshll.u32 s5, $0x1;
	s5 =	sadd.s32 s21, s3  }
0x9d: {  	[timem:s7], [sflag:s22] =	dma.local [hbm:s5], s20  }
0x9e: {  	_ =	swait.ge [sflag:s22], s20  }
0x9f: {  	s4 =	ssub.s32 $0x0, s20;
	[sflag:s22] =	ssyncset.done $0x0  }
0xa0: {  	[sflag:s22] =	ssyncadd.s32 s4;
	_ =	sdelay $0x1  }
0xa1: {  	s23 =	simm.s32 $0x1B8B  }
0xa2: {  	_ =	swait.ge [sflag:s23], $0x1  }
0xa3: {  	[sflag:s23] =	ssyncset.done $0x0  }
0xa4: {  	s25 =	simm.s32 $0x1B8E;
	s24 =	sld [smem:$0x3FFE];
	[sflag:s23] =	ssyncadd.s32 $0xFFFFFFFF  }
0xa5: {  	s26 =	simm.s32 $execute0_lowered;
	[smem:$0x3FD2] =	sst s25  }
0xa6: {  	s5 =	sshll.u32 s26, $0x1;
	_ =	strace $0x80000049;
	[dreg:$0x1] =	wrdreg $0xFFFFFFFF  }
0xa7: {  	s28 =	simm.s32 $_size_execute0_lowered;
	s3 =	sadd.s32 s3, s5;
	[dreg:$0x0] =	wrdreg $0x0  }
0xa8: {  	s5 =	sshll.u32 s28, $0x1;
	[dreg:$0x2] =	wrdreg s3  }
0xa9: {  	[dreg:$0x3] =	wrdreg s5  }
0xaa: {  	[dreg:$0x4] =	wrdreg $0xC0  }
0xab: {  	_ =	task [dreg:s7], $0x5FFFF  }
0xac: {  	[dreg:$0x1] =	wrdreg $0xFFFFFFFF  }
0xad: {  	[dreg:$0x0] =	wrdreg $0x60  }
0xae: {  	[dreg:$0x2] =	wrdreg s24  }
0xaf: {  	[dreg:$0x3] =	wrdreg s2  }
0xb0: {  	[dreg:$0x4] =	wrdreg $0x0  }
0xb1: {  	[dreg:$0x5] =	wrdreg $0x18800  }
0xb2: {  	[dreg:$0x6] =	wrdreg $0x9  }
0xb3: {  	_ =	task.clear_ibuf [dreg:s7], $0x7FFFF;
	_ =	strace $0x90000049  }
0xb4: {  	s29 =	simm.s32 $0x9;
	_ =	strace $0x8000004B  }
0xb5: {  	_ =	swait.ge [sflag:s29], $0x1  }
0xb6: {  	[sflag:s29] =	ssyncadd.s32 $0xFFFFFFFF  }
0xb7: {  	_ =	strace $0x9000004B  }
0xb8: {  	_ =	sfence  }
0xb9: {  	s30 =	sld [smem:$0x0];
	_ =	sdelay $0x2  }
0xba: {  	s31 =	sshll.u32 s1, $0xD;
	s1 =	sshrl.u32 s1, $0x2  }
0xbb: {  	s3 =	sand.u32 $0x4000, s31;
	s1 =	sadd.s32 s1, s30  }
0xbc: {  	s0 =	sor.u32 s3, s0;
	s1 =	sshll.u32 s1, $0x11  }
0xbd: {  	s0 =	sor.u32 s1, s0  }
0xbe: {  	s0 =	sadd.s32 $0x8F2B, s0  }
0xbf: {  	[sflag:s0] =	ssyncadd.remote.s32 $0x1  }
0xc0: {  	_ =	sfence.sel $0xFFFF  }
0xc1: {  	[dreg:$0x0] =	wrdreg $0xFFFFFFFF;
	(pc) =	sbr.abs _section_cstart, $3  }
0xc2: {  	[dreg:$0x1] =	wrdreg $0xFFFFFFFF  }
0xc3: {  	_ =	task.clear_ibuf [dreg:s7], $0x2FFFF;
	_ =	strace $0x9FFFFFFF  }
0xc4: {  	(tm) =	ssettm $0x7FFFFFFF  }
0xc5: {  	_ =	shalt  }
tec
execute0_lowered:
.L_overlay_start_1:
0x0: {  	(tag) =	ssettag $0x1  }
0x1: {  	s0 =	rddreg [dreg:$0x0]  }
0x2: {  	s1 =	rddreg [dreg:$0x1]  }
0x3: {  	s2 =	rddreg [dreg:$0x2];
	s15 =	stileid.u32  }
0x4: {  	s3 =	rddreg [dreg:$0x3];
	s4 =	simm.s32 $0x0;
	s6 =	srdreg.scid  }
0x5: {  	s29 =	simm.s32 $0x4;
	s31 =	simm.s32 $0x3100;
	s30 =	simm.s32 $0x3900  }
0x6: {  	s8 =	smul.u32 $0x1880, s15;
	[smem:$0x7FF] =	sst s4;
	s11 =	sand.u32 $0x1, s6  }
0x7: {  	s6 =	sadd.s32 $0x65E00, s0;
	s25 =	sshll.u32 s15, $0x6;
	_ =	strace $0x8000004A  }
0x8: {  	s10 =	ssub.s32 $0x2, s11;
	s7 =	sshll.u32 s11, $0x4;
	s11 =	sshll.u32 s11, $0x7  }
0x9: {  	s5 =	sshrl.u32 s8, $0x3;
	s12 =	sshrl.u32 s10, $0x1;
	s13 =	sor.u32 s15, s7  }
0xa: {  	s7 =	sadd.s32 $0xC9E00, s0;
	s15 =	smul.u32 $0x3100, s15;
	s9 =	sadd.s32 s5, s0  }
0xb: {  	s5 =	sadd.s32 $0x1E00, s0;
	s0 =	ssub.s32 s10, s12;
	s12 =	smul.u32 $0x19000, s13  }
0xc: {  	s13 =	sadd.s32 s8, s2;
	s10 =	sadd.s32 s8, s3;
	s9 =	sadd.s32 $0x131000, s9  }
0xd: {  	s11 =	sor.u32 s11, s15;
	s0 =	smax.u32 s0, $0x1;
	s28 =	sshrl.u32 s13, $0x3  }
0xe: {  	s13 =	simm.s32 $0x800;
	[dreg:$0x5] =	wrdreg s9;
	s26 =	sshrl.u32 s12, $0x3  }
0xf: {  	s15 =	simm.s32 $0x3;
	[dreg:$0x13] =	wrdreg s0;
	s14 =	sadd.s32 s5, s26  }
0x10: {  	s9 =	sor.u32 $0x1C04, s25;
	s17 =	sadd.s32 s6, s26;
	[dreg:$0x6] =	wrdreg s14  }
0x11: {  	s11 =	sshrl.u32 s11, $0x3;
	s16 =	sadd.s32 s7, s26;
	[dreg:$0x7] =	wrdreg s17  }
0x12: {  	s18 =	sor.u32 $0x100, s26;
	s1 =	sadd.s32 s1, s11;
	[dreg:$0x8] =	wrdreg s16  }
0x13: {  	s0 =	simm.s32 $0x5100;
	s19 =	sadd.s32 s5, s18;
	[dreg:$0xf] =	wrdreg s1  }
0x14: {  	s21 =	sadd.s32 $0x200, s26;
	s20 =	sadd.s32 s6, s18;
	[dreg:$0x9] =	wrdreg s19  }
0x15: {  	s25 =	sadd.s32 $0x3100, s26;
	s14 =	sadd.s32 s7, s18;
	[dreg:$0xa] =	wrdreg s20  }
0x16: {  	s11 =	simm.s32 $0x5900;
	s22 =	sadd.s32 s5, s21;
	[dreg:$0xb] =	wrdreg s14  }
0x17: {  	s23 =	sadd.s32 s6, s21;
	s24 =	sadd.s32 s7, s21;
	[dreg:$0xc] =	wrdreg s22  }
0x18: {  	s21 =	sadd.s32 $0x1800, s12;
	s8 =	sadd.s32 s5, s25;
	[dreg:$0xd] =	wrdreg s23  }
0x19: {  	s26 =	sadd.s32 s6, s25;
	s1 =	sadd.s32 s7, s25;
	[dreg:$0xe] =	wrdreg s24  }
0x1a: {  	s16 =	simm.s32 $0x2;
	s17 =	simm.s32 $0x6900;
	[dreg:$0x10] =	wrdreg s8  }
0x1b: {  	s18 =	simm.s32 $0x7100;
	s22 =	sadd.s32 $0x2000, s12;
	[dreg:$0x11] =	wrdreg s26  }
0x1c: {  	[dreg:$0x12] =	wrdreg s1;
	s1 =	simm.s32 $0x4100;
	s8 =	simm.s32 $0x4900  }
0x1d: {  	v0 =	vimm.f32 $0.0e+00;
	s12 =	simm.s32 $0x1;
	s14 =	simm.s32 $0x6100;
	s19 =	simm.s32 $0x0  }
.LBB2_1:
0x1e: {  	s20 =	rddreg [dreg:$0x5]  }
0x1f: {  	[spmem:s28], [sflag:s9] =	dma.local [hbm:s20], $0x310  }
0x20: {  	_ =	swait.ge [sflag:s29], $0x310  }
0x21: {  	[sflag:s29] =	ssyncset.done $0x0  }
0x22: {  	s23 =	simm.s32 $0x0;
	s20 =	simm.s32 $0x40;
	[sflag:s29] =	ssyncadd.s32 $0xFFFFFCF0  }
.LBB2_2:
0x23: {  	p0 =	sne.s32 s20, $0x61C0;
	[tilespmem:s23+$0x7900] =	vst v0;
	s23 =	smov.u32 s20;
	s20 =	sadd.s32 $0x40, s20  }
.Ltmp0:
0x24: {  	(pc) =	sbr.rel @p0 .LBB2_2-.Ltmp0, $2  }
0x25: {  	_ =	sdelay $0x2  }
0x26: {  	s23 =	sshra.s32 s23, $0x2  }
0x27: {  	[tilespmem:s23+$0x7900] =	vst v0;
	s20 =	simm.s32 $0x7900  }
0x28: {  	[spmem:s10] =	stream.linear.scatter [tilespmem:s20], [sflag:$0x4], $0x1880, $0x38;
	[tilespmem:$0x9180] =	vst v63  }
0x29: {  	_ =	swait.ge [sflag:s29], $0x1880  }
0x2a: {  	[sflag:s29] =	ssyncset.done $0x0  }
0x2b: {  	[sflag:s29] =	ssyncadd.s32 $0xFFFFE780  }
0x2c: {  	[bflag:$0x0] =	sbarrier.arrive $0xFFFF  }
0x2d: {  	s20 =	simm.s32 $0x0;
	s24 =	rddreg [dreg:$0x6]  }
0x2e: {  	[tilespmem:s31], [sflag:$0x1] =	stream.linear.gather [hbm4b:s24+s20], $0x800, $0x38;
	[tilespmem:$0x9180] =	vst v63  }
0x2f: {  	s25 =	rddreg [dreg:$0x7]  }
0x30: {  	[tilespmem:s1], [sflag:$0x1] =	stream.linear.gather [hbm4b:s25+s20], $0x800, $0x38;
	[tilespmem:$0x9180] =	vst v63  }
0x31: {  	s26 =	rddreg [dreg:$0x8]  }
0x32: {  	[tilespmem:s0], [sflag:$0x1] =	stream.linear.gather [hbm4b:s26+s20], $0x800, $0x38;
	[tilespmem:$0x9180] =	vst v63  }
0x33: {  	s24 =	rddreg [dreg:$0x9]  }
0x34: {  	[tilespmem:s30], [sflag:$0x2] =	stream.linear.gather [hbm4b:s24+s20], $0x800, $0x38;
	[tilespmem:$0x9180] =	vst v63  }
0x35: {  	s25 =	rddreg [dreg:$0xa]  }
0x36: {  	[tilespmem:s8], [sflag:$0x2] =	stream.linear.gather [hbm4b:s25+s20], $0x800, $0x38;
	[tilespmem:$0x9180] =	vst v63  }
0x37: {  	s26 =	rddreg [dreg:$0xb]  }
0x38: {  	[tilespmem:s11], [sflag:$0x2] =	stream.linear.gather [hbm4b:s26+s20], $0x800, $0x38;
	[tilespmem:$0x9180] =	vst v63  }
0x39: {  	_ =	swait.ge [sflag:s12], $0x800  }
0x3a: {  	[sflag:s12] =	ssyncset.done $0x0  }
0x3b: {  	[sflag:s12] =	ssyncadd.s32 $0xFFFFF800  }
0x3c: {  	_ =	swait.ge [sflag:s12], $0x800  }
0x3d: {  	[sflag:s12] =	ssyncset.done $0x0  }
0x3e: {  	[sflag:s12] =	ssyncadd.s32 $0xFFFFF800  }
0x3f: {  	_ =	swait.ge [sflag:s12], $0x800  }
0x40: {  	[sflag:s12] =	ssyncset.done $0x0  }
0x41: {  	[sflag:s12] =	ssyncadd.s32 $0xFFFFF800  }
0x42: {  	[tilespmem:s14], [sflag:$0x3] =	stream.indirect.gather [spmem:s2], $0x1, s31, s13, $0xb8;
	[tilespmem:$0x9180] =	vst v63  }
0x43: {  	_ =	swait.ge [sflag:s15], $0x800  }
0x44: {  	[sflag:s15] =	ssyncset.done $0x0  }
0x45: {  	[sflag:s15] =	ssyncadd.s32 $0xFFFFF800  }
0x46: {  	_ =	swait.ge [sflag:s16], $0x800  }
0x47: {  	[sflag:s16] =	ssyncset.done $0x0  }
0x48: {  	[sflag:s16] =	ssyncadd.s32 $0xFFFFF800  }
0x49: {  	_ =	swait.ge [sflag:s16], $0x800  }
0x4a: {  	[sflag:s16] =	ssyncset.done $0x0  }
0x4b: {  	[sflag:s16] =	ssyncadd.s32 $0xFFFFF800  }
0x4c: {  	_ =	swait.ge [sflag:s16], $0x800  }
0x4d: {  	[sflag:s16] =	ssyncset.done $0x0  }
0x4e: {  	s20 =	simm.s32 $0x0;
	[sflag:s16] =	ssyncadd.s32 $0xFFFFF800  }
0x4f: {  	[tilespmem:s17], [sflag:$0x3] =	stream.indirect.gather [spmem:s2], $0x1, s30, s13, $0xb8;
	[tilespmem:$0x9180] =	vst v63  }
0x50: {  	v3 =	vld [tilespmem:s20+$0x5130]  }
0x51: {  	v5 =	vld [tilespmem:s20+$0x6130]  }
0x52: {  	v6 =	vld [tilespmem:s20+$0x5100]  }
0x53: {  	v7 =	vld [tilespmem:s20+$0x6100]  }
0x54: {  	v2 =	vld [tilespmem:s20+$0x5110]  }
0x55: {  	v4 =	vld [tilespmem:s20+$0x6110]  }
0x56: {  	v1 =	vld [tilespmem:s20+$0x5120];
	v8 =	vmul.f32 v5, v3  }
0x57: {  	s23 =	simm.s32 $0x40;
	v5 =	vld [tilespmem:s20+$0x6120]  }
0x58: {  	s24 =	simm.s32 $0x200;
	v3 =	vld [tilespmem:s23+$0x5130];
	v6 =	vmul.f32 v7, v6;
	[tilespmem:s20+$0x7130] =	vst v8  }
.LBB2_4:
0x59: {  	p0 =	sne.s32 s24, $0x1F00;
	v7 =	vld [tilespmem:s23+$0x6130]  }
0x5a: {  	v8 =	vld [tilespmem:s23+$0x5100];
	[tilespmem:s20+$0x7100] =	vst v6;
	v4 =	vmul.f32 v4, v2  }
0x5b: {  	v6 =	vld [tilespmem:s23+$0x6100]  }
.Ltmp1:
0x5c: {  	v2 =	vld [tilespmem:s23+$0x5110];
	[tilespmem:s20+$0x7110] =	vst v4;
	v5 =	vmul.f32 v5, v1;
	(pc) =	sbr.rel @p0 .LBB2_4-.Ltmp1, $4  }
0x5d: {  	v4 =	vld [tilespmem:s23+$0x6110]  }
0x5e: {  	v1 =	vld [tilespmem:s23+$0x5120];
	v7 =	vmul.f32 v7, v3;
	[tilespmem:s20+$0x7120] =	vst v5;
	s20 =	smov.u32 s23  }
0x5f: {  	s23 =	sshra.s32 s24, $0x2;
	v5 =	vld [tilespmem:s20+$0x6120]  }
0x60: {  	s24 =	sadd.s32 $0x100, s24;
	v3 =	vld [tilespmem:s23+$0x5130];
	v6 =	vmul.f32 v6, v8;
	[tilespmem:s20+$0x7130] =	vst v7  }
0x61: {  	v7 =	vld [tilespmem:s23+$0x6130]  }
0x62: {  	v8 =	vld [tilespmem:s23+$0x5100];
	[tilespmem:s20+$0x7100] =	vst v6;
	v2 =	vmul.f32 v4, v2  }
0x63: {  	v62 =	vld [tilespmem:s23+$0x6100]  }
0x64: {  	v6 =	vld [tilespmem:s23+$0x5110];
	[tilespmem:s20+$0x7110] =	vst v2;
	v1 =	vmul.f32 v5, v1  }
0x65: {  	v2 =	vld [tilespmem:s23+$0x6110]  }
0x66: {  	v63 =	vld [tilespmem:s23+$0x5120];
	[tilespmem:s20+$0x7120] =	vst v1  }
0x67: {  	v1 =	vld [tilespmem:s23+$0x6120];
	_ =	sdelay $0x1  }
0x68: {  	v3 =	vmul.f32 v7, v3  }
0x69: {  	v4 =	vmul.f32 v62, v8  }
0x6a: {  	[tilespmem:s23+$0x7130] =	vst v3;
	v2 =	vmul.f32 v2, v6  }
0x6b: {  	[tilespmem:s23+$0x7100] =	vst v4;
	v1 =	vmul.f32 v1, v63  }
0x6c: {  	[tilespmem:s23+$0x7110] =	vst v2  }
0x6d: {  	[tilespmem:s23+$0x7120] =	vst v1  }
0x6e: {  	[spmem:s3] =	stream.indirect.scatter.add.f32 [tilespmem:s18], [sflag:$0x4], $0x1, s1, s13, $0xb8;
	[tilespmem:$0x9180] =	vst v63  }
0x6f: {  	_ =	swait.ge [sflag:s29], $0x800  }
0x70: {  	[sflag:s29] =	ssyncset.done $0x0  }
0x71: {  	s20 =	simm.s32 $0x0;
	s24 =	rddreg [dreg:$0xc];
	[sflag:s29] =	ssyncadd.s32 $0xFFFFF800  }
0x72: {  	[tilespmem:s31], [sflag:$0x1] =	stream.linear.gather [hbm4b:s24+s20], $0x800, $0x38;
	[tilespmem:$0x9180] =	vst v63  }
0x73: {  	s25 =	rddreg [dreg:$0xd]  }
0x74: {  	[tilespmem:s1], [sflag:$0x1] =	stream.linear.gather [hbm4b:s25+s20], $0x800, $0x38;
	[tilespmem:$0x9180] =	vst v63  }
0x75: {  	s26 =	rddreg [dreg:$0xe]  }
0x76: {  	[tilespmem:s0], [sflag:$0x1] =	stream.linear.gather [hbm4b:s26+s20], $0x800, $0x38;
	[tilespmem:$0x9180] =	vst v63  }
.LBB2_6:
0x77: {  	_ =	swait.ge [sflag:s15], $0x800  }
0x78: {  	[sflag:s15] =	ssyncset.done $0x0  }
0x79: {  	[sflag:s15] =	ssyncadd.s32 $0xFFFFF800  }
0x7a: {  	_ =	swait.ge [sflag:s12], $0x800  }
0x7b: {  	[sflag:s12] =	ssyncset.done $0x0  }
0x7c: {  	[sflag:s12] =	ssyncadd.s32 $0xFFFFF800  }
0x7d: {  	_ =	swait.ge [sflag:s12], $0x800  }
0x7e: {  	[sflag:s12] =	ssyncset.done $0x0  }
0x7f: {  	[sflag:s12] =	ssyncadd.s32 $0xFFFFF800  }
0x80: {  	_ =	swait.ge [sflag:s12], $0x800  }
0x81: {  	[sflag:s12] =	ssyncset.done $0x0  }
0x82: {  	s23 =	simm.s32 $0x0;
	[sflag:s12] =	ssyncadd.s32 $0xFFFFF800  }
0x83: {  	[tilespmem:s14], [sflag:$0x3] =	stream.indirect.gather [spmem:s2], $0x1, s31, s13, $0xb8;
	[tilespmem:$0x9180] =	vst v63  }
0x84: {  	v3 =	vld [tilespmem:s23+$0x5930]  }
0x85: {  	v5 =	vld [tilespmem:s23+$0x6930]  }
0x86: {  	v6 =	vld [tilespmem:s23+$0x5900]  }
0x87: {  	v7 =	vld [tilespmem:s23+$0x6900]  }
0x88: {  	v2 =	vld [tilespmem:s23+$0x5910]  }
0x89: {  	v4 =	vld [tilespmem:s23+$0x6910]  }
0x8a: {  	v1 =	vld [tilespmem:s23+$0x5920];
	v8 =	vmul.f32 v5, v3  }
0x8b: {  	s24 =	simm.s32 $0x40;
	v5 =	vld [tilespmem:s23+$0x6920]  }
0x8c: {  	s25 =	simm.s32 $0x200;
	v3 =	vld [tilespmem:s24+$0x5930];
	v6 =	vmul.f32 v7, v6;
	[tilespmem:s23+$0x7130] =	vst v8  }
.LBB2_7:
0x8d: {  	p0 =	sne.s32 s25, $0x1F00;
	v7 =	vld [tilespmem:s24+$0x6930]  }
0x8e: {  	v8 =	vld [tilespmem:s24+$0x5900];
	[tilespmem:s23+$0x7100] =	vst v6;
	v4 =	vmul.f32 v4, v2  }
0x8f: {  	v6 =	vld [tilespmem:s24+$0x6900]  }
.Ltmp2:
0x90: {  	v2 =	vld [tilespmem:s24+$0x5910];
	[tilespmem:s23+$0x7110] =	vst v4;
	v5 =	vmul.f32 v5, v1;
	(pc) =	sbr.rel @p0 .LBB2_7-.Ltmp2, $4  }
0x91: {  	v4 =	vld [tilespmem:s24+$0x6910]  }
0x92: {  	v1 =	vld [tilespmem:s24+$0x5920];
	v7 =	vmul.f32 v7, v3;
	[tilespmem:s23+$0x7120] =	vst v5;
	s23 =	smov.u32 s24  }
0x93: {  	s24 =	sshra.s32 s25, $0x2;
	v5 =	vld [tilespmem:s23+$0x6920]  }
0x94: {  	s25 =	sadd.s32 $0x100, s25;
	v3 =	vld [tilespmem:s24+$0x5930];
	v6 =	vmul.f32 v6, v8;
	[tilespmem:s23+$0x7130] =	vst v7  }
0x95: {  	v7 =	vld [tilespmem:s24+$0x6930]  }
0x96: {  	v8 =	vld [tilespmem:s24+$0x5900];
	[tilespmem:s23+$0x7100] =	vst v6;
	v2 =	vmul.f32 v4, v2  }
0x97: {  	v4 =	vld [tilespmem:s24+$0x6900]  }
0x98: {  	v6 =	vld [tilespmem:s24+$0x5910];
	[tilespmem:s23+$0x7110] =	vst v2;
	v1 =	vmul.f32 v5, v1  }
0x99: {  	v2 =	vld [tilespmem:s24+$0x6910]  }
0x9a: {  	v5 =	vld [tilespmem:s24+$0x5920];
	[tilespmem:s23+$0x7120] =	vst v1  }
0x9b: {  	v1 =	vld [tilespmem:s24+$0x6920];
	_ =	sdelay $0x1  }
0x9c: {  	v3 =	vmul.f32 v7, v3  }
0x9d: {  	v4 =	vmul.f32 v4, v8  }
0x9e: {  	[tilespmem:s24+$0x7130] =	vst v3;
	v2 =	vmul.f32 v2, v6  }
0x9f: {  	[tilespmem:s24+$0x7100] =	vst v4;
	v1 =	vmul.f32 v1, v5  }
0xa0: {  	[tilespmem:s24+$0x7110] =	vst v2  }
0xa1: {  	s23 =	sshll.u32 s20, $0xC;
	[tilespmem:s24+$0x7120] =	vst v1  }
0xa2: {  	[spmem:s3] =	stream.indirect.scatter.add.f32 [tilespmem:s18], [sflag:$0x4], $0x1, s8, s13, $0xb8;
	[tilespmem:$0x9180] =	vst v63  }
0xa3: {  	s26 =	sadd.s32 s23, s21;
	_ =	swait.ge [sflag:s29], $0x800  }
0xa4: {  	s24 =	sshrl.u32 s26, $0x3;
	[sflag:s29] =	ssyncset.done $0x0  }
0xa5: {  	s26 =	simm.s32 $0x0;
	s25 =	sadd.s32 s5, s24;
	[sflag:s29] =	ssyncadd.s32 $0xFFFFF800  }
0xa6: {  	[tilespmem:s30], [sflag:$0x2] =	stream.linear.gather [hbm4b:s25+s26], $0x800, $0x38;
	[tilespmem:$0x9180] =	vst v63  }
0xa7: {  	s25 =	sadd.s32 s6, s24  }
0xa8: {  	[tilespmem:s8], [sflag:$0x2] =	stream.linear.gather [hbm4b:s25+s26], $0x800, $0x38;
	[tilespmem:$0x9180] =	vst v63  }
0xa9: {  	s24 =	sadd.s32 s7, s24  }
0xaa: {  	[tilespmem:s11], [sflag:$0x2] =	stream.linear.gather [hbm4b:s24+s26], $0x800, $0x38;
	[tilespmem:$0x9180] =	vst v63  }
0xab: {  	_ =	swait.ge [sflag:s15], $0x800  }
0xac: {  	[sflag:s15] =	ssyncset.done $0x0  }
0xad: {  	[sflag:s15] =	ssyncadd.s32 $0xFFFFF800  }
0xae: {  	_ =	swait.ge [sflag:s16], $0x800  }
0xaf: {  	[sflag:s16] =	ssyncset.done $0x0  }
0xb0: {  	[sflag:s16] =	ssyncadd.s32 $0xFFFFF800  }
0xb1: {  	_ =	swait.ge [sflag:s16], $0x800  }
0xb2: {  	[sflag:s16] =	ssyncset.done $0x0  }
0xb3: {  	[sflag:s16] =	ssyncadd.s32 $0xFFFFF800  }
0xb4: {  	_ =	swait.ge [sflag:s16], $0x800  }
0xb5: {  	[sflag:s16] =	ssyncset.done $0x0  }
0xb6: {  	s24 =	simm.s32 $0x0;
	[sflag:s16] =	ssyncadd.s32 $0xFFFFF800  }
0xb7: {  	[tilespmem:s17], [sflag:$0x3] =	stream.indirect.gather [spmem:s2], $0x1, s30, s13, $0xb8;
	[tilespmem:$0x9180] =	vst v63  }
0xb8: {  	v3 =	vld [tilespmem:s24+$0x5130]  }
0xb9: {  	v5 =	vld [tilespmem:s24+$0x6130]  }
0xba: {  	v6 =	vld [tilespmem:s24+$0x5100]  }
0xbb: {  	v7 =	vld [tilespmem:s24+$0x6100]  }
0xbc: {  	v2 =	vld [tilespmem:s24+$0x5110]  }
0xbd: {  	v4 =	vld [tilespmem:s24+$0x6110]  }
0xbe: {  	v1 =	vld [tilespmem:s24+$0x5120];
	v8 =	vmul.f32 v5, v3  }
0xbf: {  	s25 =	simm.s32 $0x40;
	v5 =	vld [tilespmem:s24+$0x6120]  }
0xc0: {  	s26 =	simm.s32 $0x200;
	v3 =	vld [tilespmem:s25+$0x5130];
	v6 =	vmul.f32 v7, v6;
	[tilespmem:s24+$0x7130] =	vst v8  }
.LBB2_9:
0xc1: {  	p0 =	sne.s32 s26, $0x1F00;
	v7 =	vld [tilespmem:s25+$0x6130]  }
0xc2: {  	v8 =	vld [tilespmem:s25+$0x5100];
	[tilespmem:s24+$0x7100] =	vst v6;
	v4 =	vmul.f32 v4, v2  }
0xc3: {  	v6 =	vld [tilespmem:s25+$0x6100]  }
.Ltmp3:
0xc4: {  	v2 =	vld [tilespmem:s25+$0x5110];
	[tilespmem:s24+$0x7110] =	vst v4;
	v5 =	vmul.f32 v5, v1;
	(pc) =	sbr.rel @p0 .LBB2_9-.Ltmp3, $4  }
0xc5: {  	v4 =	vld [tilespmem:s25+$0x6110]  }
0xc6: {  	v1 =	vld [tilespmem:s25+$0x5120];
	v7 =	vmul.f32 v7, v3;
	[tilespmem:s24+$0x7120] =	vst v5;
	s24 =	smov.u32 s25  }
0xc7: {  	s25 =	sshra.s32 s26, $0x2;
	v5 =	vld [tilespmem:s24+$0x6120]  }
0xc8: {  	s26 =	sadd.s32 $0x100, s26;
	v3 =	vld [tilespmem:s25+$0x5130];
	v6 =	vmul.f32 v6, v8;
	[tilespmem:s24+$0x7130] =	vst v7  }
0xc9: {  	v7 =	vld [tilespmem:s25+$0x6130]  }
0xca: {  	v8 =	vld [tilespmem:s25+$0x5100];
	[tilespmem:s24+$0x7100] =	vst v6;
	v2 =	vmul.f32 v4, v2  }
0xcb: {  	v62 =	vld [tilespmem:s25+$0x6100]  }
0xcc: {  	v6 =	vld [tilespmem:s25+$0x5110];
	[tilespmem:s24+$0x7110] =	vst v2;
	v1 =	vmul.f32 v5, v1  }
0xcd: {  	v2 =	vld [tilespmem:s25+$0x6110]  }
0xce: {  	v63 =	vld [tilespmem:s25+$0x5120];
	[tilespmem:s24+$0x7120] =	vst v1  }
0xcf: {  	v1 =	vld [tilespmem:s25+$0x6120];
	_ =	sdelay $0x1  }
0xd0: {  	v3 =	vmul.f32 v7, v3  }
0xd1: {  	v4 =	vmul.f32 v62, v8  }
0xd2: {  	[tilespmem:s25+$0x7130] =	vst v3;
	v2 =	vmul.f32 v2, v6  }
0xd3: {  	[tilespmem:s25+$0x7100] =	vst v4;
	v1 =	vmul.f32 v1, v63  }
0xd4: {  	[tilespmem:s25+$0x7110] =	vst v2  }
0xd5: {  	[tilespmem:s25+$0x7120] =	vst v1  }
0xd6: {  	[spmem:s3] =	stream.indirect.scatter.add.f32 [tilespmem:s18], [sflag:$0x4], $0x1, s1, s13, $0xb8;
	[tilespmem:$0x9180] =	vst v63  }
0xd7: {  	s23 =	sadd.s32 s23, s22;
	_ =	swait.ge [sflag:s29], $0x800  }
0xd8: {  	s20 =	sadd.s32 $0x1, s20;
	s23 =	sshrl.u32 s23, $0x3;
	[sflag:s29] =	ssyncset.done $0x0  }
0xd9: {  	p0 =	sne.s32 s20, $0x17;
	s25 =	sadd.s32 s5, s23;
	[sflag:s29] =	ssyncadd.s32 $0xFFFFF800  }
0xda: {  	[tilespmem:s31], [sflag:$0x1] =	stream.linear.gather [hbm4b:s25+s4], $0x800, $0x38;
	[tilespmem:$0x9180] =	vst v63  }
.Ltmp4:
0xdb: {  	_ = 	snop;
	(pc) =	sbr.rel @p0 .LBB2_6-.Ltmp4, $4  }
0xdc: {  	s26 =	sadd.s32 s6, s23  }
0xdd: {  	[tilespmem:s1], [sflag:$0x1] =	stream.linear.gather [hbm4b:s26+s4], $0x800, $0x38;
	[tilespmem:$0x9180] =	vst v63  }
0xde: {  	s23 =	sadd.s32 s7, s23  }
0xdf: {  	[tilespmem:s0], [sflag:$0x1] =	stream.linear.gather [hbm4b:s23+s4], $0x800, $0x38;
	[tilespmem:$0x9180] =	vst v63  }
0xe0: {  	_ =	swait.ge [sflag:s15], $0x800  }
0xe1: {  	[sflag:s15] =	ssyncset.done $0x0  }
0xe2: {  	[sflag:s15] =	ssyncadd.s32 $0xFFFFF800  }
0xe3: {  	_ =	swait.ge [sflag:s12], $0x800  }
0xe4: {  	[sflag:s12] =	ssyncset.done $0x0  }
0xe5: {  	[sflag:s12] =	ssyncadd.s32 $0xFFFFF800  }
0xe6: {  	_ =	swait.ge [sflag:s12], $0x800  }
0xe7: {  	[sflag:s12] =	ssyncset.done $0x0  }
0xe8: {  	[sflag:s12] =	ssyncadd.s32 $0xFFFFF800  }
0xe9: {  	_ =	swait.ge [sflag:s12], $0x800  }
0xea: {  	[sflag:s12] =	ssyncset.done $0x0  }
0xeb: {  	s20 =	simm.s32 $0x0;
	[sflag:s12] =	ssyncadd.s32 $0xFFFFF800  }
0xec: {  	[tilespmem:s14], [sflag:$0x3] =	stream.indirect.gather [spmem:s2], $0x1, s31, s13, $0xb8;
	[tilespmem:$0x9180] =	vst v63  }
0xed: {  	v3 =	vld [tilespmem:s20+$0x5930]  }
0xee: {  	v5 =	vld [tilespmem:s20+$0x6930]  }
0xef: {  	v6 =	vld [tilespmem:s20+$0x5900]  }
0xf0: {  	v7 =	vld [tilespmem:s20+$0x6900]  }
0xf1: {  	v2 =	vld [tilespmem:s20+$0x5910]  }
0xf2: {  	v4 =	vld [tilespmem:s20+$0x6910]  }
0xf3: {  	v1 =	vld [tilespmem:s20+$0x5920];
	v8 =	vmul.f32 v5, v3  }
0xf4: {  	s23 =	simm.s32 $0x40;
	v5 =	vld [tilespmem:s20+$0x6920]  }
0xf5: {  	s24 =	simm.s32 $0x200;
	v3 =	vld [tilespmem:s23+$0x5930];
	v6 =	vmul.f32 v7, v6;
	[tilespmem:s20+$0x7130] =	vst v8  }
.LBB2_12:
0xf6: {  	p0 =	sne.s32 s24, $0x1F00;
	v7 =	vld [tilespmem:s23+$0x6930]  }
0xf7: {  	v8 =	vld [tilespmem:s23+$0x5900];
	[tilespmem:s20+$0x7100] =	vst v6;
	v4 =	vmul.f32 v4, v2  }
0xf8: {  	v6 =	vld [tilespmem:s23+$0x6900]  }
.Ltmp5:
0xf9: {  	v2 =	vld [tilespmem:s23+$0x5910];
	[tilespmem:s20+$0x7110] =	vst v4;
	v5 =	vmul.f32 v5, v1;
	(pc) =	sbr.rel @p0 .LBB2_12-.Ltmp5, $4  }
0xfa: {  	v4 =	vld [tilespmem:s23+$0x6910]  }
0xfb: {  	v1 =	vld [tilespmem:s23+$0x5920];
	v7 =	vmul.f32 v7, v3;
	[tilespmem:s20+$0x7120] =	vst v5;
	s20 =	smov.u32 s23  }
0xfc: {  	s23 =	sshra.s32 s24, $0x2;
	v5 =	vld [tilespmem:s20+$0x6920]  }
0xfd: {  	s24 =	sadd.s32 $0x100, s24;
	v3 =	vld [tilespmem:s23+$0x5930];
	v6 =	vmul.f32 v6, v8;
	[tilespmem:s20+$0x7130] =	vst v7  }
0xfe: {  	v7 =	vld [tilespmem:s23+$0x6930]  }
0xff: {  	v8 =	vld [tilespmem:s23+$0x5900];
	[tilespmem:s20+$0x7100] =	vst v6;
	v2 =	vmul.f32 v4, v2  }
0x100: {  	v4 =	vld [tilespmem:s23+$0x6900]  }
0x101: {  	v6 =	vld [tilespmem:s23+$0x5910];
	[tilespmem:s20+$0x7110] =	vst v2;
	v1 =	vmul.f32 v5, v1  }
0x102: {  	v2 =	vld [tilespmem:s23+$0x6910]  }
0x103: {  	v5 =	vld [tilespmem:s23+$0x5920];
	[tilespmem:s20+$0x7120] =	vst v1  }
0x104: {  	v1 =	vld [tilespmem:s23+$0x6920];
	_ =	sdelay $0x1  }
0x105: {  	v3 =	vmul.f32 v7, v3  }
0x106: {  	v4 =	vmul.f32 v4, v8  }
0x107: {  	[tilespmem:s23+$0x7130] =	vst v3;
	v2 =	vmul.f32 v2, v6  }
0x108: {  	[tilespmem:s23+$0x7100] =	vst v4;
	v1 =	vmul.f32 v1, v5  }
0x109: {  	[tilespmem:s23+$0x7110] =	vst v2  }
0x10a: {  	[tilespmem:s23+$0x7120] =	vst v1  }
0x10b: {  	[spmem:s3] =	stream.indirect.scatter.add.f32 [tilespmem:s18], [sflag:$0x4], $0x1, s8, s13, $0xb8;
	[tilespmem:$0x9180] =	vst v63  }
0x10c: {  	_ =	swait.ge [sflag:s29], $0x800  }
0x10d: {  	[sflag:s29] =	ssyncset.done $0x0  }
0x10e: {  	s20 =	simm.s32 $0x0;
	s24 =	rddreg [dreg:$0x10];
	[sflag:s29] =	ssyncadd.s32 $0xFFFFF800  }
0x10f: {  	[tilespmem:s30], [sflag:$0x2] =	stream.linear.gather [hbm4b:s24+s20], $0x800, $0x38;
	[tilespmem:$0x9180] =	vst v63  }
0x110: {  	s25 =	rddreg [dreg:$0x11]  }
0x111: {  	[tilespmem:s8], [sflag:$0x2] =	stream.linear.gather [hbm4b:s25+s20], $0x800, $0x38;
	[tilespmem:$0x9180] =	vst v63  }
0x112: {  	s26 =	rddreg [dreg:$0x12]  }
0x113: {  	[tilespmem:s11], [sflag:$0x2] =	stream.linear.gather [hbm4b:s26+s20], $0x800, $0x38;
	[tilespmem:$0x9180] =	vst v63  }
0x114: {  	_ =	swait.ge [sflag:s15], $0x800  }
0x115: {  	[sflag:s15] =	ssyncset.done $0x0  }
0x116: {  	[sflag:s15] =	ssyncadd.s32 $0xFFFFF800  }
0x117: {  	_ =	swait.ge [sflag:s16], $0x800  }
0x118: {  	[sflag:s16] =	ssyncset.done $0x0  }
0x119: {  	[sflag:s16] =	ssyncadd.s32 $0xFFFFF800  }
0x11a: {  	_ =	swait.ge [sflag:s16], $0x800  }
0x11b: {  	[sflag:s16] =	ssyncset.done $0x0  }
0x11c: {  	[sflag:s16] =	ssyncadd.s32 $0xFFFFF800  }
0x11d: {  	_ =	swait.ge [sflag:s16], $0x800  }
0x11e: {  	[sflag:s16] =	ssyncset.done $0x0  }
0x11f: {  	s20 =	simm.s32 $0x0;
	[sflag:s16] =	ssyncadd.s32 $0xFFFFF800  }
0x120: {  	[tilespmem:s17], [sflag:$0x3] =	stream.indirect.gather [spmem:s2], $0x1, s30, s13, $0xb8;
	[tilespmem:$0x9180] =	vst v63  }
0x121: {  	v3 =	vld [tilespmem:s20+$0x5130]  }
0x122: {  	v5 =	vld [tilespmem:s20+$0x6130]  }
0x123: {  	v6 =	vld [tilespmem:s20+$0x5100]  }
0x124: {  	v7 =	vld [tilespmem:s20+$0x6100]  }
0x125: {  	v2 =	vld [tilespmem:s20+$0x5110]  }
0x126: {  	v4 =	vld [tilespmem:s20+$0x6110]  }
0x127: {  	v1 =	vld [tilespmem:s20+$0x5120];
	v8 =	vmul.f32 v5, v3  }
0x128: {  	s23 =	simm.s32 $0x40;
	v5 =	vld [tilespmem:s20+$0x6120]  }
0x129: {  	s24 =	simm.s32 $0x200;
	v3 =	vld [tilespmem:s23+$0x5130];
	v6 =	vmul.f32 v7, v6;
	[tilespmem:s20+$0x7130] =	vst v8  }
.LBB2_14:
0x12a: {  	p0 =	sne.s32 s24, $0x1F00;
	v7 =	vld [tilespmem:s23+$0x6130]  }
0x12b: {  	v8 =	vld [tilespmem:s23+$0x5100];
	[tilespmem:s20+$0x7100] =	vst v6;
	v4 =	vmul.f32 v4, v2  }
0x12c: {  	v6 =	vld [tilespmem:s23+$0x6100]  }
.Ltmp6:
0x12d: {  	v2 =	vld [tilespmem:s23+$0x5110];
	[tilespmem:s20+$0x7110] =	vst v4;
	v5 =	vmul.f32 v5, v1;
	(pc) =	sbr.rel @p0 .LBB2_14-.Ltmp6, $4  }
0x12e: {  	v4 =	vld [tilespmem:s23+$0x6110]  }
0x12f: {  	v1 =	vld [tilespmem:s23+$0x5120];
	v7 =	vmul.f32 v7, v3;
	[tilespmem:s20+$0x7120] =	vst v5;
	s20 =	smov.u32 s23  }
0x130: {  	s23 =	sshra.s32 s24, $0x2;
	v5 =	vld [tilespmem:s20+$0x6120]  }
0x131: {  	s24 =	sadd.s32 $0x100, s24;
	v3 =	vld [tilespmem:s23+$0x5130];
	v6 =	vmul.f32 v6, v8;
	[tilespmem:s20+$0x7130] =	vst v7  }
0x132: {  	v7 =	vld [tilespmem:s23+$0x6130]  }
0x133: {  	v8 =	vld [tilespmem:s23+$0x5100];
	[tilespmem:s20+$0x7100] =	vst v6;
	v2 =	vmul.f32 v4, v2  }
0x134: {  	v4 =	vld [tilespmem:s23+$0x6100]  }
0x135: {  	v6 =	vld [tilespmem:s23+$0x5110];
	[tilespmem:s20+$0x7110] =	vst v2;
	v1 =	vmul.f32 v5, v1  }
0x136: {  	v2 =	vld [tilespmem:s23+$0x6110]  }
0x137: {  	v5 =	vld [tilespmem:s23+$0x5120];
	[tilespmem:s20+$0x7120] =	vst v1  }
0x138: {  	v1 =	vld [tilespmem:s23+$0x6120];
	_ =	sdelay $0x1  }
0x139: {  	v3 =	vmul.f32 v7, v3  }
0x13a: {  	v4 =	vmul.f32 v4, v8  }
0x13b: {  	[tilespmem:s23+$0x7130] =	vst v3;
	v2 =	vmul.f32 v2, v6  }
0x13c: {  	[tilespmem:s23+$0x7100] =	vst v4;
	v1 =	vmul.f32 v1, v5  }
0x13d: {  	[tilespmem:s23+$0x7110] =	vst v2  }
0x13e: {  	[tilespmem:s23+$0x7120] =	vst v1  }
0x13f: {  	[spmem:s3] =	stream.indirect.scatter.add.f32 [tilespmem:s18], [sflag:$0x4], $0x1, s1, s13, $0xb8;
	[tilespmem:$0x9180] =	vst v63  }
0x140: {  	_ =	swait.ge [sflag:s29], $0x800  }
0x141: {  	[sflag:s29] =	ssyncset.done $0x0  }
0x142: {  	[sflag:s29] =	ssyncadd.s32 $0xFFFFF800  }
0x143: {  	_ =	swait.ge [sflag:s15], $0x800  }
0x144: {  	[sflag:s15] =	ssyncset.done $0x0  }
0x145: {  	s20 =	simm.s32 $0x0;
	[sflag:s15] =	ssyncadd.s32 $0xFFFFF800  }
0x146: {  	v3 =	vld [tilespmem:s20+$0x5930]  }
0x147: {  	v5 =	vld [tilespmem:s20+$0x6930]  }
0x148: {  	v6 =	vld [tilespmem:s20+$0x5900]  }
0x149: {  	v7 =	vld [tilespmem:s20+$0x6900]  }
0x14a: {  	v2 =	vld [tilespmem:s20+$0x5910]  }
0x14b: {  	v4 =	vld [tilespmem:s20+$0x6910]  }
0x14c: {  	v1 =	vld [tilespmem:s20+$0x5920];
	v8 =	vmul.f32 v5, v3  }
0x14d: {  	s23 =	simm.s32 $0x40;
	v5 =	vld [tilespmem:s20+$0x6920]  }
0x14e: {  	s24 =	simm.s32 $0x200;
	v3 =	vld [tilespmem:s23+$0x5930];
	v6 =	vmul.f32 v7, v6;
	[tilespmem:s20+$0x7130] =	vst v8  }
.LBB2_16:
0x14f: {  	p0 =	sne.s32 s24, $0x1F00;
	v7 =	vld [tilespmem:s23+$0x6930]  }
0x150: {  	v8 =	vld [tilespmem:s23+$0x5900];
	[tilespmem:s20+$0x7100] =	vst v6;
	v4 =	vmul.f32 v4, v2  }
0x151: {  	v6 =	vld [tilespmem:s23+$0x6900]  }
.Ltmp7:
0x152: {  	v2 =	vld [tilespmem:s23+$0x5910];
	[tilespmem:s20+$0x7110] =	vst v4;
	v5 =	vmul.f32 v5, v1;
	(pc) =	sbr.rel @p0 .LBB2_16-.Ltmp7, $4  }
0x153: {  	v4 =	vld [tilespmem:s23+$0x6910]  }
0x154: {  	v1 =	vld [tilespmem:s23+$0x5920];
	v7 =	vmul.f32 v7, v3;
	[tilespmem:s20+$0x7120] =	vst v5;
	s20 =	smov.u32 s23  }
0x155: {  	s23 =	sshra.s32 s24, $0x2;
	v5 =	vld [tilespmem:s20+$0x6920]  }
0x156: {  	s24 =	sadd.s32 $0x100, s24;
	v3 =	vld [tilespmem:s23+$0x5930];
	v6 =	vmul.f32 v6, v8;
	[tilespmem:s20+$0x7130] =	vst v7  }
0x157: {  	v7 =	vld [tilespmem:s23+$0x6930]  }
0x158: {  	v8 =	vld [tilespmem:s23+$0x5900];
	[tilespmem:s20+$0x7100] =	vst v6;
	v2 =	vmul.f32 v4, v2  }
0x159: {  	v62 =	vld [tilespmem:s23+$0x6900]  }
0x15a: {  	v6 =	vld [tilespmem:s23+$0x5910];
	[tilespmem:s20+$0x7110] =	vst v2;
	v1 =	vmul.f32 v5, v1  }
0x15b: {  	v2 =	vld [tilespmem:s23+$0x6910]  }
0x15c: {  	v63 =	vld [tilespmem:s23+$0x5920];
	[tilespmem:s20+$0x7120] =	vst v1  }
0x15d: {  	v1 =	vld [tilespmem:s23+$0x6920];
	_ =	sdelay $0x1  }
0x15e: {  	v3 =	vmul.f32 v7, v3  }
0x15f: {  	v4 =	vmul.f32 v62, v8  }
0x160: {  	[tilespmem:s23+$0x7130] =	vst v3;
	v2 =	vmul.f32 v2, v6  }
0x161: {  	[tilespmem:s23+$0x7100] =	vst v4;
	v1 =	vmul.f32 v1, v63  }
0x162: {  	[tilespmem:s23+$0x7110] =	vst v2  }
0x163: {  	[tilespmem:s23+$0x7120] =	vst v1  }
0x164: {  	[spmem:s3] =	stream.indirect.scatter.add.f32 [tilespmem:s18], [sflag:$0x4], $0x1, s8, s13, $0xb8;
	[tilespmem:$0x9180] =	vst v63  }
0x165: {  	_ =	swait.ge [sflag:s29], $0x800  }
0x166: {  	[sflag:s29] =	ssyncset.done $0x0  }
0x167: {  	[sflag:s29] =	ssyncadd.s32 $0xFFFFF800  }
0x168: {  	s24 =	simm.s32 $0x20;
	[bflag:$0x0] =	sbarrier.arrive $0xFFFF  }
0x169: {  	s25 =	simm.s32 $0x10;
	s23 =	sshrl.u32 s10, $0x3;
	s26 =	rddreg [dreg:$0xf]  }
0x16a: {  	[hbm:s26@s24], [sflag:s9] =	dma.strided [spmem:s23@s25], $0x310, s12, $0x10   }
0x16b: {  	_ =	swait.ge [sflag:s29], $0x310  }
0x16c: {  	s19 =	sadd.s32 $0x1, s19;
	s26 =	rddreg [dreg:$0x13]  }
0x16d: {  	p0 =	sne.s32 s19, s26  }
.Ltmp8:
0x16e: {  	_ = 	snop;
	(pc) =	sbr.rel @p0 .LBB2_1-.Ltmp8, $3  }
0x16f: {  	_ =	sdelay $0x1  }
0x170: {  	[sflag:s29] =	ssyncset.done $0x0  }
0x171: {  	[sflag:s29] =	ssyncadd.s32 $0xFFFFFCF0  }
0x172: {  	_ =	sfence.sel $0x180000  }
0x173: {  	[bflag:$0x0] =	sbarrier.arrive $0xFFFF  }
0x174: {  	_ =	strace $0x9000004A  }
0x175: {  	s0 =	stileid.u32;
	[bflag:$0x2] =	sbarrier.arrive $0xFFFF  }
0x176: {  	p0 =	sne.s32 s0, $0x0;
	s0 =	rddreg [dreg:$0x4]  }
0x177: {  	s0 =	sadd.s32 @!p0 $0x100000, s0  }
0x178: {  	[sflag:s0] =	ssyncadd.tile.s32 @!p0 $0x1;
	_ =	shalt  }
.Lfunc_end2:
_tile_overlayer_lowered:
.L_overlay_start_2:
0x179: {  	(tag) =	ssettag $0x2  }
0x17a: {  	s0 =	rddreg [dreg:$0x0];
	s2 =	stileid.u32  }
0x17b: {  	s1 =	rddreg [dreg:$0x1];
	p0 =	sne.s32 s2, $0x0  }
0x17c: {  	s3 =	rddreg [dreg:$0x2];
	[bflag:$0x3] =	sbarrier.arrive $0xFFFF;
	s2 =	simm.s32 @!p0 $0x1C04  }
0x17d: {  	[timem:s3], [sflag:s2] =	dma.local @!p0 [hbm:s0], s1  }
0x17e: {  	s0 =	simm.s32 @!p0 $0x4  }
0x17f: {  	_ =	swait.ge @!p0 [sflag:s0], s1  }
0x180: {  	s1 =	ssub.s32 @!p0 $0x0, s1;
	[sflag:s0] =	ssyncset.done @!p0 $0x0  }
0x181: {  	[sflag:s0] =	ssyncadd.s32 @!p0 s1  }
0x182: {  	[bflag:$0x3] =	sbarrier.arrive $0xFFFF  }
0x183: {  	_ =	shalt  }

// kernel: kernel.16.cloned.1.call-start
scs
__scs_entry_jumppad:
0x0: {  	(pc) =	sbr.rel $0x88, $3  }
0x1: {  	(tag) =	ssettag $0x0;
	lr =	simm.s32 $0x1  }
0x2: {  	[smem:$0x3F9C] =	sst lr;
	_ =	strace $0xD0000000  }
0x3: {  	_ = 	snop  }
0x4: {  	_ = 	snop  }
0x5: {  	_ = 	snop  }
0x6: {  	_ = 	snop  }
0x7: {  	_ = 	snop  }
__scs_overlays_trampoline_lowered:
0x8: {  	[smem:$0x3FAB] =	sst s0  }
0x9: {  	[smem:$0x3FAC] =	sst s1  }
0xa: {  	[smem:$0x3FAD] =	sst s2  }
0xb: {  	[smem:$0x3FAE] =	sst s3  }
0xc: {  	[smem:$0x3FAF] =	sst s4  }
0xd: {  	[smem:$0x3FB0] =	sst s5  }
0xe: {  	[smem:$0x3FB1] =	sst s6  }
0xf: {  	[smem:$0x3FB2] =	sst s7  }
0x10: {  	[smem:$0x3FB3] =	sst s8  }
0x11: {  	[smem:$0x3FB4] =	sst s9;
	s0 =	simm.s32 @!p0 $0x0  }
0x12: {  	s1 =	sld [smem:$0x3F9A];
	s0 =	simm.s32 @p0 $0x1  }
0x13: {  	[smem:$0x3FB5] =	sst s0;
	s0 =	simm.s32 @!p1 $0x0  }
0x14: {  	s2 =	sld [smem:$0x3F99];
	s0 =	simm.s32 @p1 $0x1  }
0x15: {  	[smem:$0x3FB6] =	sst s0;
	s0 =	simm.s32 @!p2 $0x0  }
0x16: {  	s3 =	sld [smem:$0x3FDB];
	s0 =	simm.s32 @p2 $0x1  }
0x17: {  	s4 =	simm.s32 $0x1BF5;
	[smem:$0x3FB8] =	sst s0  }
0x18: {  	s0 =	sld [smem:$0x3F9B];
	_ =	swait.ge [sflag:s4], $0x0  }
0x19: {  	s7 =	sld [smem:$0x3F9C]  }
0x1a: {  	s8 =	sadd.s32 $0xFFFFE003, lr  }
0x1b: {  	s9 =	sadd.s32 $0xFFFFFEF7, lr;
	s5 =	simm.s32 $0xFFFFFFFF;
	p2 =	slt.u32 s8, $0xFFFFF086  }
0x1c: {  	p1 =	slt.u32 s9, $0xF7A;
	s5 =	simm.s32 @!p2 $0x0  }
0x1d: {  	s5 =	simm.s32 @p1 $0x1;
	p0 =	seq.s32 s7, s2  }
0x1e: {  	s7 =	smul.u32 @!p0 $0xF7A, s2;
	p2 =	seq.s32 @!p0 s5, $0x0  }
0x1f: {  	s9 =	smul.u32 $0xF7A, s1;
	s8 =	simm.s32 @!p0 $0x1BF5;
	p2 =	por !p2, p0  }
0x20: {  	[sflag:s8] =	ssyncset.s32 @!p0 $0xFFFFF086;
	s6 =	sadd.s32 @!p0 s3, s7;
	s7 =	simm.s32 @!p0 $0x108  }
0x21: {  	s3 =	sadd.s32 s3, s9;
	s6 =	sadd.s32 @!p0 $0x88, s6;
	s7 =	simm.s32 @p2 $0x1082  }
0x22: {  	[simem:s7], [sflag:s8] =	dma.local @!p0 [hbm:s6], $0xF7A  }
0x23: {  	s9 =	sor.u32 $0xD0000000, s2;
	s6 =	simm.s32 $0x108;
	_ =	swait.ge @!p0 [sflag:s8], $0x0  }
0x24: {  	s3 =	sadd.s32 $0x88, s3;
	s6 =	simm.s32 @!p1 $0x1082;
	[sflag:s4] =	ssyncset.s32 $0xFFFFF086  }
0x25: {  	[simem:s6], [sflag:s4] =	dma.local [hbm:s3], $0xF7A  }
0x26: {  	[smem:$0x3F9C] =	sst s1;
	(tag) =	ssettag s2;
	_ =	strace s9  }
0x27: {  	s1 =	sld [smem:$0x3FAC]  }
0x28: {  	s2 =	sld [smem:$0x3FAD]  }
0x29: {  	s4 =	sld [smem:$0x3FAF]  }
0x2a: {  	p0 =	seq.s32 s5, $0x0;
	s5 =	sld [smem:$0x3FB0]  }
0x2b: {  	s6 =	sld [smem:$0x3FB1]  }
0x2c: {  	s7 =	sld [smem:$0x3FB2]  }
0x2d: {  	s3 =	simm.s32 $0x108;
	s8 =	sld [smem:$0x3FB3]  }
0x2e: {  	s3 =	simm.s32 @!p0 $0x1082;
	s9 =	sld [smem:$0x3FB4]  }
0x2f: {  	lr =	sadd.s32 s0, s3;
	s0 =	sld [smem:$0x3FAB]  }
0x30: {  	s3 =	sld [smem:$0x3FAE]  }
0x31: {  	[smem:$0x3FB7] =	sst s10  }
0x32: {  	s10 =	sld [smem:$0x3FB5];
	_ =	sdelay $0x3  }
0x33: {  	p0 =	seq.s32 s10, $0x1;
	s10 =	sld [smem:$0x3FB7];
	_ =	sdelay $0x3  }
0x34: {  	[smem:$0x3FB7] =	sst s10  }
0x35: {  	s10 =	sld [smem:$0x3FB6];
	_ =	sdelay $0x3  }
0x36: {  	p1 =	seq.s32 s10, $0x1;
	s10 =	sld [smem:$0x3FB7];
	_ =	sdelay $0x3  }
0x37: {  	[smem:$0x3FB7] =	sst s10  }
0x38: {  	s10 =	sld [smem:$0x3FB8]  }
0x39: {  	_ = 	snop;
	(pc) =	sbr.ind lr, $3  }
0x3a: {  	_ = 	snop  }
0x3b: {  	_ = 	snop  }
0x3c: {  	p2 =	seq.s32 s10, $0x1;
	s10 =	sld [smem:$0x3FB7]  }
0x3d: {  	_ =	shalt  }
0x3e: {  	_ =	shalt  }
0x3f: {  	_ =	shalt  }
0x40: {  	_ =	shalt  }
0x41: {  	_ =	shalt  }
0x42: {  	_ =	shalt  }
0x43: {  	_ =	shalt  }
0x44: {  	_ =	shalt  }
0x45: {  	_ =	shalt  }
0x46: {  	_ =	shalt  }
0x47: {  	_ =	shalt  }
0x48: {  	_ =	shalt  }
0x49: {  	_ =	shalt  }
0x4a: {  	_ =	shalt  }
0x4b: {  	_ =	shalt  }
0x4c: {  	_ =	shalt  }
0x4d: {  	_ =	shalt  }
0x4e: {  	_ =	shalt  }
0x4f: {  	_ =	shalt  }
0x50: {  	_ =	shalt  }
0x51: {  	_ =	shalt  }
0x52: {  	_ =	shalt  }
0x53: {  	_ =	shalt  }
0x54: {  	_ =	shalt  }
0x55: {  	_ =	shalt  }
0x56: {  	_ =	shalt  }
0x57: {  	_ =	shalt  }
0x58: {  	_ =	shalt  }
0x59: {  	_ =	shalt  }
0x5a: {  	_ =	shalt  }
0x5b: {  	_ =	shalt  }
0x5c: {  	_ =	shalt  }
0x5d: {  	_ =	shalt  }
0x5e: {  	_ =	shalt  }
0x5f: {  	_ =	shalt  }
0x60: {  	_ =	shalt  }
0x61: {  	_ =	shalt  }
0x62: {  	_ =	shalt  }
0x63: {  	_ =	shalt  }
0x64: {  	_ =	shalt  }
0x65: {  	_ =	shalt  }
0x66: {  	_ =	shalt  }
0x67: {  	_ =	shalt  }
0x68: {  	_ =	shalt  }
0x69: {  	_ =	shalt  }
0x6a: {  	_ =	shalt  }
0x6b: {  	_ =	shalt  }
0x6c: {  	_ =	shalt  }
0x6d: {  	_ =	shalt  }
0x6e: {  	_ =	shalt  }
0x6f: {  	_ =	shalt  }
0x70: {  	_ =	shalt  }
0x71: {  	_ =	shalt  }
0x72: {  	_ =	shalt  }
0x73: {  	_ =	shalt  }
0x74: {  	_ =	shalt  }
0x75: {  	_ =	shalt  }
0x76: {  	_ =	shalt  }
0x77: {  	_ =	shalt  }
0x78: {  	_ =	shalt  }
0x79: {  	_ =	shalt  }
0x7a: {  	_ =	shalt  }
0x7b: {  	_ =	shalt  }
0x7c: {  	_ =	shalt  }
0x7d: {  	_ =	shalt  }
0x7e: {  	_ =	shalt  }
0x7f: {  	_ =	shalt  }
0x80: {  	_ =	shalt  }
0x81: {  	_ =	shalt  }
0x82: {  	_ =	shalt  }
0x83: {  	_ =	shalt  }
0x84: {  	_ =	shalt  }
0x85: {  	_ =	shalt  }
0x86: {  	_ =	shalt  }
0x87: {  	_ =	shalt  }
.Lfunc_end0:
.L_simem_size_0:
called_computation.2_lowered:
.L_overlay_start_0:
0x88: {  	s2 =	sld [smem:$0x3FD9]  }
0x89: {  	s3 =	sld [smem:$0x3FFE];
	_ =	sdelay $0x1  }
0x8a: {  	s1 =	srdreg.scid  }
0x8b: {  	s0 =	sand.u32 $0x1, s1  }
0x8c: {  	s17 =	sshll.u32 s0, $0xA;
	s2 =	sadd.s32 s3, s2  }
0x8d: {  	s2 =	sadd.s32 s2, s17  }
0x8e: {  	[smem:$0x3FC3] =	sst s2  }
0x8f: {  	_ = 	snop  }
0x90: {  	s2 =	sld [smem:$0x3FD0];
	(tm) =	ssettm $0x1  }
0x91: {  	s18 =	sld [smem:$0x3FFB];
	_ =	sdelay $0x3  }
0x92: {  	_ =	strace s18  }
0x93: {  	s3 =	sld [smem:$0x3FFC];
	_ =	sdelay $0x3  }
0x94: {  	_ =	strace s3  }
0x95: {  	s3 =	sld [smem:$0x3FFD];
	_ =	sdelay $0x3  }
0x96: {  	_ =	strace s3  }
0x97: {  	_ =	strace $0x8FFFFFFF  }
0x98: {  	s19 =	sld [smem:$0x3FDB];
	_ =	sdelay $0x1  }
0x99: {  	s4 =	simm.s32 $_scs_section_size  }
0x9a: {  	s5 =	simm.s32 $_size__tile_overlayer_lowered;
	s6 =	simm.s32 $_tile_overlayer_lowered  }
0x9b: {  	s22 =	simm.s32 $0x1BFF;
	s21 =	sshll.u32 s6, $0x1;
	s3 =	sadd.s32 s4, s19  }
0x9c: {  	s7 =	simm.s32 $0x0;
	s20 =	sshll.u32 s5, $0x1;
	s5 =	sadd.s32 s21, s3  }
0x9d: {  	[timem:s7], [sflag:s22] =	dma.local [hbm:s5], s20  }
0x9e: {  	_ =	swait.ge [sflag:s22], s20  }
0x9f: {  	s4 =	ssub.s32 $0x0, s20;
	[sflag:s22] =	ssyncset.done $0x0  }
0xa0: {  	[sflag:s22] =	ssyncadd.s32 s4;
	_ =	sdelay $0x1  }
0xa1: {  	s23 =	simm.s32 $0x1B8B  }
0xa2: {  	_ =	swait.ge [sflag:s23], $0x1  }
0xa3: {  	[sflag:s23] =	ssyncset.done $0x0  }
0xa4: {  	s25 =	simm.s32 $0x1B8E;
	s24 =	sld [smem:$0x3FFE];
	[sflag:s23] =	ssyncadd.s32 $0xFFFFFFFF  }
0xa5: {  	s26 =	simm.s32 $execute0_lowered;
	[smem:$0x3FD2] =	sst s25  }
0xa6: {  	s5 =	sshll.u32 s26, $0x1;
	_ =	strace $0x8000004C;
	[dreg:$0x1] =	wrdreg $0xFFFFFFFF  }
0xa7: {  	s28 =	simm.s32 $_size_execute0_lowered;
	s3 =	sadd.s32 s3, s5;
	[dreg:$0x0] =	wrdreg $0x0  }
0xa8: {  	s5 =	sshll.u32 s28, $0x1;
	[dreg:$0x2] =	wrdreg s3  }
0xa9: {  	[dreg:$0x3] =	wrdreg s5  }
0xaa: {  	[dreg:$0x4] =	wrdreg $0xC0  }
0xab: {  	_ =	task [dreg:s7], $0x5FFFF  }
0xac: {  	[dreg:$0x1] =	wrdreg $0xFFFFFFFF  }
0xad: {  	[dreg:$0x0] =	wrdreg $0x60  }
0xae: {  	[dreg:$0x2] =	wrdreg s24  }
0xaf: {  	[dreg:$0x3] =	wrdreg s2  }
0xb0: {  	[dreg:$0x4] =	wrdreg $0x0  }
0xb1: {  	[dreg:$0x5] =	wrdreg $0x18800  }
0xb2: {  	[dreg:$0x6] =	wrdreg $0x9  }
0xb3: {  	_ =	task.clear_ibuf [dreg:s7], $0x7FFFF;
	_ =	strace $0x9000004C  }
0xb4: {  	s29 =	simm.s32 $0x9;
	_ =	strace $0x8000004E  }
0xb5: {  	_ =	swait.ge [sflag:s29], $0x1  }
0xb6: {  	[sflag:s29] =	ssyncadd.s32 $0xFFFFFFFF  }
0xb7: {  	_ =	strace $0x9000004E  }
0xb8: {  	_ =	sfence  }
0xb9: {  	s30 =	sld [smem:$0x0];
	_ =	sdelay $0x2  }
0xba: {  	s31 =	sshll.u32 s1, $0xD;
	s1 =	sshrl.u32 s1, $0x2  }
0xbb: {  	s3 =	sand.u32 $0x4000, s31;
	s1 =	sadd.s32 s1, s30  }
0xbc: {  	s0 =	sor.u32 s3, s0;
	s1 =	sshll.u32 s1, $0x11  }
0xbd: {  	s0 =	sor.u32 s1, s0  }
0xbe: {  	s0 =	sadd.s32 $0x8F2B, s0  }
0xbf: {  	[sflag:s0] =	ssyncadd.remote.s32 $0x1  }
0xc0: {  	_ =	sfence.sel $0xFFFF  }
0xc1: {  	[dreg:$0x0] =	wrdreg $0xFFFFFFFF;
	(pc) =	sbr.abs _section_cstart, $3  }
0xc2: {  	[dreg:$0x1] =	wrdreg $0xFFFFFFFF  }
0xc3: {  	_ =	task.clear_ibuf [dreg:s7], $0x2FFFF;
	_ =	strace $0x9FFFFFFF  }
0xc4: {  	(tm) =	ssettm $0x7FFFFFFF  }
0xc5: {  	_ =	shalt  }
tec
execute0_lowered:
.L_overlay_start_1:
0x0: {  	(tag) =	ssettag $0x1  }
0x1: {  	s0 =	rddreg [dreg:$0x0]  }
0x2: {  	s1 =	rddreg [dreg:$0x1]  }
0x3: {  	s2 =	rddreg [dreg:$0x2];
	s15 =	stileid.u32  }
0x4: {  	s3 =	rddreg [dreg:$0x3];
	s4 =	simm.s32 $0x0;
	s6 =	srdreg.scid  }
0x5: {  	s29 =	simm.s32 $0x4;
	s31 =	simm.s32 $0x3100;
	s30 =	simm.s32 $0x3900  }
0x6: {  	s8 =	smul.u32 $0x1880, s15;
	[smem:$0x7FF] =	sst s4;
	s11 =	sand.u32 $0x1, s6  }
0x7: {  	s6 =	sadd.s32 $0x65E00, s0;
	s25 =	sshll.u32 s15, $0x6;
	_ =	strace $0x8000004D  }
0x8: {  	s10 =	ssub.s32 $0x2, s11;
	s7 =	sshll.u32 s11, $0x4;
	s11 =	sshll.u32 s11, $0x7  }
0x9: {  	s5 =	sshrl.u32 s8, $0x3;
	s12 =	sshrl.u32 s10, $0x1;
	s13 =	sor.u32 s15, s7  }
0xa: {  	s7 =	sadd.s32 $0xC9E00, s0;
	s15 =	smul.u32 $0x3100, s15;
	s9 =	sadd.s32 s5, s0  }
0xb: {  	s5 =	sadd.s32 $0x1E00, s0;
	s0 =	ssub.s32 s10, s12;
	s12 =	smul.u32 $0x19000, s13  }
0xc: {  	s13 =	sadd.s32 s8, s2;
	s10 =	sadd.s32 s8, s3;
	s9 =	sadd.s32 $0x134200, s9  }
0xd: {  	s11 =	sor.u32 s11, s15;
	s0 =	smax.u32 s0, $0x1;
	s28 =	sshrl.u32 s13, $0x3  }
0xe: {  	s13 =	simm.s32 $0x800;
	[dreg:$0x5] =	wrdreg s9;
	s26 =	sshrl.u32 s12, $0x3  }
0xf: {  	s15 =	simm.s32 $0x3;
	[dreg:$0x13] =	wrdreg s0;
	s14 =	sadd.s32 s5, s26  }
0x10: {  	s9 =	sor.u32 $0x1C04, s25;
	s17 =	sadd.s32 s6, s26;
	[dreg:$0x6] =	wrdreg s14  }
0x11: {  	s11 =	sshrl.u32 s11, $0x3;
	s16 =	sadd.s32 s7, s26;
	[dreg:$0x7] =	wrdreg s17  }
0x12: {  	s18 =	sor.u32 $0x100, s26;
	s1 =	sadd.s32 s1, s11;
	[dreg:$0x8] =	wrdreg s16  }
0x13: {  	s0 =	simm.s32 $0x5100;
	s19 =	sadd.s32 s5, s18;
	[dreg:$0xf] =	wrdreg s1  }
0x14: {  	s21 =	sadd.s32 $0x200, s26;
	s20 =	sadd.s32 s6, s18;
	[dreg:$0x9] =	wrdreg s19  }
0x15: {  	s25 =	sadd.s32 $0x3100, s26;
	s14 =	sadd.s32 s7, s18;
	[dreg:$0xa] =	wrdreg s20  }
0x16: {  	s11 =	simm.s32 $0x5900;
	s22 =	sadd.s32 s5, s21;
	[dreg:$0xb] =	wrdreg s14  }
0x17: {  	s23 =	sadd.s32 s6, s21;
	s24 =	sadd.s32 s7, s21;
	[dreg:$0xc] =	wrdreg s22  }
0x18: {  	s21 =	sadd.s32 $0x1800, s12;
	s8 =	sadd.s32 s5, s25;
	[dreg:$0xd] =	wrdreg s23  }
0x19: {  	s26 =	sadd.s32 s6, s25;
	s1 =	sadd.s32 s7, s25;
	[dreg:$0xe] =	wrdreg s24  }
0x1a: {  	s16 =	simm.s32 $0x2;
	s17 =	simm.s32 $0x6900;
	[dreg:$0x10] =	wrdreg s8  }
0x1b: {  	s18 =	simm.s32 $0x7100;
	s22 =	sadd.s32 $0x2000, s12;
	[dreg:$0x11] =	wrdreg s26  }
0x1c: {  	[dreg:$0x12] =	wrdreg s1;
	s1 =	simm.s32 $0x4100;
	s8 =	simm.s32 $0x4900  }
0x1d: {  	v0 =	vimm.f32 $0.0e+00;
	s12 =	simm.s32 $0x1;
	s14 =	simm.s32 $0x6100;
	s19 =	simm.s32 $0x0  }
.LBB2_1:
0x1e: {  	s20 =	rddreg [dreg:$0x5]  }
0x1f: {  	[spmem:s28], [sflag:s9] =	dma.local [hbm:s20], $0x310  }
0x20: {  	_ =	swait.ge [sflag:s29], $0x310  }
0x21: {  	[sflag:s29] =	ssyncset.done $0x0  }
0x22: {  	s23 =	simm.s32 $0x0;
	s20 =	simm.s32 $0x40;
	[sflag:s29] =	ssyncadd.s32 $0xFFFFFCF0  }
.LBB2_2:
0x23: {  	p0 =	sne.s32 s20, $0x61C0;
	[tilespmem:s23+$0x7900] =	vst v0;
	s23 =	smov.u32 s20;
	s20 =	sadd.s32 $0x40, s20  }
.Ltmp0:
0x24: {  	(pc) =	sbr.rel @p0 .LBB2_2-.Ltmp0, $2  }
0x25: {  	_ =	sdelay $0x2  }
0x26: {  	s23 =	sshra.s32 s23, $0x2  }
0x27: {  	[tilespmem:s23+$0x7900] =	vst v0;
	s20 =	simm.s32 $0x7900  }
0x28: {  	[spmem:s10] =	stream.linear.scatter [tilespmem:s20], [sflag:$0x4], $0x1880, $0x38;
	[tilespmem:$0x9180] =	vst v63  }
0x29: {  	_ =	swait.ge [sflag:s29], $0x1880  }
0x2a: {  	[sflag:s29] =	ssyncset.done $0x0  }
0x2b: {  	[sflag:s29] =	ssyncadd.s32 $0xFFFFE780  }
0x2c: {  	[bflag:$0x0] =	sbarrier.arrive $0xFFFF  }
0x2d: {  	s20 =	simm.s32 $0x0;
	s24 =	rddreg [dreg:$0x6]  }
0x2e: {  	[tilespmem:s31], [sflag:$0x1] =	stream.linear.gather [hbm4b:s24+s20], $0x800, $0x38;
	[tilespmem:$0x9180] =	vst v63  }
0x2f: {  	s25 =	rddreg [dreg:$0x7]  }
0x30: {  	[tilespmem:s1], [sflag:$0x1] =	stream.linear.gather [hbm4b:s25+s20], $0x800, $0x38;
	[tilespmem:$0x9180] =	vst v63  }
0x31: {  	s26 =	rddreg [dreg:$0x8]  }
0x32: {  	[tilespmem:s0], [sflag:$0x1] =	stream.linear.gather [hbm4b:s26+s20], $0x800, $0x38;
	[tilespmem:$0x9180] =	vst v63  }
0x33: {  	s24 =	rddreg [dreg:$0x9]  }
0x34: {  	[tilespmem:s30], [sflag:$0x2] =	stream.linear.gather [hbm4b:s24+s20], $0x800, $0x38;
	[tilespmem:$0x9180] =	vst v63  }
0x35: {  	s25 =	rddreg [dreg:$0xa]  }
0x36: {  	[tilespmem:s8], [sflag:$0x2] =	stream.linear.gather [hbm4b:s25+s20], $0x800, $0x38;
	[tilespmem:$0x9180] =	vst v63  }
0x37: {  	s26 =	rddreg [dreg:$0xb]  }
0x38: {  	[tilespmem:s11], [sflag:$0x2] =	stream.linear.gather [hbm4b:s26+s20], $0x800, $0x38;
	[tilespmem:$0x9180] =	vst v63  }
0x39: {  	_ =	swait.ge [sflag:s12], $0x800  }
0x3a: {  	[sflag:s12] =	ssyncset.done $0x0  }
0x3b: {  	[sflag:s12] =	ssyncadd.s32 $0xFFFFF800  }
0x3c: {  	_ =	swait.ge [sflag:s12], $0x800  }
0x3d: {  	[sflag:s12] =	ssyncset.done $0x0  }
0x3e: {  	[sflag:s12] =	ssyncadd.s32 $0xFFFFF800  }
0x3f: {  	_ =	swait.ge [sflag:s12], $0x800  }
0x40: {  	[sflag:s12] =	ssyncset.done $0x0  }
0x41: {  	[sflag:s12] =	ssyncadd.s32 $0xFFFFF800  }
0x42: {  	[tilespmem:s14], [sflag:$0x3] =	stream.indirect.gather [spmem:s2], $0x1, s31, s13, $0xb8;
	[tilespmem:$0x9180] =	vst v63  }
0x43: {  	_ =	swait.ge [sflag:s15], $0x800  }
0x44: {  	[sflag:s15] =	ssyncset.done $0x0  }
0x45: {  	[sflag:s15] =	ssyncadd.s32 $0xFFFFF800  }
0x46: {  	_ =	swait.ge [sflag:s16], $0x800  }
0x47: {  	[sflag:s16] =	ssyncset.done $0x0  }
0x48: {  	[sflag:s16] =	ssyncadd.s32 $0xFFFFF800  }
0x49: {  	_ =	swait.ge [sflag:s16], $0x800  }
0x4a: {  	[sflag:s16] =	ssyncset.done $0x0  }
0x4b: {  	[sflag:s16] =	ssyncadd.s32 $0xFFFFF800  }
0x4c: {  	_ =	swait.ge [sflag:s16], $0x800  }
0x4d: {  	[sflag:s16] =	ssyncset.done $0x0  }
0x4e: {  	s20 =	simm.s32 $0x0;
	[sflag:s16] =	ssyncadd.s32 $0xFFFFF800  }
0x4f: {  	[tilespmem:s17], [sflag:$0x3] =	stream.indirect.gather [spmem:s2], $0x1, s30, s13, $0xb8;
	[tilespmem:$0x9180] =	vst v63  }
0x50: {  	v3 =	vld [tilespmem:s20+$0x5130]  }
0x51: {  	v5 =	vld [tilespmem:s20+$0x6130]  }
0x52: {  	v6 =	vld [tilespmem:s20+$0x5100]  }
0x53: {  	v7 =	vld [tilespmem:s20+$0x6100]  }
0x54: {  	v2 =	vld [tilespmem:s20+$0x5110]  }
0x55: {  	v4 =	vld [tilespmem:s20+$0x6110]  }
0x56: {  	v1 =	vld [tilespmem:s20+$0x5120];
	v8 =	vmul.f32 v5, v3  }
0x57: {  	s23 =	simm.s32 $0x40;
	v5 =	vld [tilespmem:s20+$0x6120]  }
0x58: {  	s24 =	simm.s32 $0x200;
	v3 =	vld [tilespmem:s23+$0x5130];
	v6 =	vmul.f32 v7, v6;
	[tilespmem:s20+$0x7130] =	vst v8  }
.LBB2_4:
0x59: {  	p0 =	sne.s32 s24, $0x1F00;
	v7 =	vld [tilespmem:s23+$0x6130]  }
0x5a: {  	v8 =	vld [tilespmem:s23+$0x5100];
	[tilespmem:s20+$0x7100] =	vst v6;
	v4 =	vmul.f32 v4, v2  }
0x5b: {  	v6 =	vld [tilespmem:s23+$0x6100]  }
.Ltmp1:
0x5c: {  	v2 =	vld [tilespmem:s23+$0x5110];
	[tilespmem:s20+$0x7110] =	vst v4;
	v5 =	vmul.f32 v5, v1;
	(pc) =	sbr.rel @p0 .LBB2_4-.Ltmp1, $4  }
0x5d: {  	v4 =	vld [tilespmem:s23+$0x6110]  }
0x5e: {  	v1 =	vld [tilespmem:s23+$0x5120];
	v7 =	vmul.f32 v7, v3;
	[tilespmem:s20+$0x7120] =	vst v5;
	s20 =	smov.u32 s23  }
0x5f: {  	s23 =	sshra.s32 s24, $0x2;
	v5 =	vld [tilespmem:s20+$0x6120]  }
0x60: {  	s24 =	sadd.s32 $0x100, s24;
	v3 =	vld [tilespmem:s23+$0x5130];
	v6 =	vmul.f32 v6, v8;
	[tilespmem:s20+$0x7130] =	vst v7  }
0x61: {  	v7 =	vld [tilespmem:s23+$0x6130]  }
0x62: {  	v8 =	vld [tilespmem:s23+$0x5100];
	[tilespmem:s20+$0x7100] =	vst v6;
	v2 =	vmul.f32 v4, v2  }
0x63: {  	v62 =	vld [tilespmem:s23+$0x6100]  }
0x64: {  	v6 =	vld [tilespmem:s23+$0x5110];
	[tilespmem:s20+$0x7110] =	vst v2;
	v1 =	vmul.f32 v5, v1  }
0x65: {  	v2 =	vld [tilespmem:s23+$0x6110]  }
0x66: {  	v63 =	vld [tilespmem:s23+$0x5120];
	[tilespmem:s20+$0x7120] =	vst v1  }
0x67: {  	v1 =	vld [tilespmem:s23+$0x6120];
	_ =	sdelay $0x1  }
0x68: {  	v3 =	vmul.f32 v7, v3  }
0x69: {  	v4 =	vmul.f32 v62, v8  }
0x6a: {  	[tilespmem:s23+$0x7130] =	vst v3;
	v2 =	vmul.f32 v2, v6  }
0x6b: {  	[tilespmem:s23+$0x7100] =	vst v4;
	v1 =	vmul.f32 v1, v63  }
0x6c: {  	[tilespmem:s23+$0x7110] =	vst v2  }
0x6d: {  	[tilespmem:s23+$0x7120] =	vst v1  }
0x6e: {  	[spmem:s3] =	stream.indirect.scatter.add.f32 [tilespmem:s18], [sflag:$0x4], $0x1, s1, s13, $0xb8;
	[tilespmem:$0x9180] =	vst v63  }
0x6f: {  	_ =	swait.ge [sflag:s29], $0x800  }
0x70: {  	[sflag:s29] =	ssyncset.done $0x0  }
0x71: {  	s20 =	simm.s32 $0x0;
	s24 =	rddreg [dreg:$0xc];
	[sflag:s29] =	ssyncadd.s32 $0xFFFFF800  }
0x72: {  	[tilespmem:s31], [sflag:$0x1] =	stream.linear.gather [hbm4b:s24+s20], $0x800, $0x38;
	[tilespmem:$0x9180] =	vst v63  }
0x73: {  	s25 =	rddreg [dreg:$0xd]  }
0x74: {  	[tilespmem:s1], [sflag:$0x1] =	stream.linear.gather [hbm4b:s25+s20], $0x800, $0x38;
	[tilespmem:$0x9180] =	vst v63  }
0x75: {  	s26 =	rddreg [dreg:$0xe]  }
0x76: {  	[tilespmem:s0], [sflag:$0x1] =	stream.linear.gather [hbm4b:s26+s20], $0x800, $0x38;
	[tilespmem:$0x9180] =	vst v63  }
.LBB2_6:
0x77: {  	_ =	swait.ge [sflag:s15], $0x800  }
0x78: {  	[sflag:s15] =	ssyncset.done $0x0  }
0x79: {  	[sflag:s15] =	ssyncadd.s32 $0xFFFFF800  }
0x7a: {  	_ =	swait.ge [sflag:s12], $0x800  }
0x7b: {  	[sflag:s12] =	ssyncset.done $0x0  }
0x7c: {  	[sflag:s12] =	ssyncadd.s32 $0xFFFFF800  }
0x7d: {  	_ =	swait.ge [sflag:s12], $0x800  }
0x7e: {  	[sflag:s12] =	ssyncset.done $0x0  }
0x7f: {  	[sflag:s12] =	ssyncadd.s32 $0xFFFFF800  }
0x80: {  	_ =	swait.ge [sflag:s12], $0x800  }
0x81: {  	[sflag:s12] =	ssyncset.done $0x0  }
0x82: {  	s23 =	simm.s32 $0x0;
	[sflag:s12] =	ssyncadd.s32 $0xFFFFF800  }
0x83: {  	[tilespmem:s14], [sflag:$0x3] =	stream.indirect.gather [spmem:s2], $0x1, s31, s13, $0xb8;
	[tilespmem:$0x9180] =	vst v63  }
0x84: {  	v3 =	vld [tilespmem:s23+$0x5930]  }
0x85: {  	v5 =	vld [tilespmem:s23+$0x6930]  }
0x86: {  	v6 =	vld [tilespmem:s23+$0x5900]  }
0x87: {  	v7 =	vld [tilespmem:s23+$0x6900]  }
0x88: {  	v2 =	vld [tilespmem:s23+$0x5910]  }
0x89: {  	v4 =	vld [tilespmem:s23+$0x6910]  }
0x8a: {  	v1 =	vld [tilespmem:s23+$0x5920];
	v8 =	vmul.f32 v5, v3  }
0x8b: {  	s24 =	simm.s32 $0x40;
	v5 =	vld [tilespmem:s23+$0x6920]  }
0x8c: {  	s25 =	simm.s32 $0x200;
	v3 =	vld [tilespmem:s24+$0x5930];
	v6 =	vmul.f32 v7, v6;
	[tilespmem:s23+$0x7130] =	vst v8  }
.LBB2_7:
0x8d: {  	p0 =	sne.s32 s25, $0x1F00;
	v7 =	vld [tilespmem:s24+$0x6930]  }
0x8e: {  	v8 =	vld [tilespmem:s24+$0x5900];
	[tilespmem:s23+$0x7100] =	vst v6;
	v4 =	vmul.f32 v4, v2  }
0x8f: {  	v6 =	vld [tilespmem:s24+$0x6900]  }
.Ltmp2:
0x90: {  	v2 =	vld [tilespmem:s24+$0x5910];
	[tilespmem:s23+$0x7110] =	vst v4;
	v5 =	vmul.f32 v5, v1;
	(pc) =	sbr.rel @p0 .LBB2_7-.Ltmp2, $4  }
0x91: {  	v4 =	vld [tilespmem:s24+$0x6910]  }
0x92: {  	v1 =	vld [tilespmem:s24+$0x5920];
	v7 =	vmul.f32 v7, v3;
	[tilespmem:s23+$0x7120] =	vst v5;
	s23 =	smov.u32 s24  }
0x93: {  	s24 =	sshra.s32 s25, $0x2;
	v5 =	vld [tilespmem:s23+$0x6920]  }
0x94: {  	s25 =	sadd.s32 $0x100, s25;
	v3 =	vld [tilespmem:s24+$0x5930];
	v6 =	vmul.f32 v6, v8;
	[tilespmem:s23+$0x7130] =	vst v7  }
0x95: {  	v7 =	vld [tilespmem:s24+$0x6930]  }
0x96: {  	v8 =	vld [tilespmem:s24+$0x5900];
	[tilespmem:s23+$0x7100] =	vst v6;
	v2 =	vmul.f32 v4, v2  }
0x97: {  	v4 =	vld [tilespmem:s24+$0x6900]  }
0x98: {  	v6 =	vld [tilespmem:s24+$0x5910];
	[tilespmem:s23+$0x7110] =	vst v2;
	v1 =	vmul.f32 v5, v1  }
0x99: {  	v2 =	vld [tilespmem:s24+$0x6910]  }
0x9a: {  	v5 =	vld [tilespmem:s24+$0x5920];
	[tilespmem:s23+$0x7120] =	vst v1  }
0x9b: {  	v1 =	vld [tilespmem:s24+$0x6920];
	_ =	sdelay $0x1  }
0x9c: {  	v3 =	vmul.f32 v7, v3  }
0x9d: {  	v4 =	vmul.f32 v4, v8  }
0x9e: {  	[tilespmem:s24+$0x7130] =	vst v3;
	v2 =	vmul.f32 v2, v6  }
0x9f: {  	[tilespmem:s24+$0x7100] =	vst v4;
	v1 =	vmul.f32 v1, v5  }
0xa0: {  	[tilespmem:s24+$0x7110] =	vst v2  }
0xa1: {  	s23 =	sshll.u32 s20, $0xC;
	[tilespmem:s24+$0x7120] =	vst v1  }
0xa2: {  	[spmem:s3] =	stream.indirect.scatter.add.f32 [tilespmem:s18], [sflag:$0x4], $0x1, s8, s13, $0xb8;
	[tilespmem:$0x9180] =	vst v63  }
0xa3: {  	s26 =	sadd.s32 s23, s21;
	_ =	swait.ge [sflag:s29], $0x800  }
0xa4: {  	s24 =	sshrl.u32 s26, $0x3;
	[sflag:s29] =	ssyncset.done $0x0  }
0xa5: {  	s26 =	simm.s32 $0x0;
	s25 =	sadd.s32 s5, s24;
	[sflag:s29] =	ssyncadd.s32 $0xFFFFF800  }
0xa6: {  	[tilespmem:s30], [sflag:$0x2] =	stream.linear.gather [hbm4b:s25+s26], $0x800, $0x38;
	[tilespmem:$0x9180] =	vst v63  }
0xa7: {  	s25 =	sadd.s32 s6, s24  }
0xa8: {  	[tilespmem:s8], [sflag:$0x2] =	stream.linear.gather [hbm4b:s25+s26], $0x800, $0x38;
	[tilespmem:$0x9180] =	vst v63  }
0xa9: {  	s24 =	sadd.s32 s7, s24  }
0xaa: {  	[tilespmem:s11], [sflag:$0x2] =	stream.linear.gather [hbm4b:s24+s26], $0x800, $0x38;
	[tilespmem:$0x9180] =	vst v63  }
0xab: {  	_ =	swait.ge [sflag:s15], $0x800  }
0xac: {  	[sflag:s15] =	ssyncset.done $0x0  }
0xad: {  	[sflag:s15] =	ssyncadd.s32 $0xFFFFF800  }
0xae: {  	_ =	swait.ge [sflag:s16], $0x800  }
0xaf: {  	[sflag:s16] =	ssyncset.done $0x0  }
0xb0: {  	[sflag:s16] =	ssyncadd.s32 $0xFFFFF800  }
0xb1: {  	_ =	swait.ge [sflag:s16], $0x800  }
0xb2: {  	[sflag:s16] =	ssyncset.done $0x0  }
0xb3: {  	[sflag:s16] =	ssyncadd.s32 $0xFFFFF800  }
0xb4: {  	_ =	swait.ge [sflag:s16], $0x800  }
0xb5: {  	[sflag:s16] =	ssyncset.done $0x0  }
0xb6: {  	s24 =	simm.s32 $0x0;
	[sflag:s16] =	ssyncadd.s32 $0xFFFFF800  }
0xb7: {  	[tilespmem:s17], [sflag:$0x3] =	stream.indirect.gather [spmem:s2], $0x1, s30, s13, $0xb8;
	[tilespmem:$0x9180] =	vst v63  }
0xb8: {  	v3 =	vld [tilespmem:s24+$0x5130]  }
0xb9: {  	v5 =	vld [tilespmem:s24+$0x6130]  }
0xba: {  	v6 =	vld [tilespmem:s24+$0x5100]  }
0xbb: {  	v7 =	vld [tilespmem:s24+$0x6100]  }
0xbc: {  	v2 =	vld [tilespmem:s24+$0x5110]  }
0xbd: {  	v4 =	vld [tilespmem:s24+$0x6110]  }
0xbe: {  	v1 =	vld [tilespmem:s24+$0x5120];
	v8 =	vmul.f32 v5, v3  }
0xbf: {  	s25 =	simm.s32 $0x40;
	v5 =	vld [tilespmem:s24+$0x6120]  }
0xc0: {  	s26 =	simm.s32 $0x200;
	v3 =	vld [tilespmem:s25+$0x5130];
	v6 =	vmul.f32 v7, v6;
	[tilespmem:s24+$0x7130] =	vst v8  }
.LBB2_9:
0xc1: {  	p0 =	sne.s32 s26, $0x1F00;
	v7 =	vld [tilespmem:s25+$0x6130]  }
0xc2: {  	v8 =	vld [tilespmem:s25+$0x5100];
	[tilespmem:s24+$0x7100] =	vst v6;
	v4 =	vmul.f32 v4, v2  }
0xc3: {  	v6 =	vld [tilespmem:s25+$0x6100]  }
.Ltmp3:
0xc4: {  	v2 =	vld [tilespmem:s25+$0x5110];
	[tilespmem:s24+$0x7110] =	vst v4;
	v5 =	vmul.f32 v5, v1;
	(pc) =	sbr.rel @p0 .LBB2_9-.Ltmp3, $4  }
0xc5: {  	v4 =	vld [tilespmem:s25+$0x6110]  }
0xc6: {  	v1 =	vld [tilespmem:s25+$0x5120];
	v7 =	vmul.f32 v7, v3;
	[tilespmem:s24+$0x7120] =	vst v5;
	s24 =	smov.u32 s25  }
0xc7: {  	s25 =	sshra.s32 s26, $0x2;
	v5 =	vld [tilespmem:s24+$0x6120]  }
0xc8: {  	s26 =	sadd.s32 $0x100, s26;
	v3 =	vld [tilespmem:s25+$0x5130];
	v6 =	vmul.f32 v6, v8;
	[tilespmem:s24+$0x7130] =	vst v7  }
0xc9: {  	v7 =	vld [tilespmem:s25+$0x6130]  }
0xca: {  	v8 =	vld [tilespmem:s25+$0x5100];
	[tilespmem:s24+$0x7100] =	vst v6;
	v2 =	vmul.f32 v4, v2  }
0xcb: {  	v62 =	vld [tilespmem:s25+$0x6100]  }
0xcc: {  	v6 =	vld [tilespmem:s25+$0x5110];
	[tilespmem:s24+$0x7110] =	vst v2;
	v1 =	vmul.f32 v5, v1  }
0xcd: {  	v2 =	vld [tilespmem:s25+$0x6110]  }
0xce: {  	v63 =	vld [tilespmem:s25+$0x5120];
	[tilespmem:s24+$0x7120] =	vst v1  }
0xcf: {  	v1 =	vld [tilespmem:s25+$0x6120];
	_ =	sdelay $0x1  }
0xd0: {  	v3 =	vmul.f32 v7, v3  }
0xd1: {  	v4 =	vmul.f32 v62, v8  }
0xd2: {  	[tilespmem:s25+$0x7130] =	vst v3;
	v2 =	vmul.f32 v2, v6  }
0xd3: {  	[tilespmem:s25+$0x7100] =	vst v4;
	v1 =	vmul.f32 v1, v63  }
0xd4: {  	[tilespmem:s25+$0x7110] =	vst v2  }
0xd5: {  	[tilespmem:s25+$0x7120] =	vst v1  }
0xd6: {  	[spmem:s3] =	stream.indirect.scatter.add.f32 [tilespmem:s18], [sflag:$0x4], $0x1, s1, s13, $0xb8;
	[tilespmem:$0x9180] =	vst v63  }
0xd7: {  	s23 =	sadd.s32 s23, s22;
	_ =	swait.ge [sflag:s29], $0x800  }
0xd8: {  	s20 =	sadd.s32 $0x1, s20;
	s23 =	sshrl.u32 s23, $0x3;
	[sflag:s29] =	ssyncset.done $0x0  }
0xd9: {  	p0 =	sne.s32 s20, $0x17;
	s25 =	sadd.s32 s5, s23;
	[sflag:s29] =	ssyncadd.s32 $0xFFFFF800  }
0xda: {  	[tilespmem:s31], [sflag:$0x1] =	stream.linear.gather [hbm4b:s25+s4], $0x800, $0x38;
	[tilespmem:$0x9180] =	vst v63  }
.Ltmp4:
0xdb: {  	_ = 	snop;
	(pc) =	sbr.rel @p0 .LBB2_6-.Ltmp4, $4  }
0xdc: {  	s26 =	sadd.s32 s6, s23  }
0xdd: {  	[tilespmem:s1], [sflag:$0x1] =	stream.linear.gather [hbm4b:s26+s4], $0x800, $0x38;
	[tilespmem:$0x9180] =	vst v63  }
0xde: {  	s23 =	sadd.s32 s7, s23  }
0xdf: {  	[tilespmem:s0], [sflag:$0x1] =	stream.linear.gather [hbm4b:s23+s4], $0x800, $0x38;
	[tilespmem:$0x9180] =	vst v63  }
0xe0: {  	_ =	swait.ge [sflag:s15], $0x800  }
0xe1: {  	[sflag:s15] =	ssyncset.done $0x0  }
0xe2: {  	[sflag:s15] =	ssyncadd.s32 $0xFFFFF800  }
0xe3: {  	_ =	swait.ge [sflag:s12], $0x800  }
0xe4: {  	[sflag:s12] =	ssyncset.done $0x0  }
0xe5: {  	[sflag:s12] =	ssyncadd.s32 $0xFFFFF800  }
0xe6: {  	_ =	swait.ge [sflag:s12], $0x800  }
0xe7: {  	[sflag:s12] =	ssyncset.done $0x0  }
0xe8: {  	[sflag:s12] =	ssyncadd.s32 $0xFFFFF800  }
0xe9: {  	_ =	swait.ge [sflag:s12], $0x800  }
0xea: {  	[sflag:s12] =	ssyncset.done $0x0  }
0xeb: {  	s20 =	simm.s32 $0x0;
	[sflag:s12] =	ssyncadd.s32 $0xFFFFF800  }
0xec: {  	[tilespmem:s14], [sflag:$0x3] =	stream.indirect.gather [spmem:s2], $0x1, s31, s13, $0xb8;
	[tilespmem:$0x9180] =	vst v63  }
0xed: {  	v3 =	vld [tilespmem:s20+$0x5930]  }
0xee: {  	v5 =	vld [tilespmem:s20+$0x6930]  }
0xef: {  	v6 =	vld [tilespmem:s20+$0x5900]  }
0xf0: {  	v7 =	vld [tilespmem:s20+$0x6900]  }
0xf1: {  	v2 =	vld [tilespmem:s20+$0x5910]  }
0xf2: {  	v4 =	vld [tilespmem:s20+$0x6910]  }
0xf3: {  	v1 =	vld [tilespmem:s20+$0x5920];
	v8 =	vmul.f32 v5, v3  }
0xf4: {  	s23 =	simm.s32 $0x40;
	v5 =	vld [tilespmem:s20+$0x6920]  }
0xf5: {  	s24 =	simm.s32 $0x200;
	v3 =	vld [tilespmem:s23+$0x5930];
	v6 =	vmul.f32 v7, v6;
	[tilespmem:s20+$0x7130] =	vst v8  }
.LBB2_12:
0xf6: {  	p0 =	sne.s32 s24, $0x1F00;
	v7 =	vld [tilespmem:s23+$0x6930]  }
0xf7: {  	v8 =	vld [tilespmem:s23+$0x5900];
	[tilespmem:s20+$0x7100] =	vst v6;
	v4 =	vmul.f32 v4, v2  }
0xf8: {  	v6 =	vld [tilespmem:s23+$0x6900]  }
.Ltmp5:
0xf9: {  	v2 =	vld [tilespmem:s23+$0x5910];
	[tilespmem:s20+$0x7110] =	vst v4;
	v5 =	vmul.f32 v5, v1;
	(pc) =	sbr.rel @p0 .LBB2_12-.Ltmp5, $4  }
0xfa: {  	v4 =	vld [tilespmem:s23+$0x6910]  }
0xfb: {  	v1 =	vld [tilespmem:s23+$0x5920];
	v7 =	vmul.f32 v7, v3;
	[tilespmem:s20+$0x7120] =	vst v5;
	s20 =	smov.u32 s23  }
0xfc: {  	s23 =	sshra.s32 s24, $0x2;
	v5 =	vld [tilespmem:s20+$0x6920]  }
0xfd: {  	s24 =	sadd.s32 $0x100, s24;
	v3 =	vld [tilespmem:s23+$0x5930];
	v6 =	vmul.f32 v6, v8;
	[tilespmem:s20+$0x7130] =	vst v7  }
0xfe: {  	v7 =	vld [tilespmem:s23+$0x6930]  }
0xff: {  	v8 =	vld [tilespmem:s23+$0x5900];
	[tilespmem:s20+$0x7100] =	vst v6;
	v2 =	vmul.f32 v4, v2  }
0x100: {  	v4 =	vld [tilespmem:s23+$0x6900]  }
0x101: {  	v6 =	vld [tilespmem:s23+$0x5910];
	[tilespmem:s20+$0x7110] =	vst v2;
	v1 =	vmul.f32 v5, v1  }
0x102: {  	v2 =	vld [tilespmem:s23+$0x6910]  }
0x103: {  	v5 =	vld [tilespmem:s23+$0x5920];
	[tilespmem:s20+$0x7120] =	vst v1  }
0x104: {  	v1 =	vld [tilespmem:s23+$0x6920];
	_ =	sdelay $0x1  }
0x105: {  	v3 =	vmul.f32 v7, v3  }
0x106: {  	v4 =	vmul.f32 v4, v8  }
0x107: {  	[tilespmem:s23+$0x7130] =	vst v3;
	v2 =	vmul.f32 v2, v6  }
0x108: {  	[tilespmem:s23+$0x7100] =	vst v4;
	v1 =	vmul.f32 v1, v5  }
0x109: {  	[tilespmem:s23+$0x7110] =	vst v2  }
0x10a: {  	[tilespmem:s23+$0x7120] =	vst v1  }
0x10b: {  	[spmem:s3] =	stream.indirect.scatter.add.f32 [tilespmem:s18], [sflag:$0x4], $0x1, s8, s13, $0xb8;
	[tilespmem:$0x9180] =	vst v63  }
0x10c: {  	_ =	swait.ge [sflag:s29], $0x800  }
0x10d: {  	[sflag:s29] =	ssyncset.done $0x0  }
0x10e: {  	s20 =	simm.s32 $0x0;
	s24 =	rddreg [dreg:$0x10];
	[sflag:s29] =	ssyncadd.s32 $0xFFFFF800  }
0x10f: {  	[tilespmem:s30], [sflag:$0x2] =	stream.linear.gather [hbm4b:s24+s20], $0x800, $0x38;
	[tilespmem:$0x9180] =	vst v63  }
0x110: {  	s25 =	rddreg [dreg:$0x11]  }
0x111: {  	[tilespmem:s8], [sflag:$0x2] =	stream.linear.gather [hbm4b:s25+s20], $0x800, $0x38;
	[tilespmem:$0x9180] =	vst v63  }
0x112: {  	s26 =	rddreg [dreg:$0x12]  }
0x113: {  	[tilespmem:s11], [sflag:$0x2] =	stream.linear.gather [hbm4b:s26+s20], $0x800, $0x38;
	[tilespmem:$0x9180] =	vst v63  }
0x114: {  	_ =	swait.ge [sflag:s15], $0x800  }
0x115: {  	[sflag:s15] =	ssyncset.done $0x0  }
0x116: {  	[sflag:s15] =	ssyncadd.s32 $0xFFFFF800  }
0x117: {  	_ =	swait.ge [sflag:s16], $0x800  }
0x118: {  	[sflag:s16] =	ssyncset.done $0x0  }
0x119: {  	[sflag:s16] =	ssyncadd.s32 $0xFFFFF800  }
0x11a: {  	_ =	swait.ge [sflag:s16], $0x800  }
0x11b: {  	[sflag:s16] =	ssyncset.done $0x0  }
0x11c: {  	[sflag:s16] =	ssyncadd.s32 $0xFFFFF800  }
0x11d: {  	_ =	swait.ge [sflag:s16], $0x800  }
0x11e: {  	[sflag:s16] =	ssyncset.done $0x0  }
0x11f: {  	s20 =	simm.s32 $0x0;
	[sflag:s16] =	ssyncadd.s32 $0xFFFFF800  }
0x120: {  	[tilespmem:s17], [sflag:$0x3] =	stream.indirect.gather [spmem:s2], $0x1, s30, s13, $0xb8;
	[tilespmem:$0x9180] =	vst v63  }
0x121: {  	v3 =	vld [tilespmem:s20+$0x5130]  }
0x122: {  	v5 =	vld [tilespmem:s20+$0x6130]  }
0x123: {  	v6 =	vld [tilespmem:s20+$0x5100]  }
0x124: {  	v7 =	vld [tilespmem:s20+$0x6100]  }
0x125: {  	v2 =	vld [tilespmem:s20+$0x5110]  }
0x126: {  	v4 =	vld [tilespmem:s20+$0x6110]  }
0x127: {  	v1 =	vld [tilespmem:s20+$0x5120];
	v8 =	vmul.f32 v5, v3  }
0x128: {  	s23 =	simm.s32 $0x40;
	v5 =	vld [tilespmem:s20+$0x6120]  }
0x129: {  	s24 =	simm.s32 $0x200;
	v3 =	vld [tilespmem:s23+$0x5130];
	v6 =	vmul.f32 v7, v6;
	[tilespmem:s20+$0x7130] =	vst v8  }
.LBB2_14:
0x12a: {  	p0 =	sne.s32 s24, $0x1F00;
	v7 =	vld [tilespmem:s23+$0x6130]  }
0x12b: {  	v8 =	vld [tilespmem:s23+$0x5100];
	[tilespmem:s20+$0x7100] =	vst v6;
	v4 =	vmul.f32 v4, v2  }
0x12c: {  	v6 =	vld [tilespmem:s23+$0x6100]  }
.Ltmp6:
0x12d: {  	v2 =	vld [tilespmem:s23+$0x5110];
	[tilespmem:s20+$0x7110] =	vst v4;
	v5 =	vmul.f32 v5, v1;
	(pc) =	sbr.rel @p0 .LBB2_14-.Ltmp6, $4  }
0x12e: {  	v4 =	vld [tilespmem:s23+$0x6110]  }
0x12f: {  	v1 =	vld [tilespmem:s23+$0x5120];
	v7 =	vmul.f32 v7, v3;
	[tilespmem:s20+$0x7120] =	vst v5;
	s20 =	smov.u32 s23  }
0x130: {  	s23 =	sshra.s32 s24, $0x2;
	v5 =	vld [tilespmem:s20+$0x6120]  }
0x131: {  	s24 =	sadd.s32 $0x100, s24;
	v3 =	vld [tilespmem:s23+$0x5130];
	v6 =	vmul.f32 v6, v8;
	[tilespmem:s20+$0x7130] =	vst v7  }
0x132: {  	v7 =	vld [tilespmem:s23+$0x6130]  }
0x133: {  	v8 =	vld [tilespmem:s23+$0x5100];
	[tilespmem:s20+$0x7100] =	vst v6;
	v2 =	vmul.f32 v4, v2  }
0x134: {  	v4 =	vld [tilespmem:s23+$0x6100]  }
0x135: {  	v6 =	vld [tilespmem:s23+$0x5110];
	[tilespmem:s20+$0x7110] =	vst v2;
	v1 =	vmul.f32 v5, v1  }
0x136: {  	v2 =	vld [tilespmem:s23+$0x6110]  }
0x137: {  	v5 =	vld [tilespmem:s23+$0x5120];
	[tilespmem:s20+$0x7120] =	vst v1  }
0x138: {  	v1 =	vld [tilespmem:s23+$0x6120];
	_ =	sdelay $0x1  }
0x139: {  	v3 =	vmul.f32 v7, v3  }
0x13a: {  	v4 =	vmul.f32 v4, v8  }
0x13b: {  	[tilespmem:s23+$0x7130] =	vst v3;
	v2 =	vmul.f32 v2, v6  }
0x13c: {  	[tilespmem:s23+$0x7100] =	vst v4;
	v1 =	vmul.f32 v1, v5  }
0x13d: {  	[tilespmem:s23+$0x7110] =	vst v2  }
0x13e: {  	[tilespmem:s23+$0x7120] =	vst v1  }
0x13f: {  	[spmem:s3] =	stream.indirect.scatter.add.f32 [tilespmem:s18], [sflag:$0x4], $0x1, s1, s13, $0xb8;
	[tilespmem:$0x9180] =	vst v63  }
0x140: {  	_ =	swait.ge [sflag:s29], $0x800  }
0x141: {  	[sflag:s29] =	ssyncset.done $0x0  }
0x142: {  	[sflag:s29] =	ssyncadd.s32 $0xFFFFF800  }
0x143: {  	_ =	swait.ge [sflag:s15], $0x800  }
0x144: {  	[sflag:s15] =	ssyncset.done $0x0  }
0x145: {  	s20 =	simm.s32 $0x0;
	[sflag:s15] =	ssyncadd.s32 $0xFFFFF800  }
0x146: {  	v3 =	vld [tilespmem:s20+$0x5930]  }
0x147: {  	v5 =	vld [tilespmem:s20+$0x6930]  }
0x148: {  	v6 =	vld [tilespmem:s20+$0x5900]  }
0x149: {  	v7 =	vld [tilespmem:s20+$0x6900]  }
0x14a: {  	v2 =	vld [tilespmem:s20+$0x5910]  }
0x14b: {  	v4 =	vld [tilespmem:s20+$0x6910]  }
0x14c: {  	v1 =	vld [tilespmem:s20+$0x5920];
	v8 =	vmul.f32 v5, v3  }
0x14d: {  	s23 =	simm.s32 $0x40;
	v5 =	vld [tilespmem:s20+$0x6920]  }
0x14e: {  	s24 =	simm.s32 $0x200;
	v3 =	vld [tilespmem:s23+$0x5930];
	v6 =	vmul.f32 v7, v6;
	[tilespmem:s20+$0x7130] =	vst v8  }
.LBB2_16:
0x14f: {  	p0 =	sne.s32 s24, $0x1F00;
	v7 =	vld [tilespmem:s23+$0x6930]  }
0x150: {  	v8 =	vld [tilespmem:s23+$0x5900];
	[tilespmem:s20+$0x7100] =	vst v6;
	v4 =	vmul.f32 v4, v2  }
0x151: {  	v6 =	vld [tilespmem:s23+$0x6900]  }
.Ltmp7:
0x152: {  	v2 =	vld [tilespmem:s23+$0x5910];
	[tilespmem:s20+$0x7110] =	vst v4;
	v5 =	vmul.f32 v5, v1;
	(pc) =	sbr.rel @p0 .LBB2_16-.Ltmp7, $4  }
0x153: {  	v4 =	vld [tilespmem:s23+$0x6910]  }
0x154: {  	v1 =	vld [tilespmem:s23+$0x5920];
	v7 =	vmul.f32 v7, v3;
	[tilespmem:s20+$0x7120] =	vst v5;
	s20 =	smov.u32 s23  }
0x155: {  	s23 =	sshra.s32 s24, $0x2;
	v5 =	vld [tilespmem:s20+$0x6920]  }
0x156: {  	s24 =	sadd.s32 $0x100, s24;
	v3 =	vld [tilespmem:s23+$0x5930];
	v6 =	vmul.f32 v6, v8;
	[tilespmem:s20+$0x7130] =	vst v7  }
0x157: {  	v7 =	vld [tilespmem:s23+$0x6930]  }
0x158: {  	v8 =	vld [tilespmem:s23+$0x5900];
	[tilespmem:s20+$0x7100] =	vst v6;
	v2 =	vmul.f32 v4, v2  }
0x159: {  	v62 =	vld [tilespmem:s23+$0x6900]  }
0x15a: {  	v6 =	vld [tilespmem:s23+$0x5910];
	[tilespmem:s20+$0x7110] =	vst v2;
	v1 =	vmul.f32 v5, v1  }
0x15b: {  	v2 =	vld [tilespmem:s23+$0x6910]  }
0x15c: {  	v63 =	vld [tilespmem:s23+$0x5920];
	[tilespmem:s20+$0x7120] =	vst v1  }
0x15d: {  	v1 =	vld [tilespmem:s23+$0x6920];
	_ =	sdelay $0x1  }
0x15e: {  	v3 =	vmul.f32 v7, v3  }
0x15f: {  	v4 =	vmul.f32 v62, v8  }
0x160: {  	[tilespmem:s23+$0x7130] =	vst v3;
	v2 =	vmul.f32 v2, v6  }
0x161: {  	[tilespmem:s23+$0x7100] =	vst v4;
	v1 =	vmul.f32 v1, v63  }
0x162: {  	[tilespmem:s23+$0x7110] =	vst v2  }
0x163: {  	[tilespmem:s23+$0x7120] =	vst v1  }
0x164: {  	[spmem:s3] =	stream.indirect.scatter.add.f32 [tilespmem:s18], [sflag:$0x4], $0x1, s8, s13, $0xb8;
	[tilespmem:$0x9180] =	vst v63  }
0x165: {  	_ =	swait.ge [sflag:s29], $0x800  }
0x166: {  	[sflag:s29] =	ssyncset.done $0x0  }
0x167: {  	[sflag:s29] =	ssyncadd.s32 $0xFFFFF800  }
0x168: {  	s24 =	simm.s32 $0x20;
	[bflag:$0x0] =	sbarrier.arrive $0xFFFF  }
0x169: {  	s25 =	simm.s32 $0x10;
	s23 =	sshrl.u32 s10, $0x3;
	s26 =	rddreg [dreg:$0xf]  }
0x16a: {  	[hbm:s26@s24], [sflag:s9] =	dma.strided [spmem:s23@s25], $0x310, s12, $0x10   }
0x16b: {  	_ =	swait.ge [sflag:s29], $0x310  }
0x16c: {  	s19 =	sadd.s32 $0x1, s19;
	s26 =	rddreg [dreg:$0x13]  }
0x16d: {  	p0 =	sne.s32 s19, s26  }
.Ltmp8:
0x16e: {  	_ = 	snop;
	(pc) =	sbr.rel @p0 .LBB2_1-.Ltmp8, $3  }
0x16f: {  	_ =	sdelay $0x1  }
0x170: {  	[sflag:s29] =	ssyncset.done $0x0  }
0x171: {  	[sflag:s29] =	ssyncadd.s32 $0xFFFFFCF0  }
0x172: {  	_ =	sfence.sel $0x180000  }
0x173: {  	[bflag:$0x0] =	sbarrier.arrive $0xFFFF  }
0x174: {  	_ =	strace $0x9000004D  }
0x175: {  	s0 =	stileid.u32;
	[bflag:$0x2] =	sbarrier.arrive $0xFFFF  }
0x176: {  	p0 =	sne.s32 s0, $0x0;
	s0 =	rddreg [dreg:$0x4]  }
0x177: {  	s0 =	sadd.s32 @!p0 $0x100000, s0  }
0x178: {  	[sflag:s0] =	ssyncadd.tile.s32 @!p0 $0x1;
	_ =	shalt  }
.Lfunc_end2:
_tile_overlayer_lowered:
.L_overlay_start_2:
0x179: {  	(tag) =	ssettag $0x2  }
0x17a: {  	s0 =	rddreg [dreg:$0x0];
	s2 =	stileid.u32  }
0x17b: {  	s1 =	rddreg [dreg:$0x1];
	p0 =	sne.s32 s2, $0x0  }
0x17c: {  	s3 =	rddreg [dreg:$0x2];
	[bflag:$0x3] =	sbarrier.arrive $0xFFFF;
	s2 =	simm.s32 @!p0 $0x1C04  }
0x17d: {  	[timem:s3], [sflag:s2] =	dma.local @!p0 [hbm:s0], s1  }
0x17e: {  	s0 =	simm.s32 @!p0 $0x4  }
0x17f: {  	_ =	swait.ge @!p0 [sflag:s0], s1  }
0x180: {  	s1 =	ssub.s32 @!p0 $0x0, s1;
	[sflag:s0] =	ssyncset.done @!p0 $0x0  }
0x181: {  	[sflag:s0] =	ssyncadd.s32 @!p0 s1  }
0x182: {  	[bflag:$0x3] =	sbarrier.arrive $0xFFFF  }
0x183: {  	_ =	shalt  }

// kernel: kernel.19.cloned.1.call-start
scs
__scs_entry_jumppad:
0x0: {  	(pc) =	sbr.rel $0x88, $3  }
0x1: {  	(tag) =	ssettag $0x0;
	lr =	simm.s32 $0x1  }
0x2: {  	[smem:$0x3F9C] =	sst lr;
	_ =	strace $0xD0000000  }
0x3: {  	_ = 	snop  }
0x4: {  	_ = 	snop  }
0x5: {  	_ = 	snop  }
0x6: {  	_ = 	snop  }
0x7: {  	_ = 	snop  }
__scs_overlays_trampoline_lowered:
0x8: {  	[smem:$0x3FAB] =	sst s0  }
0x9: {  	[smem:$0x3FAC] =	sst s1  }
0xa: {  	[smem:$0x3FAD] =	sst s2  }
0xb: {  	[smem:$0x3FAE] =	sst s3  }
0xc: {  	[smem:$0x3FAF] =	sst s4  }
0xd: {  	[smem:$0x3FB0] =	sst s5  }
0xe: {  	[smem:$0x3FB1] =	sst s6  }
0xf: {  	[smem:$0x3FB2] =	sst s7  }
0x10: {  	[smem:$0x3FB3] =	sst s8  }
0x11: {  	[smem:$0x3FB4] =	sst s9;
	s0 =	simm.s32 @!p0 $0x0  }
0x12: {  	s1 =	sld [smem:$0x3F9A];
	s0 =	simm.s32 @p0 $0x1  }
0x13: {  	[smem:$0x3FB5] =	sst s0;
	s0 =	simm.s32 @!p1 $0x0  }
0x14: {  	s2 =	sld [smem:$0x3F99];
	s0 =	simm.s32 @p1 $0x1  }
0x15: {  	[smem:$0x3FB6] =	sst s0;
	s0 =	simm.s32 @!p2 $0x0  }
0x16: {  	s3 =	sld [smem:$0x3FDB];
	s0 =	simm.s32 @p2 $0x1  }
0x17: {  	s4 =	simm.s32 $0x1BF5;
	[smem:$0x3FB8] =	sst s0  }
0x18: {  	s0 =	sld [smem:$0x3F9B];
	_ =	swait.ge [sflag:s4], $0x0  }
0x19: {  	s7 =	sld [smem:$0x3F9C]  }
0x1a: {  	s8 =	sadd.s32 $0xFFFFE003, lr  }
0x1b: {  	s9 =	sadd.s32 $0xFFFFFEF7, lr;
	s5 =	simm.s32 $0xFFFFFFFF;
	p2 =	slt.u32 s8, $0xFFFFF086  }
0x1c: {  	p1 =	slt.u32 s9, $0xF7A;
	s5 =	simm.s32 @!p2 $0x0  }
0x1d: {  	s5 =	simm.s32 @p1 $0x1;
	p0 =	seq.s32 s7, s2  }
0x1e: {  	s7 =	smul.u32 @!p0 $0xF7A, s2;
	p2 =	seq.s32 @!p0 s5, $0x0  }
0x1f: {  	s9 =	smul.u32 $0xF7A, s1;
	s8 =	simm.s32 @!p0 $0x1BF5;
	p2 =	por !p2, p0  }
0x20: {  	[sflag:s8] =	ssyncset.s32 @!p0 $0xFFFFF086;
	s6 =	sadd.s32 @!p0 s3, s7;
	s7 =	simm.s32 @!p0 $0x108  }
0x21: {  	s3 =	sadd.s32 s3, s9;
	s6 =	sadd.s32 @!p0 $0x88, s6;
	s7 =	simm.s32 @p2 $0x1082  }
0x22: {  	[simem:s7], [sflag:s8] =	dma.local @!p0 [hbm:s6], $0xF7A  }
0x23: {  	s9 =	sor.u32 $0xD0000000, s2;
	s6 =	simm.s32 $0x108;
	_ =	swait.ge @!p0 [sflag:s8], $0x0  }
0x24: {  	s3 =	sadd.s32 $0x88, s3;
	s6 =	simm.s32 @!p1 $0x1082;
	[sflag:s4] =	ssyncset.s32 $0xFFFFF086  }
0x25: {  	[simem:s6], [sflag:s4] =	dma.local [hbm:s3], $0xF7A  }
0x26: {  	[smem:$0x3F9C] =	sst s1;
	(tag) =	ssettag s2;
	_ =	strace s9  }
0x27: {  	s1 =	sld [smem:$0x3FAC]  }
0x28: {  	s2 =	sld [smem:$0x3FAD]  }
0x29: {  	s4 =	sld [smem:$0x3FAF]  }
0x2a: {  	p0 =	seq.s32 s5, $0x0;
	s5 =	sld [smem:$0x3FB0]  }
0x2b: {  	s6 =	sld [smem:$0x3FB1]  }
0x2c: {  	s7 =	sld [smem:$0x3FB2]  }
0x2d: {  	s3 =	simm.s32 $0x108;
	s8 =	sld [smem:$0x3FB3]  }
0x2e: {  	s3 =	simm.s32 @!p0 $0x1082;
	s9 =	sld [smem:$0x3FB4]  }
0x2f: {  	lr =	sadd.s32 s0, s3;
	s0 =	sld [smem:$0x3FAB]  }
0x30: {  	s3 =	sld [smem:$0x3FAE]  }
0x31: {  	[smem:$0x3FB7] =	sst s10  }
0x32: {  	s10 =	sld [smem:$0x3FB5];
	_ =	sdelay $0x3  }
0x33: {  	p0 =	seq.s32 s10, $0x1;
	s10 =	sld [smem:$0x3FB7];
	_ =	sdelay $0x3  }
0x34: {  	[smem:$0x3FB7] =	sst s10  }
0x35: {  	s10 =	sld [smem:$0x3FB6];
	_ =	sdelay $0x3  }
0x36: {  	p1 =	seq.s32 s10, $0x1;
	s10 =	sld [smem:$0x3FB7];
	_ =	sdelay $0x3  }
0x37: {  	[smem:$0x3FB7] =	sst s10  }
0x38: {  	s10 =	sld [smem:$0x3FB8]  }
0x39: {  	_ = 	snop;
	(pc) =	sbr.ind lr, $3  }
0x3a: {  	_ = 	snop  }
0x3b: {  	_ = 	snop  }
0x3c: {  	p2 =	seq.s32 s10, $0x1;
	s10 =	sld [smem:$0x3FB7]  }
0x3d: {  	_ =	shalt  }
0x3e: {  	_ =	shalt  }
0x3f: {  	_ =	shalt  }
0x40: {  	_ =	shalt  }
0x41: {  	_ =	shalt  }
0x42: {  	_ =	shalt  }
0x43: {  	_ =	shalt  }
0x44: {  	_ =	shalt  }
0x45: {  	_ =	shalt  }
0x46: {  	_ =	shalt  }
0x47: {  	_ =	shalt  }
0x48: {  	_ =	shalt  }
0x49: {  	_ =	shalt  }
0x4a: {  	_ =	shalt  }
0x4b: {  	_ =	shalt  }
0x4c: {  	_ =	shalt  }
0x4d: {  	_ =	shalt  }
0x4e: {  	_ =	shalt  }
0x4f: {  	_ =	shalt  }
0x50: {  	_ =	shalt  }
0x51: {  	_ =	shalt  }
0x52: {  	_ =	shalt  }
0x53: {  	_ =	shalt  }
0x54: {  	_ =	shalt  }
0x55: {  	_ =	shalt  }
0x56: {  	_ =	shalt  }
0x57: {  	_ =	shalt  }
0x58: {  	_ =	shalt  }
0x59: {  	_ =	shalt  }
0x5a: {  	_ =	shalt  }
0x5b: {  	_ =	shalt  }
0x5c: {  	_ =	shalt  }
0x5d: {  	_ =	shalt  }
0x5e: {  	_ =	shalt  }
0x5f: {  	_ =	shalt  }
0x60: {  	_ =	shalt  }
0x61: {  	_ =	shalt  }
0x62: {  	_ =	shalt  }
0x63: {  	_ =	shalt  }
0x64: {  	_ =	shalt  }
0x65: {  	_ =	shalt  }
0x66: {  	_ =	shalt  }
0x67: {  	_ =	shalt  }
0x68: {  	_ =	shalt  }
0x69: {  	_ =	shalt  }
0x6a: {  	_ =	shalt  }
0x6b: {  	_ =	shalt  }
0x6c: {  	_ =	shalt  }
0x6d: {  	_ =	shalt  }
0x6e: {  	_ =	shalt  }
0x6f: {  	_ =	shalt  }
0x70: {  	_ =	shalt  }
0x71: {  	_ =	shalt  }
0x72: {  	_ =	shalt  }
0x73: {  	_ =	shalt  }
0x74: {  	_ =	shalt  }
0x75: {  	_ =	shalt  }
0x76: {  	_ =	shalt  }
0x77: {  	_ =	shalt  }
0x78: {  	_ =	shalt  }
0x79: {  	_ =	shalt  }
0x7a: {  	_ =	shalt  }
0x7b: {  	_ =	shalt  }
0x7c: {  	_ =	shalt  }
0x7d: {  	_ =	shalt  }
0x7e: {  	_ =	shalt  }
0x7f: {  	_ =	shalt  }
0x80: {  	_ =	shalt  }
0x81: {  	_ =	shalt  }
0x82: {  	_ =	shalt  }
0x83: {  	_ =	shalt  }
0x84: {  	_ =	shalt  }
0x85: {  	_ =	shalt  }
0x86: {  	_ =	shalt  }
0x87: {  	_ =	shalt  }
.Lfunc_end0:
.L_simem_size_0:
called_computation.3_lowered:
.L_overlay_start_0:
0x88: {  	s2 =	sld [smem:$0x3FD9]  }
0x89: {  	s3 =	sld [smem:$0x3FFE];
	_ =	sdelay $0x1  }
0x8a: {  	s1 =	srdreg.scid  }
0x8b: {  	s0 =	sand.u32 $0x1, s1  }
0x8c: {  	s17 =	sshll.u32 s0, $0xA;
	s2 =	sadd.s32 s3, s2  }
0x8d: {  	s2 =	sadd.s32 s2, s17  }
0x8e: {  	[smem:$0x3FC3] =	sst s2  }
0x8f: {  	_ = 	snop  }
0x90: {  	s2 =	sld [smem:$0x3FD0];
	(tm) =	ssettm $0x1  }
0x91: {  	s18 =	sld [smem:$0x3FFB];
	_ =	sdelay $0x3  }
0x92: {  	_ =	strace s18  }
0x93: {  	s3 =	sld [smem:$0x3FFC];
	_ =	sdelay $0x3  }
0x94: {  	_ =	strace s3  }
0x95: {  	s3 =	sld [smem:$0x3FFD];
	_ =	sdelay $0x3  }
0x96: {  	_ =	strace s3  }
0x97: {  	_ =	strace $0x8FFFFFFF  }
0x98: {  	s19 =	sld [smem:$0x3FDB];
	_ =	sdelay $0x1  }
0x99: {  	s4 =	simm.s32 $_scs_section_size  }
0x9a: {  	s5 =	simm.s32 $_size__tile_overlayer_lowered;
	s6 =	simm.s32 $_tile_overlayer_lowered  }
0x9b: {  	s22 =	simm.s32 $0x1BFF;
	s21 =	sshll.u32 s6, $0x1;
	s3 =	sadd.s32 s4, s19  }
0x9c: {  	s7 =	simm.s32 $0x0;
	s20 =	sshll.u32 s5, $0x1;
	s5 =	sadd.s32 s21, s3  }
0x9d: {  	[timem:s7], [sflag:s22] =	dma.local [hbm:s5], s20  }
0x9e: {  	_ =	swait.ge [sflag:s22], s20  }
0x9f: {  	s4 =	ssub.s32 $0x0, s20;
	[sflag:s22] =	ssyncset.done $0x0  }
0xa0: {  	[sflag:s22] =	ssyncadd.s32 s4;
	_ =	sdelay $0x1  }
0xa1: {  	s23 =	simm.s32 $0x1B8B  }
0xa2: {  	_ =	swait.ge [sflag:s23], $0x1  }
0xa3: {  	[sflag:s23] =	ssyncset.done $0x0  }
0xa4: {  	s25 =	simm.s32 $0x1B8E;
	s24 =	sld [smem:$0x3FFE];
	[sflag:s23] =	ssyncadd.s32 $0xFFFFFFFF  }
0xa5: {  	s26 =	simm.s32 $execute0_lowered;
	[smem:$0x3FD2] =	sst s25  }
0xa6: {  	s5 =	sshll.u32 s26, $0x1;
	_ =	strace $0x8000004F;
	[dreg:$0x1] =	wrdreg $0xFFFFFFFF  }
0xa7: {  	s28 =	simm.s32 $_size_execute0_lowered;
	s3 =	sadd.s32 s3, s5;
	[dreg:$0x0] =	wrdreg $0x0  }
0xa8: {  	s5 =	sshll.u32 s28, $0x1;
	[dreg:$0x2] =	wrdreg s3  }
0xa9: {  	[dreg:$0x3] =	wrdreg s5  }
0xaa: {  	[dreg:$0x4] =	wrdreg $0xC0  }
0xab: {  	_ =	task [dreg:s7], $0x5FFFF  }
0xac: {  	[dreg:$0x1] =	wrdreg $0xFFFFFFFF  }
0xad: {  	[dreg:$0x0] =	wrdreg $0x60  }
0xae: {  	[dreg:$0x2] =	wrdreg s24  }
0xaf: {  	[dreg:$0x3] =	wrdreg s2  }
0xb0: {  	[dreg:$0x4] =	wrdreg $0x0  }
0xb1: {  	[dreg:$0x5] =	wrdreg $0x18800  }
0xb2: {  	[dreg:$0x6] =	wrdreg $0x9  }
0xb3: {  	_ =	task.clear_ibuf [dreg:s7], $0x7FFFF;
	_ =	strace $0x9000004F  }
0xb4: {  	s29 =	simm.s32 $0x9;
	_ =	strace $0x80000051  }
0xb5: {  	_ =	swait.ge [sflag:s29], $0x1  }
0xb6: {  	[sflag:s29] =	ssyncadd.s32 $0xFFFFFFFF  }
0xb7: {  	_ =	strace $0x90000051  }
0xb8: {  	_ =	sfence  }
0xb9: {  	s30 =	sld [smem:$0x0];
	_ =	sdelay $0x2  }
0xba: {  	s31 =	sshll.u32 s1, $0xD;
	s1 =	sshrl.u32 s1, $0x2  }
0xbb: {  	s3 =	sand.u32 $0x4000, s31;
	s1 =	sadd.s32 s1, s30  }
0xbc: {  	s0 =	sor.u32 s3, s0;
	s1 =	sshll.u32 s1, $0x11  }
0xbd: {  	s0 =	sor.u32 s1, s0  }
0xbe: {  	s0 =	sadd.s32 $0x8F2B, s0  }
0xbf: {  	[sflag:s0] =	ssyncadd.remote.s32 $0x1  }
0xc0: {  	_ =	sfence.sel $0xFFFF  }
0xc1: {  	[dreg:$0x0] =	wrdreg $0xFFFFFFFF;
	(pc) =	sbr.abs _section_cstart, $3  }
0xc2: {  	[dreg:$0x1] =	wrdreg $0xFFFFFFFF  }
0xc3: {  	_ =	task.clear_ibuf [dreg:s7], $0x2FFFF;
	_ =	strace $0x9FFFFFFF  }
0xc4: {  	(tm) =	ssettm $0x7FFFFFFF  }
0xc5: {  	_ =	shalt  }
tec
execute0_lowered:
.L_overlay_start_1:
0x0: {  	(tag) =	ssettag $0x1  }
0x1: {  	s0 =	rddreg [dreg:$0x0]  }
0x2: {  	s1 =	rddreg [dreg:$0x1]  }
0x3: {  	s2 =	rddreg [dreg:$0x2];
	s15 =	stileid.u32  }
0x4: {  	s3 =	rddreg [dreg:$0x3];
	s4 =	simm.s32 $0x0;
	s6 =	srdreg.scid  }
0x5: {  	s29 =	simm.s32 $0x4;
	s31 =	simm.s32 $0x3100;
	s30 =	simm.s32 $0x3900  }
0x6: {  	s8 =	smul.u32 $0x1880, s15;
	[smem:$0x7FF] =	sst s4;
	s11 =	sand.u32 $0x1, s6  }
0x7: {  	s6 =	sadd.s32 $0x65E00, s0;
	s25 =	sshll.u32 s15, $0x6;
	_ =	strace $0x80000050  }
0x8: {  	s10 =	ssub.s32 $0x2, s11;
	s7 =	sshll.u32 s11, $0x4;
	s11 =	sshll.u32 s11, $0x7  }
0x9: {  	s5 =	sshrl.u32 s8, $0x3;
	s12 =	sshrl.u32 s10, $0x1;
	s13 =	sor.u32 s15, s7  }
0xa: {  	s7 =	sadd.s32 $0xC9E00, s0;
	s15 =	smul.u32 $0x3100, s15;
	s9 =	sadd.s32 s5, s0  }
0xb: {  	s5 =	sadd.s32 $0x1E00, s0;
	s0 =	ssub.s32 s10, s12;
	s12 =	smul.u32 $0x19000, s13  }
0xc: {  	s13 =	sadd.s32 s8, s2;
	s10 =	sadd.s32 s8, s3;
	s9 =	sadd.s32 $0x137400, s9  }
0xd: {  	s11 =	sor.u32 s11, s15;
	s0 =	smax.u32 s0, $0x1;
	s28 =	sshrl.u32 s13, $0x3  }
0xe: {  	s13 =	simm.s32 $0x800;
	[dreg:$0x5] =	wrdreg s9;
	s26 =	sshrl.u32 s12, $0x3  }
0xf: {  	s15 =	simm.s32 $0x3;
	[dreg:$0x13] =	wrdreg s0;
	s14 =	sadd.s32 s5, s26  }
0x10: {  	s9 =	sor.u32 $0x1C04, s25;
	s17 =	sadd.s32 s6, s26;
	[dreg:$0x6] =	wrdreg s14  }
0x11: {  	s11 =	sshrl.u32 s11, $0x3;
	s16 =	sadd.s32 s7, s26;
	[dreg:$0x7] =	wrdreg s17  }
0x12: {  	s18 =	sor.u32 $0x100, s26;
	s1 =	sadd.s32 s1, s11;
	[dreg:$0x8] =	wrdreg s16  }
0x13: {  	s0 =	simm.s32 $0x5100;
	s19 =	sadd.s32 s5, s18;
	[dreg:$0xf] =	wrdreg s1  }
0x14: {  	s21 =	sadd.s32 $0x200, s26;
	s20 =	sadd.s32 s6, s18;
	[dreg:$0x9] =	wrdreg s19  }
0x15: {  	s25 =	sadd.s32 $0x3100, s26;
	s14 =	sadd.s32 s7, s18;
	[dreg:$0xa] =	wrdreg s20  }
0x16: {  	s11 =	simm.s32 $0x5900;
	s22 =	sadd.s32 s5, s21;
	[dreg:$0xb] =	wrdreg s14  }
0x17: {  	s23 =	sadd.s32 s6, s21;
	s24 =	sadd.s32 s7, s21;
	[dreg:$0xc] =	wrdreg s22  }
0x18: {  	s21 =	sadd.s32 $0x1800, s12;
	s8 =	sadd.s32 s5, s25;
	[dreg:$0xd] =	wrdreg s23  }
0x19: {  	s26 =	sadd.s32 s6, s25;
	s1 =	sadd.s32 s7, s25;
	[dreg:$0xe] =	wrdreg s24  }
0x1a: {  	s16 =	simm.s32 $0x2;
	s17 =	simm.s32 $0x6900;
	[dreg:$0x10] =	wrdreg s8  }
0x1b: {  	s18 =	simm.s32 $0x7100;
	s22 =	sadd.s32 $0x2000, s12;
	[dreg:$0x11] =	wrdreg s26  }
0x1c: {  	[dreg:$0x12] =	wrdreg s1;
	s1 =	simm.s32 $0x4100;
	s8 =	simm.s32 $0x4900  }
0x1d: {  	v0 =	vimm.f32 $0.0e+00;
	s12 =	simm.s32 $0x1;
	s14 =	simm.s32 $0x6100;
	s19 =	simm.s32 $0x0  }
.LBB2_1:
0x1e: {  	s20 =	rddreg [dreg:$0x5]  }
0x1f: {  	[spmem:s28], [sflag:s9] =	dma.local [hbm:s20], $0x310  }
0x20: {  	_ =	swait.ge [sflag:s29], $0x310  }
0x21: {  	[sflag:s29] =	ssyncset.done $0x0  }
0x22: {  	s23 =	simm.s32 $0x0;
	s20 =	simm.s32 $0x40;
	[sflag:s29] =	ssyncadd.s32 $0xFFFFFCF0  }
.LBB2_2:
0x23: {  	p0 =	sne.s32 s20, $0x61C0;
	[tilespmem:s23+$0x7900] =	vst v0;
	s23 =	smov.u32 s20;
	s20 =	sadd.s32 $0x40, s20  }
.Ltmp0:
0x24: {  	(pc) =	sbr.rel @p0 .LBB2_2-.Ltmp0, $2  }
0x25: {  	_ =	sdelay $0x2  }
0x26: {  	s23 =	sshra.s32 s23, $0x2  }
0x27: {  	[tilespmem:s23+$0x7900] =	vst v0;
	s20 =	simm.s32 $0x7900  }
0x28: {  	[spmem:s10] =	stream.linear.scatter [tilespmem:s20], [sflag:$0x4], $0x1880, $0x38;
	[tilespmem:$0x9180] =	vst v63  }
0x29: {  	_ =	swait.ge [sflag:s29], $0x1880  }
0x2a: {  	[sflag:s29] =	ssyncset.done $0x0  }
0x2b: {  	[sflag:s29] =	ssyncadd.s32 $0xFFFFE780  }
0x2c: {  	[bflag:$0x0] =	sbarrier.arrive $0xFFFF  }
0x2d: {  	s20 =	simm.s32 $0x0;
	s24 =	rddreg [dreg:$0x6]  }
0x2e: {  	[tilespmem:s31], [sflag:$0x1] =	stream.linear.gather [hbm4b:s24+s20], $0x800, $0x38;
	[tilespmem:$0x9180] =	vst v63  }
0x2f: {  	s25 =	rddreg [dreg:$0x7]  }
0x30: {  	[tilespmem:s1], [sflag:$0x1] =	stream.linear.gather [hbm4b:s25+s20], $0x800, $0x38;
	[tilespmem:$0x9180] =	vst v63  }
0x31: {  	s26 =	rddreg [dreg:$0x8]  }
0x32: {  	[tilespmem:s0], [sflag:$0x1] =	stream.linear.gather [hbm4b:s26+s20], $0x800, $0x38;
	[tilespmem:$0x9180] =	vst v63  }
0x33: {  	s24 =	rddreg [dreg:$0x9]  }
0x34: {  	[tilespmem:s30], [sflag:$0x2] =	stream.linear.gather [hbm4b:s24+s20], $0x800, $0x38;
	[tilespmem:$0x9180] =	vst v63  }
0x35: {  	s25 =	rddreg [dreg:$0xa]  }
0x36: {  	[tilespmem:s8], [sflag:$0x2] =	stream.linear.gather [hbm4b:s25+s20], $0x800, $0x38;
	[tilespmem:$0x9180] =	vst v63  }
0x37: {  	s26 =	rddreg [dreg:$0xb]  }
0x38: {  	[tilespmem:s11], [sflag:$0x2] =	stream.linear.gather [hbm4b:s26+s20], $0x800, $0x38;
	[tilespmem:$0x9180] =	vst v63  }
0x39: {  	_ =	swait.ge [sflag:s12], $0x800  }
0x3a: {  	[sflag:s12] =	ssyncset.done $0x0  }
0x3b: {  	[sflag:s12] =	ssyncadd.s32 $0xFFFFF800  }
0x3c: {  	_ =	swait.ge [sflag:s12], $0x800  }
0x3d: {  	[sflag:s12] =	ssyncset.done $0x0  }
0x3e: {  	[sflag:s12] =	ssyncadd.s32 $0xFFFFF800  }
0x3f: {  	_ =	swait.ge [sflag:s12], $0x800  }
0x40: {  	[sflag:s12] =	ssyncset.done $0x0  }
0x41: {  	[sflag:s12] =	ssyncadd.s32 $0xFFFFF800  }
0x42: {  	[tilespmem:s14], [sflag:$0x3] =	stream.indirect.gather [spmem:s2], $0x1, s31, s13, $0xb8;
	[tilespmem:$0x9180] =	vst v63  }
0x43: {  	_ =	swait.ge [sflag:s15], $0x800  }
0x44: {  	[sflag:s15] =	ssyncset.done $0x0  }
0x45: {  	[sflag:s15] =	ssyncadd.s32 $0xFFFFF800  }
0x46: {  	_ =	swait.ge [sflag:s16], $0x800  }
0x47: {  	[sflag:s16] =	ssyncset.done $0x0  }
0x48: {  	[sflag:s16] =	ssyncadd.s32 $0xFFFFF800  }
0x49: {  	_ =	swait.ge [sflag:s16], $0x800  }
0x4a: {  	[sflag:s16] =	ssyncset.done $0x0  }
0x4b: {  	[sflag:s16] =	ssyncadd.s32 $0xFFFFF800  }
0x4c: {  	_ =	swait.ge [sflag:s16], $0x800  }
0x4d: {  	[sflag:s16] =	ssyncset.done $0x0  }
0x4e: {  	s20 =	simm.s32 $0x0;
	[sflag:s16] =	ssyncadd.s32 $0xFFFFF800  }
0x4f: {  	[tilespmem:s17], [sflag:$0x3] =	stream.indirect.gather [spmem:s2], $0x1, s30, s13, $0xb8;
	[tilespmem:$0x9180] =	vst v63  }
0x50: {  	v3 =	vld [tilespmem:s20+$0x5130]  }
0x51: {  	v5 =	vld [tilespmem:s20+$0x6130]  }
0x52: {  	v6 =	vld [tilespmem:s20+$0x5100]  }
0x53: {  	v7 =	vld [tilespmem:s20+$0x6100]  }
0x54: {  	v2 =	vld [tilespmem:s20+$0x5110]  }
0x55: {  	v4 =	vld [tilespmem:s20+$0x6110]  }
0x56: {  	v1 =	vld [tilespmem:s20+$0x5120];
	v8 =	vmul.f32 v5, v3  }
0x57: {  	s23 =	simm.s32 $0x40;
	v5 =	vld [tilespmem:s20+$0x6120]  }
0x58: {  	s24 =	simm.s32 $0x200;
	v3 =	vld [tilespmem:s23+$0x5130];
	v6 =	vmul.f32 v7, v6;
	[tilespmem:s20+$0x7130] =	vst v8  }
.LBB2_4:
0x59: {  	p0 =	sne.s32 s24, $0x1F00;
	v7 =	vld [tilespmem:s23+$0x6130]  }
0x5a: {  	v8 =	vld [tilespmem:s23+$0x5100];
	[tilespmem:s20+$0x7100] =	vst v6;
	v4 =	vmul.f32 v4, v2  }
0x5b: {  	v6 =	vld [tilespmem:s23+$0x6100]  }
.Ltmp1:
0x5c: {  	v2 =	vld [tilespmem:s23+$0x5110];
	[tilespmem:s20+$0x7110] =	vst v4;
	v5 =	vmul.f32 v5, v1;
	(pc) =	sbr.rel @p0 .LBB2_4-.Ltmp1, $4  }
0x5d: {  	v4 =	vld [tilespmem:s23+$0x6110]  }
0x5e: {  	v1 =	vld [tilespmem:s23+$0x5120];
	v7 =	vmul.f32 v7, v3;
	[tilespmem:s20+$0x7120] =	vst v5;
	s20 =	smov.u32 s23  }
0x5f: {  	s23 =	sshra.s32 s24, $0x2;
	v5 =	vld [tilespmem:s20+$0x6120]  }
0x60: {  	s24 =	sadd.s32 $0x100, s24;
	v3 =	vld [tilespmem:s23+$0x5130];
	v6 =	vmul.f32 v6, v8;
	[tilespmem:s20+$0x7130] =	vst v7  }
0x61: {  	v7 =	vld [tilespmem:s23+$0x6130]  }
0x62: {  	v8 =	vld [tilespmem:s23+$0x5100];
	[tilespmem:s20+$0x7100] =	vst v6;
	v2 =	vmul.f32 v4, v2  }
0x63: {  	v62 =	vld [tilespmem:s23+$0x6100]  }
0x64: {  	v6 =	vld [tilespmem:s23+$0x5110];
	[tilespmem:s20+$0x7110] =	vst v2;
	v1 =	vmul.f32 v5, v1  }
0x65: {  	v2 =	vld [tilespmem:s23+$0x6110]  }
0x66: {  	v63 =	vld [tilespmem:s23+$0x5120];
	[tilespmem:s20+$0x7120] =	vst v1  }
0x67: {  	v1 =	vld [tilespmem:s23+$0x6120];
	_ =	sdelay $0x1  }
0x68: {  	v3 =	vmul.f32 v7, v3  }
0x69: {  	v4 =	vmul.f32 v62, v8  }
0x6a: {  	[tilespmem:s23+$0x7130] =	vst v3;
	v2 =	vmul.f32 v2, v6  }
0x6b: {  	[tilespmem:s23+$0x7100] =	vst v4;
	v1 =	vmul.f32 v1, v63  }
0x6c: {  	[tilespmem:s23+$0x7110] =	vst v2  }
0x6d: {  	[tilespmem:s23+$0x7120] =	vst v1  }
0x6e: {  	[spmem:s3] =	stream.indirect.scatter.add.f32 [tilespmem:s18], [sflag:$0x4], $0x1, s1, s13, $0xb8;
	[tilespmem:$0x9180] =	vst v63  }
0x6f: {  	_ =	swait.ge [sflag:s29], $0x800  }
0x70: {  	[sflag:s29] =	ssyncset.done $0x0  }
0x71: {  	s20 =	simm.s32 $0x0;
	s24 =	rddreg [dreg:$0xc];
	[sflag:s29] =	ssyncadd.s32 $0xFFFFF800  }
0x72: {  	[tilespmem:s31], [sflag:$0x1] =	stream.linear.gather [hbm4b:s24+s20], $0x800, $0x38;
	[tilespmem:$0x9180] =	vst v63  }
0x73: {  	s25 =	rddreg [dreg:$0xd]  }
0x74: {  	[tilespmem:s1], [sflag:$0x1] =	stream.linear.gather [hbm4b:s25+s20], $0x800, $0x38;
	[tilespmem:$0x9180] =	vst v63  }
0x75: {  	s26 =	rddreg [dreg:$0xe]  }
0x76: {  	[tilespmem:s0], [sflag:$0x1] =	stream.linear.gather [hbm4b:s26+s20], $0x800, $0x38;
	[tilespmem:$0x9180] =	vst v63  }
.LBB2_6:
0x77: {  	_ =	swait.ge [sflag:s15], $0x800  }
0x78: {  	[sflag:s15] =	ssyncset.done $0x0  }
0x79: {  	[sflag:s15] =	ssyncadd.s32 $0xFFFFF800  }
0x7a: {  	_ =	swait.ge [sflag:s12], $0x800  }
0x7b: {  	[sflag:s12] =	ssyncset.done $0x0  }
0x7c: {  	[sflag:s12] =	ssyncadd.s32 $0xFFFFF800  }
0x7d: {  	_ =	swait.ge [sflag:s12], $0x800  }
0x7e: {  	[sflag:s12] =	ssyncset.done $0x0  }
0x7f: {  	[sflag:s12] =	ssyncadd.s32 $0xFFFFF800  }
0x80: {  	_ =	swait.ge [sflag:s12], $0x800  }
0x81: {  	[sflag:s12] =	ssyncset.done $0x0  }
0x82: {  	s23 =	simm.s32 $0x0;
	[sflag:s12] =	ssyncadd.s32 $0xFFFFF800  }
0x83: {  	[tilespmem:s14], [sflag:$0x3] =	stream.indirect.gather [spmem:s2], $0x1, s31, s13, $0xb8;
	[tilespmem:$0x9180] =	vst v63  }
0x84: {  	v3 =	vld [tilespmem:s23+$0x5930]  }
0x85: {  	v5 =	vld [tilespmem:s23+$0x6930]  }
0x86: {  	v6 =	vld [tilespmem:s23+$0x5900]  }
0x87: {  	v7 =	vld [tilespmem:s23+$0x6900]  }
0x88: {  	v2 =	vld [tilespmem:s23+$0x5910]  }
0x89: {  	v4 =	vld [tilespmem:s23+$0x6910]  }
0x8a: {  	v1 =	vld [tilespmem:s23+$0x5920];
	v8 =	vmul.f32 v5, v3  }
0x8b: {  	s24 =	simm.s32 $0x40;
	v5 =	vld [tilespmem:s23+$0x6920]  }
0x8c: {  	s25 =	simm.s32 $0x200;
	v3 =	vld [tilespmem:s24+$0x5930];
	v6 =	vmul.f32 v7, v6;
	[tilespmem:s23+$0x7130] =	vst v8  }
.LBB2_7:
0x8d: {  	p0 =	sne.s32 s25, $0x1F00;
	v7 =	vld [tilespmem:s24+$0x6930]  }
0x8e: {  	v8 =	vld [tilespmem:s24+$0x5900];
	[tilespmem:s23+$0x7100] =	vst v6;
	v4 =	vmul.f32 v4, v2  }
0x8f: {  	v6 =	vld [tilespmem:s24+$0x6900]  }
.Ltmp2:
0x90: {  	v2 =	vld [tilespmem:s24+$0x5910];
	[tilespmem:s23+$0x7110] =	vst v4;
	v5 =	vmul.f32 v5, v1;
	(pc) =	sbr.rel @p0 .LBB2_7-.Ltmp2, $4  }
0x91: {  	v4 =	vld [tilespmem:s24+$0x6910]  }
0x92: {  	v1 =	vld [tilespmem:s24+$0x5920];
	v7 =	vmul.f32 v7, v3;
	[tilespmem:s23+$0x7120] =	vst v5;
	s23 =	smov.u32 s24  }
0x93: {  	s24 =	sshra.s32 s25, $0x2;
	v5 =	vld [tilespmem:s23+$0x6920]  }
0x94: {  	s25 =	sadd.s32 $0x100, s25;
	v3 =	vld [tilespmem:s24+$0x5930];
	v6 =	vmul.f32 v6, v8;
	[tilespmem:s23+$0x7130] =	vst v7  }
0x95: {  	v7 =	vld [tilespmem:s24+$0x6930]  }
0x96: {  	v8 =	vld [tilespmem:s24+$0x5900];
	[tilespmem:s23+$0x7100] =	vst v6;
	v2 =	vmul.f32 v4, v2  }
0x97: {  	v4 =	vld [tilespmem:s24+$0x6900]  }
0x98: {  	v6 =	vld [tilespmem:s24+$0x5910];
	[tilespmem:s23+$0x7110] =	vst v2;
	v1 =	vmul.f32 v5, v1  }
0x99: {  	v2 =	vld [tilespmem:s24+$0x6910]  }
0x9a: {  	v5 =	vld [tilespmem:s24+$0x5920];
	[tilespmem:s23+$0x7120] =	vst v1  }
0x9b: {  	v1 =	vld [tilespmem:s24+$0x6920];
	_ =	sdelay $0x1  }
0x9c: {  	v3 =	vmul.f32 v7, v3  }
0x9d: {  	v4 =	vmul.f32 v4, v8  }
0x9e: {  	[tilespmem:s24+$0x7130] =	vst v3;
	v2 =	vmul.f32 v2, v6  }
0x9f: {  	[tilespmem:s24+$0x7100] =	vst v4;
	v1 =	vmul.f32 v1, v5  }
0xa0: {  	[tilespmem:s24+$0x7110] =	vst v2  }
0xa1: {  	s23 =	sshll.u32 s20, $0xC;
	[tilespmem:s24+$0x7120] =	vst v1  }
0xa2: {  	[spmem:s3] =	stream.indirect.scatter.add.f32 [tilespmem:s18], [sflag:$0x4], $0x1, s8, s13, $0xb8;
	[tilespmem:$0x9180] =	vst v63  }
0xa3: {  	s26 =	sadd.s32 s23, s21;
	_ =	swait.ge [sflag:s29], $0x800  }
0xa4: {  	s24 =	sshrl.u32 s26, $0x3;
	[sflag:s29] =	ssyncset.done $0x0  }
0xa5: {  	s26 =	simm.s32 $0x0;
	s25 =	sadd.s32 s5, s24;
	[sflag:s29] =	ssyncadd.s32 $0xFFFFF800  }
0xa6: {  	[tilespmem:s30], [sflag:$0x2] =	stream.linear.gather [hbm4b:s25+s26], $0x800, $0x38;
	[tilespmem:$0x9180] =	vst v63  }
0xa7: {  	s25 =	sadd.s32 s6, s24  }
0xa8: {  	[tilespmem:s8], [sflag:$0x2] =	stream.linear.gather [hbm4b:s25+s26], $0x800, $0x38;
	[tilespmem:$0x9180] =	vst v63  }
0xa9: {  	s24 =	sadd.s32 s7, s24  }
0xaa: {  	[tilespmem:s11], [sflag:$0x2] =	stream.linear.gather [hbm4b:s24+s26], $0x800, $0x38;
	[tilespmem:$0x9180] =	vst v63  }
0xab: {  	_ =	swait.ge [sflag:s15], $0x800  }
0xac: {  	[sflag:s15] =	ssyncset.done $0x0  }
0xad: {  	[sflag:s15] =	ssyncadd.s32 $0xFFFFF800  }
0xae: {  	_ =	swait.ge [sflag:s16], $0x800  }
0xaf: {  	[sflag:s16] =	ssyncset.done $0x0  }
0xb0: {  	[sflag:s16] =	ssyncadd.s32 $0xFFFFF800  }
0xb1: {  	_ =	swait.ge [sflag:s16], $0x800  }
0xb2: {  	[sflag:s16] =	ssyncset.done $0x0  }
0xb3: {  	[sflag:s16] =	ssyncadd.s32 $0xFFFFF800  }
0xb4: {  	_ =	swait.ge [sflag:s16], $0x800  }
0xb5: {  	[sflag:s16] =	ssyncset.done $0x0  }
0xb6: {  	s24 =	simm.s32 $0x0;
	[sflag:s16] =	ssyncadd.s32 $0xFFFFF800  }
0xb7: {  	[tilespmem:s17], [sflag:$0x3] =	stream.indirect.gather [spmem:s2], $0x1, s30, s13, $0xb8;
	[tilespmem:$0x9180] =	vst v63  }
0xb8: {  	v3 =	vld [tilespmem:s24+$0x5130]  }
0xb9: {  	v5 =	vld [tilespmem:s24+$0x6130]  }
0xba: {  	v6 =	vld [tilespmem:s24+$0x5100]  }
0xbb: {  	v7 =	vld [tilespmem:s24+$0x6100]  }
0xbc: {  	v2 =	vld [tilespmem:s24+$0x5110]  }
0xbd: {  	v4 =	vld [tilespmem:s24+$0x6110]  }
0xbe: {  	v1 =	vld [tilespmem:s24+$0x5120];
	v8 =	vmul.f32 v5, v3  }
0xbf: {  	s25 =	simm.s32 $0x40;
	v5 =	vld [tilespmem:s24+$0x6120]  }
0xc0: {  	s26 =	simm.s32 $0x200;
	v3 =	vld [tilespmem:s25+$0x5130];
	v6 =	vmul.f32 v7, v6;
	[tilespmem:s24+$0x7130] =	vst v8  }
.LBB2_9:
0xc1: {  	p0 =	sne.s32 s26, $0x1F00;
	v7 =	vld [tilespmem:s25+$0x6130]  }
0xc2: {  	v8 =	vld [tilespmem:s25+$0x5100];
	[tilespmem:s24+$0x7100] =	vst v6;
	v4 =	vmul.f32 v4, v2  }
0xc3: {  	v6 =	vld [tilespmem:s25+$0x6100]  }
.Ltmp3:
0xc4: {  	v2 =	vld [tilespmem:s25+$0x5110];
	[tilespmem:s24+$0x7110] =	vst v4;
	v5 =	vmul.f32 v5, v1;
	(pc) =	sbr.rel @p0 .LBB2_9-.Ltmp3, $4  }
0xc5: {  	v4 =	vld [tilespmem:s25+$0x6110]  }
0xc6: {  	v1 =	vld [tilespmem:s25+$0x5120];
	v7 =	vmul.f32 v7, v3;
	[tilespmem:s24+$0x7120] =	vst v5;
	s24 =	smov.u32 s25  }
0xc7: {  	s25 =	sshra.s32 s26, $0x2;
	v5 =	vld [tilespmem:s24+$0x6120]  }
0xc8: {  	s26 =	sadd.s32 $0x100, s26;
	v3 =	vld [tilespmem:s25+$0x5130];
	v6 =	vmul.f32 v6, v8;
	[tilespmem:s24+$0x7130] =	vst v7  }
0xc9: {  	v7 =	vld [tilespmem:s25+$0x6130]  }
0xca: {  	v8 =	vld [tilespmem:s25+$0x5100];
	[tilespmem:s24+$0x7100] =	vst v6;
	v2 =	vmul.f32 v4, v2  }
0xcb: {  	v62 =	vld [tilespmem:s25+$0x6100]  }
0xcc: {  	v6 =	vld [tilespmem:s25+$0x5110];
	[tilespmem:s24+$0x7110] =	vst v2;
	v1 =	vmul.f32 v5, v1  }
0xcd: {  	v2 =	vld [tilespmem:s25+$0x6110]  }
0xce: {  	v63 =	vld [tilespmem:s25+$0x5120];
	[tilespmem:s24+$0x7120] =	vst v1  }
0xcf: {  	v1 =	vld [tilespmem:s25+$0x6120];
	_ =	sdelay $0x1  }
0xd0: {  	v3 =	vmul.f32 v7, v3  }
0xd1: {  	v4 =	vmul.f32 v62, v8  }
0xd2: {  	[tilespmem:s25+$0x7130] =	vst v3;
	v2 =	vmul.f32 v2, v6  }
0xd3: {  	[tilespmem:s25+$0x7100] =	vst v4;
	v1 =	vmul.f32 v1, v63  }
0xd4: {  	[tilespmem:s25+$0x7110] =	vst v2  }
0xd5: {  	[tilespmem:s25+$0x7120] =	vst v1  }
0xd6: {  	[spmem:s3] =	stream.indirect.scatter.add.f32 [tilespmem:s18], [sflag:$0x4], $0x1, s1, s13, $0xb8;
	[tilespmem:$0x9180] =	vst v63  }
0xd7: {  	s23 =	sadd.s32 s23, s22;
	_ =	swait.ge [sflag:s29], $0x800  }
0xd8: {  	s20 =	sadd.s32 $0x1, s20;
	s23 =	sshrl.u32 s23, $0x3;
	[sflag:s29] =	ssyncset.done $0x0  }
0xd9: {  	p0 =	sne.s32 s20, $0x17;
	s25 =	sadd.s32 s5, s23;
	[sflag:s29] =	ssyncadd.s32 $0xFFFFF800  }
0xda: {  	[tilespmem:s31], [sflag:$0x1] =	stream.linear.gather [hbm4b:s25+s4], $0x800, $0x38;
	[tilespmem:$0x9180] =	vst v63  }
.Ltmp4:
0xdb: {  	_ = 	snop;
	(pc) =	sbr.rel @p0 .LBB2_6-.Ltmp4, $4  }
0xdc: {  	s26 =	sadd.s32 s6, s23  }
0xdd: {  	[tilespmem:s1], [sflag:$0x1] =	stream.linear.gather [hbm4b:s26+s4], $0x800, $0x38;
	[tilespmem:$0x9180] =	vst v63  }
0xde: {  	s23 =	sadd.s32 s7, s23  }
0xdf: {  	[tilespmem:s0], [sflag:$0x1] =	stream.linear.gather [hbm4b:s23+s4], $0x800, $0x38;
	[tilespmem:$0x9180] =	vst v63  }
0xe0: {  	_ =	swait.ge [sflag:s15], $0x800  }
0xe1: {  	[sflag:s15] =	ssyncset.done $0x0  }
0xe2: {  	[sflag:s15] =	ssyncadd.s32 $0xFFFFF800  }
0xe3: {  	_ =	swait.ge [sflag:s12], $0x800  }
0xe4: {  	[sflag:s12] =	ssyncset.done $0x0  }
0xe5: {  	[sflag:s12] =	ssyncadd.s32 $0xFFFFF800  }
0xe6: {  	_ =	swait.ge [sflag:s12], $0x800  }
0xe7: {  	[sflag:s12] =	ssyncset.done $0x0  }
0xe8: {  	[sflag:s12] =	ssyncadd.s32 $0xFFFFF800  }
0xe9: {  	_ =	swait.ge [sflag:s12], $0x800  }
0xea: {  	[sflag:s12] =	ssyncset.done $0x0  }
0xeb: {  	s20 =	simm.s32 $0x0;
	[sflag:s12] =	ssyncadd.s32 $0xFFFFF800  }
0xec: {  	[tilespmem:s14], [sflag:$0x3] =	stream.indirect.gather [spmem:s2], $0x1, s31, s13, $0xb8;
	[tilespmem:$0x9180] =	vst v63  }
0xed: {  	v3 =	vld [tilespmem:s20+$0x5930]  }
0xee: {  	v5 =	vld [tilespmem:s20+$0x6930]  }
0xef: {  	v6 =	vld [tilespmem:s20+$0x5900]  }
0xf0: {  	v7 =	vld [tilespmem:s20+$0x6900]  }
0xf1: {  	v2 =	vld [tilespmem:s20+$0x5910]  }
0xf2: {  	v4 =	vld [tilespmem:s20+$0x6910]  }
0xf3: {  	v1 =	vld [tilespmem:s20+$0x5920];
	v8 =	vmul.f32 v5, v3  }
0xf4: {  	s23 =	simm.s32 $0x40;
	v5 =	vld [tilespmem:s20+$0x6920]  }
0xf5: {  	s24 =	simm.s32 $0x200;
	v3 =	vld [tilespmem:s23+$0x5930];
	v6 =	vmul.f32 v7, v6;
	[tilespmem:s20+$0x7130] =	vst v8  }
.LBB2_12:
0xf6: {  	p0 =	sne.s32 s24, $0x1F00;
	v7 =	vld [tilespmem:s23+$0x6930]  }
0xf7: {  	v8 =	vld [tilespmem:s23+$0x5900];
	[tilespmem:s20+$0x7100] =	vst v6;
	v4 =	vmul.f32 v4, v2  }
0xf8: {  	v6 =	vld [tilespmem:s23+$0x6900]  }
.Ltmp5:
0xf9: {  	v2 =	vld [tilespmem:s23+$0x5910];
	[tilespmem:s20+$0x7110] =	vst v4;
	v5 =	vmul.f32 v5, v1;
	(pc) =	sbr.rel @p0 .LBB2_12-.Ltmp5, $4  }
0xfa: {  	v4 =	vld [tilespmem:s23+$0x6910]  }
0xfb: {  	v1 =	vld [tilespmem:s23+$0x5920];
	v7 =	vmul.f32 v7, v3;
	[tilespmem:s20+$0x7120] =	vst v5;
	s20 =	smov.u32 s23  }
0xfc: {  	s23 =	sshra.s32 s24, $0x2;
	v5 =	vld [tilespmem:s20+$0x6920]  }
0xfd: {  	s24 =	sadd.s32 $0x100, s24;
	v3 =	vld [tilespmem:s23+$0x5930];
	v6 =	vmul.f32 v6, v8;
	[tilespmem:s20+$0x7130] =	vst v7  }
0xfe: {  	v7 =	vld [tilespmem:s23+$0x6930]  }
0xff: {  	v8 =	vld [tilespmem:s23+$0x5900];
	[tilespmem:s20+$0x7100] =	vst v6;
	v2 =	vmul.f32 v4, v2  }
0x100: {  	v4 =	vld [tilespmem:s23+$0x6900]  }
0x101: {  	v6 =	vld [tilespmem:s23+$0x5910];
	[tilespmem:s20+$0x7110] =	vst v2;
	v1 =	vmul.f32 v5, v1  }
0x102: {  	v2 =	vld [tilespmem:s23+$0x6910]  }
0x103: {  	v5 =	vld [tilespmem:s23+$0x5920];
	[tilespmem:s20+$0x7120] =	vst v1  }
0x104: {  	v1 =	vld [tilespmem:s23+$0x6920];
	_ =	sdelay $0x1  }
0x105: {  	v3 =	vmul.f32 v7, v3  }
0x106: {  	v4 =	vmul.f32 v4, v8  }
0x107: {  	[tilespmem:s23+$0x7130] =	vst v3;
	v2 =	vmul.f32 v2, v6  }
0x108: {  	[tilespmem:s23+$0x7100] =	vst v4;
	v1 =	vmul.f32 v1, v5  }
0x109: {  	[tilespmem:s23+$0x7110] =	vst v2  }
0x10a: {  	[tilespmem:s23+$0x7120] =	vst v1  }
0x10b: {  	[spmem:s3] =	stream.indirect.scatter.add.f32 [tilespmem:s18], [sflag:$0x4], $0x1, s8, s13, $0xb8;
	[tilespmem:$0x9180] =	vst v63  }
0x10c: {  	_ =	swait.ge [sflag:s29], $0x800  }
0x10d: {  	[sflag:s29] =	ssyncset.done $0x0  }
0x10e: {  	s20 =	simm.s32 $0x0;
	s24 =	rddreg [dreg:$0x10];
	[sflag:s29] =	ssyncadd.s32 $0xFFFFF800  }
0x10f: {  	[tilespmem:s30], [sflag:$0x2] =	stream.linear.gather [hbm4b:s24+s20], $0x800, $0x38;
	[tilespmem:$0x9180] =	vst v63  }
0x110: {  	s25 =	rddreg [dreg:$0x11]  }
0x111: {  	[tilespmem:s8], [sflag:$0x2] =	stream.linear.gather [hbm4b:s25+s20], $0x800, $0x38;
	[tilespmem:$0x9180] =	vst v63  }
0x112: {  	s26 =	rddreg [dreg:$0x12]  }
0x113: {  	[tilespmem:s11], [sflag:$0x2] =	stream.linear.gather [hbm4b:s26+s20], $0x800, $0x38;
	[tilespmem:$0x9180] =	vst v63  }
0x114: {  	_ =	swait.ge [sflag:s15], $0x800  }
0x115: {  	[sflag:s15] =	ssyncset.done $0x0  }
0x116: {  	[sflag:s15] =	ssyncadd.s32 $0xFFFFF800  }
0x117: {  	_ =	swait.ge [sflag:s16], $0x800  }
0x118: {  	[sflag:s16] =	ssyncset.done $0x0  }
0x119: {  	[sflag:s16] =	ssyncadd.s32 $0xFFFFF800  }
0x11a: {  	_ =	swait.ge [sflag:s16], $0x800  }
0x11b: {  	[sflag:s16] =	ssyncset.done $0x0  }
0x11c: {  	[sflag:s16] =	ssyncadd.s32 $0xFFFFF800  }
0x11d: {  	_ =	swait.ge [sflag:s16], $0x800  }
0x11e: {  	[sflag:s16] =	ssyncset.done $0x0  }
0x11f: {  	s20 =	simm.s32 $0x0;
	[sflag:s16] =	ssyncadd.s32 $0xFFFFF800  }
0x120: {  	[tilespmem:s17], [sflag:$0x3] =	stream.indirect.gather [spmem:s2], $0x1, s30, s13, $0xb8;
	[tilespmem:$0x9180] =	vst v63  }
0x121: {  	v3 =	vld [tilespmem:s20+$0x5130]  }
0x122: {  	v5 =	vld [tilespmem:s20+$0x6130]  }
0x123: {  	v6 =	vld [tilespmem:s20+$0x5100]  }
0x124: {  	v7 =	vld [tilespmem:s20+$0x6100]  }
0x125: {  	v2 =	vld [tilespmem:s20+$0x5110]  }
0x126: {  	v4 =	vld [tilespmem:s20+$0x6110]  }
0x127: {  	v1 =	vld [tilespmem:s20+$0x5120];
	v8 =	vmul.f32 v5, v3  }
0x128: {  	s23 =	simm.s32 $0x40;
	v5 =	vld [tilespmem:s20+$0x6120]  }
0x129: {  	s24 =	simm.s32 $0x200;
	v3 =	vld [tilespmem:s23+$0x5130];
	v6 =	vmul.f32 v7, v6;
	[tilespmem:s20+$0x7130] =	vst v8  }
.LBB2_14:
0x12a: {  	p0 =	sne.s32 s24, $0x1F00;
	v7 =	vld [tilespmem:s23+$0x6130]  }
0x12b: {  	v8 =	vld [tilespmem:s23+$0x5100];
	[tilespmem:s20+$0x7100] =	vst v6;
	v4 =	vmul.f32 v4, v2  }
0x12c: {  	v6 =	vld [tilespmem:s23+$0x6100]  }
.Ltmp6:
0x12d: {  	v2 =	vld [tilespmem:s23+$0x5110];
	[tilespmem:s20+$0x7110] =	vst v4;
	v5 =	vmul.f32 v5, v1;
	(pc) =	sbr.rel @p0 .LBB2_14-.Ltmp6, $4  }
0x12e: {  	v4 =	vld [tilespmem:s23+$0x6110]  }
0x12f: {  	v1 =	vld [tilespmem:s23+$0x5120];
	v7 =	vmul.f32 v7, v3;
	[tilespmem:s20+$0x7120] =	vst v5;
	s20 =	smov.u32 s23  }
0x130: {  	s23 =	sshra.s32 s24, $0x2;
	v5 =	vld [tilespmem:s20+$0x6120]  }
0x131: {  	s24 =	sadd.s32 $0x100, s24;
	v3 =	vld [tilespmem:s23+$0x5130];
	v6 =	vmul.f32 v6, v8;
	[tilespmem:s20+$0x7130] =	vst v7  }
0x132: {  	v7 =	vld [tilespmem:s23+$0x6130]  }
0x133: {  	v8 =	vld [tilespmem:s23+$0x5100];
	[tilespmem:s20+$0x7100] =	vst v6;
	v2 =	vmul.f32 v4, v2  }
0x134: {  	v4 =	vld [tilespmem:s23+$0x6100]  }
0x135: {  	v6 =	vld [tilespmem:s23+$0x5110];
	[tilespmem:s20+$0x7110] =	vst v2;
	v1 =	vmul.f32 v5, v1  }
0x136: {  	v2 =	vld [tilespmem:s23+$0x6110]  }
0x137: {  	v5 =	vld [tilespmem:s23+$0x5120];
	[tilespmem:s20+$0x7120] =	vst v1  }
0x138: {  	v1 =	vld [tilespmem:s23+$0x6120];
	_ =	sdelay $0x1  }
0x139: {  	v3 =	vmul.f32 v7, v3  }
0x13a: {  	v4 =	vmul.f32 v4, v8  }
0x13b: {  	[tilespmem:s23+$0x7130] =	vst v3;
	v2 =	vmul.f32 v2, v6  }
0x13c: {  	[tilespmem:s23+$0x7100] =	vst v4;
	v1 =	vmul.f32 v1, v5  }
0x13d: {  	[tilespmem:s23+$0x7110] =	vst v2  }
0x13e: {  	[tilespmem:s23+$0x7120] =	vst v1  }
0x13f: {  	[spmem:s3] =	stream.indirect.scatter.add.f32 [tilespmem:s18], [sflag:$0x4], $0x1, s1, s13, $0xb8;
	[tilespmem:$0x9180] =	vst v63  }
0x140: {  	_ =	swait.ge [sflag:s29], $0x800  }
0x141: {  	[sflag:s29] =	ssyncset.done $0x0  }
0x142: {  	[sflag:s29] =	ssyncadd.s32 $0xFFFFF800  }
0x143: {  	_ =	swait.ge [sflag:s15], $0x800  }
0x144: {  	[sflag:s15] =	ssyncset.done $0x0  }
0x145: {  	s20 =	simm.s32 $0x0;
	[sflag:s15] =	ssyncadd.s32 $0xFFFFF800  }
0x146: {  	v3 =	vld [tilespmem:s20+$0x5930]  }
0x147: {  	v5 =	vld [tilespmem:s20+$0x6930]  }
0x148: {  	v6 =	vld [tilespmem:s20+$0x5900]  }
0x149: {  	v7 =	vld [tilespmem:s20+$0x6900]  }
0x14a: {  	v2 =	vld [tilespmem:s20+$0x5910]  }
0x14b: {  	v4 =	vld [tilespmem:s20+$0x6910]  }
0x14c: {  	v1 =	vld [tilespmem:s20+$0x5920];
	v8 =	vmul.f32 v5, v3  }
0x14d: {  	s23 =	simm.s32 $0x40;
	v5 =	vld [tilespmem:s20+$0x6920]  }
0x14e: {  	s24 =	simm.s32 $0x200;
	v3 =	vld [tilespmem:s23+$0x5930];
	v6 =	vmul.f32 v7, v6;
	[tilespmem:s20+$0x7130] =	vst v8  }
.LBB2_16:
0x14f: {  	p0 =	sne.s32 s24, $0x1F00;
	v7 =	vld [tilespmem:s23+$0x6930]  }
0x150: {  	v8 =	vld [tilespmem:s23+$0x5900];
	[tilespmem:s20+$0x7100] =	vst v6;
	v4 =	vmul.f32 v4, v2  }
0x151: {  	v6 =	vld [tilespmem:s23+$0x6900]  }
.Ltmp7:
0x152: {  	v2 =	vld [tilespmem:s23+$0x5910];
	[tilespmem:s20+$0x7110] =	vst v4;
	v5 =	vmul.f32 v5, v1;
	(pc) =	sbr.rel @p0 .LBB2_16-.Ltmp7, $4  }
0x153: {  	v4 =	vld [tilespmem:s23+$0x6910]  }
0x154: {  	v1 =	vld [tilespmem:s23+$0x5920];
	v7 =	vmul.f32 v7, v3;
	[tilespmem:s20+$0x7120] =	vst v5;
	s20 =	smov.u32 s23  }
0x155: {  	s23 =	sshra.s32 s24, $0x2;
	v5 =	vld [tilespmem:s20+$0x6920]  }
0x156: {  	s24 =	sadd.s32 $0x100, s24;
	v3 =	vld [tilespmem:s23+$0x5930];
	v6 =	vmul.f32 v6, v8;
	[tilespmem:s20+$0x7130] =	vst v7  }
0x157: {  	v7 =	vld [tilespmem:s23+$0x6930]  }
0x158: {  	v8 =	vld [tilespmem:s23+$0x5900];
	[tilespmem:s20+$0x7100] =	vst v6;
	v2 =	vmul.f32 v4, v2  }
0x159: {  	v62 =	vld [tilespmem:s23+$0x6900]  }
0x15a: {  	v6 =	vld [tilespmem:s23+$0x5910];
	[tilespmem:s20+$0x7110] =	vst v2;
	v1 =	vmul.f32 v5, v1  }
0x15b: {  	v2 =	vld [tilespmem:s23+$0x6910]  }
0x15c: {  	v63 =	vld [tilespmem:s23+$0x5920];
	[tilespmem:s20+$0x7120] =	vst v1  }
0x15d: {  	v1 =	vld [tilespmem:s23+$0x6920];
	_ =	sdelay $0x1  }
0x15e: {  	v3 =	vmul.f32 v7, v3  }
0x15f: {  	v4 =	vmul.f32 v62, v8  }
0x160: {  	[tilespmem:s23+$0x7130] =	vst v3;
	v2 =	vmul.f32 v2, v6  }
0x161: {  	[tilespmem:s23+$0x7100] =	vst v4;
	v1 =	vmul.f32 v1, v63  }
0x162: {  	[tilespmem:s23+$0x7110] =	vst v2  }
0x163: {  	[tilespmem:s23+$0x7120] =	vst v1  }
0x164: {  	[spmem:s3] =	stream.indirect.scatter.add.f32 [tilespmem:s18], [sflag:$0x4], $0x1, s8, s13, $0xb8;
	[tilespmem:$0x9180] =	vst v63  }
0x165: {  	_ =	swait.ge [sflag:s29], $0x800  }
0x166: {  	[sflag:s29] =	ssyncset.done $0x0  }
0x167: {  	[sflag:s29] =	ssyncadd.s32 $0xFFFFF800  }
0x168: {  	s24 =	simm.s32 $0x20;
	[bflag:$0x0] =	sbarrier.arrive $0xFFFF  }
0x169: {  	s25 =	simm.s32 $0x10;
	s23 =	sshrl.u32 s10, $0x3;
	s26 =	rddreg [dreg:$0xf]  }
0x16a: {  	[hbm:s26@s24], [sflag:s9] =	dma.strided [spmem:s23@s25], $0x310, s12, $0x10   }
0x16b: {  	_ =	swait.ge [sflag:s29], $0x310  }
0x16c: {  	s19 =	sadd.s32 $0x1, s19;
	s26 =	rddreg [dreg:$0x13]  }
0x16d: {  	p0 =	sne.s32 s19, s26  }
.Ltmp8:
0x16e: {  	_ = 	snop;
	(pc) =	sbr.rel @p0 .LBB2_1-.Ltmp8, $3  }
0x16f: {  	_ =	sdelay $0x1  }
0x170: {  	[sflag:s29] =	ssyncset.done $0x0  }
0x171: {  	[sflag:s29] =	ssyncadd.s32 $0xFFFFFCF0  }
0x172: {  	_ =	sfence.sel $0x180000  }
0x173: {  	[bflag:$0x0] =	sbarrier.arrive $0xFFFF  }
0x174: {  	_ =	strace $0x90000050  }
0x175: {  	s0 =	stileid.u32;
	[bflag:$0x2] =	sbarrier.arrive $0xFFFF  }
0x176: {  	p0 =	sne.s32 s0, $0x0;
	s0 =	rddreg [dreg:$0x4]  }
0x177: {  	s0 =	sadd.s32 @!p0 $0x100000, s0  }
0x178: {  	[sflag:s0] =	ssyncadd.tile.s32 @!p0 $0x1;
	_ =	shalt  }
.Lfunc_end2:
_tile_overlayer_lowered:
.L_overlay_start_2:
0x179: {  	(tag) =	ssettag $0x2  }
0x17a: {  	s0 =	rddreg [dreg:$0x0];
	s2 =	stileid.u32  }
0x17b: {  	s1 =	rddreg [dreg:$0x1];
	p0 =	sne.s32 s2, $0x0  }
0x17c: {  	s3 =	rddreg [dreg:$0x2];
	[bflag:$0x3] =	sbarrier.arrive $0xFFFF;
	s2 =	simm.s32 @!p0 $0x1C04  }
0x17d: {  	[timem:s3], [sflag:s2] =	dma.local @!p0 [hbm:s0], s1  }
0x17e: {  	s0 =	simm.s32 @!p0 $0x4  }
0x17f: {  	_ =	swait.ge @!p0 [sflag:s0], s1  }
0x180: {  	s1 =	ssub.s32 @!p0 $0x0, s1;
	[sflag:s0] =	ssyncset.done @!p0 $0x0  }
0x181: {  	[sflag:s0] =	ssyncadd.s32 @!p0 s1  }
0x182: {  	[bflag:$0x3] =	sbarrier.arrive $0xFFFF  }
0x183: {  	_ =	shalt  }

</sc_bundles>
